<compile_context>
chip_gen: v7x
topology: tpu7x:2x2x1
jax: 0.10.2.dev20260603
libtpu: 0.0.44.dev20260713+nightly
codegen_flags: <defaults>
</compile_context>

<pallas_src>
import jax
import jax.numpy as jnp
from jax import lax
from jax.experimental import pallas as pl
from jax.experimental.pallas import tpu as pltpu
from jax.experimental.pallas import tpu_sc as plsc

N = 50000
E = 800000
F_IN = 128
H = 64
OUT = 64
G = 512

NC = 2
NS = 16
LANES = 16

NH = 25088
NPAD = NC * NH
DUMMY = 512
NLOC = NH + DUMMY
ZROWS = 50

K = 128
ROWS_PT = 392
TOT_ROWS = NS * ROWS_PT
EPAD = TOT_ROWS * K
SENTINEL = 1 << 28

_mesh = plsc.VectorSubcoreMesh(core_axis_name="c", subcore_axis_name="s")


def _make_agg(want_cnt: bool):

    out_type = [jax.ShapeDtypeStruct((NPAD, H), jnp.float32)]
    if want_cnt:
        out_type.append(jax.ShapeDtypeStruct((NPAD,), jnp.float32))

    scratch = [
        pltpu.VMEM((2, 2, K), jnp.int32),
        pltpu.VMEM((2, K), jnp.int32),
        pltpu.VMEM((2, K, H), jnp.float32),
        pltpu.VMEM((K,), jnp.float32),
        pltpu.VMEM((ZROWS, H), jnp.float32),
        pltpu.VMEM((NLOC // NS,), jnp.float32),
        pltpu.VMEM_SHARED((NLOC, H), jnp.float32),
        pltpu.VMEM_SHARED((NLOC,), jnp.float32),
        pltpu.SemaphoreType.DMA,
        pltpu.SemaphoreType.DMA,
        pltpu.SemaphoreType.DMA,
        pltpu.SemaphoreType.DMA,
        pltpu.SemaphoreType.DMA,
        pltpu.SemaphoreType.DMA,
    ]

    def body(p_hbm, e2_hbm, *refs):
        if want_cnt:
            out_hbm, cnt_hbm = refs[0], refs[1]
            refs = refs[2:]
        else:
            out_hbm = refs[0]
            cnt_hbm = None
            refs = refs[1:]
        (idxb, mapb, rows, ones, zblk, zcnt,
         agg_sh, cnt_sh, si0, si1, sg0, sg1, ss0, ss1) = refs
        sem_i = (si0, si1)
        sem_g = (sg0, sg1)
        sem_s = (ss0, ss1)

        c = lax.axis_index("c")
        s = lax.axis_index("s")
        base = c * NH
        lane = lax.iota(jnp.int32, LANES)

        def zb_body(i, _):
            zblk[i // (H // LANES),
                 pl.ds((i % (H // LANES)) * LANES, LANES)] = jnp.zeros(
                     (LANES,), jnp.float32)
            return 0
        lax.fori_loop(0, ZROWS * H // LANES, zb_body, 0)

        def zc_body(i, _):
            zcnt[pl.ds(i * LANES, LANES)] = jnp.zeros((LANES,), jnp.float32)
            return 0
        lax.fori_loop(0, (NLOC // NS) // LANES, zc_body, 0)

        for i in range(K // LANES):
            ones[pl.ds(i * LANES, LANES)] = jnp.ones((LANES,), jnp.float32)

        zoff = s * (NLOC // NS)
        for k in range(NLOC // NS // ZROWS):
            pltpu.sync_copy(zblk, agg_sh.at[pl.ds(zoff + k * ZROWS, ZROWS)])
        pltpu.sync_copy(zcnt, cnt_sh.at[pl.ds(zoff, NLOC // NS)])
        plsc.subcore_barrier()

        row0 = s * ROWS_PT

        def compute_map(p, b):
            for i in range(K // LANES):
                v = idxb[p, 1, pl.ds(i * LANES, LANES)]
                loc = v - base
                ok = (loc >= 0) & (loc < NH)
                dmy = NH + ((b * 37 + s * 131 + i * LANES + lane) & (DUMMY - 1))
                mapb[p, pl.ds(i * LANES, LANES)] = jnp.where(ok, loc, dmy)

        def drain_scatter(p):
            pltpu.make_async_copy(rows.at[p], agg_sh.at[mapb.at[p]],
                                  sem_s[p]).wait()
            if want_cnt:
                pltpu.make_async_copy(ones, cnt_sh.at[mapb.at[p]],
                                      sem_s[p]).wait()

        pltpu.async_copy(e2_hbm.at[row0], idxb.at[0], sem_i[0])

        def outer(g, _):
            for j in range(2):
                p = j
                b = 2 * g + j

                @pl.when(g >= 1)
                def _():
                    drain_scatter(p)

                pltpu.make_async_copy(e2_hbm.at[row0], idxb.at[p],
                                      sem_i[p]).wait()
                pltpu.async_copy(p_hbm.at[idxb.at[p, 0]], rows.at[p],
                                 sem_g[p])
                if j == 0:
                    pltpu.async_copy(e2_hbm.at[row0 + b + 1], idxb.at[1 - p],
                                     sem_i[1 - p])
                else:
                    @pl.when(g < ROWS_PT // 2 - 1)
                    def _():
                        pltpu.async_copy(e2_hbm.at[row0 + b + 1],
                                         idxb.at[1 - p], sem_i[1 - p])
                compute_map(p, b)
                pltpu.make_async_copy(p_hbm.at[idxb.at[p, 0]], rows.at[p],
                                      sem_g[p]).wait()
                pltpu.async_copy(rows.at[p], agg_sh.at[mapb.at[p]], sem_s[p],
                                 add=True)
                if want_cnt:
                    pltpu.async_copy(ones, cnt_sh.at[mapb.at[p]], sem_s[p],
                                     add=True)
            return 0

        lax.fori_loop(0, ROWS_PT // 2, outer, 0)
        drain_scatter(0)
        drain_scatter(1)
        plsc.subcore_barrier()

        o = s * (NH // NS)
        pltpu.sync_copy(agg_sh.at[pl.ds(o, NH // NS)],
                        out_hbm.at[pl.ds(base + o, NH // NS)])
        if want_cnt:
            pltpu.sync_copy(cnt_sh.at[pl.ds(o, NH // NS)],
                            cnt_hbm.at[pl.ds(base + o, NH // NS)])

    return pl.kernel(
        body, out_type=out_type, mesh=_mesh, scratch_types=scratch,
        compiler_params=pltpu.CompilerParams(use_tc_tiling_on_sc=False))


_agg_cnt = _make_agg(True)
_agg = _make_agg(False)


def _mm2(x, Wl, Wr, b, fin):
    BN = 1000

    def body(x_ref, wl_ref, wr_ref, b_ref, p_ref, r_ref):
        xb = x_ref[...]
        p_ref[...] = jnp.dot(xb, wl_ref[...], preferred_element_type=jnp.float32)
        r_ref[...] = (jnp.dot(xb, wr_ref[...], preferred_element_type=jnp.float32)
                      + b_ref[...])

    return pl.pallas_call(
        body,
        grid=(N // BN,),
        in_specs=[
            pl.BlockSpec((BN, fin), lambda i: (i, 0)),
            pl.BlockSpec((fin, H), lambda i: (0, 0)),
            pl.BlockSpec((fin, H), lambda i: (0, 0)),
            pl.BlockSpec((1, H), lambda i: (0, 0)),
        ],
        out_specs=[pl.BlockSpec((BN, H), lambda i: (i, 0)),
                   pl.BlockSpec((BN, H), lambda i: (i, 0))],
        out_shape=[jax.ShapeDtypeStruct((N, H), jnp.float32)] * 2,
    )(x, Wl, Wr, b.reshape(1, H))


def _layer_mid(agg, cnt, r1, W2l, W2r, b2):
    BN = 1000

    def body(a_ref, c_ref, r_ref, wl_ref, wr_ref, b_ref, p_ref, rr_ref):
        inv = 1.0 / jnp.maximum(c_ref[...], 1.0)
        h = jnp.maximum(a_ref[...] * inv + r_ref[...], 0.0)
        p_ref[...] = jnp.dot(h, wl_ref[...], preferred_element_type=jnp.float32)
        rr_ref[...] = (jnp.dot(h, wr_ref[...], preferred_element_type=jnp.float32)
                       + b_ref[...])

    return pl.pallas_call(
        body,
        grid=(N // BN,),
        in_specs=[
            pl.BlockSpec((BN, H), lambda i: (i, 0)),
            pl.BlockSpec((BN, 1), lambda i: (i, 0)),
            pl.BlockSpec((BN, H), lambda i: (i, 0)),
            pl.BlockSpec((H, H), lambda i: (0, 0)),
            pl.BlockSpec((H, H), lambda i: (0, 0)),
            pl.BlockSpec((1, H), lambda i: (0, 0)),
        ],
        out_specs=[pl.BlockSpec((BN, H), lambda i: (i, 0)),
                   pl.BlockSpec((BN, H), lambda i: (i, 0))],
        out_shape=[jax.ShapeDtypeStruct((N, H), jnp.float32)] * 2,
    )(agg, cnt, r1, W2l, W2r, b2.reshape(1, H))


def _pool_fc(agg2, cnt, r2, batch_rows, Wfc, bfc):
    BN = 1000
    GRID = N // BN

    def body(a_ref, c_ref, r_ref, b_ref, wfc_ref, bfc_ref, o_ref, acc, gacc):
        i = pl.program_id(0)

        @pl.when(i == 0)
        def _():
            acc[...] = jnp.zeros_like(acc)
            gacc[...] = jnp.zeros_like(gacc)

        inv = 1.0 / jnp.maximum(c_ref[...], 1.0)
        h2 = a_ref[...] * inv + r_ref[...]
        bb = b_ref[0]
        gid = lax.broadcasted_iota(jnp.int32, (G, BN), 0)
        onehot_t = (gid == bb).astype(jnp.float32)
        acc[...] += jnp.dot(onehot_t, h2, preferred_element_type=jnp.float32)
        gacc[...] += jnp.sum(onehot_t, axis=1, keepdims=True)

        @pl.when(i == GRID - 1)
        def _():
            pooled = acc[...] / jnp.maximum(gacc[...], 1.0)
            o_ref[...] = (jnp.dot(pooled, wfc_ref[...],
                                  preferred_element_type=jnp.float32)
                          + bfc_ref[...])

    return pl.pallas_call(
        body,
        grid=(GRID,),
        in_specs=[
            pl.BlockSpec((BN, H), lambda i: (i, 0)),
            pl.BlockSpec((BN, 1), lambda i: (i, 0)),
            pl.BlockSpec((BN, H), lambda i: (i, 0)),
            pl.BlockSpec((1, 1, BN), lambda i: (i, 0, 0)),
            pl.BlockSpec((H, OUT), lambda i: (0, 0)),
            pl.BlockSpec((1, OUT), lambda i: (0, 0)),
        ],
        out_specs=pl.BlockSpec((G, OUT), lambda i: (0, 0)),
        out_shape=jax.ShapeDtypeStruct((G, OUT), jnp.float32),
        scratch_shapes=[pltpu.VMEM((G, H), jnp.float32),
                        pltpu.VMEM((G, 1), jnp.float32)],
    )(agg2, cnt, r2, batch_rows, Wfc, bfc.reshape(1, OUT))


def _first(res):
    return res[0] if isinstance(res, (list, tuple)) else res


def kernel(x, edge_index, batch, W1l, W1r, b1, W2l, W2r, b2, Wfc, bfc):
    src = edge_index[0]
    dst = edge_index[1]
    padlen = EPAD - E
    srcp = jnp.concatenate([src, jnp.zeros((padlen,), jnp.int32)])
    dstp = jnp.concatenate([dst, jnp.full((padlen,), SENTINEL, jnp.int32)])
    e2 = jnp.stack([srcp.reshape(TOT_ROWS, K), dstp.reshape(TOT_ROWS, K)],
                   axis=1)

    p1, r1 = _mm2(x, W1l, W1r, b1, F_IN)
    agg1, cnt = _agg_cnt(p1, e2)
    agg1 = agg1[:N]
    cnt2d = cnt[:N].reshape(N, 1)

    p2, r2 = _layer_mid(agg1, cnt2d, r1, W2l, W2r, b2)
    agg2 = _first(_agg(p2, e2))[:N]

    batch_rows = batch.reshape(N // 1000, 1, 1000)
    return _pool_fc(agg2, cnt2d, r2, batch_rows, Wfc, bfc)

# --- scband reference (transcript-rebuilt; emitter-appended) ---
"""Pipeline reference for scband-gsgpp-13683765805698 (READ-ONLY COPY).

The authoritative reference and input builder live on the scoring server;
editing this copy changes nothing except your own understanding.
"""

import jax, jax.numpy as jnp
import numpy as np

N = 50000
E = 800000
F_IN = 128
H = 64
OUT = 64
G = 512


def _glorot(key, shape):
    fan_in, fan_out = shape[0], shape[1]
    limit = float(np.sqrt(6.0 / (fan_in + fan_out)))
    return jax.random.uniform(key, shape, dtype=jnp.float32, minval=-limit, maxval=limit)


def setup_inputs(seed: int = 0) -> dict:
    key = jax.random.key(seed)
    ks = jax.random.split(key, 12)
    x = jax.random.normal(ks[0], (N, F_IN), dtype=jnp.float32)
    edge_index = jax.random.randint(ks[1], (2, E), 0, N, dtype=jnp.int32)
    batch = jnp.sort(jax.random.randint(ks[2], (N,), 0, G, dtype=jnp.int32))
    # SAGEConv layer 1: lin_l acts on mean-aggregated neighbors (has bias), lin_r on root
    W1l = _glorot(ks[3], (F_IN, H)); b1 = jnp.zeros((H,), dtype=jnp.float32)
    W1r = _glorot(ks[4], (F_IN, H))
    # SAGEConv layer 2
    W2l = _glorot(ks[5], (H, H)); b2 = jnp.zeros((H,), dtype=jnp.float32)
    W2r = _glorot(ks[6], (H, H))
    # final fc
    Wfc = _glorot(ks[7], (H, OUT)); bfc = jnp.zeros((OUT,), dtype=jnp.float32)
    return {"x": x, "edge_index": edge_index, "batch": batch,
            "W1l": W1l, "W1r": W1r, "b1": b1,
            "W2l": W2l, "W2r": W2r, "b2": b2,
            "Wfc": Wfc, "bfc": bfc}


def reference(x, edge_index, batch, W1l, W1r, b1, W2l, W2r, b2, Wfc, bfc):
    src = edge_index[0]
    dst = edge_index[1]

    def sage(h, Wl, Wr, b):
        msg = h[src]  # gather source node features per edge
        s = jax.ops.segment_sum(msg, dst, num_segments=N)
        cnt = jax.ops.segment_sum(jnp.ones((E,), dtype=h.dtype), dst, num_segments=N)
        mean = s / jnp.maximum(cnt, 1.0)[:, None]
        return mean @ Wl + h @ Wr + b

    h = jax.nn.relu(sage(x, W1l, W1r, b1))  # dropout p=0.0 is identity
    h = sage(h, W2l, W2r, b2)  # last conv, no activation
    # global_mean_pool over graph ids
    gs = jax.ops.segment_sum(h, batch, num_segments=G)
    gc = jax.ops.segment_sum(jnp.ones((N,), dtype=h.dtype), batch, num_segments=G)
    pooled = gs / jnp.maximum(gc, 1.0)[:, None]
    return pooled @ Wfc + bfc

if __name__ == "__main__":
    import jax
    _d = setup_inputs()
    print(jax.jit(kernel)(*tuple(_d.values())))

</pallas_src>

<mosaic_0001>
#map = affine_map<(d0, d1) -> (0, 0)>
#map1 = affine_map<(d0, d1) -> (0, 0, 0)>
#map2 = affine_map<(d0, d1) -> (0)>
module attributes {stable_mosaic.version = 14 : i64} {
  func.func @body(%arg0: i32, %arg1: i32, %arg2: memref<50000x64xf32, #tpu.memory_space<hbm>>, %arg3: memref<6272x2x128xi32, #tpu.memory_space<hbm>>, %arg4: memref<50176x64xf32, #tpu.memory_space<hbm>>, %arg5: memref<50176xf32, #tpu.memory_space<hbm>>, %arg6: memref<2x2x128xi32, #tpu.memory_space<vmem>>, %arg7: memref<2x128xi32, #tpu.memory_space<vmem>>, %arg8: memref<2x128x64xf32, #tpu.memory_space<vmem>>, %arg9: memref<128xf32, #tpu.memory_space<vmem>>, %arg10: memref<50x64xf32, #tpu.memory_space<vmem>>, %arg11: memref<1600xf32, #tpu.memory_space<vmem>>, %arg12: memref<25600x64xf32, #tpu.memory_space<vmem_shared>>, %arg13: memref<25600xf32, #tpu.memory_space<vmem_shared>>, %arg14: memref<!tpu.dma_semaphore, #tpu.memory_space<semaphore_mem>>, %arg15: memref<!tpu.dma_semaphore, #tpu.memory_space<semaphore_mem>>, %arg16: memref<!tpu.dma_semaphore, #tpu.memory_space<semaphore_mem>>, %arg17: memref<!tpu.dma_semaphore, #tpu.memory_space<semaphore_mem>>, %arg18: memref<!tpu.dma_semaphore, #tpu.memory_space<semaphore_mem>>, %arg19: memref<!tpu.dma_semaphore, #tpu.memory_space<semaphore_mem>>) attributes {dimension_semantics = [#tpu.dimension_semantics<core_parallel>, #tpu.dimension_semantics<subcore_parallel>], iteration_bounds = array<i64: 2, 16>, scalar_prefetch = 0 : i64, scratch_operands = 14 : i64, tpu.core_type = #tpu.core_type<sc_vector_subcore>, window_params = [{transform_indices = #map}, {transform_indices = #map1}, {transform_indices = #map}, {transform_indices = #map2}]} {
    %mul3A = arith.constant 25088 : i32
    %mul3A_0 = arith.muli %arg0, %mul3A : i32
    %iota3A = tpu.iota {dimensions = array<i32: 0>} : vector<16xi32>
    %scan3A = arith.constant 0 : i32
    %scan3A_1 = arith.constant 0 : i32
    %scan3A_2 = arith.constant 200 : i32
    %scan3A_3 = arith.addi %scan3A_1, %scan3A_2 : i32
    %scan3A_4 = arith.constant 1 : i32
    %scan3A_5 = scf.for %scan3A_190 = %scan3A_1 to %scan3A_3 step %scan3A_4 iter_args(%scan3A_191 = %scan3A) -> (i32)  : i32 {
      %broadcast_in_dim3A_192 = arith.constant 0.000000e+00 : f32
      %broadcast_in_dim3A_193 = vector.broadcast %broadcast_in_dim3A_192 : f32 to vector<16xf32>
      %jit3A = arith.constant 4 : i32
      %div3A = arith.divsi %scan3A_190, %jit3A : i32
      %sign3A = arith.constant 0 : i32
      %sign3A_194 = arith.cmpi sgt, %scan3A_190, %sign3A : i32
      %sign3A_195 = arith.extui %sign3A_194 : i1 to i32
      %sign3A_196 = arith.constant 0 : i32
      %sign3A_197 = arith.cmpi slt, %scan3A_190, %sign3A_196 : i32
      %sign3A_198 = arith.extui %sign3A_197 : i1 to i32
      %sign3A_199 = arith.subi %sign3A_195, %sign3A_198 : i32
      %sign3A_200 = arith.constant 0 : i32
      %sign3A_201 = arith.cmpi sgt, %jit3A, %sign3A_200 : i32
      %sign3A_202 = arith.extui %sign3A_201 : i1 to i32
      %sign3A_203 = arith.constant 0 : i32
      %sign3A_204 = arith.cmpi slt, %jit3A, %sign3A_203 : i32
      %sign3A_205 = arith.extui %sign3A_204 : i1 to i32
      %sign3A_206 = arith.subi %sign3A_202, %sign3A_205 : i32
      %ne3A = arith.cmpi ne, %sign3A_199, %sign3A_206 : i32
      %rem3A = arith.remsi %scan3A_190, %jit3A : i32
      %ne3A_207 = arith.constant 0 : i32
      %ne3A_208 = arith.cmpi ne, %rem3A, %ne3A_207 : i32
      %and3A = arith.andi %ne3A, %ne3A_208 : i1
      %sub3A = arith.constant 1 : i32
      %sub3A_209 = arith.subi %div3A, %sub3A : i32
      %select_n3A = arith.select %and3A, %sub3A_209, %div3A : i32
      %jit3A_210 = arith.constant 4 : i32
      %eq3A = arith.constant 0 : i32
      %eq3A_211 = arith.cmpi eq, %jit3A_210, %eq3A : i32
      %jit3A_212 = arith.constant 1 : i32
      %select_n3A_213 = arith.select %eq3A_211, %jit3A_212, %jit3A_210 : i32
      %rem3A_214 = arith.remsi %scan3A_190, %select_n3A_213 : i32
      %ne3A_215 = arith.constant 0 : i32
      %ne3A_216 = arith.cmpi ne, %rem3A_214, %ne3A_215 : i32
      %lt3A = arith.constant 0 : i32
      %lt3A_217 = arith.cmpi slt, %rem3A_214, %lt3A : i32
      %lt3A_218 = arith.constant 0 : i32
      %lt3A_219 = arith.cmpi slt, %select_n3A_213, %lt3A_218 : i32
      %ne3A_220 = arith.xori %lt3A_217, %lt3A_219 : i1
      %and3A_221 = arith.andi %ne3A_220, %ne3A_216 : i1
      %add3A_222 = arith.addi %rem3A_214, %select_n3A_213 : i32
      %select_n3A_223 = arith.select %and3A_221, %add3A_222, %rem3A_214 : i32
      %mul3A_224 = arith.constant 16 : i32
      %mul3A_225 = arith.muli %select_n3A_223, %mul3A_224 : i32
      %swap3A_226 = arith.index_cast %select_n3A : i32 to index
      %swap3A_227 = arith.index_cast %mul3A_225 : i32 to index
      %swap3A_228 = tpu.vector_load %arg10[%swap3A_226, %swap3A_227] {strides = array<i32>} : memref<50x64xf32, #tpu.memory_space<vmem>>, vector<1x16xf32>,
      %swap3A_229 = vector.shape_cast %swap3A_228 : vector<1x16xf32> to vector<16xf32>
      %swap3A_230 = vector.shape_cast %broadcast_in_dim3A_193 : vector<16xf32> to vector<1x16xf32>
      tpu.vector_store %arg10[%swap3A_226, %swap3A_227], %swap3A_230 {strides = array<i32>} : memref<50x64xf32, #tpu.memory_space<vmem>>, vector<1x16xf32>,
      %scan3A_231 = arith.constant 0 : i32
      scf.yield %scan3A_231 : i32
    }
    %scan3A_6 = arith.constant 200 : i32
    %scan3A_7 = arith.constant 0 : i32
    %scan3A_8 = arith.constant 0 : i32
    %scan3A_9 = arith.constant 100 : i32
    %scan3A_10 = arith.addi %scan3A_8, %scan3A_9 : i32
    %scan3A_11 = arith.constant 1 : i32
    %scan3A_12 = scf.for %scan3A_190 = %scan3A_8 to %scan3A_10 step %scan3A_11 iter_args(%scan3A_191 = %scan3A_7) -> (i32)  : i32 {
      %broadcast_in_dim3A_192 = arith.constant 0.000000e+00 : f32
      %broadcast_in_dim3A_193 = vector.broadcast %broadcast_in_dim3A_192 : f32 to vector<16xf32>
      %mul3A_194 = arith.constant 16 : i32
      %mul3A_195 = arith.muli %scan3A_190, %mul3A_194 : i32
      %swap3A_196 = arith.index_cast %mul3A_195 : i32 to index
      %swap3A_197 = tpu.vector_load %arg11[%swap3A_196] {strides = array<i32>} : memref<1600xf32, #tpu.memory_space<vmem>>, vector<16xf32>,
      %swap3A_198 = vector.shape_cast %swap3A_197 : vector<16xf32> to vector<16xf32>
      %swap3A_199 = vector.shape_cast %broadcast_in_dim3A_193 : vector<16xf32> to vector<16xf32>
      tpu.vector_store %arg11[%swap3A_196], %swap3A_199 {strides = array<i32>} : memref<1600xf32, #tpu.memory_space<vmem>>, vector<16xf32>,
      %scan3A_200 = arith.constant 0 : i32
      scf.yield %scan3A_200 : i32
    }
    %scan3A_13 = arith.constant 100 : i32
    %broadcast_in_dim3A = arith.constant 1.000000e+00 : f32
    %broadcast_in_dim3A_14 = vector.broadcast %broadcast_in_dim3A : f32 to vector<16xf32>
    %swap3A = arith.constant 0 : index
    %swap3A_15 = tpu.vector_load %arg9[%swap3A] {strides = array<i32>} : memref<128xf32, #tpu.memory_space<vmem>>, vector<16xf32>,
    %swap3A_16 = vector.shape_cast %swap3A_15 : vector<16xf32> to vector<16xf32>
    %swap3A_17 = vector.shape_cast %broadcast_in_dim3A_14 : vector<16xf32> to vector<16xf32>
    tpu.vector_store %arg9[%swap3A], %swap3A_17 {strides = array<i32>} : memref<128xf32, #tpu.memory_space<vmem>>, vector<16xf32>,
    %broadcast_in_dim3A_18 = arith.constant 1.000000e+00 : f32
    %broadcast_in_dim3A_19 = vector.broadcast %broadcast_in_dim3A_18 : f32 to vector<16xf32>
    %swap3A_20 = arith.constant 16 : index
    %swap3A_21 = tpu.vector_load %arg9[%swap3A_20] {strides = array<i32>} : memref<128xf32, #tpu.memory_space<vmem>>, vector<16xf32>,
    %swap3A_22 = vector.shape_cast %swap3A_21 : vector<16xf32> to vector<16xf32>
    %swap3A_23 = vector.shape_cast %broadcast_in_dim3A_19 : vector<16xf32> to vector<16xf32>
    tpu.vector_store %arg9[%swap3A_20], %swap3A_23 {strides = array<i32>} : memref<128xf32, #tpu.memory_space<vmem>>, vector<16xf32>,
    %broadcast_in_dim3A_24 = arith.constant 1.000000e+00 : f32
    %broadcast_in_dim3A_25 = vector.broadcast %broadcast_in_dim3A_24 : f32 to vector<16xf32>
    %swap3A_26 = arith.constant 32 : index
    %swap3A_27 = tpu.vector_load %arg9[%swap3A_26] {strides = array<i32>} : memref<128xf32, #tpu.memory_space<vmem>>, vector<16xf32>,
    %swap3A_28 = vector.shape_cast %swap3A_27 : vector<16xf32> to vector<16xf32>
    %swap3A_29 = vector.shape_cast %broadcast_in_dim3A_25 : vector<16xf32> to vector<16xf32>
    tpu.vector_store %arg9[%swap3A_26], %swap3A_29 {strides = array<i32>} : memref<128xf32, #tpu.memory_space<vmem>>, vector<16xf32>,
    %broadcast_in_dim3A_30 = arith.constant 1.000000e+00 : f32
    %broadcast_in_dim3A_31 = vector.broadcast %broadcast_in_dim3A_30 : f32 to vector<16xf32>
    %swap3A_32 = arith.constant 48 : index
    %swap3A_33 = tpu.vector_load %arg9[%swap3A_32] {strides = array<i32>} : memref<128xf32, #tpu.memory_space<vmem>>, vector<16xf32>,
    %swap3A_34 = vector.shape_cast %swap3A_33 : vector<16xf32> to vector<16xf32>
    %swap3A_35 = vector.shape_cast %broadcast_in_dim3A_31 : vector<16xf32> to vector<16xf32>
    tpu.vector_store %arg9[%swap3A_32], %swap3A_35 {strides = array<i32>} : memref<128xf32, #tpu.memory_space<vmem>>, vector<16xf32>,
    %broadcast_in_dim3A_36 = arith.constant 1.000000e+00 : f32
    %broadcast_in_dim3A_37 = vector.broadcast %broadcast_in_dim3A_36 : f32 to vector<16xf32>
    %swap3A_38 = arith.constant 64 : index
    %swap3A_39 = tpu.vector_load %arg9[%swap3A_38] {strides = array<i32>} : memref<128xf32, #tpu.memory_space<vmem>>, vector<16xf32>,
    %swap3A_40 = vector.shape_cast %swap3A_39 : vector<16xf32> to vector<16xf32>
    %swap3A_41 = vector.shape_cast %broadcast_in_dim3A_37 : vector<16xf32> to vector<16xf32>
    tpu.vector_store %arg9[%swap3A_38], %swap3A_41 {strides = array<i32>} : memref<128xf32, #tpu.memory_space<vmem>>, vector<16xf32>,
    %broadcast_in_dim3A_42 = arith.constant 1.000000e+00 : f32
    %broadcast_in_dim3A_43 = vector.broadcast %broadcast_in_dim3A_42 : f32 to vector<16xf32>
    %swap3A_44 = arith.constant 80 : index
    %swap3A_45 = tpu.vector_load %arg9[%swap3A_44] {strides = array<i32>} : memref<128xf32, #tpu.memory_space<vmem>>, vector<16xf32>,
    %swap3A_46 = vector.shape_cast %swap3A_45 : vector<16xf32> to vector<16xf32>
    %swap3A_47 = vector.shape_cast %broadcast_in_dim3A_43 : vector<16xf32> to vector<16xf32>
    tpu.vector_store %arg9[%swap3A_44], %swap3A_47 {strides = array<i32>} : memref<128xf32, #tpu.memory_space<vmem>>, vector<16xf32>,
    %broadcast_in_dim3A_48 = arith.constant 1.000000e+00 : f32
    %broadcast_in_dim3A_49 = vector.broadcast %broadcast_in_dim3A_48 : f32 to vector<16xf32>
    %swap3A_50 = arith.constant 96 : index
    %swap3A_51 = tpu.vector_load %arg9[%swap3A_50] {strides = array<i32>} : memref<128xf32, #tpu.memory_space<vmem>>, vector<16xf32>,
    %swap3A_52 = vector.shape_cast %swap3A_51 : vector<16xf32> to vector<16xf32>
    %swap3A_53 = vector.shape_cast %broadcast_in_dim3A_49 : vector<16xf32> to vector<16xf32>
    tpu.vector_store %arg9[%swap3A_50], %swap3A_53 {strides = array<i32>} : memref<128xf32, #tpu.memory_space<vmem>>, vector<16xf32>,
    %broadcast_in_dim3A_54 = arith.constant 1.000000e+00 : f32
    %broadcast_in_dim3A_55 = vector.broadcast %broadcast_in_dim3A_54 : f32 to vector<16xf32>
    %swap3A_56 = arith.constant 112 : index
    %swap3A_57 = tpu.vector_load %arg9[%swap3A_56] {strides = array<i32>} : memref<128xf32, #tpu.memory_space<vmem>>, vector<16xf32>,
    %swap3A_58 = vector.shape_cast %swap3A_57 : vector<16xf32> to vector<16xf32>
    %swap3A_59 = vector.shape_cast %broadcast_in_dim3A_55 : vector<16xf32> to vector<16xf32>
    tpu.vector_store %arg9[%swap3A_56], %swap3A_59 {strides = array<i32>} : memref<128xf32, #tpu.memory_space<vmem>>, vector<16xf32>,
    %mul3A_60 = arith.constant 1600 : i32
    %mul3A_61 = arith.muli %arg1, %mul3A_60 : i32
    %add3A = arith.constant 0 : i32
    %add3A_62 = arith.addi %mul3A_61, %add3A : i32
    "tpu.region"() ({
      %run_scoped3A = tpu.sem_alloc : memref<!tpu.dma_semaphore, #tpu.memory_space<semaphore_mem>>
      %dma_start3A_190 = arith.constant 0 : i32
      %dma_start3A_191 = tpu.memref_slice %arg12[%add3A_62, %dma_start3A_190] : memref<25600x64xf32, #tpu.memory_space<vmem_shared>> -> memref<50x64xf32, #tpu.memory_space<vmem_shared>>
      %dma_start3A_192 = arith.constant 0 : i32
      %dma_start3A_193 = tpu.memref_slice %arg12[%add3A_62, %dma_start3A_192] : memref<25600x64xf32, #tpu.memory_space<vmem_shared>> -> memref<50x64xf32, #tpu.memory_space<vmem_shared>>
      tpu.enqueue_dma source(%arg10 : memref<50x64xf32, #tpu.memory_space<vmem>>) target(%dma_start3A_193 : memref<50x64xf32, #tpu.memory_space<vmem_shared>>) target_semaphore(%run_scoped3A : memref<!tpu.dma_semaphore, #tpu.memory_space<semaphore_mem>>)
      %dma_wait3A_194 = arith.constant 0 : i32
      %dma_wait3A_195 = tpu.memref_slice %arg12[%add3A_62, %dma_wait3A_194] : memref<25600x64xf32, #tpu.memory_space<vmem_shared>> -> memref<50x64xf32, #tpu.memory_space<vmem_shared>>
      %dma_wait3A_196 = arith.constant 0 : i32
      %dma_wait3A_197 = tpu.memref_slice %arg12[%add3A_62, %dma_wait3A_196] : memref<25600x64xf32, #tpu.memory_space<vmem_shared>> -> memref<50x64xf32, #tpu.memory_space<vmem_shared>>
      tpu.wait_dma2 semaphore(%run_scoped3A : memref<!tpu.dma_semaphore, #tpu.memory_space<semaphore_mem>>) src(%arg10 : memref<50x64xf32, #tpu.memory_space<vmem>>) dst(%dma_wait3A_197 : memref<50x64xf32, #tpu.memory_space<vmem_shared>>)
      tpu.yield
    }) : () -> ()
    %add3A_63 = arith.constant 50 : i32
    %add3A_64 = arith.addi %mul3A_61, %add3A_63 : i32
    "tpu.region"() ({
      %run_scoped3A = tpu.sem_alloc : memref<!tpu.dma_semaphore, #tpu.memory_space<semaphore_mem>>
      %dma_start3A_190 = arith.constant 0 : i32
      %dma_start3A_191 = tpu.memref_slice %arg12[%add3A_64, %dma_start3A_190] : memref<25600x64xf32, #tpu.memory_space<vmem_shared>> -> memref<50x64xf32, #tpu.memory_space<vmem_shared>>
      %dma_start3A_192 = arith.constant 0 : i32
      %dma_start3A_193 = tpu.memref_slice %arg12[%add3A_64, %dma_start3A_192] : memref<25600x64xf32, #tpu.memory_space<vmem_shared>> -> memref<50x64xf32, #tpu.memory_space<vmem_shared>>
      tpu.enqueue_dma source(%arg10 : memref<50x64xf32, #tpu.memory_space<vmem>>) target(%dma_start3A_193 : memref<50x64xf32, #tpu.memory_space<vmem_shared>>) target_semaphore(%run_scoped3A : memref<!tpu.dma_semaphore, #tpu.memory_space<semaphore_mem>>)
      %dma_wait3A_194 = arith.constant 0 : i32
      %dma_wait3A_195 = tpu.memref_slice %arg12[%add3A_64, %dma_wait3A_194] : memref<25600x64xf32, #tpu.memory_space<vmem_shared>> -> memref<50x64xf32, #tpu.memory_space<vmem_shared>>
      %dma_wait3A_196 = arith.constant 0 : i32
      %dma_wait3A_197 = tpu.memref_slice %arg12[%add3A_64, %dma_wait3A_196] : memref<25600x64xf32, #tpu.memory_space<vmem_shared>> -> memref<50x64xf32, #tpu.memory_space<vmem_shared>>
      tpu.wait_dma2 semaphore(%run_scoped3A : memref<!tpu.dma_semaphore, #tpu.memory_space<semaphore_mem>>) src(%arg10 : memref<50x64xf32, #tpu.memory_space<vmem>>) dst(%dma_wait3A_197 : memref<50x64xf32, #tpu.memory_space<vmem_shared>>)
      tpu.yield
    }) : () -> ()
    %add3A_65 = arith.constant 100 : i32
    %add3A_66 = arith.addi %mul3A_61, %add3A_65 : i32
    "tpu.region"() ({
      %run_scoped3A = tpu.sem_alloc : memref<!tpu.dma_semaphore, #tpu.memory_space<semaphore_mem>>
      %dma_start3A_190 = arith.constant 0 : i32
      %dma_start3A_191 = tpu.memref_slice %arg12[%add3A_66, %dma_start3A_190] : memref<25600x64xf32, #tpu.memory_space<vmem_shared>> -> memref<50x64xf32, #tpu.memory_space<vmem_shared>>
      %dma_start3A_192 = arith.constant 0 : i32
      %dma_start3A_193 = tpu.memref_slice %arg12[%add3A_66, %dma_start3A_192] : memref<25600x64xf32, #tpu.memory_space<vmem_shared>> -> memref<50x64xf32, #tpu.memory_space<vmem_shared>>
      tpu.enqueue_dma source(%arg10 : memref<50x64xf32, #tpu.memory_space<vmem>>) target(%dma_start3A_193 : memref<50x64xf32, #tpu.memory_space<vmem_shared>>) target_semaphore(%run_scoped3A : memref<!tpu.dma_semaphore, #tpu.memory_space<semaphore_mem>>)
      %dma_wait3A_194 = arith.constant 0 : i32
      %dma_wait3A_195 = tpu.memref_slice %arg12[%add3A_66, %dma_wait3A_194] : memref<25600x64xf32, #tpu.memory_space<vmem_shared>> -> memref<50x64xf32, #tpu.memory_space<vmem_shared>>
      %dma_wait3A_196 = arith.constant 0 : i32
      %dma_wait3A_197 = tpu.memref_slice %arg12[%add3A_66, %dma_wait3A_196] : memref<25600x64xf32, #tpu.memory_space<vmem_shared>> -> memref<50x64xf32, #tpu.memory_space<vmem_shared>>
      tpu.wait_dma2 semaphore(%run_scoped3A : memref<!tpu.dma_semaphore, #tpu.memory_space<semaphore_mem>>) src(%arg10 : memref<50x64xf32, #tpu.memory_space<vmem>>) dst(%dma_wait3A_197 : memref<50x64xf32, #tpu.memory_space<vmem_shared>>)
      tpu.yield
    }) : () -> ()
    %add3A_67 = arith.constant 150 : i32
    %add3A_68 = arith.addi %mul3A_61, %add3A_67 : i32
    "tpu.region"() ({
      %run_scoped3A = tpu.sem_alloc : memref<!tpu.dma_semaphore, #tpu.memory_space<semaphore_mem>>
      %dma_start3A_190 = arith.constant 0 : i32
      %dma_start3A_191 = tpu.memref_slice %arg12[%add3A_68, %dma_start3A_190] : memref<25600x64xf32, #tpu.memory_space<vmem_shared>> -> memref<50x64xf32, #tpu.memory_space<vmem_shared>>
      %dma_start3A_192 = arith.constant 0 : i32
      %dma_start3A_193 = tpu.memref_slice %arg12[%add3A_68, %dma_start3A_192] : memref<25600x64xf32, #tpu.memory_space<vmem_shared>> -> memref<50x64xf32, #tpu.memory_space<vmem_shared>>
      tpu.enqueue_dma source(%arg10 : memref<50x64xf32, #tpu.memory_space<vmem>>) target(%dma_start3A_193 : memref<50x64xf32, #tpu.memory_space<vmem_shared>>) target_semaphore(%run_scoped3A : memref<!tpu.dma_semaphore, #tpu.memory_space<semaphore_mem>>)
      %dma_wait3A_194 = arith.constant 0 : i32
      %dma_wait3A_195 = tpu.memref_slice %arg12[%add3A_68, %dma_wait3A_194] : memref<25600x64xf32, #tpu.memory_space<vmem_shared>> -> memref<50x64xf32, #tpu.memory_space<vmem_shared>>
      %dma_wait3A_196 = arith.constant 0 : i32
      %dma_wait3A_197 = tpu.memref_slice %arg12[%add3A_68, %dma_wait3A_196] : memref<25600x64xf32, #tpu.memory_space<vmem_shared>> -> memref<50x64xf32, #tpu.memory_space<vmem_shared>>
      tpu.wait_dma2 semaphore(%run_scoped3A : memref<!tpu.dma_semaphore, #tpu.memory_space<semaphore_mem>>) src(%arg10 : memref<50x64xf32, #tpu.memory_space<vmem>>) dst(%dma_wait3A_197 : memref<50x64xf32, #tpu.memory_space<vmem_shared>>)
      tpu.yield
    }) : () -> ()
    %add3A_69 = arith.constant 200 : i32
    %add3A_70 = arith.addi %mul3A_61, %add3A_69 : i32
    "tpu.region"() ({
      %run_scoped3A = tpu.sem_alloc : memref<!tpu.dma_semaphore, #tpu.memory_space<semaphore_mem>>
      %dma_start3A_190 = arith.constant 0 : i32
      %dma_start3A_191 = tpu.memref_slice %arg12[%add3A_70, %dma_start3A_190] : memref<25600x64xf32, #tpu.memory_space<vmem_shared>> -> memref<50x64xf32, #tpu.memory_space<vmem_shared>>
      %dma_start3A_192 = arith.constant 0 : i32
      %dma_start3A_193 = tpu.memref_slice %arg12[%add3A_70, %dma_start3A_192] : memref<25600x64xf32, #tpu.memory_space<vmem_shared>> -> memref<50x64xf32, #tpu.memory_space<vmem_shared>>
      tpu.enqueue_dma source(%arg10 : memref<50x64xf32, #tpu.memory_space<vmem>>) target(%dma_start3A_193 : memref<50x64xf32, #tpu.memory_space<vmem_shared>>) target_semaphore(%run_scoped3A : memref<!tpu.dma_semaphore, #tpu.memory_space<semaphore_mem>>)
      %dma_wait3A_194 = arith.constant 0 : i32
      %dma_wait3A_195 = tpu.memref_slice %arg12[%add3A_70, %dma_wait3A_194] : memref<25600x64xf32, #tpu.memory_space<vmem_shared>> -> memref<50x64xf32, #tpu.memory_space<vmem_shared>>
      %dma_wait3A_196 = arith.constant 0 : i32
      %dma_wait3A_197 = tpu.memref_slice %arg12[%add3A_70, %dma_wait3A_196] : memref<25600x64xf32, #tpu.memory_space<vmem_shared>> -> memref<50x64xf32, #tpu.memory_space<vmem_shared>>
      tpu.wait_dma2 semaphore(%run_scoped3A : memref<!tpu.dma_semaphore, #tpu.memory_space<semaphore_mem>>) src(%arg10 : memref<50x64xf32, #tpu.memory_space<vmem>>) dst(%dma_wait3A_197 : memref<50x64xf32, #tpu.memory_space<vmem_shared>>)
      tpu.yield
    }) : () -> ()
    %add3A_71 = arith.constant 250 : i32
    %add3A_72 = arith.addi %mul3A_61, %add3A_71 : i32
    "tpu.region"() ({
      %run_scoped3A = tpu.sem_alloc : memref<!tpu.dma_semaphore, #tpu.memory_space<semaphore_mem>>
      %dma_start3A_190 = arith.constant 0 : i32
      %dma_start3A_191 = tpu.memref_slice %arg12[%add3A_72, %dma_start3A_190] : memref<25600x64xf32, #tpu.memory_space<vmem_shared>> -> memref<50x64xf32, #tpu.memory_space<vmem_shared>>
      %dma_start3A_192 = arith.constant 0 : i32
      %dma_start3A_193 = tpu.memref_slice %arg12[%add3A_72, %dma_start3A_192] : memref<25600x64xf32, #tpu.memory_space<vmem_shared>> -> memref<50x64xf32, #tpu.memory_space<vmem_shared>>
      tpu.enqueue_dma source(%arg10 : memref<50x64xf32, #tpu.memory_space<vmem>>) target(%dma_start3A_193 : memref<50x64xf32, #tpu.memory_space<vmem_shared>>) target_semaphore(%run_scoped3A : memref<!tpu.dma_semaphore, #tpu.memory_space<semaphore_mem>>)
      %dma_wait3A_194 = arith.constant 0 : i32
      %dma_wait3A_195 = tpu.memref_slice %arg12[%add3A_72, %dma_wait3A_194] : memref<25600x64xf32, #tpu.memory_space<vmem_shared>> -> memref<50x64xf32, #tpu.memory_space<vmem_shared>>
      %dma_wait3A_196 = arith.constant 0 : i32
      %dma_wait3A_197 = tpu.memref_slice %arg12[%add3A_72, %dma_wait3A_196] : memref<25600x64xf32, #tpu.memory_space<vmem_shared>> -> memref<50x64xf32, #tpu.memory_space<vmem_shared>>
      tpu.wait_dma2 semaphore(%run_scoped3A : memref<!tpu.dma_semaphore, #tpu.memory_space<semaphore_mem>>) src(%arg10 : memref<50x64xf32, #tpu.memory_space<vmem>>) dst(%dma_wait3A_197 : memref<50x64xf32, #tpu.memory_space<vmem_shared>>)
      tpu.yield
    }) : () -> ()
    %add3A_73 = arith.constant 300 : i32
    %add3A_74 = arith.addi %mul3A_61, %add3A_73 : i32
    "tpu.region"() ({
      %run_scoped3A = tpu.sem_alloc : memref<!tpu.dma_semaphore, #tpu.memory_space<semaphore_mem>>
      %dma_start3A_190 = arith.constant 0 : i32
      %dma_start3A_191 = tpu.memref_slice %arg12[%add3A_74, %dma_start3A_190] : memref<25600x64xf32, #tpu.memory_space<vmem_shared>> -> memref<50x64xf32, #tpu.memory_space<vmem_shared>>
      %dma_start3A_192 = arith.constant 0 : i32
      %dma_start3A_193 = tpu.memref_slice %arg12[%add3A_74, %dma_start3A_192] : memref<25600x64xf32, #tpu.memory_space<vmem_shared>> -> memref<50x64xf32, #tpu.memory_space<vmem_shared>>
      tpu.enqueue_dma source(%arg10 : memref<50x64xf32, #tpu.memory_space<vmem>>) target(%dma_start3A_193 : memref<50x64xf32, #tpu.memory_space<vmem_shared>>) target_semaphore(%run_scoped3A : memref<!tpu.dma_semaphore, #tpu.memory_space<semaphore_mem>>)
      %dma_wait3A_194 = arith.constant 0 : i32
      %dma_wait3A_195 = tpu.memref_slice %arg12[%add3A_74, %dma_wait3A_194] : memref<25600x64xf32, #tpu.memory_space<vmem_shared>> -> memref<50x64xf32, #tpu.memory_space<vmem_shared>>
      %dma_wait3A_196 = arith.constant 0 : i32
      %dma_wait3A_197 = tpu.memref_slice %arg12[%add3A_74, %dma_wait3A_196] : memref<25600x64xf32, #tpu.memory_space<vmem_shared>> -> memref<50x64xf32, #tpu.memory_space<vmem_shared>>
      tpu.wait_dma2 semaphore(%run_scoped3A : memref<!tpu.dma_semaphore, #tpu.memory_space<semaphore_mem>>) src(%arg10 : memref<50x64xf32, #tpu.memory_space<vmem>>) dst(%dma_wait3A_197 : memref<50x64xf32, #tpu.memory_space<vmem_shared>>)
      tpu.yield
    }) : () -> ()
    %add3A_75 = arith.constant 350 : i32
    %add3A_76 = arith.addi %mul3A_61, %add3A_75 : i32
    "tpu.region"() ({
      %run_scoped3A = tpu.sem_alloc : memref<!tpu.dma_semaphore, #tpu.memory_space<semaphore_mem>>
      %dma_start3A_190 = arith.constant 0 : i32
      %dma_start3A_191 = tpu.memref_slice %arg12[%add3A_76, %dma_start3A_190] : memref<25600x64xf32, #tpu.memory_space<vmem_shared>> -> memref<50x64xf32, #tpu.memory_space<vmem_shared>>
      %dma_start3A_192 = arith.constant 0 : i32
      %dma_start3A_193 = tpu.memref_slice %arg12[%add3A_76, %dma_start3A_192] : memref<25600x64xf32, #tpu.memory_space<vmem_shared>> -> memref<50x64xf32, #tpu.memory_space<vmem_shared>>
      tpu.enqueue_dma source(%arg10 : memref<50x64xf32, #tpu.memory_space<vmem>>) target(%dma_start3A_193 : memref<50x64xf32, #tpu.memory_space<vmem_shared>>) target_semaphore(%run_scoped3A : memref<!tpu.dma_semaphore, #tpu.memory_space<semaphore_mem>>)
      %dma_wait3A_194 = arith.constant 0 : i32
      %dma_wait3A_195 = tpu.memref_slice %arg12[%add3A_76, %dma_wait3A_194] : memref<25600x64xf32, #tpu.memory_space<vmem_shared>> -> memref<50x64xf32, #tpu.memory_space<vmem_shared>>
      %dma_wait3A_196 = arith.constant 0 : i32
      %dma_wait3A_197 = tpu.memref_slice %arg12[%add3A_76, %dma_wait3A_196] : memref<25600x64xf32, #tpu.memory_space<vmem_shared>> -> memref<50x64xf32, #tpu.memory_space<vmem_shared>>
      tpu.wait_dma2 semaphore(%run_scoped3A : memref<!tpu.dma_semaphore, #tpu.memory_space<semaphore_mem>>) src(%arg10 : memref<50x64xf32, #tpu.memory_space<vmem>>) dst(%dma_wait3A_197 : memref<50x64xf32, #tpu.memory_space<vmem_shared>>)
      tpu.yield
    }) : () -> ()
    %add3A_77 = arith.constant 400 : i32
    %add3A_78 = arith.addi %mul3A_61, %add3A_77 : i32
    "tpu.region"() ({
      %run_scoped3A = tpu.sem_alloc : memref<!tpu.dma_semaphore, #tpu.memory_space<semaphore_mem>>
      %dma_start3A_190 = arith.constant 0 : i32
      %dma_start3A_191 = tpu.memref_slice %arg12[%add3A_78, %dma_start3A_190] : memref<25600x64xf32, #tpu.memory_space<vmem_shared>> -> memref<50x64xf32, #tpu.memory_space<vmem_shared>>
      %dma_start3A_192 = arith.constant 0 : i32
      %dma_start3A_193 = tpu.memref_slice %arg12[%add3A_78, %dma_start3A_192] : memref<25600x64xf32, #tpu.memory_space<vmem_shared>> -> memref<50x64xf32, #tpu.memory_space<vmem_shared>>
      tpu.enqueue_dma source(%arg10 : memref<50x64xf32, #tpu.memory_space<vmem>>) target(%dma_start3A_193 : memref<50x64xf32, #tpu.memory_space<vmem_shared>>) target_semaphore(%run_scoped3A : memref<!tpu.dma_semaphore, #tpu.memory_space<semaphore_mem>>)
      %dma_wait3A_194 = arith.constant 0 : i32
      %dma_wait3A_195 = tpu.memref_slice %arg12[%add3A_78, %dma_wait3A_194] : memref<25600x64xf32, #tpu.memory_space<vmem_shared>> -> memref<50x64xf32, #tpu.memory_space<vmem_shared>>
      %dma_wait3A_196 = arith.constant 0 : i32
      %dma_wait3A_197 = tpu.memref_slice %arg12[%add3A_78, %dma_wait3A_196] : memref<25600x64xf32, #tpu.memory_space<vmem_shared>> -> memref<50x64xf32, #tpu.memory_space<vmem_shared>>
      tpu.wait_dma2 semaphore(%run_scoped3A : memref<!tpu.dma_semaphore, #tpu.memory_space<semaphore_mem>>) src(%arg10 : memref<50x64xf32, #tpu.memory_space<vmem>>) dst(%dma_wait3A_197 : memref<50x64xf32, #tpu.memory_space<vmem_shared>>)
      tpu.yield
    }) : () -> ()
    %add3A_79 = arith.constant 450 : i32
    %add3A_80 = arith.addi %mul3A_61, %add3A_79 : i32
    "tpu.region"() ({
      %run_scoped3A = tpu.sem_alloc : memref<!tpu.dma_semaphore, #tpu.memory_space<semaphore_mem>>
      %dma_start3A_190 = arith.constant 0 : i32
      %dma_start3A_191 = tpu.memref_slice %arg12[%add3A_80, %dma_start3A_190] : memref<25600x64xf32, #tpu.memory_space<vmem_shared>> -> memref<50x64xf32, #tpu.memory_space<vmem_shared>>
      %dma_start3A_192 = arith.constant 0 : i32
      %dma_start3A_193 = tpu.memref_slice %arg12[%add3A_80, %dma_start3A_192] : memref<25600x64xf32, #tpu.memory_space<vmem_shared>> -> memref<50x64xf32, #tpu.memory_space<vmem_shared>>
      tpu.enqueue_dma source(%arg10 : memref<50x64xf32, #tpu.memory_space<vmem>>) target(%dma_start3A_193 : memref<50x64xf32, #tpu.memory_space<vmem_shared>>) target_semaphore(%run_scoped3A : memref<!tpu.dma_semaphore, #tpu.memory_space<semaphore_mem>>)
      %dma_wait3A_194 = arith.constant 0 : i32
      %dma_wait3A_195 = tpu.memref_slice %arg12[%add3A_80, %dma_wait3A_194] : memref<25600x64xf32, #tpu.memory_space<vmem_shared>> -> memref<50x64xf32, #tpu.memory_space<vmem_shared>>
      %dma_wait3A_196 = arith.constant 0 : i32
      %dma_wait3A_197 = tpu.memref_slice %arg12[%add3A_80, %dma_wait3A_196] : memref<25600x64xf32, #tpu.memory_space<vmem_shared>> -> memref<50x64xf32, #tpu.memory_space<vmem_shared>>
      tpu.wait_dma2 semaphore(%run_scoped3A : memref<!tpu.dma_semaphore, #tpu.memory_space<semaphore_mem>>) src(%arg10 : memref<50x64xf32, #tpu.memory_space<vmem>>) dst(%dma_wait3A_197 : memref<50x64xf32, #tpu.memory_space<vmem_shared>>)
      tpu.yield
    }) : () -> ()
    %add3A_81 = arith.constant 500 : i32
    %add3A_82 = arith.addi %mul3A_61, %add3A_81 : i32
    "tpu.region"() ({
      %run_scoped3A = tpu.sem_alloc : memref<!tpu.dma_semaphore, #tpu.memory_space<semaphore_mem>>
      %dma_start3A_190 = arith.constant 0 : i32
      %dma_start3A_191 = tpu.memref_slice %arg12[%add3A_82, %dma_start3A_190] : memref<25600x64xf32, #tpu.memory_space<vmem_shared>> -> memref<50x64xf32, #tpu.memory_space<vmem_shared>>
      %dma_start3A_192 = arith.constant 0 : i32
      %dma_start3A_193 = tpu.memref_slice %arg12[%add3A_82, %dma_start3A_192] : memref<25600x64xf32, #tpu.memory_space<vmem_shared>> -> memref<50x64xf32, #tpu.memory_space<vmem_shared>>
      tpu.enqueue_dma source(%arg10 : memref<50x64xf32, #tpu.memory_space<vmem>>) target(%dma_start3A_193 : memref<50x64xf32, #tpu.memory_space<vmem_shared>>) target_semaphore(%run_scoped3A : memref<!tpu.dma_semaphore, #tpu.memory_space<semaphore_mem>>)
      %dma_wait3A_194 = arith.constant 0 : i32
      %dma_wait3A_195 = tpu.memref_slice %arg12[%add3A_82, %dma_wait3A_194] : memref<25600x64xf32, #tpu.memory_space<vmem_shared>> -> memref<50x64xf32, #tpu.memory_space<vmem_shared>>
      %dma_wait3A_196 = arith.constant 0 : i32
      %dma_wait3A_197 = tpu.memref_slice %arg12[%add3A_82, %dma_wait3A_196] : memref<25600x64xf32, #tpu.memory_space<vmem_shared>> -> memref<50x64xf32, #tpu.memory_space<vmem_shared>>
      tpu.wait_dma2 semaphore(%run_scoped3A : memref<!tpu.dma_semaphore, #tpu.memory_space<semaphore_mem>>) src(%arg10 : memref<50x64xf32, #tpu.memory_space<vmem>>) dst(%dma_wait3A_197 : memref<50x64xf32, #tpu.memory_space<vmem_shared>>)
      tpu.yield
    }) : () -> ()
    %add3A_83 = arith.constant 550 : i32
    %add3A_84 = arith.addi %mul3A_61, %add3A_83 : i32
    "tpu.region"() ({
      %run_scoped3A = tpu.sem_alloc : memref<!tpu.dma_semaphore, #tpu.memory_space<semaphore_mem>>
      %dma_start3A_190 = arith.constant 0 : i32
      %dma_start3A_191 = tpu.memref_slice %arg12[%add3A_84, %dma_start3A_190] : memref<25600x64xf32, #tpu.memory_space<vmem_shared>> -> memref<50x64xf32, #tpu.memory_space<vmem_shared>>
      %dma_start3A_192 = arith.constant 0 : i32
      %dma_start3A_193 = tpu.memref_slice %arg12[%add3A_84, %dma_start3A_192] : memref<25600x64xf32, #tpu.memory_space<vmem_shared>> -> memref<50x64xf32, #tpu.memory_space<vmem_shared>>
      tpu.enqueue_dma source(%arg10 : memref<50x64xf32, #tpu.memory_space<vmem>>) target(%dma_start3A_193 : memref<50x64xf32, #tpu.memory_space<vmem_shared>>) target_semaphore(%run_scoped3A : memref<!tpu.dma_semaphore, #tpu.memory_space<semaphore_mem>>)
      %dma_wait3A_194 = arith.constant 0 : i32
      %dma_wait3A_195 = tpu.memref_slice %arg12[%add3A_84, %dma_wait3A_194] : memref<25600x64xf32, #tpu.memory_space<vmem_shared>> -> memref<50x64xf32, #tpu.memory_space<vmem_shared>>
      %dma_wait3A_196 = arith.constant 0 : i32
      %dma_wait3A_197 = tpu.memref_slice %arg12[%add3A_84, %dma_wait3A_196] : memref<25600x64xf32, #tpu.memory_space<vmem_shared>> -> memref<50x64xf32, #tpu.memory_space<vmem_shared>>
      tpu.wait_dma2 semaphore(%run_scoped3A : memref<!tpu.dma_semaphore, #tpu.memory_space<semaphore_mem>>) src(%arg10 : memref<50x64xf32, #tpu.memory_space<vmem>>) dst(%dma_wait3A_197 : memref<50x64xf32, #tpu.memory_space<vmem_shared>>)
      tpu.yield
    }) : () -> ()
    %add3A_85 = arith.constant 600 : i32
    %add3A_86 = arith.addi %mul3A_61, %add3A_85 : i32
    "tpu.region"() ({
      %run_scoped3A = tpu.sem_alloc : memref<!tpu.dma_semaphore, #tpu.memory_space<semaphore_mem>>
      %dma_start3A_190 = arith.constant 0 : i32
      %dma_start3A_191 = tpu.memref_slice %arg12[%add3A_86, %dma_start3A_190] : memref<25600x64xf32, #tpu.memory_space<vmem_shared>> -> memref<50x64xf32, #tpu.memory_space<vmem_shared>>
      %dma_start3A_192 = arith.constant 0 : i32
      %dma_start3A_193 = tpu.memref_slice %arg12[%add3A_86, %dma_start3A_192] : memref<25600x64xf32, #tpu.memory_space<vmem_shared>> -> memref<50x64xf32, #tpu.memory_space<vmem_shared>>
      tpu.enqueue_dma source(%arg10 : memref<50x64xf32, #tpu.memory_space<vmem>>) target(%dma_start3A_193 : memref<50x64xf32, #tpu.memory_space<vmem_shared>>) target_semaphore(%run_scoped3A : memref<!tpu.dma_semaphore, #tpu.memory_space<semaphore_mem>>)
      %dma_wait3A_194 = arith.constant 0 : i32
      %dma_wait3A_195 = tpu.memref_slice %arg12[%add3A_86, %dma_wait3A_194] : memref<25600x64xf32, #tpu.memory_space<vmem_shared>> -> memref<50x64xf32, #tpu.memory_space<vmem_shared>>
      %dma_wait3A_196 = arith.constant 0 : i32
      %dma_wait3A_197 = tpu.memref_slice %arg12[%add3A_86, %dma_wait3A_196] : memref<25600x64xf32, #tpu.memory_space<vmem_shared>> -> memref<50x64xf32, #tpu.memory_space<vmem_shared>>
      tpu.wait_dma2 semaphore(%run_scoped3A : memref<!tpu.dma_semaphore, #tpu.memory_space<semaphore_mem>>) src(%arg10 : memref<50x64xf32, #tpu.memory_space<vmem>>) dst(%dma_wait3A_197 : memref<50x64xf32, #tpu.memory_space<vmem_shared>>)
      tpu.yield
    }) : () -> ()
    %add3A_87 = arith.constant 650 : i32
    %add3A_88 = arith.addi %mul3A_61, %add3A_87 : i32
    "tpu.region"() ({
      %run_scoped3A = tpu.sem_alloc : memref<!tpu.dma_semaphore, #tpu.memory_space<semaphore_mem>>
      %dma_start3A_190 = arith.constant 0 : i32
      %dma_start3A_191 = tpu.memref_slice %arg12[%add3A_88, %dma_start3A_190] : memref<25600x64xf32, #tpu.memory_space<vmem_shared>> -> memref<50x64xf32, #tpu.memory_space<vmem_shared>>
      %dma_start3A_192 = arith.constant 0 : i32
      %dma_start3A_193 = tpu.memref_slice %arg12[%add3A_88, %dma_start3A_192] : memref<25600x64xf32, #tpu.memory_space<vmem_shared>> -> memref<50x64xf32, #tpu.memory_space<vmem_shared>>
      tpu.enqueue_dma source(%arg10 : memref<50x64xf32, #tpu.memory_space<vmem>>) target(%dma_start3A_193 : memref<50x64xf32, #tpu.memory_space<vmem_shared>>) target_semaphore(%run_scoped3A : memref<!tpu.dma_semaphore, #tpu.memory_space<semaphore_mem>>)
      %dma_wait3A_194 = arith.constant 0 : i32
      %dma_wait3A_195 = tpu.memref_slice %arg12[%add3A_88, %dma_wait3A_194] : memref<25600x64xf32, #tpu.memory_space<vmem_shared>> -> memref<50x64xf32, #tpu.memory_space<vmem_shared>>
      %dma_wait3A_196 = arith.constant 0 : i32
      %dma_wait3A_197 = tpu.memref_slice %arg12[%add3A_88, %dma_wait3A_196] : memref<25600x64xf32, #tpu.memory_space<vmem_shared>> -> memref<50x64xf32, #tpu.memory_space<vmem_shared>>
      tpu.wait_dma2 semaphore(%run_scoped3A : memref<!tpu.dma_semaphore, #tpu.memory_space<semaphore_mem>>) src(%arg10 : memref<50x64xf32, #tpu.memory_space<vmem>>) dst(%dma_wait3A_197 : memref<50x64xf32, #tpu.memory_space<vmem_shared>>)
      tpu.yield
    }) : () -> ()
    %add3A_89 = arith.constant 700 : i32
    %add3A_90 = arith.addi %mul3A_61, %add3A_89 : i32
    "tpu.region"() ({
      %run_scoped3A = tpu.sem_alloc : memref<!tpu.dma_semaphore, #tpu.memory_space<semaphore_mem>>
      %dma_start3A_190 = arith.constant 0 : i32
      %dma_start3A_191 = tpu.memref_slice %arg12[%add3A_90, %dma_start3A_190] : memref<25600x64xf32, #tpu.memory_space<vmem_shared>> -> memref<50x64xf32, #tpu.memory_space<vmem_shared>>
      %dma_start3A_192 = arith.constant 0 : i32
      %dma_start3A_193 = tpu.memref_slice %arg12[%add3A_90, %dma_start3A_192] : memref<25600x64xf32, #tpu.memory_space<vmem_shared>> -> memref<50x64xf32, #tpu.memory_space<vmem_shared>>
      tpu.enqueue_dma source(%arg10 : memref<50x64xf32, #tpu.memory_space<vmem>>) target(%dma_start3A_193 : memref<50x64xf32, #tpu.memory_space<vmem_shared>>) target_semaphore(%run_scoped3A : memref<!tpu.dma_semaphore, #tpu.memory_space<semaphore_mem>>)
      %dma_wait3A_194 = arith.constant 0 : i32
      %dma_wait3A_195 = tpu.memref_slice %arg12[%add3A_90, %dma_wait3A_194] : memref<25600x64xf32, #tpu.memory_space<vmem_shared>> -> memref<50x64xf32, #tpu.memory_space<vmem_shared>>
      %dma_wait3A_196 = arith.constant 0 : i32
      %dma_wait3A_197 = tpu.memref_slice %arg12[%add3A_90, %dma_wait3A_196] : memref<25600x64xf32, #tpu.memory_space<vmem_shared>> -> memref<50x64xf32, #tpu.memory_space<vmem_shared>>
      tpu.wait_dma2 semaphore(%run_scoped3A : memref<!tpu.dma_semaphore, #tpu.memory_space<semaphore_mem>>) src(%arg10 : memref<50x64xf32, #tpu.memory_space<vmem>>) dst(%dma_wait3A_197 : memref<50x64xf32, #tpu.memory_space<vmem_shared>>)
      tpu.yield
    }) : () -> ()
    %add3A_91 = arith.constant 750 : i32
    %add3A_92 = arith.addi %mul3A_61, %add3A_91 : i32
    "tpu.region"() ({
      %run_scoped3A = tpu.sem_alloc : memref<!tpu.dma_semaphore, #tpu.memory_space<semaphore_mem>>
      %dma_start3A_190 = arith.constant 0 : i32
      %dma_start3A_191 = tpu.memref_slice %arg12[%add3A_92, %dma_start3A_190] : memref<25600x64xf32, #tpu.memory_space<vmem_shared>> -> memref<50x64xf32, #tpu.memory_space<vmem_shared>>
      %dma_start3A_192 = arith.constant 0 : i32
      %dma_start3A_193 = tpu.memref_slice %arg12[%add3A_92, %dma_start3A_192] : memref<25600x64xf32, #tpu.memory_space<vmem_shared>> -> memref<50x64xf32, #tpu.memory_space<vmem_shared>>
      tpu.enqueue_dma source(%arg10 : memref<50x64xf32, #tpu.memory_space<vmem>>) target(%dma_start3A_193 : memref<50x64xf32, #tpu.memory_space<vmem_shared>>) target_semaphore(%run_scoped3A : memref<!tpu.dma_semaphore, #tpu.memory_space<semaphore_mem>>)
      %dma_wait3A_194 = arith.constant 0 : i32
      %dma_wait3A_195 = tpu.memref_slice %arg12[%add3A_92, %dma_wait3A_194] : memref<25600x64xf32, #tpu.memory_space<vmem_shared>> -> memref<50x64xf32, #tpu.memory_space<vmem_shared>>
      %dma_wait3A_196 = arith.constant 0 : i32
      %dma_wait3A_197 = tpu.memref_slice %arg12[%add3A_92, %dma_wait3A_196] : memref<25600x64xf32, #tpu.memory_space<vmem_shared>> -> memref<50x64xf32, #tpu.memory_space<vmem_shared>>
      tpu.wait_dma2 semaphore(%run_scoped3A : memref<!tpu.dma_semaphore, #tpu.memory_space<semaphore_mem>>) src(%arg10 : memref<50x64xf32, #tpu.memory_space<vmem>>) dst(%dma_wait3A_197 : memref<50x64xf32, #tpu.memory_space<vmem_shared>>)
      tpu.yield
    }) : () -> ()
    %add3A_93 = arith.constant 800 : i32
    %add3A_94 = arith.addi %mul3A_61, %add3A_93 : i32
    "tpu.region"() ({
      %run_scoped3A = tpu.sem_alloc : memref<!tpu.dma_semaphore, #tpu.memory_space<semaphore_mem>>
      %dma_start3A_190 = arith.constant 0 : i32
      %dma_start3A_191 = tpu.memref_slice %arg12[%add3A_94, %dma_start3A_190] : memref<25600x64xf32, #tpu.memory_space<vmem_shared>> -> memref<50x64xf32, #tpu.memory_space<vmem_shared>>
      %dma_start3A_192 = arith.constant 0 : i32
      %dma_start3A_193 = tpu.memref_slice %arg12[%add3A_94, %dma_start3A_192] : memref<25600x64xf32, #tpu.memory_space<vmem_shared>> -> memref<50x64xf32, #tpu.memory_space<vmem_shared>>
      tpu.enqueue_dma source(%arg10 : memref<50x64xf32, #tpu.memory_space<vmem>>) target(%dma_start3A_193 : memref<50x64xf32, #tpu.memory_space<vmem_shared>>) target_semaphore(%run_scoped3A : memref<!tpu.dma_semaphore, #tpu.memory_space<semaphore_mem>>)
      %dma_wait3A_194 = arith.constant 0 : i32
      %dma_wait3A_195 = tpu.memref_slice %arg12[%add3A_94, %dma_wait3A_194] : memref<25600x64xf32, #tpu.memory_space<vmem_shared>> -> memref<50x64xf32, #tpu.memory_space<vmem_shared>>
      %dma_wait3A_196 = arith.constant 0 : i32
      %dma_wait3A_197 = tpu.memref_slice %arg12[%add3A_94, %dma_wait3A_196] : memref<25600x64xf32, #tpu.memory_space<vmem_shared>> -> memref<50x64xf32, #tpu.memory_space<vmem_shared>>
      tpu.wait_dma2 semaphore(%run_scoped3A : memref<!tpu.dma_semaphore, #tpu.memory_space<semaphore_mem>>) src(%arg10 : memref<50x64xf32, #tpu.memory_space<vmem>>) dst(%dma_wait3A_197 : memref<50x64xf32, #tpu.memory_space<vmem_shared>>)
      tpu.yield
    }) : () -> ()
    %add3A_95 = arith.constant 850 : i32
    %add3A_96 = arith.addi %mul3A_61, %add3A_95 : i32
    "tpu.region"() ({
      %run_scoped3A = tpu.sem_alloc : memref<!tpu.dma_semaphore, #tpu.memory_space<semaphore_mem>>
      %dma_start3A_190 = arith.constant 0 : i32
      %dma_start3A_191 = tpu.memref_slice %arg12[%add3A_96, %dma_start3A_190] : memref<25600x64xf32, #tpu.memory_space<vmem_shared>> -> memref<50x64xf32, #tpu.memory_space<vmem_shared>>
      %dma_start3A_192 = arith.constant 0 : i32
      %dma_start3A_193 = tpu.memref_slice %arg12[%add3A_96, %dma_start3A_192] : memref<25600x64xf32, #tpu.memory_space<vmem_shared>> -> memref<50x64xf32, #tpu.memory_space<vmem_shared>>
      tpu.enqueue_dma source(%arg10 : memref<50x64xf32, #tpu.memory_space<vmem>>) target(%dma_start3A_193 : memref<50x64xf32, #tpu.memory_space<vmem_shared>>) target_semaphore(%run_scoped3A : memref<!tpu.dma_semaphore, #tpu.memory_space<semaphore_mem>>)
      %dma_wait3A_194 = arith.constant 0 : i32
      %dma_wait3A_195 = tpu.memref_slice %arg12[%add3A_96, %dma_wait3A_194] : memref<25600x64xf32, #tpu.memory_space<vmem_shared>> -> memref<50x64xf32, #tpu.memory_space<vmem_shared>>
      %dma_wait3A_196 = arith.constant 0 : i32
      %dma_wait3A_197 = tpu.memref_slice %arg12[%add3A_96, %dma_wait3A_196] : memref<25600x64xf32, #tpu.memory_space<vmem_shared>> -> memref<50x64xf32, #tpu.memory_space<vmem_shared>>
      tpu.wait_dma2 semaphore(%run_scoped3A : memref<!tpu.dma_semaphore, #tpu.memory_space<semaphore_mem>>) src(%arg10 : memref<50x64xf32, #tpu.memory_space<vmem>>) dst(%dma_wait3A_197 : memref<50x64xf32, #tpu.memory_space<vmem_shared>>)
      tpu.yield
    }) : () -> ()
    %add3A_97 = arith.constant 900 : i32
    %add3A_98 = arith.addi %mul3A_61, %add3A_97 : i32
    "tpu.region"() ({
      %run_scoped3A = tpu.sem_alloc : memref<!tpu.dma_semaphore, #tpu.memory_space<semaphore_mem>>
      %dma_start3A_190 = arith.constant 0 : i32
      %dma_start3A_191 = tpu.memref_slice %arg12[%add3A_98, %dma_start3A_190] : memref<25600x64xf32, #tpu.memory_space<vmem_shared>> -> memref<50x64xf32, #tpu.memory_space<vmem_shared>>
      %dma_start3A_192 = arith.constant 0 : i32
      %dma_start3A_193 = tpu.memref_slice %arg12[%add3A_98, %dma_start3A_192] : memref<25600x64xf32, #tpu.memory_space<vmem_shared>> -> memref<50x64xf32, #tpu.memory_space<vmem_shared>>
      tpu.enqueue_dma source(%arg10 : memref<50x64xf32, #tpu.memory_space<vmem>>) target(%dma_start3A_193 : memref<50x64xf32, #tpu.memory_space<vmem_shared>>) target_semaphore(%run_scoped3A : memref<!tpu.dma_semaphore, #tpu.memory_space<semaphore_mem>>)
      %dma_wait3A_194 = arith.constant 0 : i32
      %dma_wait3A_195 = tpu.memref_slice %arg12[%add3A_98, %dma_wait3A_194] : memref<25600x64xf32, #tpu.memory_space<vmem_shared>> -> memref<50x64xf32, #tpu.memory_space<vmem_shared>>
      %dma_wait3A_196 = arith.constant 0 : i32
      %dma_wait3A_197 = tpu.memref_slice %arg12[%add3A_98, %dma_wait3A_196] : memref<25600x64xf32, #tpu.memory_space<vmem_shared>> -> memref<50x64xf32, #tpu.memory_space<vmem_shared>>
      tpu.wait_dma2 semaphore(%run_scoped3A : memref<!tpu.dma_semaphore, #tpu.memory_space<semaphore_mem>>) src(%arg10 : memref<50x64xf32, #tpu.memory_space<vmem>>) dst(%dma_wait3A_197 : memref<50x64xf32, #tpu.memory_space<vmem_shared>>)
      tpu.yield
    }) : () -> ()
    %add3A_99 = arith.constant 950 : i32
    %add3A_100 = arith.addi %mul3A_61, %add3A_99 : i32
    "tpu.region"() ({
      %run_scoped3A = tpu.sem_alloc : memref<!tpu.dma_semaphore, #tpu.memory_space<semaphore_mem>>
      %dma_start3A_190 = arith.constant 0 : i32
      %dma_start3A_191 = tpu.memref_slice %arg12[%add3A_100, %dma_start3A_190] : memref<25600x64xf32, #tpu.memory_space<vmem_shared>> -> memref<50x64xf32, #tpu.memory_space<vmem_shared>>
      %dma_start3A_192 = arith.constant 0 : i32
      %dma_start3A_193 = tpu.memref_slice %arg12[%add3A_100, %dma_start3A_192] : memref<25600x64xf32, #tpu.memory_space<vmem_shared>> -> memref<50x64xf32, #tpu.memory_space<vmem_shared>>
      tpu.enqueue_dma source(%arg10 : memref<50x64xf32, #tpu.memory_space<vmem>>) target(%dma_start3A_193 : memref<50x64xf32, #tpu.memory_space<vmem_shared>>) target_semaphore(%run_scoped3A : memref<!tpu.dma_semaphore, #tpu.memory_space<semaphore_mem>>)
      %dma_wait3A_194 = arith.constant 0 : i32
      %dma_wait3A_195 = tpu.memref_slice %arg12[%add3A_100, %dma_wait3A_194] : memref<25600x64xf32, #tpu.memory_space<vmem_shared>> -> memref<50x64xf32, #tpu.memory_space<vmem_shared>>
      %dma_wait3A_196 = arith.constant 0 : i32
      %dma_wait3A_197 = tpu.memref_slice %arg12[%add3A_100, %dma_wait3A_196] : memref<25600x64xf32, #tpu.memory_space<vmem_shared>> -> memref<50x64xf32, #tpu.memory_space<vmem_shared>>
      tpu.wait_dma2 semaphore(%run_scoped3A : memref<!tpu.dma_semaphore, #tpu.memory_space<semaphore_mem>>) src(%arg10 : memref<50x64xf32, #tpu.memory_space<vmem>>) dst(%dma_wait3A_197 : memref<50x64xf32, #tpu.memory_space<vmem_shared>>)
      tpu.yield
    }) : () -> ()
    %add3A_101 = arith.constant 1000 : i32
    %add3A_102 = arith.addi %mul3A_61, %add3A_101 : i32
    "tpu.region"() ({
      %run_scoped3A = tpu.sem_alloc : memref<!tpu.dma_semaphore, #tpu.memory_space<semaphore_mem>>
      %dma_start3A_190 = arith.constant 0 : i32
      %dma_start3A_191 = tpu.memref_slice %arg12[%add3A_102, %dma_start3A_190] : memref<25600x64xf32, #tpu.memory_space<vmem_shared>> -> memref<50x64xf32, #tpu.memory_space<vmem_shared>>
      %dma_start3A_192 = arith.constant 0 : i32
      %dma_start3A_193 = tpu.memref_slice %arg12[%add3A_102, %dma_start3A_192] : memref<25600x64xf32, #tpu.memory_space<vmem_shared>> -> memref<50x64xf32, #tpu.memory_space<vmem_shared>>
      tpu.enqueue_dma source(%arg10 : memref<50x64xf32, #tpu.memory_space<vmem>>) target(%dma_start3A_193 : memref<50x64xf32, #tpu.memory_space<vmem_shared>>) target_semaphore(%run_scoped3A : memref<!tpu.dma_semaphore, #tpu.memory_space<semaphore_mem>>)
      %dma_wait3A_194 = arith.constant 0 : i32
      %dma_wait3A_195 = tpu.memref_slice %arg12[%add3A_102, %dma_wait3A_194] : memref<25600x64xf32, #tpu.memory_space<vmem_shared>> -> memref<50x64xf32, #tpu.memory_space<vmem_shared>>
      %dma_wait3A_196 = arith.constant 0 : i32
      %dma_wait3A_197 = tpu.memref_slice %arg12[%add3A_102, %dma_wait3A_196] : memref<25600x64xf32, #tpu.memory_space<vmem_shared>> -> memref<50x64xf32, #tpu.memory_space<vmem_shared>>
      tpu.wait_dma2 semaphore(%run_scoped3A : memref<!tpu.dma_semaphore, #tpu.memory_space<semaphore_mem>>) src(%arg10 : memref<50x64xf32, #tpu.memory_space<vmem>>) dst(%dma_wait3A_197 : memref<50x64xf32, #tpu.memory_space<vmem_shared>>)
      tpu.yield
    }) : () -> ()
    %add3A_103 = arith.constant 1050 : i32
    %add3A_104 = arith.addi %mul3A_61, %add3A_103 : i32
    "tpu.region"() ({
      %run_scoped3A = tpu.sem_alloc : memref<!tpu.dma_semaphore, #tpu.memory_space<semaphore_mem>>
      %dma_start3A_190 = arith.constant 0 : i32
      %dma_start3A_191 = tpu.memref_slice %arg12[%add3A_104, %dma_start3A_190] : memref<25600x64xf32, #tpu.memory_space<vmem_shared>> -> memref<50x64xf32, #tpu.memory_space<vmem_shared>>
      %dma_start3A_192 = arith.constant 0 : i32
      %dma_start3A_193 = tpu.memref_slice %arg12[%add3A_104, %dma_start3A_192] : memref<25600x64xf32, #tpu.memory_space<vmem_shared>> -> memref<50x64xf32, #tpu.memory_space<vmem_shared>>
      tpu.enqueue_dma source(%arg10 : memref<50x64xf32, #tpu.memory_space<vmem>>) target(%dma_start3A_193 : memref<50x64xf32, #tpu.memory_space<vmem_shared>>) target_semaphore(%run_scoped3A : memref<!tpu.dma_semaphore, #tpu.memory_space<semaphore_mem>>)
      %dma_wait3A_194 = arith.constant 0 : i32
      %dma_wait3A_195 = tpu.memref_slice %arg12[%add3A_104, %dma_wait3A_194] : memref<25600x64xf32, #tpu.memory_space<vmem_shared>> -> memref<50x64xf32, #tpu.memory_space<vmem_shared>>
      %dma_wait3A_196 = arith.constant 0 : i32
      %dma_wait3A_197 = tpu.memref_slice %arg12[%add3A_104, %dma_wait3A_196] : memref<25600x64xf32, #tpu.memory_space<vmem_shared>> -> memref<50x64xf32, #tpu.memory_space<vmem_shared>>
      tpu.wait_dma2 semaphore(%run_scoped3A : memref<!tpu.dma_semaphore, #tpu.memory_space<semaphore_mem>>) src(%arg10 : memref<50x64xf32, #tpu.memory_space<vmem>>) dst(%dma_wait3A_197 : memref<50x64xf32, #tpu.memory_space<vmem_shared>>)
      tpu.yield
    }) : () -> ()
    %add3A_105 = arith.constant 1100 : i32
    %add3A_106 = arith.addi %mul3A_61, %add3A_105 : i32
    "tpu.region"() ({
      %run_scoped3A = tpu.sem_alloc : memref<!tpu.dma_semaphore, #tpu.memory_space<semaphore_mem>>
      %dma_start3A_190 = arith.constant 0 : i32
      %dma_start3A_191 = tpu.memref_slice %arg12[%add3A_106, %dma_start3A_190] : memref<25600x64xf32, #tpu.memory_space<vmem_shared>> -> memref<50x64xf32, #tpu.memory_space<vmem_shared>>
      %dma_start3A_192 = arith.constant 0 : i32
      %dma_start3A_193 = tpu.memref_slice %arg12[%add3A_106, %dma_start3A_192] : memref<25600x64xf32, #tpu.memory_space<vmem_shared>> -> memref<50x64xf32, #tpu.memory_space<vmem_shared>>
      tpu.enqueue_dma source(%arg10 : memref<50x64xf32, #tpu.memory_space<vmem>>) target(%dma_start3A_193 : memref<50x64xf32, #tpu.memory_space<vmem_shared>>) target_semaphore(%run_scoped3A : memref<!tpu.dma_semaphore, #tpu.memory_space<semaphore_mem>>)
      %dma_wait3A_194 = arith.constant 0 : i32
      %dma_wait3A_195 = tpu.memref_slice %arg12[%add3A_106, %dma_wait3A_194] : memref<25600x64xf32, #tpu.memory_space<vmem_shared>> -> memref<50x64xf32, #tpu.memory_space<vmem_shared>>
      %dma_wait3A_196 = arith.constant 0 : i32
      %dma_wait3A_197 = tpu.memref_slice %arg12[%add3A_106, %dma_wait3A_196] : memref<25600x64xf32, #tpu.memory_space<vmem_shared>> -> memref<50x64xf32, #tpu.memory_space<vmem_shared>>
      tpu.wait_dma2 semaphore(%run_scoped3A : memref<!tpu.dma_semaphore, #tpu.memory_space<semaphore_mem>>) src(%arg10 : memref<50x64xf32, #tpu.memory_space<vmem>>) dst(%dma_wait3A_197 : memref<50x64xf32, #tpu.memory_space<vmem_shared>>)
      tpu.yield
    }) : () -> ()
    %add3A_107 = arith.constant 1150 : i32
    %add3A_108 = arith.addi %mul3A_61, %add3A_107 : i32
    "tpu.region"() ({
      %run_scoped3A = tpu.sem_alloc : memref<!tpu.dma_semaphore, #tpu.memory_space<semaphore_mem>>
      %dma_start3A_190 = arith.constant 0 : i32
      %dma_start3A_191 = tpu.memref_slice %arg12[%add3A_108, %dma_start3A_190] : memref<25600x64xf32, #tpu.memory_space<vmem_shared>> -> memref<50x64xf32, #tpu.memory_space<vmem_shared>>
      %dma_start3A_192 = arith.constant 0 : i32
      %dma_start3A_193 = tpu.memref_slice %arg12[%add3A_108, %dma_start3A_192] : memref<25600x64xf32, #tpu.memory_space<vmem_shared>> -> memref<50x64xf32, #tpu.memory_space<vmem_shared>>
      tpu.enqueue_dma source(%arg10 : memref<50x64xf32, #tpu.memory_space<vmem>>) target(%dma_start3A_193 : memref<50x64xf32, #tpu.memory_space<vmem_shared>>) target_semaphore(%run_scoped3A : memref<!tpu.dma_semaphore, #tpu.memory_space<semaphore_mem>>)
      %dma_wait3A_194 = arith.constant 0 : i32
      %dma_wait3A_195 = tpu.memref_slice %arg12[%add3A_108, %dma_wait3A_194] : memref<25600x64xf32, #tpu.memory_space<vmem_shared>> -> memref<50x64xf32, #tpu.memory_space<vmem_shared>>
      %dma_wait3A_196 = arith.constant 0 : i32
      %dma_wait3A_197 = tpu.memref_slice %arg12[%add3A_108, %dma_wait3A_196] : memref<25600x64xf32, #tpu.memory_space<vmem_shared>> -> memref<50x64xf32, #tpu.memory_space<vmem_shared>>
      tpu.wait_dma2 semaphore(%run_scoped3A : memref<!tpu.dma_semaphore, #tpu.memory_space<semaphore_mem>>) src(%arg10 : memref<50x64xf32, #tpu.memory_space<vmem>>) dst(%dma_wait3A_197 : memref<50x64xf32, #tpu.memory_space<vmem_shared>>)
      tpu.yield
    }) : () -> ()
    %add3A_109 = arith.constant 1200 : i32
    %add3A_110 = arith.addi %mul3A_61, %add3A_109 : i32
    "tpu.region"() ({
      %run_scoped3A = tpu.sem_alloc : memref<!tpu.dma_semaphore, #tpu.memory_space<semaphore_mem>>
      %dma_start3A_190 = arith.constant 0 : i32
      %dma_start3A_191 = tpu.memref_slice %arg12[%add3A_110, %dma_start3A_190] : memref<25600x64xf32, #tpu.memory_space<vmem_shared>> -> memref<50x64xf32, #tpu.memory_space<vmem_shared>>
      %dma_start3A_192 = arith.constant 0 : i32
      %dma_start3A_193 = tpu.memref_slice %arg12[%add3A_110, %dma_start3A_192] : memref<25600x64xf32, #tpu.memory_space<vmem_shared>> -> memref<50x64xf32, #tpu.memory_space<vmem_shared>>
      tpu.enqueue_dma source(%arg10 : memref<50x64xf32, #tpu.memory_space<vmem>>) target(%dma_start3A_193 : memref<50x64xf32, #tpu.memory_space<vmem_shared>>) target_semaphore(%run_scoped3A : memref<!tpu.dma_semaphore, #tpu.memory_space<semaphore_mem>>)
      %dma_wait3A_194 = arith.constant 0 : i32
      %dma_wait3A_195 = tpu.memref_slice %arg12[%add3A_110, %dma_wait3A_194] : memref<25600x64xf32, #tpu.memory_space<vmem_shared>> -> memref<50x64xf32, #tpu.memory_space<vmem_shared>>
      %dma_wait3A_196 = arith.constant 0 : i32
      %dma_wait3A_197 = tpu.memref_slice %arg12[%add3A_110, %dma_wait3A_196] : memref<25600x64xf32, #tpu.memory_space<vmem_shared>> -> memref<50x64xf32, #tpu.memory_space<vmem_shared>>
      tpu.wait_dma2 semaphore(%run_scoped3A : memref<!tpu.dma_semaphore, #tpu.memory_space<semaphore_mem>>) src(%arg10 : memref<50x64xf32, #tpu.memory_space<vmem>>) dst(%dma_wait3A_197 : memref<50x64xf32, #tpu.memory_space<vmem_shared>>)
      tpu.yield
    }) : () -> ()
    %add3A_111 = arith.constant 1250 : i32
    %add3A_112 = arith.addi %mul3A_61, %add3A_111 : i32
    "tpu.region"() ({
      %run_scoped3A = tpu.sem_alloc : memref<!tpu.dma_semaphore, #tpu.memory_space<semaphore_mem>>
      %dma_start3A_190 = arith.constant 0 : i32
      %dma_start3A_191 = tpu.memref_slice %arg12[%add3A_112, %dma_start3A_190] : memref<25600x64xf32, #tpu.memory_space<vmem_shared>> -> memref<50x64xf32, #tpu.memory_space<vmem_shared>>
      %dma_start3A_192 = arith.constant 0 : i32
      %dma_start3A_193 = tpu.memref_slice %arg12[%add3A_112, %dma_start3A_192] : memref<25600x64xf32, #tpu.memory_space<vmem_shared>> -> memref<50x64xf32, #tpu.memory_space<vmem_shared>>
      tpu.enqueue_dma source(%arg10 : memref<50x64xf32, #tpu.memory_space<vmem>>) target(%dma_start3A_193 : memref<50x64xf32, #tpu.memory_space<vmem_shared>>) target_semaphore(%run_scoped3A : memref<!tpu.dma_semaphore, #tpu.memory_space<semaphore_mem>>)
      %dma_wait3A_194 = arith.constant 0 : i32
      %dma_wait3A_195 = tpu.memref_slice %arg12[%add3A_112, %dma_wait3A_194] : memref<25600x64xf32, #tpu.memory_space<vmem_shared>> -> memref<50x64xf32, #tpu.memory_space<vmem_shared>>
      %dma_wait3A_196 = arith.constant 0 : i32
      %dma_wait3A_197 = tpu.memref_slice %arg12[%add3A_112, %dma_wait3A_196] : memref<25600x64xf32, #tpu.memory_space<vmem_shared>> -> memref<50x64xf32, #tpu.memory_space<vmem_shared>>
      tpu.wait_dma2 semaphore(%run_scoped3A : memref<!tpu.dma_semaphore, #tpu.memory_space<semaphore_mem>>) src(%arg10 : memref<50x64xf32, #tpu.memory_space<vmem>>) dst(%dma_wait3A_197 : memref<50x64xf32, #tpu.memory_space<vmem_shared>>)
      tpu.yield
    }) : () -> ()
    %add3A_113 = arith.constant 1300 : i32
    %add3A_114 = arith.addi %mul3A_61, %add3A_113 : i32
    "tpu.region"() ({
      %run_scoped3A = tpu.sem_alloc : memref<!tpu.dma_semaphore, #tpu.memory_space<semaphore_mem>>
      %dma_start3A_190 = arith.constant 0 : i32
      %dma_start3A_191 = tpu.memref_slice %arg12[%add3A_114, %dma_start3A_190] : memref<25600x64xf32, #tpu.memory_space<vmem_shared>> -> memref<50x64xf32, #tpu.memory_space<vmem_shared>>
      %dma_start3A_192 = arith.constant 0 : i32
      %dma_start3A_193 = tpu.memref_slice %arg12[%add3A_114, %dma_start3A_192] : memref<25600x64xf32, #tpu.memory_space<vmem_shared>> -> memref<50x64xf32, #tpu.memory_space<vmem_shared>>
      tpu.enqueue_dma source(%arg10 : memref<50x64xf32, #tpu.memory_space<vmem>>) target(%dma_start3A_193 : memref<50x64xf32, #tpu.memory_space<vmem_shared>>) target_semaphore(%run_scoped3A : memref<!tpu.dma_semaphore, #tpu.memory_space<semaphore_mem>>)
      %dma_wait3A_194 = arith.constant 0 : i32
      %dma_wait3A_195 = tpu.memref_slice %arg12[%add3A_114, %dma_wait3A_194] : memref<25600x64xf32, #tpu.memory_space<vmem_shared>> -> memref<50x64xf32, #tpu.memory_space<vmem_shared>>
      %dma_wait3A_196 = arith.constant 0 : i32
      %dma_wait3A_197 = tpu.memref_slice %arg12[%add3A_114, %dma_wait3A_196] : memref<25600x64xf32, #tpu.memory_space<vmem_shared>> -> memref<50x64xf32, #tpu.memory_space<vmem_shared>>
      tpu.wait_dma2 semaphore(%run_scoped3A : memref<!tpu.dma_semaphore, #tpu.memory_space<semaphore_mem>>) src(%arg10 : memref<50x64xf32, #tpu.memory_space<vmem>>) dst(%dma_wait3A_197 : memref<50x64xf32, #tpu.memory_space<vmem_shared>>)
      tpu.yield
    }) : () -> ()
    %add3A_115 = arith.constant 1350 : i32
    %add3A_116 = arith.addi %mul3A_61, %add3A_115 : i32
    "tpu.region"() ({
      %run_scoped3A = tpu.sem_alloc : memref<!tpu.dma_semaphore, #tpu.memory_space<semaphore_mem>>
      %dma_start3A_190 = arith.constant 0 : i32
      %dma_start3A_191 = tpu.memref_slice %arg12[%add3A_116, %dma_start3A_190] : memref<25600x64xf32, #tpu.memory_space<vmem_shared>> -> memref<50x64xf32, #tpu.memory_space<vmem_shared>>
      %dma_start3A_192 = arith.constant 0 : i32
      %dma_start3A_193 = tpu.memref_slice %arg12[%add3A_116, %dma_start3A_192] : memref<25600x64xf32, #tpu.memory_space<vmem_shared>> -> memref<50x64xf32, #tpu.memory_space<vmem_shared>>
      tpu.enqueue_dma source(%arg10 : memref<50x64xf32, #tpu.memory_space<vmem>>) target(%dma_start3A_193 : memref<50x64xf32, #tpu.memory_space<vmem_shared>>) target_semaphore(%run_scoped3A : memref<!tpu.dma_semaphore, #tpu.memory_space<semaphore_mem>>)
      %dma_wait3A_194 = arith.constant 0 : i32
      %dma_wait3A_195 = tpu.memref_slice %arg12[%add3A_116, %dma_wait3A_194] : memref<25600x64xf32, #tpu.memory_space<vmem_shared>> -> memref<50x64xf32, #tpu.memory_space<vmem_shared>>
      %dma_wait3A_196 = arith.constant 0 : i32
      %dma_wait3A_197 = tpu.memref_slice %arg12[%add3A_116, %dma_wait3A_196] : memref<25600x64xf32, #tpu.memory_space<vmem_shared>> -> memref<50x64xf32, #tpu.memory_space<vmem_shared>>
      tpu.wait_dma2 semaphore(%run_scoped3A : memref<!tpu.dma_semaphore, #tpu.memory_space<semaphore_mem>>) src(%arg10 : memref<50x64xf32, #tpu.memory_space<vmem>>) dst(%dma_wait3A_197 : memref<50x64xf32, #tpu.memory_space<vmem_shared>>)
      tpu.yield
    }) : () -> ()
    %add3A_117 = arith.constant 1400 : i32
    %add3A_118 = arith.addi %mul3A_61, %add3A_117 : i32
    "tpu.region"() ({
      %run_scoped3A = tpu.sem_alloc : memref<!tpu.dma_semaphore, #tpu.memory_space<semaphore_mem>>
      %dma_start3A_190 = arith.constant 0 : i32
      %dma_start3A_191 = tpu.memref_slice %arg12[%add3A_118, %dma_start3A_190] : memref<25600x64xf32, #tpu.memory_space<vmem_shared>> -> memref<50x64xf32, #tpu.memory_space<vmem_shared>>
      %dma_start3A_192 = arith.constant 0 : i32
      %dma_start3A_193 = tpu.memref_slice %arg12[%add3A_118, %dma_start3A_192] : memref<25600x64xf32, #tpu.memory_space<vmem_shared>> -> memref<50x64xf32, #tpu.memory_space<vmem_shared>>
      tpu.enqueue_dma source(%arg10 : memref<50x64xf32, #tpu.memory_space<vmem>>) target(%dma_start3A_193 : memref<50x64xf32, #tpu.memory_space<vmem_shared>>) target_semaphore(%run_scoped3A : memref<!tpu.dma_semaphore, #tpu.memory_space<semaphore_mem>>)
      %dma_wait3A_194 = arith.constant 0 : i32
      %dma_wait3A_195 = tpu.memref_slice %arg12[%add3A_118, %dma_wait3A_194] : memref<25600x64xf32, #tpu.memory_space<vmem_shared>> -> memref<50x64xf32, #tpu.memory_space<vmem_shared>>
      %dma_wait3A_196 = arith.constant 0 : i32
      %dma_wait3A_197 = tpu.memref_slice %arg12[%add3A_118, %dma_wait3A_196] : memref<25600x64xf32, #tpu.memory_space<vmem_shared>> -> memref<50x64xf32, #tpu.memory_space<vmem_shared>>
      tpu.wait_dma2 semaphore(%run_scoped3A : memref<!tpu.dma_semaphore, #tpu.memory_space<semaphore_mem>>) src(%arg10 : memref<50x64xf32, #tpu.memory_space<vmem>>) dst(%dma_wait3A_197 : memref<50x64xf32, #tpu.memory_space<vmem_shared>>)
      tpu.yield
    }) : () -> ()
    %add3A_119 = arith.constant 1450 : i32
    %add3A_120 = arith.addi %mul3A_61, %add3A_119 : i32
    "tpu.region"() ({
      %run_scoped3A = tpu.sem_alloc : memref<!tpu.dma_semaphore, #tpu.memory_space<semaphore_mem>>
      %dma_start3A_190 = arith.constant 0 : i32
      %dma_start3A_191 = tpu.memref_slice %arg12[%add3A_120, %dma_start3A_190] : memref<25600x64xf32, #tpu.memory_space<vmem_shared>> -> memref<50x64xf32, #tpu.memory_space<vmem_shared>>
      %dma_start3A_192 = arith.constant 0 : i32
      %dma_start3A_193 = tpu.memref_slice %arg12[%add3A_120, %dma_start3A_192] : memref<25600x64xf32, #tpu.memory_space<vmem_shared>> -> memref<50x64xf32, #tpu.memory_space<vmem_shared>>
      tpu.enqueue_dma source(%arg10 : memref<50x64xf32, #tpu.memory_space<vmem>>) target(%dma_start3A_193 : memref<50x64xf32, #tpu.memory_space<vmem_shared>>) target_semaphore(%run_scoped3A : memref<!tpu.dma_semaphore, #tpu.memory_space<semaphore_mem>>)
      %dma_wait3A_194 = arith.constant 0 : i32
      %dma_wait3A_195 = tpu.memref_slice %arg12[%add3A_120, %dma_wait3A_194] : memref<25600x64xf32, #tpu.memory_space<vmem_shared>> -> memref<50x64xf32, #tpu.memory_space<vmem_shared>>
      %dma_wait3A_196 = arith.constant 0 : i32
      %dma_wait3A_197 = tpu.memref_slice %arg12[%add3A_120, %dma_wait3A_196] : memref<25600x64xf32, #tpu.memory_space<vmem_shared>> -> memref<50x64xf32, #tpu.memory_space<vmem_shared>>
      tpu.wait_dma2 semaphore(%run_scoped3A : memref<!tpu.dma_semaphore, #tpu.memory_space<semaphore_mem>>) src(%arg10 : memref<50x64xf32, #tpu.memory_space<vmem>>) dst(%dma_wait3A_197 : memref<50x64xf32, #tpu.memory_space<vmem_shared>>)
      tpu.yield
    }) : () -> ()
    %add3A_121 = arith.constant 1500 : i32
    %add3A_122 = arith.addi %mul3A_61, %add3A_121 : i32
    "tpu.region"() ({
      %run_scoped3A = tpu.sem_alloc : memref<!tpu.dma_semaphore, #tpu.memory_space<semaphore_mem>>
      %dma_start3A_190 = arith.constant 0 : i32
      %dma_start3A_191 = tpu.memref_slice %arg12[%add3A_122, %dma_start3A_190] : memref<25600x64xf32, #tpu.memory_space<vmem_shared>> -> memref<50x64xf32, #tpu.memory_space<vmem_shared>>
      %dma_start3A_192 = arith.constant 0 : i32
      %dma_start3A_193 = tpu.memref_slice %arg12[%add3A_122, %dma_start3A_192] : memref<25600x64xf32, #tpu.memory_space<vmem_shared>> -> memref<50x64xf32, #tpu.memory_space<vmem_shared>>
      tpu.enqueue_dma source(%arg10 : memref<50x64xf32, #tpu.memory_space<vmem>>) target(%dma_start3A_193 : memref<50x64xf32, #tpu.memory_space<vmem_shared>>) target_semaphore(%run_scoped3A : memref<!tpu.dma_semaphore, #tpu.memory_space<semaphore_mem>>)
      %dma_wait3A_194 = arith.constant 0 : i32
      %dma_wait3A_195 = tpu.memref_slice %arg12[%add3A_122, %dma_wait3A_194] : memref<25600x64xf32, #tpu.memory_space<vmem_shared>> -> memref<50x64xf32, #tpu.memory_space<vmem_shared>>
      %dma_wait3A_196 = arith.constant 0 : i32
      %dma_wait3A_197 = tpu.memref_slice %arg12[%add3A_122, %dma_wait3A_196] : memref<25600x64xf32, #tpu.memory_space<vmem_shared>> -> memref<50x64xf32, #tpu.memory_space<vmem_shared>>
      tpu.wait_dma2 semaphore(%run_scoped3A : memref<!tpu.dma_semaphore, #tpu.memory_space<semaphore_mem>>) src(%arg10 : memref<50x64xf32, #tpu.memory_space<vmem>>) dst(%dma_wait3A_197 : memref<50x64xf32, #tpu.memory_space<vmem_shared>>)
      tpu.yield
    }) : () -> ()
    %add3A_123 = arith.constant 1550 : i32
    %add3A_124 = arith.addi %mul3A_61, %add3A_123 : i32
    "tpu.region"() ({
      %run_scoped3A = tpu.sem_alloc : memref<!tpu.dma_semaphore, #tpu.memory_space<semaphore_mem>>
      %dma_start3A_190 = arith.constant 0 : i32
      %dma_start3A_191 = tpu.memref_slice %arg12[%add3A_124, %dma_start3A_190] : memref<25600x64xf32, #tpu.memory_space<vmem_shared>> -> memref<50x64xf32, #tpu.memory_space<vmem_shared>>
      %dma_start3A_192 = arith.constant 0 : i32
      %dma_start3A_193 = tpu.memref_slice %arg12[%add3A_124, %dma_start3A_192] : memref<25600x64xf32, #tpu.memory_space<vmem_shared>> -> memref<50x64xf32, #tpu.memory_space<vmem_shared>>
      tpu.enqueue_dma source(%arg10 : memref<50x64xf32, #tpu.memory_space<vmem>>) target(%dma_start3A_193 : memref<50x64xf32, #tpu.memory_space<vmem_shared>>) target_semaphore(%run_scoped3A : memref<!tpu.dma_semaphore, #tpu.memory_space<semaphore_mem>>)
      %dma_wait3A_194 = arith.constant 0 : i32
      %dma_wait3A_195 = tpu.memref_slice %arg12[%add3A_124, %dma_wait3A_194] : memref<25600x64xf32, #tpu.memory_space<vmem_shared>> -> memref<50x64xf32, #tpu.memory_space<vmem_shared>>
      %dma_wait3A_196 = arith.constant 0 : i32
      %dma_wait3A_197 = tpu.memref_slice %arg12[%add3A_124, %dma_wait3A_196] : memref<25600x64xf32, #tpu.memory_space<vmem_shared>> -> memref<50x64xf32, #tpu.memory_space<vmem_shared>>
      tpu.wait_dma2 semaphore(%run_scoped3A : memref<!tpu.dma_semaphore, #tpu.memory_space<semaphore_mem>>) src(%arg10 : memref<50x64xf32, #tpu.memory_space<vmem>>) dst(%dma_wait3A_197 : memref<50x64xf32, #tpu.memory_space<vmem_shared>>)
      tpu.yield
    }) : () -> ()
    "tpu.region"() ({
      %run_scoped3A = tpu.sem_alloc : memref<!tpu.dma_semaphore, #tpu.memory_space<semaphore_mem>>
      %dma_start3A_190 = tpu.memref_slice %arg13[%mul3A_61] : memref<25600xf32, #tpu.memory_space<vmem_shared>> -> memref<1600xf32, #tpu.memory_space<vmem_shared>>
      %dma_start3A_191 = tpu.memref_slice %arg13[%mul3A_61] : memref<25600xf32, #tpu.memory_space<vmem_shared>> -> memref<1600xf32, #tpu.memory_space<vmem_shared>>
      tpu.enqueue_dma source(%arg11 : memref<1600xf32, #tpu.memory_space<vmem>>) target(%dma_start3A_191 : memref<1600xf32, #tpu.memory_space<vmem_shared>>) target_semaphore(%run_scoped3A : memref<!tpu.dma_semaphore, #tpu.memory_space<semaphore_mem>>)
      %dma_wait3A_192 = tpu.memref_slice %arg13[%mul3A_61] : memref<25600xf32, #tpu.memory_space<vmem_shared>> -> memref<1600xf32, #tpu.memory_space<vmem_shared>>
      %dma_wait3A_193 = tpu.memref_slice %arg13[%mul3A_61] : memref<25600xf32, #tpu.memory_space<vmem_shared>> -> memref<1600xf32, #tpu.memory_space<vmem_shared>>
      tpu.wait_dma2 semaphore(%run_scoped3A : memref<!tpu.dma_semaphore, #tpu.memory_space<semaphore_mem>>) src(%arg11 : memref<1600xf32, #tpu.memory_space<vmem>>) dst(%dma_wait3A_193 : memref<1600xf32, #tpu.memory_space<vmem_shared>>)
      tpu.yield
    }) : () -> ()
    %barrier3A = arith.constant 0 : index
    tpu.barrier barrier_id(%barrier3A)
    %mul3A_125 = arith.constant 392 : i32
    %mul3A_126 = arith.muli %arg1, %mul3A_125 : i32
    %dma_start3A = arith.constant 0 : i32
    %dma_start3A_127 = arith.constant 0 : i32
    %dma_start3A_128 = arith.constant 0 : i32
    %dma_start3A_129 = tpu.memref_slice %arg6[%dma_start3A, %dma_start3A_127, %dma_start3A_128] : memref<2x2x128xi32, #tpu.memory_space<vmem>> -> memref<1x2x128xi32, #tpu.memory_space<vmem>>
    %dma_start3A_130 = tpu.memref_squeeze %dma_start3A_129 : memref<1x2x128xi32, #tpu.memory_space<vmem>> -> memref<2x128xi32, #tpu.memory_space<vmem>>
    %dma_start3A_131 = arith.constant 0 : i32
    %dma_start3A_132 = arith.constant 0 : i32
    %dma_start3A_133 = tpu.memref_slice %arg3[%mul3A_126, %dma_start3A_131, %dma_start3A_132] : memref<6272x2x128xi32, #tpu.memory_space<hbm>> -> memref<1x2x128xi32, #tpu.memory_space<hbm>>
    %dma_start3A_134 = tpu.memref_squeeze %dma_start3A_133 : memref<1x2x128xi32, #tpu.memory_space<hbm>> -> memref<2x128xi32, #tpu.memory_space<hbm>>
    %dma_start3A_135 = arith.constant 0 : i32
    %dma_start3A_136 = arith.constant 0 : i32
    %dma_start3A_137 = tpu.memref_slice %arg6[%dma_start3A, %dma_start3A_135, %dma_start3A_136] : memref<2x2x128xi32, #tpu.memory_space<vmem>> -> memref<1x2x128xi32, #tpu.memory_space<vmem>>
    %dma_start3A_138 = tpu.memref_squeeze %dma_start3A_137 : memref<1x2x128xi32, #tpu.memory_space<vmem>> -> memref<2x128xi32, #tpu.memory_space<vmem>>
    %dma_start3A_139 = arith.constant 0 : i32
    %dma_start3A_140 = arith.constant 0 : i32
    %dma_start3A_141 = tpu.memref_slice %arg3[%mul3A_126, %dma_start3A_139, %dma_start3A_140] : memref<6272x2x128xi32, #tpu.memory_space<hbm>> -> memref<1x2x128xi32, #tpu.memory_space<hbm>>
    %dma_start3A_142 = tpu.memref_squeeze %dma_start3A_141 : memref<1x2x128xi32, #tpu.memory_space<hbm>> -> memref<2x128xi32, #tpu.memory_space<hbm>>
    tpu.enqueue_dma source(%dma_start3A_142 : memref<2x128xi32, #tpu.memory_space<hbm>>) target(%dma_start3A_138 : memref<2x128xi32, #tpu.memory_space<vmem>>) target_semaphore(%arg14 : memref<!tpu.dma_semaphore, #tpu.memory_space<semaphore_mem>>)
    %scan3A_143 = arith.constant 0 : i32
    %scan3A_144 = arith.constant 0 : i32
    %scan3A_145 = arith.constant 196 : i32
    %scan3A_146 = arith.addi %scan3A_144, %scan3A_145 : i32
    %scan3A_147 = arith.constant 1 : i32
    %scan3A_148 = scf.for %scan3A_190 = %scan3A_144 to %scan3A_146 step %scan3A_147 iter_args(%scan3A_191 = %scan3A_143) -> (i32)  : i32 {
      %mul3A_192 = arith.constant 2 : i32
      %mul3A_193 = arith.muli %mul3A_192, %scan3A_190 : i32
      %add3A_194 = arith.constant 0 : i32
      %add3A_195 = arith.addi %mul3A_193, %add3A_194 : i32
      %ge3A = arith.constant 1 : i32
      %ge3A_196 = arith.cmpi sge, %scan3A_190, %ge3A : i32
      %convert_element_type3A = arith.extui %ge3A_196 : i1 to i32
      %cond3A = arith.constant 0 : i32
      %cond3A_197 = arith.cmpi ne, %convert_element_type3A, %cond3A : i32
      scf.if %cond3A_197 {
        %dma_wait3A_958 = arith.constant 0 : i32
        %dma_wait3A_959 = arith.constant 0 : i32
        %dma_wait3A_960 = arith.constant 0 : i32
        %dma_wait3A_961 = arith.constant 0 : i32
        %dma_wait3A_962 = tpu.memref_slice %arg8[%dma_wait3A_958, %dma_wait3A_960, %dma_wait3A_961] : memref<2x128x64xf32, #tpu.memory_space<vmem>> -> memref<1x128x64xf32, #tpu.memory_space<vmem>>
        %dma_wait3A_963 = tpu.memref_squeeze %dma_wait3A_962 : memref<1x128x64xf32, #tpu.memory_space<vmem>> -> memref<128x64xf32, #tpu.memory_space<vmem>>
        %dma_wait3A_964 = arith.constant 0 : i32
        %dma_wait3A_965 = tpu.memref_slice %arg7[%dma_wait3A_959, %dma_wait3A_964] : memref<2x128xi32, #tpu.memory_space<vmem>> -> memref<1x128xi32, #tpu.memory_space<vmem>>
        %dma_wait3A_966 = tpu.memref_squeeze %dma_wait3A_965 : memref<1x128xi32, #tpu.memory_space<vmem>> -> memref<128xi32, #tpu.memory_space<vmem>>
        %dma_wait3A_967 = arith.constant 0 : i32
        %dma_wait3A_968 = arith.constant 0 : i32
        %dma_wait3A_969 = tpu.memref_slice %arg12[%dma_wait3A_967, %dma_wait3A_968] : memref<25600x64xf32, #tpu.memory_space<vmem_shared>> -> memref<25600x64xf32, #tpu.memory_space<vmem_shared>>
        tpu.wait_indirect_dma semaphore(%arg18 : memref<!tpu.dma_semaphore, #tpu.memory_space<semaphore_mem>>) src(%dma_wait3A_963 : memref<128x64xf32, #tpu.memory_space<vmem>>) dst(%dma_wait3A_969 : memref<25600x64xf32, #tpu.memory_space<vmem_shared>>)
        %dma_wait3A_970 = arith.constant 0 : i32
        %dma_wait3A_971 = arith.constant 0 : i32
        %dma_wait3A_972 = tpu.memref_slice %arg7[%dma_wait3A_970, %dma_wait3A_971] : memref<2x128xi32, #tpu.memory_space<vmem>> -> memref<1x128xi32, #tpu.memory_space<vmem>>
        %dma_wait3A_973 = tpu.memref_squeeze %dma_wait3A_972 : memref<1x128xi32, #tpu.memory_space<vmem>> -> memref<128xi32, #tpu.memory_space<vmem>>
        %dma_wait3A_974 = arith.constant 0 : i32
        %dma_wait3A_975 = tpu.memref_slice %arg13[%dma_wait3A_974] : memref<25600xf32, #tpu.memory_space<vmem_shared>> -> memref<25600xf32, #tpu.memory_space<vmem_shared>>
        tpu.wait_indirect_dma semaphore(%arg18 : memref<!tpu.dma_semaphore, #tpu.memory_space<semaphore_mem>>) src(%arg9 : memref<128xf32, #tpu.memory_space<vmem>>) dst(%dma_wait3A_975 : memref<25600xf32, #tpu.memory_space<vmem_shared>>)
      } else {
      }
      %dma_wait3A_198 = arith.constant 0 : i32
      %dma_wait3A_199 = arith.constant 0 : i32
      %dma_wait3A_200 = arith.constant 0 : i32
      %dma_wait3A_201 = tpu.memref_slice %arg6[%dma_wait3A_198, %dma_wait3A_199, %dma_wait3A_200] : memref<2x2x128xi32, #tpu.memory_space<vmem>> -> memref<1x2x128xi32, #tpu.memory_space<vmem>>
      %dma_wait3A_202 = tpu.memref_squeeze %dma_wait3A_201 : memref<1x2x128xi32, #tpu.memory_space<vmem>> -> memref<2x128xi32, #tpu.memory_space<vmem>>
      %dma_wait3A_203 = arith.constant 0 : i32
      %dma_wait3A_204 = arith.constant 0 : i32
      %dma_wait3A_205 = tpu.memref_slice %arg3[%mul3A_126, %dma_wait3A_203, %dma_wait3A_204] : memref<6272x2x128xi32, #tpu.memory_space<hbm>> -> memref<1x2x128xi32, #tpu.memory_space<hbm>>
      %dma_wait3A_206 = tpu.memref_squeeze %dma_wait3A_205 : memref<1x2x128xi32, #tpu.memory_space<hbm>> -> memref<2x128xi32, #tpu.memory_space<hbm>>
      %dma_wait3A_207 = arith.constant 0 : i32
      %dma_wait3A_208 = arith.constant 0 : i32
      %dma_wait3A_209 = tpu.memref_slice %arg6[%dma_wait3A_198, %dma_wait3A_207, %dma_wait3A_208] : memref<2x2x128xi32, #tpu.memory_space<vmem>> -> memref<1x2x128xi32, #tpu.memory_space<vmem>>
      %dma_wait3A_210 = tpu.memref_squeeze %dma_wait3A_209 : memref<1x2x128xi32, #tpu.memory_space<vmem>> -> memref<2x128xi32, #tpu.memory_space<vmem>>
      %dma_wait3A_211 = arith.constant 0 : i32
      %dma_wait3A_212 = arith.constant 0 : i32
      %dma_wait3A_213 = tpu.memref_slice %arg3[%mul3A_126, %dma_wait3A_211, %dma_wait3A_212] : memref<6272x2x128xi32, #tpu.memory_space<hbm>> -> memref<1x2x128xi32, #tpu.memory_space<hbm>>
      %dma_wait3A_214 = tpu.memref_squeeze %dma_wait3A_213 : memref<1x2x128xi32, #tpu.memory_space<hbm>> -> memref<2x128xi32, #tpu.memory_space<hbm>>
      tpu.wait_dma2 semaphore(%arg14 : memref<!tpu.dma_semaphore, #tpu.memory_space<semaphore_mem>>) src(%dma_wait3A_214 : memref<2x128xi32, #tpu.memory_space<hbm>>) dst(%dma_wait3A_210 : memref<2x128xi32, #tpu.memory_space<vmem>>)
      %dma_start3A_215 = arith.constant 0 : i32
      %dma_start3A_216 = arith.constant 0 : i32
      %dma_start3A_217 = arith.constant 0 : i32
      %dma_start3A_218 = arith.constant 0 : i32
      %dma_start3A_219 = arith.constant 0 : i32
      %dma_start3A_220 = tpu.memref_slice %arg8[%dma_start3A_217, %dma_start3A_218, %dma_start3A_219] : memref<2x128x64xf32, #tpu.memory_space<vmem>> -> memref<1x128x64xf32, #tpu.memory_space<vmem>>
      %dma_start3A_221 = tpu.memref_squeeze %dma_start3A_220 : memref<1x128x64xf32, #tpu.memory_space<vmem>> -> memref<128x64xf32, #tpu.memory_space<vmem>>
      %dma_start3A_222 = arith.constant 0 : i32
      %dma_start3A_223 = tpu.memref_slice %arg6[%dma_start3A_215, %dma_start3A_216, %dma_start3A_222] : memref<2x2x128xi32, #tpu.memory_space<vmem>> -> memref<1x1x128xi32, #tpu.memory_space<vmem>>
      %dma_start3A_224 = tpu.memref_squeeze %dma_start3A_223 : memref<1x1x128xi32, #tpu.memory_space<vmem>> -> memref<128xi32, #tpu.memory_space<vmem>>
      %dma_start3A_225 = arith.constant 0 : i32
      %dma_start3A_226 = arith.constant 0 : i32
      %dma_start3A_227 = tpu.memref_slice %arg2[%dma_start3A_225, %dma_start3A_226] : memref<50000x64xf32, #tpu.memory_space<hbm>> -> memref<50000x64xf32, #tpu.memory_space<hbm>>
      tpu.enqueue_indirect_dma source(%dma_start3A_227 : memref<50000x64xf32, #tpu.memory_space<hbm>>) target(%dma_start3A_221 : memref<128x64xf32, #tpu.memory_space<vmem>>) offsets(%dma_start3A_224 : memref<128xi32, #tpu.memory_space<vmem>>) semaphore(%arg16 : memref<!tpu.dma_semaphore, #tpu.memory_space<semaphore_mem>>)
      %add3A_228 = arith.addi %mul3A_126, %add3A_195 : i32
      %add3A_229 = arith.constant 1 : i32
      %add3A_230 = arith.addi %add3A_228, %add3A_229 : i32
      %dma_start3A_231 = arith.constant 1 : i32
      %dma_start3A_232 = arith.constant 0 : i32
      %dma_start3A_233 = arith.constant 0 : i32
      %dma_start3A_234 = tpu.memref_slice %arg6[%dma_start3A_231, %dma_start3A_232, %dma_start3A_233] : memref<2x2x128xi32, #tpu.memory_space<vmem>> -> memref<1x2x128xi32, #tpu.memory_space<vmem>>
      %dma_start3A_235 = tpu.memref_squeeze %dma_start3A_234 : memref<1x2x128xi32, #tpu.memory_space<vmem>> -> memref<2x128xi32, #tpu.memory_space<vmem>>
      %dma_start3A_236 = arith.constant 0 : i32
      %dma_start3A_237 = arith.constant 0 : i32
      %dma_start3A_238 = tpu.memref_slice %arg3[%add3A_230, %dma_start3A_236, %dma_start3A_237] : memref<6272x2x128xi32, #tpu.memory_space<hbm>> -> memref<1x2x128xi32, #tpu.memory_space<hbm>>
      %dma_start3A_239 = tpu.memref_squeeze %dma_start3A_238 : memref<1x2x128xi32, #tpu.memory_space<hbm>> -> memref<2x128xi32, #tpu.memory_space<hbm>>
      %dma_start3A_240 = arith.constant 0 : i32
      %dma_start3A_241 = arith.constant 0 : i32
      %dma_start3A_242 = tpu.memref_slice %arg6[%dma_start3A_231, %dma_start3A_240, %dma_start3A_241] : memref<2x2x128xi32, #tpu.memory_space<vmem>> -> memref<1x2x128xi32, #tpu.memory_space<vmem>>
      %dma_start3A_243 = tpu.memref_squeeze %dma_start3A_242 : memref<1x2x128xi32, #tpu.memory_space<vmem>> -> memref<2x128xi32, #tpu.memory_space<vmem>>
      %dma_start3A_244 = arith.constant 0 : i32
      %dma_start3A_245 = arith.constant 0 : i32
      %dma_start3A_246 = tpu.memref_slice %arg3[%add3A_230, %dma_start3A_244, %dma_start3A_245] : memref<6272x2x128xi32, #tpu.memory_space<hbm>> -> memref<1x2x128xi32, #tpu.memory_space<hbm>>
      %dma_start3A_247 = tpu.memref_squeeze %dma_start3A_246 : memref<1x2x128xi32, #tpu.memory_space<hbm>> -> memref<2x128xi32, #tpu.memory_space<hbm>>
      tpu.enqueue_dma source(%dma_start3A_247 : memref<2x128xi32, #tpu.memory_space<hbm>>) target(%dma_start3A_243 : memref<2x128xi32, #tpu.memory_space<vmem>>) target_semaphore(%arg15 : memref<!tpu.dma_semaphore, #tpu.memory_space<semaphore_mem>>)
      %get3A = arith.constant 0 : i32
      %get3A_248 = arith.constant 1 : i32
      %get3A_249 = arith.index_cast %get3A : i32 to index
      %get3A_250 = arith.index_cast %get3A_248 : i32 to index
      %get3A_251 = arith.constant 0 : index
      %get3A_252 = tpu.vector_load %arg6[%get3A_249, %get3A_250, %get3A_251] {strides = array<i32>} : memref<2x2x128xi32, #tpu.memory_space<vmem>>, vector<1x1x16xi32>,
      %get3A_253 = vector.shape_cast %get3A_252 : vector<1x1x16xi32> to vector<16xi32>
      %sub3A = vector.broadcast %mul3A_0 : i32 to vector<16xi32>
      %sub3A_254 = arith.subi %get3A_253, %sub3A : vector<16xi32>
      %ge3A_255 = arith.constant 0 : i32
      %ge3A_256 = vector.broadcast %ge3A_255 : i32 to vector<16xi32>
      %ge3A_257 = arith.cmpi sge, %sub3A_254, %ge3A_256 : vector<16xi32>
      %lt3A = arith.constant 25088 : i32
      %lt3A_258 = vector.broadcast %lt3A : i32 to vector<16xi32>
      %lt3A_259 = arith.cmpi slt, %sub3A_254, %lt3A_258 : vector<16xi32>
      %and3A = arith.andi %ge3A_257, %lt3A_259 : vector<16xi1>
      %mul3A_260 = arith.constant 37 : i32
      %mul3A_261 = arith.muli %add3A_195, %mul3A_260 : i32
      %mul3A_262 = arith.constant 131 : i32
      %mul3A_263 = arith.muli %arg1, %mul3A_262 : i32
      %add3A_264 = arith.addi %mul3A_261, %mul3A_263 : i32
      %add3A_265 = arith.constant 0 : i32
      %add3A_266 = arith.addi %add3A_264, %add3A_265 : i32
      %add3A_267 = vector.broadcast %add3A_266 : i32 to vector<16xi32>
      %add3A_268 = arith.addi %add3A_267, %iota3A : vector<16xi32>
      %and3A_269 = arith.constant 511 : i32
      %and3A_270 = vector.broadcast %and3A_269 : i32 to vector<16xi32>
      %and3A_271 = arith.andi %add3A_268, %and3A_270 : vector<16xi32>
      %add3A_272 = arith.constant 25088 : i32
      %add3A_273 = vector.broadcast %add3A_272 : i32 to vector<16xi32>
      %add3A_274 = arith.addi %add3A_273, %and3A_271 : vector<16xi32>
      %select_n3A = arith.select %and3A, %sub3A_254, %add3A_274 : vector<16xi1>, vector<16xi32>
      %swap3A_275 = arith.constant 0 : i32
      %swap3A_276 = arith.index_cast %swap3A_275 : i32 to index
      %swap3A_277 = arith.constant 0 : index
      %swap3A_278 = tpu.vector_load %arg7[%swap3A_276, %swap3A_277] {strides = array<i32>} : memref<2x128xi32, #tpu.memory_space<vmem>>, vector<1x16xi32>,
      %swap3A_279 = vector.shape_cast %swap3A_278 : vector<1x16xi32> to vector<16xi32>
      %swap3A_280 = vector.shape_cast %select_n3A : vector<16xi32> to vector<1x16xi32>
      tpu.vector_store %arg7[%swap3A_276, %swap3A_277], %swap3A_280 {strides = array<i32>} : memref<2x128xi32, #tpu.memory_space<vmem>>, vector<1x16xi32>,
      %get3A_281 = arith.constant 0 : i32
      %get3A_282 = arith.constant 1 : i32
      %get3A_283 = arith.index_cast %get3A_281 : i32 to index
      %get3A_284 = arith.index_cast %get3A_282 : i32 to index
      %get3A_285 = arith.constant 16 : index
      %get3A_286 = tpu.vector_load %arg6[%get3A_283, %get3A_284, %get3A_285] {strides = array<i32>} : memref<2x2x128xi32, #tpu.memory_space<vmem>>, vector<1x1x16xi32>,
      %get3A_287 = vector.shape_cast %get3A_286 : vector<1x1x16xi32> to vector<16xi32>
      %sub3A_288 = vector.broadcast %mul3A_0 : i32 to vector<16xi32>
      %sub3A_289 = arith.subi %get3A_287, %sub3A_288 : vector<16xi32>
      %ge3A_290 = arith.constant 0 : i32
      %ge3A_291 = vector.broadcast %ge3A_290 : i32 to vector<16xi32>
      %ge3A_292 = arith.cmpi sge, %sub3A_289, %ge3A_291 : vector<16xi32>
      %lt3A_293 = arith.constant 25088 : i32
      %lt3A_294 = vector.broadcast %lt3A_293 : i32 to vector<16xi32>
      %lt3A_295 = arith.cmpi slt, %sub3A_289, %lt3A_294 : vector<16xi32>
      %and3A_296 = arith.andi %ge3A_292, %lt3A_295 : vector<16xi1>
      %mul3A_297 = arith.constant 37 : i32
      %mul3A_298 = arith.muli %add3A_195, %mul3A_297 : i32
      %mul3A_299 = arith.constant 131 : i32
      %mul3A_300 = arith.muli %arg1, %mul3A_299 : i32
      %add3A_301 = arith.addi %mul3A_298, %mul3A_300 : i32
      %add3A_302 = arith.constant 16 : i32
      %add3A_303 = arith.addi %add3A_301, %add3A_302 : i32
      %add3A_304 = vector.broadcast %add3A_303 : i32 to vector<16xi32>
      %add3A_305 = arith.addi %add3A_304, %iota3A : vector<16xi32>
      %and3A_306 = arith.constant 511 : i32
      %and3A_307 = vector.broadcast %and3A_306 : i32 to vector<16xi32>
      %and3A_308 = arith.andi %add3A_305, %and3A_307 : vector<16xi32>
      %add3A_309 = arith.constant 25088 : i32
      %add3A_310 = vector.broadcast %add3A_309 : i32 to vector<16xi32>
      %add3A_311 = arith.addi %add3A_310, %and3A_308 : vector<16xi32>
      %select_n3A_312 = arith.select %and3A_296, %sub3A_289, %add3A_311 : vector<16xi1>, vector<16xi32>
      %swap3A_313 = arith.constant 0 : i32
      %swap3A_314 = arith.index_cast %swap3A_313 : i32 to index
      %swap3A_315 = arith.constant 16 : index
      %swap3A_316 = tpu.vector_load %arg7[%swap3A_314, %swap3A_315] {strides = array<i32>} : memref<2x128xi32, #tpu.memory_space<vmem>>, vector<1x16xi32>,
      %swap3A_317 = vector.shape_cast %swap3A_316 : vector<1x16xi32> to vector<16xi32>
      %swap3A_318 = vector.shape_cast %select_n3A_312 : vector<16xi32> to vector<1x16xi32>
      tpu.vector_store %arg7[%swap3A_314, %swap3A_315], %swap3A_318 {strides = array<i32>} : memref<2x128xi32, #tpu.memory_space<vmem>>, vector<1x16xi32>,
      %get3A_319 = arith.constant 0 : i32
      %get3A_320 = arith.constant 1 : i32
      %get3A_321 = arith.index_cast %get3A_319 : i32 to index
      %get3A_322 = arith.index_cast %get3A_320 : i32 to index
      %get3A_323 = arith.constant 32 : index
      %get3A_324 = tpu.vector_load %arg6[%get3A_321, %get3A_322, %get3A_323] {strides = array<i32>} : memref<2x2x128xi32, #tpu.memory_space<vmem>>, vector<1x1x16xi32>,
      %get3A_325 = vector.shape_cast %get3A_324 : vector<1x1x16xi32> to vector<16xi32>
      %sub3A_326 = vector.broadcast %mul3A_0 : i32 to vector<16xi32>
      %sub3A_327 = arith.subi %get3A_325, %sub3A_326 : vector<16xi32>
      %ge3A_328 = arith.constant 0 : i32
      %ge3A_329 = vector.broadcast %ge3A_328 : i32 to vector<16xi32>
      %ge3A_330 = arith.cmpi sge, %sub3A_327, %ge3A_329 : vector<16xi32>
      %lt3A_331 = arith.constant 25088 : i32
      %lt3A_332 = vector.broadcast %lt3A_331 : i32 to vector<16xi32>
      %lt3A_333 = arith.cmpi slt, %sub3A_327, %lt3A_332 : vector<16xi32>
      %and3A_334 = arith.andi %ge3A_330, %lt3A_333 : vector<16xi1>
      %mul3A_335 = arith.constant 37 : i32
      %mul3A_336 = arith.muli %add3A_195, %mul3A_335 : i32
      %mul3A_337 = arith.constant 131 : i32
      %mul3A_338 = arith.muli %arg1, %mul3A_337 : i32
      %add3A_339 = arith.addi %mul3A_336, %mul3A_338 : i32
      %add3A_340 = arith.constant 32 : i32
      %add3A_341 = arith.addi %add3A_339, %add3A_340 : i32
      %add3A_342 = vector.broadcast %add3A_341 : i32 to vector<16xi32>
      %add3A_343 = arith.addi %add3A_342, %iota3A : vector<16xi32>
      %and3A_344 = arith.constant 511 : i32
      %and3A_345 = vector.broadcast %and3A_344 : i32 to vector<16xi32>
      %and3A_346 = arith.andi %add3A_343, %and3A_345 : vector<16xi32>
      %add3A_347 = arith.constant 25088 : i32
      %add3A_348 = vector.broadcast %add3A_347 : i32 to vector<16xi32>
      %add3A_349 = arith.addi %add3A_348, %and3A_346 : vector<16xi32>
      %select_n3A_350 = arith.select %and3A_334, %sub3A_327, %add3A_349 : vector<16xi1>, vector<16xi32>
      %swap3A_351 = arith.constant 0 : i32
      %swap3A_352 = arith.index_cast %swap3A_351 : i32 to index
      %swap3A_353 = arith.constant 32 : index
      %swap3A_354 = tpu.vector_load %arg7[%swap3A_352, %swap3A_353] {strides = array<i32>} : memref<2x128xi32, #tpu.memory_space<vmem>>, vector<1x16xi32>,
      %swap3A_355 = vector.shape_cast %swap3A_354 : vector<1x16xi32> to vector<16xi32>
      %swap3A_356 = vector.shape_cast %select_n3A_350 : vector<16xi32> to vector<1x16xi32>
      tpu.vector_store %arg7[%swap3A_352, %swap3A_353], %swap3A_356 {strides = array<i32>} : memref<2x128xi32, #tpu.memory_space<vmem>>, vector<1x16xi32>,
      %get3A_357 = arith.constant 0 : i32
      %get3A_358 = arith.constant 1 : i32
      %get3A_359 = arith.index_cast %get3A_357 : i32 to index
      %get3A_360 = arith.index_cast %get3A_358 : i32 to index
      %get3A_361 = arith.constant 48 : index
      %get3A_362 = tpu.vector_load %arg6[%get3A_359, %get3A_360, %get3A_361] {strides = array<i32>} : memref<2x2x128xi32, #tpu.memory_space<vmem>>, vector<1x1x16xi32>,
      %get3A_363 = vector.shape_cast %get3A_362 : vector<1x1x16xi32> to vector<16xi32>
      %sub3A_364 = vector.broadcast %mul3A_0 : i32 to vector<16xi32>
      %sub3A_365 = arith.subi %get3A_363, %sub3A_364 : vector<16xi32>
      %ge3A_366 = arith.constant 0 : i32
      %ge3A_367 = vector.broadcast %ge3A_366 : i32 to vector<16xi32>
      %ge3A_368 = arith.cmpi sge, %sub3A_365, %ge3A_367 : vector<16xi32>
      %lt3A_369 = arith.constant 25088 : i32
      %lt3A_370 = vector.broadcast %lt3A_369 : i32 to vector<16xi32>
      %lt3A_371 = arith.cmpi slt, %sub3A_365, %lt3A_370 : vector<16xi32>
      %and3A_372 = arith.andi %ge3A_368, %lt3A_371 : vector<16xi1>
      %mul3A_373 = arith.constant 37 : i32
      %mul3A_374 = arith.muli %add3A_195, %mul3A_373 : i32
      %mul3A_375 = arith.constant 131 : i32
      %mul3A_376 = arith.muli %arg1, %mul3A_375 : i32
      %add3A_377 = arith.addi %mul3A_374, %mul3A_376 : i32
      %add3A_378 = arith.constant 48 : i32
      %add3A_379 = arith.addi %add3A_377, %add3A_378 : i32
      %add3A_380 = vector.broadcast %add3A_379 : i32 to vector<16xi32>
      %add3A_381 = arith.addi %add3A_380, %iota3A : vector<16xi32>
      %and3A_382 = arith.constant 511 : i32
      %and3A_383 = vector.broadcast %and3A_382 : i32 to vector<16xi32>
      %and3A_384 = arith.andi %add3A_381, %and3A_383 : vector<16xi32>
      %add3A_385 = arith.constant 25088 : i32
      %add3A_386 = vector.broadcast %add3A_385 : i32 to vector<16xi32>
      %add3A_387 = arith.addi %add3A_386, %and3A_384 : vector<16xi32>
      %select_n3A_388 = arith.select %and3A_372, %sub3A_365, %add3A_387 : vector<16xi1>, vector<16xi32>
      %swap3A_389 = arith.constant 0 : i32
      %swap3A_390 = arith.index_cast %swap3A_389 : i32 to index
      %swap3A_391 = arith.constant 48 : index
      %swap3A_392 = tpu.vector_load %arg7[%swap3A_390, %swap3A_391] {strides = array<i32>} : memref<2x128xi32, #tpu.memory_space<vmem>>, vector<1x16xi32>,
      %swap3A_393 = vector.shape_cast %swap3A_392 : vector<1x16xi32> to vector<16xi32>
      %swap3A_394 = vector.shape_cast %select_n3A_388 : vector<16xi32> to vector<1x16xi32>
      tpu.vector_store %arg7[%swap3A_390, %swap3A_391], %swap3A_394 {strides = array<i32>} : memref<2x128xi32, #tpu.memory_space<vmem>>, vector<1x16xi32>,
      %get3A_395 = arith.constant 0 : i32
      %get3A_396 = arith.constant 1 : i32
      %get3A_397 = arith.index_cast %get3A_395 : i32 to index
      %get3A_398 = arith.index_cast %get3A_396 : i32 to index
      %get3A_399 = arith.constant 64 : index
      %get3A_400 = tpu.vector_load %arg6[%get3A_397, %get3A_398, %get3A_399] {strides = array<i32>} : memref<2x2x128xi32, #tpu.memory_space<vmem>>, vector<1x1x16xi32>,
      %get3A_401 = vector.shape_cast %get3A_400 : vector<1x1x16xi32> to vector<16xi32>
      %sub3A_402 = vector.broadcast %mul3A_0 : i32 to vector<16xi32>
      %sub3A_403 = arith.subi %get3A_401, %sub3A_402 : vector<16xi32>
      %ge3A_404 = arith.constant 0 : i32
      %ge3A_405 = vector.broadcast %ge3A_404 : i32 to vector<16xi32>
      %ge3A_406 = arith.cmpi sge, %sub3A_403, %ge3A_405 : vector<16xi32>
      %lt3A_407 = arith.constant 25088 : i32
      %lt3A_408 = vector.broadcast %lt3A_407 : i32 to vector<16xi32>
      %lt3A_409 = arith.cmpi slt, %sub3A_403, %lt3A_408 : vector<16xi32>
      %and3A_410 = arith.andi %ge3A_406, %lt3A_409 : vector<16xi1>
      %mul3A_411 = arith.constant 37 : i32
      %mul3A_412 = arith.muli %add3A_195, %mul3A_411 : i32
      %mul3A_413 = arith.constant 131 : i32
      %mul3A_414 = arith.muli %arg1, %mul3A_413 : i32
      %add3A_415 = arith.addi %mul3A_412, %mul3A_414 : i32
      %add3A_416 = arith.constant 64 : i32
      %add3A_417 = arith.addi %add3A_415, %add3A_416 : i32
      %add3A_418 = vector.broadcast %add3A_417 : i32 to vector<16xi32>
      %add3A_419 = arith.addi %add3A_418, %iota3A : vector<16xi32>
      %and3A_420 = arith.constant 511 : i32
      %and3A_421 = vector.broadcast %and3A_420 : i32 to vector<16xi32>
      %and3A_422 = arith.andi %add3A_419, %and3A_421 : vector<16xi32>
      %add3A_423 = arith.constant 25088 : i32
      %add3A_424 = vector.broadcast %add3A_423 : i32 to vector<16xi32>
      %add3A_425 = arith.addi %add3A_424, %and3A_422 : vector<16xi32>
      %select_n3A_426 = arith.select %and3A_410, %sub3A_403, %add3A_425 : vector<16xi1>, vector<16xi32>
      %swap3A_427 = arith.constant 0 : i32
      %swap3A_428 = arith.index_cast %swap3A_427 : i32 to index
      %swap3A_429 = arith.constant 64 : index
      %swap3A_430 = tpu.vector_load %arg7[%swap3A_428, %swap3A_429] {strides = array<i32>} : memref<2x128xi32, #tpu.memory_space<vmem>>, vector<1x16xi32>,
      %swap3A_431 = vector.shape_cast %swap3A_430 : vector<1x16xi32> to vector<16xi32>
      %swap3A_432 = vector.shape_cast %select_n3A_426 : vector<16xi32> to vector<1x16xi32>
      tpu.vector_store %arg7[%swap3A_428, %swap3A_429], %swap3A_432 {strides = array<i32>} : memref<2x128xi32, #tpu.memory_space<vmem>>, vector<1x16xi32>,
      %get3A_433 = arith.constant 0 : i32
      %get3A_434 = arith.constant 1 : i32
      %get3A_435 = arith.index_cast %get3A_433 : i32 to index
      %get3A_436 = arith.index_cast %get3A_434 : i32 to index
      %get3A_437 = arith.constant 80 : index
      %get3A_438 = tpu.vector_load %arg6[%get3A_435, %get3A_436, %get3A_437] {strides = array<i32>} : memref<2x2x128xi32, #tpu.memory_space<vmem>>, vector<1x1x16xi32>,
      %get3A_439 = vector.shape_cast %get3A_438 : vector<1x1x16xi32> to vector<16xi32>
      %sub3A_440 = vector.broadcast %mul3A_0 : i32 to vector<16xi32>
      %sub3A_441 = arith.subi %get3A_439, %sub3A_440 : vector<16xi32>
      %ge3A_442 = arith.constant 0 : i32
      %ge3A_443 = vector.broadcast %ge3A_442 : i32 to vector<16xi32>
      %ge3A_444 = arith.cmpi sge, %sub3A_441, %ge3A_443 : vector<16xi32>
      %lt3A_445 = arith.constant 25088 : i32
      %lt3A_446 = vector.broadcast %lt3A_445 : i32 to vector<16xi32>
      %lt3A_447 = arith.cmpi slt, %sub3A_441, %lt3A_446 : vector<16xi32>
      %and3A_448 = arith.andi %ge3A_444, %lt3A_447 : vector<16xi1>
      %mul3A_449 = arith.constant 37 : i32
      %mul3A_450 = arith.muli %add3A_195, %mul3A_449 : i32
      %mul3A_451 = arith.constant 131 : i32
      %mul3A_452 = arith.muli %arg1, %mul3A_451 : i32
      %add3A_453 = arith.addi %mul3A_450, %mul3A_452 : i32
      %add3A_454 = arith.constant 80 : i32
      %add3A_455 = arith.addi %add3A_453, %add3A_454 : i32
      %add3A_456 = vector.broadcast %add3A_455 : i32 to vector<16xi32>
      %add3A_457 = arith.addi %add3A_456, %iota3A : vector<16xi32>
      %and3A_458 = arith.constant 511 : i32
      %and3A_459 = vector.broadcast %and3A_458 : i32 to vector<16xi32>
      %and3A_460 = arith.andi %add3A_457, %and3A_459 : vector<16xi32>
      %add3A_461 = arith.constant 25088 : i32
      %add3A_462 = vector.broadcast %add3A_461 : i32 to vector<16xi32>
      %add3A_463 = arith.addi %add3A_462, %and3A_460 : vector<16xi32>
      %select_n3A_464 = arith.select %and3A_448, %sub3A_441, %add3A_463 : vector<16xi1>, vector<16xi32>
      %swap3A_465 = arith.constant 0 : i32
      %swap3A_466 = arith.index_cast %swap3A_465 : i32 to index
      %swap3A_467 = arith.constant 80 : index
      %swap3A_468 = tpu.vector_load %arg7[%swap3A_466, %swap3A_467] {strides = array<i32>} : memref<2x128xi32, #tpu.memory_space<vmem>>, vector<1x16xi32>,
      %swap3A_469 = vector.shape_cast %swap3A_468 : vector<1x16xi32> to vector<16xi32>
      %swap3A_470 = vector.shape_cast %select_n3A_464 : vector<16xi32> to vector<1x16xi32>
      tpu.vector_store %arg7[%swap3A_466, %swap3A_467], %swap3A_470 {strides = array<i32>} : memref<2x128xi32, #tpu.memory_space<vmem>>, vector<1x16xi32>,
      %get3A_471 = arith.constant 0 : i32
      %get3A_472 = arith.constant 1 : i32
      %get3A_473 = arith.index_cast %get3A_471 : i32 to index
      %get3A_474 = arith.index_cast %get3A_472 : i32 to index
      %get3A_475 = arith.constant 96 : index
      %get3A_476 = tpu.vector_load %arg6[%get3A_473, %get3A_474, %get3A_475] {strides = array<i32>} : memref<2x2x128xi32, #tpu.memory_space<vmem>>, vector<1x1x16xi32>,
      %get3A_477 = vector.shape_cast %get3A_476 : vector<1x1x16xi32> to vector<16xi32>
      %sub3A_478 = vector.broadcast %mul3A_0 : i32 to vector<16xi32>
      %sub3A_479 = arith.subi %get3A_477, %sub3A_478 : vector<16xi32>
      %ge3A_480 = arith.constant 0 : i32
      %ge3A_481 = vector.broadcast %ge3A_480 : i32 to vector<16xi32>
      %ge3A_482 = arith.cmpi sge, %sub3A_479, %ge3A_481 : vector<16xi32>
      %lt3A_483 = arith.constant 25088 : i32
      %lt3A_484 = vector.broadcast %lt3A_483 : i32 to vector<16xi32>
      %lt3A_485 = arith.cmpi slt, %sub3A_479, %lt3A_484 : vector<16xi32>
      %and3A_486 = arith.andi %ge3A_482, %lt3A_485 : vector<16xi1>
      %mul3A_487 = arith.constant 37 : i32
      %mul3A_488 = arith.muli %add3A_195, %mul3A_487 : i32
      %mul3A_489 = arith.constant 131 : i32
      %mul3A_490 = arith.muli %arg1, %mul3A_489 : i32
      %add3A_491 = arith.addi %mul3A_488, %mul3A_490 : i32
      %add3A_492 = arith.constant 96 : i32
      %add3A_493 = arith.addi %add3A_491, %add3A_492 : i32
      %add3A_494 = vector.broadcast %add3A_493 : i32 to vector<16xi32>
      %add3A_495 = arith.addi %add3A_494, %iota3A : vector<16xi32>
      %and3A_496 = arith.constant 511 : i32
      %and3A_497 = vector.broadcast %and3A_496 : i32 to vector<16xi32>
      %and3A_498 = arith.andi %add3A_495, %and3A_497 : vector<16xi32>
      %add3A_499 = arith.constant 25088 : i32
      %add3A_500 = vector.broadcast %add3A_499 : i32 to vector<16xi32>
      %add3A_501 = arith.addi %add3A_500, %and3A_498 : vector<16xi32>
      %select_n3A_502 = arith.select %and3A_486, %sub3A_479, %add3A_501 : vector<16xi1>, vector<16xi32>
      %swap3A_503 = arith.constant 0 : i32
      %swap3A_504 = arith.index_cast %swap3A_503 : i32 to index
      %swap3A_505 = arith.constant 96 : index
      %swap3A_506 = tpu.vector_load %arg7[%swap3A_504, %swap3A_505] {strides = array<i32>} : memref<2x128xi32, #tpu.memory_space<vmem>>, vector<1x16xi32>,
      %swap3A_507 = vector.shape_cast %swap3A_506 : vector<1x16xi32> to vector<16xi32>
      %swap3A_508 = vector.shape_cast %select_n3A_502 : vector<16xi32> to vector<1x16xi32>
      tpu.vector_store %arg7[%swap3A_504, %swap3A_505], %swap3A_508 {strides = array<i32>} : memref<2x128xi32, #tpu.memory_space<vmem>>, vector<1x16xi32>,
      %get3A_509 = arith.constant 0 : i32
      %get3A_510 = arith.constant 1 : i32
      %get3A_511 = arith.index_cast %get3A_509 : i32 to index
      %get3A_512 = arith.index_cast %get3A_510 : i32 to index
      %get3A_513 = arith.constant 112 : index
      %get3A_514 = tpu.vector_load %arg6[%get3A_511, %get3A_512, %get3A_513] {strides = array<i32>} : memref<2x2x128xi32, #tpu.memory_space<vmem>>, vector<1x1x16xi32>,
      %get3A_515 = vector.shape_cast %get3A_514 : vector<1x1x16xi32> to vector<16xi32>
      %sub3A_516 = vector.broadcast %mul3A_0 : i32 to vector<16xi32>
      %sub3A_517 = arith.subi %get3A_515, %sub3A_516 : vector<16xi32>
      %ge3A_518 = arith.constant 0 : i32
      %ge3A_519 = vector.broadcast %ge3A_518 : i32 to vector<16xi32>
      %ge3A_520 = arith.cmpi sge, %sub3A_517, %ge3A_519 : vector<16xi32>
      %lt3A_521 = arith.constant 25088 : i32
      %lt3A_522 = vector.broadcast %lt3A_521 : i32 to vector<16xi32>
      %lt3A_523 = arith.cmpi slt, %sub3A_517, %lt3A_522 : vector<16xi32>
      %and3A_524 = arith.andi %ge3A_520, %lt3A_523 : vector<16xi1>
      %mul3A_525 = arith.constant 37 : i32
      %mul3A_526 = arith.muli %add3A_195, %mul3A_525 : i32
      %mul3A_527 = arith.constant 131 : i32
      %mul3A_528 = arith.muli %arg1, %mul3A_527 : i32
      %add3A_529 = arith.addi %mul3A_526, %mul3A_528 : i32
      %add3A_530 = arith.constant 112 : i32
      %add3A_531 = arith.addi %add3A_529, %add3A_530 : i32
      %add3A_532 = vector.broadcast %add3A_531 : i32 to vector<16xi32>
      %add3A_533 = arith.addi %add3A_532, %iota3A : vector<16xi32>
      %and3A_534 = arith.constant 511 : i32
      %and3A_535 = vector.broadcast %and3A_534 : i32 to vector<16xi32>
      %and3A_536 = arith.andi %add3A_533, %and3A_535 : vector<16xi32>
      %add3A_537 = arith.constant 25088 : i32
      %add3A_538 = vector.broadcast %add3A_537 : i32 to vector<16xi32>
      %add3A_539 = arith.addi %add3A_538, %and3A_536 : vector<16xi32>
      %select_n3A_540 = arith.select %and3A_524, %sub3A_517, %add3A_539 : vector<16xi1>, vector<16xi32>
      %swap3A_541 = arith.constant 0 : i32
      %swap3A_542 = arith.index_cast %swap3A_541 : i32 to index
      %swap3A_543 = arith.constant 112 : index
      %swap3A_544 = tpu.vector_load %arg7[%swap3A_542, %swap3A_543] {strides = array<i32>} : memref<2x128xi32, #tpu.memory_space<vmem>>, vector<1x16xi32>,
      %swap3A_545 = vector.shape_cast %swap3A_544 : vector<1x16xi32> to vector<16xi32>
      %swap3A_546 = vector.shape_cast %select_n3A_540 : vector<16xi32> to vector<1x16xi32>
      tpu.vector_store %arg7[%swap3A_542, %swap3A_543], %swap3A_546 {strides = array<i32>} : memref<2x128xi32, #tpu.memory_space<vmem>>, vector<1x16xi32>,
      %dma_wait3A_547 = arith.constant 0 : i32
      %dma_wait3A_548 = arith.constant 0 : i32
      %dma_wait3A_549 = arith.constant 0 : i32
      %dma_wait3A_550 = arith.constant 0 : i32
      %dma_wait3A_551 = arith.constant 0 : i32
      %dma_wait3A_552 = tpu.memref_slice %arg8[%dma_wait3A_549, %dma_wait3A_550, %dma_wait3A_551] : memref<2x128x64xf32, #tpu.memory_space<vmem>> -> memref<1x128x64xf32, #tpu.memory_space<vmem>>
      %dma_wait3A_553 = tpu.memref_squeeze %dma_wait3A_552 : memref<1x128x64xf32, #tpu.memory_space<vmem>> -> memref<128x64xf32, #tpu.memory_space<vmem>>
      %dma_wait3A_554 = arith.constant 0 : i32
      %dma_wait3A_555 = tpu.memref_slice %arg6[%dma_wait3A_547, %dma_wait3A_548, %dma_wait3A_554] : memref<2x2x128xi32, #tpu.memory_space<vmem>> -> memref<1x1x128xi32, #tpu.memory_space<vmem>>
      %dma_wait3A_556 = tpu.memref_squeeze %dma_wait3A_555 : memref<1x1x128xi32, #tpu.memory_space<vmem>> -> memref<128xi32, #tpu.memory_space<vmem>>
      %dma_wait3A_557 = arith.constant 0 : i32
      %dma_wait3A_558 = arith.constant 0 : i32
      %dma_wait3A_559 = tpu.memref_slice %arg2[%dma_wait3A_557, %dma_wait3A_558] : memref<50000x64xf32, #tpu.memory_space<hbm>> -> memref<50000x64xf32, #tpu.memory_space<hbm>>
      tpu.wait_indirect_dma semaphore(%arg16 : memref<!tpu.dma_semaphore, #tpu.memory_space<semaphore_mem>>) src(%dma_wait3A_559 : memref<50000x64xf32, #tpu.memory_space<hbm>>) dst(%dma_wait3A_553 : memref<128x64xf32, #tpu.memory_space<vmem>>)
      %dma_start3A_560 = arith.constant 0 : i32
      %dma_start3A_561 = arith.constant 0 : i32
      %dma_start3A_562 = arith.constant 0 : i32
      %dma_start3A_563 = arith.constant 0 : i32
      %dma_start3A_564 = tpu.memref_slice %arg8[%dma_start3A_560, %dma_start3A_562, %dma_start3A_563] : memref<2x128x64xf32, #tpu.memory_space<vmem>> -> memref<1x128x64xf32, #tpu.memory_space<vmem>>
      %dma_start3A_565 = tpu.memref_squeeze %dma_start3A_564 : memref<1x128x64xf32, #tpu.memory_space<vmem>> -> memref<128x64xf32, #tpu.memory_space<vmem>>
      %dma_start3A_566 = arith.constant 0 : i32
      %dma_start3A_567 = tpu.memref_slice %arg7[%dma_start3A_561, %dma_start3A_566] : memref<2x128xi32, #tpu.memory_space<vmem>> -> memref<1x128xi32, #tpu.memory_space<vmem>>
      %dma_start3A_568 = tpu.memref_squeeze %dma_start3A_567 : memref<1x128xi32, #tpu.memory_space<vmem>> -> memref<128xi32, #tpu.memory_space<vmem>>
      %dma_start3A_569 = arith.constant 0 : i32
      %dma_start3A_570 = arith.constant 0 : i32
      %dma_start3A_571 = tpu.memref_slice %arg12[%dma_start3A_569, %dma_start3A_570] : memref<25600x64xf32, #tpu.memory_space<vmem_shared>> -> memref<25600x64xf32, #tpu.memory_space<vmem_shared>>
      tpu.enqueue_indirect_dma source(%dma_start3A_565 : memref<128x64xf32, #tpu.memory_space<vmem>>) target(%dma_start3A_571 : memref<25600x64xf32, #tpu.memory_space<vmem_shared>>) offsets(%dma_start3A_568 : memref<128xi32, #tpu.memory_space<vmem>>) semaphore(%arg18 : memref<!tpu.dma_semaphore, #tpu.memory_space<semaphore_mem>>) {add = true}
      %dma_start3A_572 = arith.constant 0 : i32
      %dma_start3A_573 = arith.constant 0 : i32
      %dma_start3A_574 = tpu.memref_slice %arg7[%dma_start3A_572, %dma_start3A_573] : memref<2x128xi32, #tpu.memory_space<vmem>> -> memref<1x128xi32, #tpu.memory_space<vmem>>
      %dma_start3A_575 = tpu.memref_squeeze %dma_start3A_574 : memref<1x128xi32, #tpu.memory_space<vmem>> -> memref<128xi32, #tpu.memory_space<vmem>>
      %dma_start3A_576 = arith.constant 0 : i32
      %dma_start3A_577 = tpu.memref_slice %arg13[%dma_start3A_576] : memref<25600xf32, #tpu.memory_space<vmem_shared>> -> memref<25600xf32, #tpu.memory_space<vmem_shared>>
      tpu.enqueue_indirect_dma source(%arg9 : memref<128xf32, #tpu.memory_space<vmem>>) target(%dma_start3A_577 : memref<25600xf32, #tpu.memory_space<vmem_shared>>) offsets(%dma_start3A_575 : memref<128xi32, #tpu.memory_space<vmem>>) semaphore(%arg18 : memref<!tpu.dma_semaphore, #tpu.memory_space<semaphore_mem>>) {add = true}
      %mul3A_578 = arith.constant 2 : i32
      %mul3A_579 = arith.muli %mul3A_578, %scan3A_190 : i32
      %add3A_580 = arith.constant 1 : i32
      %add3A_581 = arith.addi %mul3A_579, %add3A_580 : i32
      %ge3A_582 = arith.constant 1 : i32
      %ge3A_583 = arith.cmpi sge, %scan3A_190, %ge3A_582 : i32
      %convert_element_type3A_584 = arith.extui %ge3A_583 : i1 to i32
      %cond3A_585 = arith.constant 0 : i32
      %cond3A_586 = arith.cmpi ne, %convert_element_type3A_584, %cond3A_585 : i32
      scf.if %cond3A_586 {
        %dma_wait3A_958 = arith.constant 1 : i32
        %dma_wait3A_959 = arith.constant 1 : i32
        %dma_wait3A_960 = arith.constant 0 : i32
        %dma_wait3A_961 = arith.constant 0 : i32
        %dma_wait3A_962 = tpu.memref_slice %arg8[%dma_wait3A_958, %dma_wait3A_960, %dma_wait3A_961] : memref<2x128x64xf32, #tpu.memory_space<vmem>> -> memref<1x128x64xf32, #tpu.memory_space<vmem>>
        %dma_wait3A_963 = tpu.memref_squeeze %dma_wait3A_962 : memref<1x128x64xf32, #tpu.memory_space<vmem>> -> memref<128x64xf32, #tpu.memory_space<vmem>>
        %dma_wait3A_964 = arith.constant 0 : i32
        %dma_wait3A_965 = tpu.memref_slice %arg7[%dma_wait3A_959, %dma_wait3A_964] : memref<2x128xi32, #tpu.memory_space<vmem>> -> memref<1x128xi32, #tpu.memory_space<vmem>>
        %dma_wait3A_966 = tpu.memref_squeeze %dma_wait3A_965 : memref<1x128xi32, #tpu.memory_space<vmem>> -> memref<128xi32, #tpu.memory_space<vmem>>
        %dma_wait3A_967 = arith.constant 0 : i32
        %dma_wait3A_968 = arith.constant 0 : i32
        %dma_wait3A_969 = tpu.memref_slice %arg12[%dma_wait3A_967, %dma_wait3A_968] : memref<25600x64xf32, #tpu.memory_space<vmem_shared>> -> memref<25600x64xf32, #tpu.memory_space<vmem_shared>>
        tpu.wait_indirect_dma semaphore(%arg19 : memref<!tpu.dma_semaphore, #tpu.memory_space<semaphore_mem>>) src(%dma_wait3A_963 : memref<128x64xf32, #tpu.memory_space<vmem>>) dst(%dma_wait3A_969 : memref<25600x64xf32, #tpu.memory_space<vmem_shared>>)
        %dma_wait3A_970 = arith.constant 1 : i32
        %dma_wait3A_971 = arith.constant 0 : i32
        %dma_wait3A_972 = tpu.memref_slice %arg7[%dma_wait3A_970, %dma_wait3A_971] : memref<2x128xi32, #tpu.memory_space<vmem>> -> memref<1x128xi32, #tpu.memory_space<vmem>>
        %dma_wait3A_973 = tpu.memref_squeeze %dma_wait3A_972 : memref<1x128xi32, #tpu.memory_space<vmem>> -> memref<128xi32, #tpu.memory_space<vmem>>
        %dma_wait3A_974 = arith.constant 0 : i32
        %dma_wait3A_975 = tpu.memref_slice %arg13[%dma_wait3A_974] : memref<25600xf32, #tpu.memory_space<vmem_shared>> -> memref<25600xf32, #tpu.memory_space<vmem_shared>>
        tpu.wait_indirect_dma semaphore(%arg19 : memref<!tpu.dma_semaphore, #tpu.memory_space<semaphore_mem>>) src(%arg9 : memref<128xf32, #tpu.memory_space<vmem>>) dst(%dma_wait3A_975 : memref<25600xf32, #tpu.memory_space<vmem_shared>>)
      } else {
      }
      %dma_wait3A_587 = arith.constant 1 : i32
      %dma_wait3A_588 = arith.constant 0 : i32
      %dma_wait3A_589 = arith.constant 0 : i32
      %dma_wait3A_590 = tpu.memref_slice %arg6[%dma_wait3A_587, %dma_wait3A_588, %dma_wait3A_589] : memref<2x2x128xi32, #tpu.memory_space<vmem>> -> memref<1x2x128xi32, #tpu.memory_space<vmem>>
      %dma_wait3A_591 = tpu.memref_squeeze %dma_wait3A_590 : memref<1x2x128xi32, #tpu.memory_space<vmem>> -> memref<2x128xi32, #tpu.memory_space<vmem>>
      %dma_wait3A_592 = arith.constant 0 : i32
      %dma_wait3A_593 = arith.constant 0 : i32
      %dma_wait3A_594 = tpu.memref_slice %arg3[%mul3A_126, %dma_wait3A_592, %dma_wait3A_593] : memref<6272x2x128xi32, #tpu.memory_space<hbm>> -> memref<1x2x128xi32, #tpu.memory_space<hbm>>
      %dma_wait3A_595 = tpu.memref_squeeze %dma_wait3A_594 : memref<1x2x128xi32, #tpu.memory_space<hbm>> -> memref<2x128xi32, #tpu.memory_space<hbm>>
      %dma_wait3A_596 = arith.constant 0 : i32
      %dma_wait3A_597 = arith.constant 0 : i32
      %dma_wait3A_598 = tpu.memref_slice %arg6[%dma_wait3A_587, %dma_wait3A_596, %dma_wait3A_597] : memref<2x2x128xi32, #tpu.memory_space<vmem>> -> memref<1x2x128xi32, #tpu.memory_space<vmem>>
      %dma_wait3A_599 = tpu.memref_squeeze %dma_wait3A_598 : memref<1x2x128xi32, #tpu.memory_space<vmem>> -> memref<2x128xi32, #tpu.memory_space<vmem>>
      %dma_wait3A_600 = arith.constant 0 : i32
      %dma_wait3A_601 = arith.constant 0 : i32
      %dma_wait3A_602 = tpu.memref_slice %arg3[%mul3A_126, %dma_wait3A_600, %dma_wait3A_601] : memref<6272x2x128xi32, #tpu.memory_space<hbm>> -> memref<1x2x128xi32, #tpu.memory_space<hbm>>
      %dma_wait3A_603 = tpu.memref_squeeze %dma_wait3A_602 : memref<1x2x128xi32, #tpu.memory_space<hbm>> -> memref<2x128xi32, #tpu.memory_space<hbm>>
      tpu.wait_dma2 semaphore(%arg15 : memref<!tpu.dma_semaphore, #tpu.memory_space<semaphore_mem>>) src(%dma_wait3A_603 : memref<2x128xi32, #tpu.memory_space<hbm>>) dst(%dma_wait3A_599 : memref<2x128xi32, #tpu.memory_space<vmem>>)
      %dma_start3A_604 = arith.constant 1 : i32
      %dma_start3A_605 = arith.constant 0 : i32
      %dma_start3A_606 = arith.constant 1 : i32
      %dma_start3A_607 = arith.constant 0 : i32
      %dma_start3A_608 = arith.constant 0 : i32
      %dma_start3A_609 = tpu.memref_slice %arg8[%dma_start3A_606, %dma_start3A_607, %dma_start3A_608] : memref<2x128x64xf32, #tpu.memory_space<vmem>> -> memref<1x128x64xf32, #tpu.memory_space<vmem>>
      %dma_start3A_610 = tpu.memref_squeeze %dma_start3A_609 : memref<1x128x64xf32, #tpu.memory_space<vmem>> -> memref<128x64xf32, #tpu.memory_space<vmem>>
      %dma_start3A_611 = arith.constant 0 : i32
      %dma_start3A_612 = tpu.memref_slice %arg6[%dma_start3A_604, %dma_start3A_605, %dma_start3A_611] : memref<2x2x128xi32, #tpu.memory_space<vmem>> -> memref<1x1x128xi32, #tpu.memory_space<vmem>>
      %dma_start3A_613 = tpu.memref_squeeze %dma_start3A_612 : memref<1x1x128xi32, #tpu.memory_space<vmem>> -> memref<128xi32, #tpu.memory_space<vmem>>
      %dma_start3A_614 = arith.constant 0 : i32
      %dma_start3A_615 = arith.constant 0 : i32
      %dma_start3A_616 = tpu.memref_slice %arg2[%dma_start3A_614, %dma_start3A_615] : memref<50000x64xf32, #tpu.memory_space<hbm>> -> memref<50000x64xf32, #tpu.memory_space<hbm>>
      tpu.enqueue_indirect_dma source(%dma_start3A_616 : memref<50000x64xf32, #tpu.memory_space<hbm>>) target(%dma_start3A_610 : memref<128x64xf32, #tpu.memory_space<vmem>>) offsets(%dma_start3A_613 : memref<128xi32, #tpu.memory_space<vmem>>) semaphore(%arg17 : memref<!tpu.dma_semaphore, #tpu.memory_space<semaphore_mem>>)
      %lt3A_617 = arith.constant 195 : i32
      %lt3A_618 = arith.cmpi slt, %scan3A_190, %lt3A_617 : i32
      %convert_element_type3A_619 = arith.extui %lt3A_618 : i1 to i32
      %cond3A_620 = arith.constant 0 : i32
      %cond3A_621 = arith.cmpi ne, %convert_element_type3A_619, %cond3A_620 : i32
      scf.if %cond3A_621 {
        %add3A_958 = arith.addi %mul3A_126, %add3A_581 : i32
        %add3A_959 = arith.constant 1 : i32
        %add3A_960 = arith.addi %add3A_958, %add3A_959 : i32
        %dma_start3A_961 = arith.constant 0 : i32
        %dma_start3A_962 = arith.constant 0 : i32
        %dma_start3A_963 = arith.constant 0 : i32
        %dma_start3A_964 = tpu.memref_slice %arg6[%dma_start3A_961, %dma_start3A_962, %dma_start3A_963] : memref<2x2x128xi32, #tpu.memory_space<vmem>> -> memref<1x2x128xi32, #tpu.memory_space<vmem>>
        %dma_start3A_965 = tpu.memref_squeeze %dma_start3A_964 : memref<1x2x128xi32, #tpu.memory_space<vmem>> -> memref<2x128xi32, #tpu.memory_space<vmem>>
        %dma_start3A_966 = arith.constant 0 : i32
        %dma_start3A_967 = arith.constant 0 : i32
        %dma_start3A_968 = tpu.memref_slice %arg3[%add3A_960, %dma_start3A_966, %dma_start3A_967] : memref<6272x2x128xi32, #tpu.memory_space<hbm>> -> memref<1x2x128xi32, #tpu.memory_space<hbm>>
        %dma_start3A_969 = tpu.memref_squeeze %dma_start3A_968 : memref<1x2x128xi32, #tpu.memory_space<hbm>> -> memref<2x128xi32, #tpu.memory_space<hbm>>
        %dma_start3A_970 = arith.constant 0 : i32
        %dma_start3A_971 = arith.constant 0 : i32
        %dma_start3A_972 = tpu.memref_slice %arg6[%dma_start3A_961, %dma_start3A_970, %dma_start3A_971] : memref<2x2x128xi32, #tpu.memory_space<vmem>> -> memref<1x2x128xi32, #tpu.memory_space<vmem>>
        %dma_start3A_973 = tpu.memref_squeeze %dma_start3A_972 : memref<1x2x128xi32, #tpu.memory_space<vmem>> -> memref<2x128xi32, #tpu.memory_space<vmem>>
        %dma_start3A_974 = arith.constant 0 : i32
        %dma_start3A_975 = arith.constant 0 : i32
        %dma_start3A_976 = tpu.memref_slice %arg3[%add3A_960, %dma_start3A_974, %dma_start3A_975] : memref<6272x2x128xi32, #tpu.memory_space<hbm>> -> memref<1x2x128xi32, #tpu.memory_space<hbm>>
        %dma_start3A_977 = tpu.memref_squeeze %dma_start3A_976 : memref<1x2x128xi32, #tpu.memory_space<hbm>> -> memref<2x128xi32, #tpu.memory_space<hbm>>
        tpu.enqueue_dma source(%dma_start3A_977 : memref<2x128xi32, #tpu.memory_space<hbm>>) target(%dma_start3A_973 : memref<2x128xi32, #tpu.memory_space<vmem>>) target_semaphore(%arg14 : memref<!tpu.dma_semaphore, #tpu.memory_space<semaphore_mem>>)
      } else {
      }
      %get3A_622 = arith.constant 1 : i32
      %get3A_623 = arith.constant 1 : i32
      %get3A_624 = arith.index_cast %get3A_622 : i32 to index
      %get3A_625 = arith.index_cast %get3A_623 : i32 to index
      %get3A_626 = arith.constant 0 : index
      %get3A_627 = tpu.vector_load %arg6[%get3A_624, %get3A_625, %get3A_626] {strides = array<i32>} : memref<2x2x128xi32, #tpu.memory_space<vmem>>, vector<1x1x16xi32>,
      %get3A_628 = vector.shape_cast %get3A_627 : vector<1x1x16xi32> to vector<16xi32>
      %sub3A_629 = vector.broadcast %mul3A_0 : i32 to vector<16xi32>
      %sub3A_630 = arith.subi %get3A_628, %sub3A_629 : vector<16xi32>
      %ge3A_631 = arith.constant 0 : i32
      %ge3A_632 = vector.broadcast %ge3A_631 : i32 to vector<16xi32>
      %ge3A_633 = arith.cmpi sge, %sub3A_630, %ge3A_632 : vector<16xi32>
      %lt3A_634 = arith.constant 25088 : i32
      %lt3A_635 = vector.broadcast %lt3A_634 : i32 to vector<16xi32>
      %lt3A_636 = arith.cmpi slt, %sub3A_630, %lt3A_635 : vector<16xi32>
      %and3A_637 = arith.andi %ge3A_633, %lt3A_636 : vector<16xi1>
      %mul3A_638 = arith.constant 37 : i32
      %mul3A_639 = arith.muli %add3A_581, %mul3A_638 : i32
      %mul3A_640 = arith.constant 131 : i32
      %mul3A_641 = arith.muli %arg1, %mul3A_640 : i32
      %add3A_642 = arith.addi %mul3A_639, %mul3A_641 : i32
      %add3A_643 = arith.constant 0 : i32
      %add3A_644 = arith.addi %add3A_642, %add3A_643 : i32
      %add3A_645 = vector.broadcast %add3A_644 : i32 to vector<16xi32>
      %add3A_646 = arith.addi %add3A_645, %iota3A : vector<16xi32>
      %and3A_647 = arith.constant 511 : i32
      %and3A_648 = vector.broadcast %and3A_647 : i32 to vector<16xi32>
      %and3A_649 = arith.andi %add3A_646, %and3A_648 : vector<16xi32>
      %add3A_650 = arith.constant 25088 : i32
      %add3A_651 = vector.broadcast %add3A_650 : i32 to vector<16xi32>
      %add3A_652 = arith.addi %add3A_651, %and3A_649 : vector<16xi32>
      %select_n3A_653 = arith.select %and3A_637, %sub3A_630, %add3A_652 : vector<16xi1>, vector<16xi32>
      %swap3A_654 = arith.constant 1 : i32
      %swap3A_655 = arith.index_cast %swap3A_654 : i32 to index
      %swap3A_656 = arith.constant 0 : index
      %swap3A_657 = tpu.vector_load %arg7[%swap3A_655, %swap3A_656] {strides = array<i32>} : memref<2x128xi32, #tpu.memory_space<vmem>>, vector<1x16xi32>,
      %swap3A_658 = vector.shape_cast %swap3A_657 : vector<1x16xi32> to vector<16xi32>
      %swap3A_659 = vector.shape_cast %select_n3A_653 : vector<16xi32> to vector<1x16xi32>
      tpu.vector_store %arg7[%swap3A_655, %swap3A_656], %swap3A_659 {strides = array<i32>} : memref<2x128xi32, #tpu.memory_space<vmem>>, vector<1x16xi32>,
      %get3A_660 = arith.constant 1 : i32
      %get3A_661 = arith.constant 1 : i32
      %get3A_662 = arith.index_cast %get3A_660 : i32 to index
      %get3A_663 = arith.index_cast %get3A_661 : i32 to index
      %get3A_664 = arith.constant 16 : index
      %get3A_665 = tpu.vector_load %arg6[%get3A_662, %get3A_663, %get3A_664] {strides = array<i32>} : memref<2x2x128xi32, #tpu.memory_space<vmem>>, vector<1x1x16xi32>,
      %get3A_666 = vector.shape_cast %get3A_665 : vector<1x1x16xi32> to vector<16xi32>
      %sub3A_667 = vector.broadcast %mul3A_0 : i32 to vector<16xi32>
      %sub3A_668 = arith.subi %get3A_666, %sub3A_667 : vector<16xi32>
      %ge3A_669 = arith.constant 0 : i32
      %ge3A_670 = vector.broadcast %ge3A_669 : i32 to vector<16xi32>
      %ge3A_671 = arith.cmpi sge, %sub3A_668, %ge3A_670 : vector<16xi32>
      %lt3A_672 = arith.constant 25088 : i32
      %lt3A_673 = vector.broadcast %lt3A_672 : i32 to vector<16xi32>
      %lt3A_674 = arith.cmpi slt, %sub3A_668, %lt3A_673 : vector<16xi32>
      %and3A_675 = arith.andi %ge3A_671, %lt3A_674 : vector<16xi1>
      %mul3A_676 = arith.constant 37 : i32
      %mul3A_677 = arith.muli %add3A_581, %mul3A_676 : i32
      %mul3A_678 = arith.constant 131 : i32
      %mul3A_679 = arith.muli %arg1, %mul3A_678 : i32
      %add3A_680 = arith.addi %mul3A_677, %mul3A_679 : i32
      %add3A_681 = arith.constant 16 : i32
      %add3A_682 = arith.addi %add3A_680, %add3A_681 : i32
      %add3A_683 = vector.broadcast %add3A_682 : i32 to vector<16xi32>
      %add3A_684 = arith.addi %add3A_683, %iota3A : vector<16xi32>
      %and3A_685 = arith.constant 511 : i32
      %and3A_686 = vector.broadcast %and3A_685 : i32 to vector<16xi32>
      %and3A_687 = arith.andi %add3A_684, %and3A_686 : vector<16xi32>
      %add3A_688 = arith.constant 25088 : i32
      %add3A_689 = vector.broadcast %add3A_688 : i32 to vector<16xi32>
      %add3A_690 = arith.addi %add3A_689, %and3A_687 : vector<16xi32>
      %select_n3A_691 = arith.select %and3A_675, %sub3A_668, %add3A_690 : vector<16xi1>, vector<16xi32>
      %swap3A_692 = arith.constant 1 : i32
      %swap3A_693 = arith.index_cast %swap3A_692 : i32 to index
      %swap3A_694 = arith.constant 16 : index
      %swap3A_695 = tpu.vector_load %arg7[%swap3A_693, %swap3A_694] {strides = array<i32>} : memref<2x128xi32, #tpu.memory_space<vmem>>, vector<1x16xi32>,
      %swap3A_696 = vector.shape_cast %swap3A_695 : vector<1x16xi32> to vector<16xi32>
      %swap3A_697 = vector.shape_cast %select_n3A_691 : vector<16xi32> to vector<1x16xi32>
      tpu.vector_store %arg7[%swap3A_693, %swap3A_694], %swap3A_697 {strides = array<i32>} : memref<2x128xi32, #tpu.memory_space<vmem>>, vector<1x16xi32>,
      %get3A_698 = arith.constant 1 : i32
      %get3A_699 = arith.constant 1 : i32
      %get3A_700 = arith.index_cast %get3A_698 : i32 to index
      %get3A_701 = arith.index_cast %get3A_699 : i32 to index
      %get3A_702 = arith.constant 32 : index
      %get3A_703 = tpu.vector_load %arg6[%get3A_700, %get3A_701, %get3A_702] {strides = array<i32>} : memref<2x2x128xi32, #tpu.memory_space<vmem>>, vector<1x1x16xi32>,
      %get3A_704 = vector.shape_cast %get3A_703 : vector<1x1x16xi32> to vector<16xi32>
      %sub3A_705 = vector.broadcast %mul3A_0 : i32 to vector<16xi32>
      %sub3A_706 = arith.subi %get3A_704, %sub3A_705 : vector<16xi32>
      %ge3A_707 = arith.constant 0 : i32
      %ge3A_708 = vector.broadcast %ge3A_707 : i32 to vector<16xi32>
      %ge3A_709 = arith.cmpi sge, %sub3A_706, %ge3A_708 : vector<16xi32>
      %lt3A_710 = arith.constant 25088 : i32
      %lt3A_711 = vector.broadcast %lt3A_710 : i32 to vector<16xi32>
      %lt3A_712 = arith.cmpi slt, %sub3A_706, %lt3A_711 : vector<16xi32>
      %and3A_713 = arith.andi %ge3A_709, %lt3A_712 : vector<16xi1>
      %mul3A_714 = arith.constant 37 : i32
      %mul3A_715 = arith.muli %add3A_581, %mul3A_714 : i32
      %mul3A_716 = arith.constant 131 : i32
      %mul3A_717 = arith.muli %arg1, %mul3A_716 : i32
      %add3A_718 = arith.addi %mul3A_715, %mul3A_717 : i32
      %add3A_719 = arith.constant 32 : i32
      %add3A_720 = arith.addi %add3A_718, %add3A_719 : i32
      %add3A_721 = vector.broadcast %add3A_720 : i32 to vector<16xi32>
      %add3A_722 = arith.addi %add3A_721, %iota3A : vector<16xi32>
      %and3A_723 = arith.constant 511 : i32
      %and3A_724 = vector.broadcast %and3A_723 : i32 to vector<16xi32>
      %and3A_725 = arith.andi %add3A_722, %and3A_724 : vector<16xi32>
      %add3A_726 = arith.constant 25088 : i32
      %add3A_727 = vector.broadcast %add3A_726 : i32 to vector<16xi32>
      %add3A_728 = arith.addi %add3A_727, %and3A_725 : vector<16xi32>
      %select_n3A_729 = arith.select %and3A_713, %sub3A_706, %add3A_728 : vector<16xi1>, vector<16xi32>
      %swap3A_730 = arith.constant 1 : i32
      %swap3A_731 = arith.index_cast %swap3A_730 : i32 to index
      %swap3A_732 = arith.constant 32 : index
      %swap3A_733 = tpu.vector_load %arg7[%swap3A_731, %swap3A_732] {strides = array<i32>} : memref<2x128xi32, #tpu.memory_space<vmem>>, vector<1x16xi32>,
      %swap3A_734 = vector.shape_cast %swap3A_733 : vector<1x16xi32> to vector<16xi32>
      %swap3A_735 = vector.shape_cast %select_n3A_729 : vector<16xi32> to vector<1x16xi32>
      tpu.vector_store %arg7[%swap3A_731, %swap3A_732], %swap3A_735 {strides = array<i32>} : memref<2x128xi32, #tpu.memory_space<vmem>>, vector<1x16xi32>,
      %get3A_736 = arith.constant 1 : i32
      %get3A_737 = arith.constant 1 : i32
      %get3A_738 = arith.index_cast %get3A_736 : i32 to index
      %get3A_739 = arith.index_cast %get3A_737 : i32 to index
      %get3A_740 = arith.constant 48 : index
      %get3A_741 = tpu.vector_load %arg6[%get3A_738, %get3A_739, %get3A_740] {strides = array<i32>} : memref<2x2x128xi32, #tpu.memory_space<vmem>>, vector<1x1x16xi32>,
      %get3A_742 = vector.shape_cast %get3A_741 : vector<1x1x16xi32> to vector<16xi32>
      %sub3A_743 = vector.broadcast %mul3A_0 : i32 to vector<16xi32>
      %sub3A_744 = arith.subi %get3A_742, %sub3A_743 : vector<16xi32>
      %ge3A_745 = arith.constant 0 : i32
      %ge3A_746 = vector.broadcast %ge3A_745 : i32 to vector<16xi32>
      %ge3A_747 = arith.cmpi sge, %sub3A_744, %ge3A_746 : vector<16xi32>
      %lt3A_748 = arith.constant 25088 : i32
      %lt3A_749 = vector.broadcast %lt3A_748 : i32 to vector<16xi32>
      %lt3A_750 = arith.cmpi slt, %sub3A_744, %lt3A_749 : vector<16xi32>
      %and3A_751 = arith.andi %ge3A_747, %lt3A_750 : vector<16xi1>
      %mul3A_752 = arith.constant 37 : i32
      %mul3A_753 = arith.muli %add3A_581, %mul3A_752 : i32
      %mul3A_754 = arith.constant 131 : i32
      %mul3A_755 = arith.muli %arg1, %mul3A_754 : i32
      %add3A_756 = arith.addi %mul3A_753, %mul3A_755 : i32
      %add3A_757 = arith.constant 48 : i32
      %add3A_758 = arith.addi %add3A_756, %add3A_757 : i32
      %add3A_759 = vector.broadcast %add3A_758 : i32 to vector<16xi32>
      %add3A_760 = arith.addi %add3A_759, %iota3A : vector<16xi32>
      %and3A_761 = arith.constant 511 : i32
      %and3A_762 = vector.broadcast %and3A_761 : i32 to vector<16xi32>
      %and3A_763 = arith.andi %add3A_760, %and3A_762 : vector<16xi32>
      %add3A_764 = arith.constant 25088 : i32
      %add3A_765 = vector.broadcast %add3A_764 : i32 to vector<16xi32>
      %add3A_766 = arith.addi %add3A_765, %and3A_763 : vector<16xi32>
      %select_n3A_767 = arith.select %and3A_751, %sub3A_744, %add3A_766 : vector<16xi1>, vector<16xi32>
      %swap3A_768 = arith.constant 1 : i32
      %swap3A_769 = arith.index_cast %swap3A_768 : i32 to index
      %swap3A_770 = arith.constant 48 : index
      %swap3A_771 = tpu.vector_load %arg7[%swap3A_769, %swap3A_770] {strides = array<i32>} : memref<2x128xi32, #tpu.memory_space<vmem>>, vector<1x16xi32>,
      %swap3A_772 = vector.shape_cast %swap3A_771 : vector<1x16xi32> to vector<16xi32>
      %swap3A_773 = vector.shape_cast %select_n3A_767 : vector<16xi32> to vector<1x16xi32>
      tpu.vector_store %arg7[%swap3A_769, %swap3A_770], %swap3A_773 {strides = array<i32>} : memref<2x128xi32, #tpu.memory_space<vmem>>, vector<1x16xi32>,
      %get3A_774 = arith.constant 1 : i32
      %get3A_775 = arith.constant 1 : i32
      %get3A_776 = arith.index_cast %get3A_774 : i32 to index
      %get3A_777 = arith.index_cast %get3A_775 : i32 to index
      %get3A_778 = arith.constant 64 : index
      %get3A_779 = tpu.vector_load %arg6[%get3A_776, %get3A_777, %get3A_778] {strides = array<i32>} : memref<2x2x128xi32, #tpu.memory_space<vmem>>, vector<1x1x16xi32>,
      %get3A_780 = vector.shape_cast %get3A_779 : vector<1x1x16xi32> to vector<16xi32>
      %sub3A_781 = vector.broadcast %mul3A_0 : i32 to vector<16xi32>
      %sub3A_782 = arith.subi %get3A_780, %sub3A_781 : vector<16xi32>
      %ge3A_783 = arith.constant 0 : i32
      %ge3A_784 = vector.broadcast %ge3A_783 : i32 to vector<16xi32>
      %ge3A_785 = arith.cmpi sge, %sub3A_782, %ge3A_784 : vector<16xi32>
      %lt3A_786 = arith.constant 25088 : i32
      %lt3A_787 = vector.broadcast %lt3A_786 : i32 to vector<16xi32>
      %lt3A_788 = arith.cmpi slt, %sub3A_782, %lt3A_787 : vector<16xi32>
      %and3A_789 = arith.andi %ge3A_785, %lt3A_788 : vector<16xi1>
      %mul3A_790 = arith.constant 37 : i32
      %mul3A_791 = arith.muli %add3A_581, %mul3A_790 : i32
      %mul3A_792 = arith.constant 131 : i32
      %mul3A_793 = arith.muli %arg1, %mul3A_792 : i32
      %add3A_794 = arith.addi %mul3A_791, %mul3A_793 : i32
      %add3A_795 = arith.constant 64 : i32
      %add3A_796 = arith.addi %add3A_794, %add3A_795 : i32
      %add3A_797 = vector.broadcast %add3A_796 : i32 to vector<16xi32>
      %add3A_798 = arith.addi %add3A_797, %iota3A : vector<16xi32>
      %and3A_799 = arith.constant 511 : i32
      %and3A_800 = vector.broadcast %and3A_799 : i32 to vector<16xi32>
      %and3A_801 = arith.andi %add3A_798, %and3A_800 : vector<16xi32>
      %add3A_802 = arith.constant 25088 : i32
      %add3A_803 = vector.broadcast %add3A_802 : i32 to vector<16xi32>
      %add3A_804 = arith.addi %add3A_803, %and3A_801 : vector<16xi32>
      %select_n3A_805 = arith.select %and3A_789, %sub3A_782, %add3A_804 : vector<16xi1>, vector<16xi32>
      %swap3A_806 = arith.constant 1 : i32
      %swap3A_807 = arith.index_cast %swap3A_806 : i32 to index
      %swap3A_808 = arith.constant 64 : index
      %swap3A_809 = tpu.vector_load %arg7[%swap3A_807, %swap3A_808] {strides = array<i32>} : memref<2x128xi32, #tpu.memory_space<vmem>>, vector<1x16xi32>,
      %swap3A_810 = vector.shape_cast %swap3A_809 : vector<1x16xi32> to vector<16xi32>
      %swap3A_811 = vector.shape_cast %select_n3A_805 : vector<16xi32> to vector<1x16xi32>
      tpu.vector_store %arg7[%swap3A_807, %swap3A_808], %swap3A_811 {strides = array<i32>} : memref<2x128xi32, #tpu.memory_space<vmem>>, vector<1x16xi32>,
      %get3A_812 = arith.constant 1 : i32
      %get3A_813 = arith.constant 1 : i32
      %get3A_814 = arith.index_cast %get3A_812 : i32 to index
      %get3A_815 = arith.index_cast %get3A_813 : i32 to index
      %get3A_816 = arith.constant 80 : index
      %get3A_817 = tpu.vector_load %arg6[%get3A_814, %get3A_815, %get3A_816] {strides = array<i32>} : memref<2x2x128xi32, #tpu.memory_space<vmem>>, vector<1x1x16xi32>,
      %get3A_818 = vector.shape_cast %get3A_817 : vector<1x1x16xi32> to vector<16xi32>
      %sub3A_819 = vector.broadcast %mul3A_0 : i32 to vector<16xi32>
      %sub3A_820 = arith.subi %get3A_818, %sub3A_819 : vector<16xi32>
      %ge3A_821 = arith.constant 0 : i32
      %ge3A_822 = vector.broadcast %ge3A_821 : i32 to vector<16xi32>
      %ge3A_823 = arith.cmpi sge, %sub3A_820, %ge3A_822 : vector<16xi32>
      %lt3A_824 = arith.constant 25088 : i32
      %lt3A_825 = vector.broadcast %lt3A_824 : i32 to vector<16xi32>
      %lt3A_826 = arith.cmpi slt, %sub3A_820, %lt3A_825 : vector<16xi32>
      %and3A_827 = arith.andi %ge3A_823, %lt3A_826 : vector<16xi1>
      %mul3A_828 = arith.constant 37 : i32
      %mul3A_829 = arith.muli %add3A_581, %mul3A_828 : i32
      %mul3A_830 = arith.constant 131 : i32
      %mul3A_831 = arith.muli %arg1, %mul3A_830 : i32
      %add3A_832 = arith.addi %mul3A_829, %mul3A_831 : i32
      %add3A_833 = arith.constant 80 : i32
      %add3A_834 = arith.addi %add3A_832, %add3A_833 : i32
      %add3A_835 = vector.broadcast %add3A_834 : i32 to vector<16xi32>
      %add3A_836 = arith.addi %add3A_835, %iota3A : vector<16xi32>
      %and3A_837 = arith.constant 511 : i32
      %and3A_838 = vector.broadcast %and3A_837 : i32 to vector<16xi32>
      %and3A_839 = arith.andi %add3A_836, %and3A_838 : vector<16xi32>
      %add3A_840 = arith.constant 25088 : i32
      %add3A_841 = vector.broadcast %add3A_840 : i32 to vector<16xi32>
      %add3A_842 = arith.addi %add3A_841, %and3A_839 : vector<16xi32>
      %select_n3A_843 = arith.select %and3A_827, %sub3A_820, %add3A_842 : vector<16xi1>, vector<16xi32>
      %swap3A_844 = arith.constant 1 : i32
      %swap3A_845 = arith.index_cast %swap3A_844 : i32 to index
      %swap3A_846 = arith.constant 80 : index
      %swap3A_847 = tpu.vector_load %arg7[%swap3A_845, %swap3A_846] {strides = array<i32>} : memref<2x128xi32, #tpu.memory_space<vmem>>, vector<1x16xi32>,
      %swap3A_848 = vector.shape_cast %swap3A_847 : vector<1x16xi32> to vector<16xi32>
      %swap3A_849 = vector.shape_cast %select_n3A_843 : vector<16xi32> to vector<1x16xi32>
      tpu.vector_store %arg7[%swap3A_845, %swap3A_846], %swap3A_849 {strides = array<i32>} : memref<2x128xi32, #tpu.memory_space<vmem>>, vector<1x16xi32>,
      %get3A_850 = arith.constant 1 : i32
      %get3A_851 = arith.constant 1 : i32
      %get3A_852 = arith.index_cast %get3A_850 : i32 to index
      %get3A_853 = arith.index_cast %get3A_851 : i32 to index
      %get3A_854 = arith.constant 96 : index
      %get3A_855 = tpu.vector_load %arg6[%get3A_852, %get3A_853, %get3A_854] {strides = array<i32>} : memref<2x2x128xi32, #tpu.memory_space<vmem>>, vector<1x1x16xi32>,
      %get3A_856 = vector.shape_cast %get3A_855 : vector<1x1x16xi32> to vector<16xi32>
      %sub3A_857 = vector.broadcast %mul3A_0 : i32 to vector<16xi32>
      %sub3A_858 = arith.subi %get3A_856, %sub3A_857 : vector<16xi32>
      %ge3A_859 = arith.constant 0 : i32
      %ge3A_860 = vector.broadcast %ge3A_859 : i32 to vector<16xi32>
      %ge3A_861 = arith.cmpi sge, %sub3A_858, %ge3A_860 : vector<16xi32>
      %lt3A_862 = arith.constant 25088 : i32
      %lt3A_863 = vector.broadcast %lt3A_862 : i32 to vector<16xi32>
      %lt3A_864 = arith.cmpi slt, %sub3A_858, %lt3A_863 : vector<16xi32>
      %and3A_865 = arith.andi %ge3A_861, %lt3A_864 : vector<16xi1>
      %mul3A_866 = arith.constant 37 : i32
      %mul3A_867 = arith.muli %add3A_581, %mul3A_866 : i32
      %mul3A_868 = arith.constant 131 : i32
      %mul3A_869 = arith.muli %arg1, %mul3A_868 : i32
      %add3A_870 = arith.addi %mul3A_867, %mul3A_869 : i32
      %add3A_871 = arith.constant 96 : i32
      %add3A_872 = arith.addi %add3A_870, %add3A_871 : i32
      %add3A_873 = vector.broadcast %add3A_872 : i32 to vector<16xi32>
      %add3A_874 = arith.addi %add3A_873, %iota3A : vector<16xi32>
      %and3A_875 = arith.constant 511 : i32
      %and3A_876 = vector.broadcast %and3A_875 : i32 to vector<16xi32>
      %and3A_877 = arith.andi %add3A_874, %and3A_876 : vector<16xi32>
      %add3A_878 = arith.constant 25088 : i32
      %add3A_879 = vector.broadcast %add3A_878 : i32 to vector<16xi32>
      %add3A_880 = arith.addi %add3A_879, %and3A_877 : vector<16xi32>
      %select_n3A_881 = arith.select %and3A_865, %sub3A_858, %add3A_880 : vector<16xi1>, vector<16xi32>
      %swap3A_882 = arith.constant 1 : i32
      %swap3A_883 = arith.index_cast %swap3A_882 : i32 to index
      %swap3A_884 = arith.constant 96 : index
      %swap3A_885 = tpu.vector_load %arg7[%swap3A_883, %swap3A_884] {strides = array<i32>} : memref<2x128xi32, #tpu.memory_space<vmem>>, vector<1x16xi32>,
      %swap3A_886 = vector.shape_cast %swap3A_885 : vector<1x16xi32> to vector<16xi32>
      %swap3A_887 = vector.shape_cast %select_n3A_881 : vector<16xi32> to vector<1x16xi32>
      tpu.vector_store %arg7[%swap3A_883, %swap3A_884], %swap3A_887 {strides = array<i32>} : memref<2x128xi32, #tpu.memory_space<vmem>>, vector<1x16xi32>,
      %get3A_888 = arith.constant 1 : i32
      %get3A_889 = arith.constant 1 : i32
      %get3A_890 = arith.index_cast %get3A_888 : i32 to index
      %get3A_891 = arith.index_cast %get3A_889 : i32 to index
      %get3A_892 = arith.constant 112 : index
      %get3A_893 = tpu.vector_load %arg6[%get3A_890, %get3A_891, %get3A_892] {strides = array<i32>} : memref<2x2x128xi32, #tpu.memory_space<vmem>>, vector<1x1x16xi32>,
      %get3A_894 = vector.shape_cast %get3A_893 : vector<1x1x16xi32> to vector<16xi32>
      %sub3A_895 = vector.broadcast %mul3A_0 : i32 to vector<16xi32>
      %sub3A_896 = arith.subi %get3A_894, %sub3A_895 : vector<16xi32>
      %ge3A_897 = arith.constant 0 : i32
      %ge3A_898 = vector.broadcast %ge3A_897 : i32 to vector<16xi32>
      %ge3A_899 = arith.cmpi sge, %sub3A_896, %ge3A_898 : vector<16xi32>
      %lt3A_900 = arith.constant 25088 : i32
      %lt3A_901 = vector.broadcast %lt3A_900 : i32 to vector<16xi32>
      %lt3A_902 = arith.cmpi slt, %sub3A_896, %lt3A_901 : vector<16xi32>
      %and3A_903 = arith.andi %ge3A_899, %lt3A_902 : vector<16xi1>
      %mul3A_904 = arith.constant 37 : i32
      %mul3A_905 = arith.muli %add3A_581, %mul3A_904 : i32
      %mul3A_906 = arith.constant 131 : i32
      %mul3A_907 = arith.muli %arg1, %mul3A_906 : i32
      %add3A_908 = arith.addi %mul3A_905, %mul3A_907 : i32
      %add3A_909 = arith.constant 112 : i32
      %add3A_910 = arith.addi %add3A_908, %add3A_909 : i32
      %add3A_911 = vector.broadcast %add3A_910 : i32 to vector<16xi32>
      %add3A_912 = arith.addi %add3A_911, %iota3A : vector<16xi32>
      %and3A_913 = arith.constant 511 : i32
      %and3A_914 = vector.broadcast %and3A_913 : i32 to vector<16xi32>
      %and3A_915 = arith.andi %add3A_912, %and3A_914 : vector<16xi32>
      %add3A_916 = arith.constant 25088 : i32
      %add3A_917 = vector.broadcast %add3A_916 : i32 to vector<16xi32>
      %add3A_918 = arith.addi %add3A_917, %and3A_915 : vector<16xi32>
      %select_n3A_919 = arith.select %and3A_903, %sub3A_896, %add3A_918 : vector<16xi1>, vector<16xi32>
      %swap3A_920 = arith.constant 1 : i32
      %swap3A_921 = arith.index_cast %swap3A_920 : i32 to index
      %swap3A_922 = arith.constant 112 : index
      %swap3A_923 = tpu.vector_load %arg7[%swap3A_921, %swap3A_922] {strides = array<i32>} : memref<2x128xi32, #tpu.memory_space<vmem>>, vector<1x16xi32>,
      %swap3A_924 = vector.shape_cast %swap3A_923 : vector<1x16xi32> to vector<16xi32>
      %swap3A_925 = vector.shape_cast %select_n3A_919 : vector<16xi32> to vector<1x16xi32>
      tpu.vector_store %arg7[%swap3A_921, %swap3A_922], %swap3A_925 {strides = array<i32>} : memref<2x128xi32, #tpu.memory_space<vmem>>, vector<1x16xi32>,
      %dma_wait3A_926 = arith.constant 1 : i32
      %dma_wait3A_927 = arith.constant 0 : i32
      %dma_wait3A_928 = arith.constant 1 : i32
      %dma_wait3A_929 = arith.constant 0 : i32
      %dma_wait3A_930 = arith.constant 0 : i32
      %dma_wait3A_931 = tpu.memref_slice %arg8[%dma_wait3A_928, %dma_wait3A_929, %dma_wait3A_930] : memref<2x128x64xf32, #tpu.memory_space<vmem>> -> memref<1x128x64xf32, #tpu.memory_space<vmem>>
      %dma_wait3A_932 = tpu.memref_squeeze %dma_wait3A_931 : memref<1x128x64xf32, #tpu.memory_space<vmem>> -> memref<128x64xf32, #tpu.memory_space<vmem>>
      %dma_wait3A_933 = arith.constant 0 : i32
      %dma_wait3A_934 = tpu.memref_slice %arg6[%dma_wait3A_926, %dma_wait3A_927, %dma_wait3A_933] : memref<2x2x128xi32, #tpu.memory_space<vmem>> -> memref<1x1x128xi32, #tpu.memory_space<vmem>>
      %dma_wait3A_935 = tpu.memref_squeeze %dma_wait3A_934 : memref<1x1x128xi32, #tpu.memory_space<vmem>> -> memref<128xi32, #tpu.memory_space<vmem>>
      %dma_wait3A_936 = arith.constant 0 : i32
      %dma_wait3A_937 = arith.constant 0 : i32
      %dma_wait3A_938 = tpu.memref_slice %arg2[%dma_wait3A_936, %dma_wait3A_937] : memref<50000x64xf32, #tpu.memory_space<hbm>> -> memref<50000x64xf32, #tpu.memory_space<hbm>>
      tpu.wait_indirect_dma semaphore(%arg17 : memref<!tpu.dma_semaphore, #tpu.memory_space<semaphore_mem>>) src(%dma_wait3A_938 : memref<50000x64xf32, #tpu.memory_space<hbm>>) dst(%dma_wait3A_932 : memref<128x64xf32, #tpu.memory_space<vmem>>)
      %dma_start3A_939 = arith.constant 1 : i32
      %dma_start3A_940 = arith.constant 1 : i32
      %dma_start3A_941 = arith.constant 0 : i32
      %dma_start3A_942 = arith.constant 0 : i32
      %dma_start3A_943 = tpu.memref_slice %arg8[%dma_start3A_939, %dma_start3A_941, %dma_start3A_942] : memref<2x128x64xf32, #tpu.memory_space<vmem>> -> memref<1x128x64xf32, #tpu.memory_space<vmem>>
      %dma_start3A_944 = tpu.memref_squeeze %dma_start3A_943 : memref<1x128x64xf32, #tpu.memory_space<vmem>> -> memref<128x64xf32, #tpu.memory_space<vmem>>
      %dma_start3A_945 = arith.constant 0 : i32
      %dma_start3A_946 = tpu.memref_slice %arg7[%dma_start3A_940, %dma_start3A_945] : memref<2x128xi32, #tpu.memory_space<vmem>> -> memref<1x128xi32, #tpu.memory_space<vmem>>
      %dma_start3A_947 = tpu.memref_squeeze %dma_start3A_946 : memref<1x128xi32, #tpu.memory_space<vmem>> -> memref<128xi32, #tpu.memory_space<vmem>>
      %dma_start3A_948 = arith.constant 0 : i32
      %dma_start3A_949 = arith.constant 0 : i32
      %dma_start3A_950 = tpu.memref_slice %arg12[%dma_start3A_948, %dma_start3A_949] : memref<25600x64xf32, #tpu.memory_space<vmem_shared>> -> memref<25600x64xf32, #tpu.memory_space<vmem_shared>>
      tpu.enqueue_indirect_dma source(%dma_start3A_944 : memref<128x64xf32, #tpu.memory_space<vmem>>) target(%dma_start3A_950 : memref<25600x64xf32, #tpu.memory_space<vmem_shared>>) offsets(%dma_start3A_947 : memref<128xi32, #tpu.memory_space<vmem>>) semaphore(%arg19 : memref<!tpu.dma_semaphore, #tpu.memory_space<semaphore_mem>>) {add = true}
      %dma_start3A_951 = arith.constant 1 : i32
      %dma_start3A_952 = arith.constant 0 : i32
      %dma_start3A_953 = tpu.memref_slice %arg7[%dma_start3A_951, %dma_start3A_952] : memref<2x128xi32, #tpu.memory_space<vmem>> -> memref<1x128xi32, #tpu.memory_space<vmem>>
      %dma_start3A_954 = tpu.memref_squeeze %dma_start3A_953 : memref<1x128xi32, #tpu.memory_space<vmem>> -> memref<128xi32, #tpu.memory_space<vmem>>
      %dma_start3A_955 = arith.constant 0 : i32
      %dma_start3A_956 = tpu.memref_slice %arg13[%dma_start3A_955] : memref<25600xf32, #tpu.memory_space<vmem_shared>> -> memref<25600xf32, #tpu.memory_space<vmem_shared>>
      tpu.enqueue_indirect_dma source(%arg9 : memref<128xf32, #tpu.memory_space<vmem>>) target(%dma_start3A_956 : memref<25600xf32, #tpu.memory_space<vmem_shared>>) offsets(%dma_start3A_954 : memref<128xi32, #tpu.memory_space<vmem>>) semaphore(%arg19 : memref<!tpu.dma_semaphore, #tpu.memory_space<semaphore_mem>>) {add = true}
      %scan3A_957 = arith.constant 0 : i32
      scf.yield %scan3A_957 : i32
    }
    %scan3A_149 = arith.constant 196 : i32
    %dma_wait3A = arith.constant 0 : i32
    %dma_wait3A_150 = arith.constant 0 : i32
    %dma_wait3A_151 = arith.constant 0 : i32
    %dma_wait3A_152 = arith.constant 0 : i32
    %dma_wait3A_153 = tpu.memref_slice %arg8[%dma_wait3A, %dma_wait3A_151, %dma_wait3A_152] : memref<2x128x64xf32, #tpu.memory_space<vmem>> -> memref<1x128x64xf32, #tpu.memory_space<vmem>>
    %dma_wait3A_154 = tpu.memref_squeeze %dma_wait3A_153 : memref<1x128x64xf32, #tpu.memory_space<vmem>> -> memref<128x64xf32, #tpu.memory_space<vmem>>
    %dma_wait3A_155 = arith.constant 0 : i32
    %dma_wait3A_156 = tpu.memref_slice %arg7[%dma_wait3A_150, %dma_wait3A_155] : memref<2x128xi32, #tpu.memory_space<vmem>> -> memref<1x128xi32, #tpu.memory_space<vmem>>
    %dma_wait3A_157 = tpu.memref_squeeze %dma_wait3A_156 : memref<1x128xi32, #tpu.memory_space<vmem>> -> memref<128xi32, #tpu.memory_space<vmem>>
    %dma_wait3A_158 = arith.constant 0 : i32
    %dma_wait3A_159 = arith.constant 0 : i32
    %dma_wait3A_160 = tpu.memref_slice %arg12[%dma_wait3A_158, %dma_wait3A_159] : memref<25600x64xf32, #tpu.memory_space<vmem_shared>> -> memref<25600x64xf32, #tpu.memory_space<vmem_shared>>
    tpu.wait_indirect_dma semaphore(%arg18 : memref<!tpu.dma_semaphore, #tpu.memory_space<semaphore_mem>>) src(%dma_wait3A_154 : memref<128x64xf32, #tpu.memory_space<vmem>>) dst(%dma_wait3A_160 : memref<25600x64xf32, #tpu.memory_space<vmem_shared>>)
    %dma_wait3A_161 = arith.constant 0 : i32
    %dma_wait3A_162 = arith.constant 0 : i32
    %dma_wait3A_163 = tpu.memref_slice %arg7[%dma_wait3A_161, %dma_wait3A_162] : memref<2x128xi32, #tpu.memory_space<vmem>> -> memref<1x128xi32, #tpu.memory_space<vmem>>
    %dma_wait3A_164 = tpu.memref_squeeze %dma_wait3A_163 : memref<1x128xi32, #tpu.memory_space<vmem>> -> memref<128xi32, #tpu.memory_space<vmem>>
    %dma_wait3A_165 = arith.constant 0 : i32
    %dma_wait3A_166 = tpu.memref_slice %arg13[%dma_wait3A_165] : memref<25600xf32, #tpu.memory_space<vmem_shared>> -> memref<25600xf32, #tpu.memory_space<vmem_shared>>
    tpu.wait_indirect_dma semaphore(%arg18 : memref<!tpu.dma_semaphore, #tpu.memory_space<semaphore_mem>>) src(%arg9 : memref<128xf32, #tpu.memory_space<vmem>>) dst(%dma_wait3A_166 : memref<25600xf32, #tpu.memory_space<vmem_shared>>)
    %dma_wait3A_167 = arith.constant 1 : i32
    %dma_wait3A_168 = arith.constant 1 : i32
    %dma_wait3A_169 = arith.constant 0 : i32
    %dma_wait3A_170 = arith.constant 0 : i32
    %dma_wait3A_171 = tpu.memref_slice %arg8[%dma_wait3A_167, %dma_wait3A_169, %dma_wait3A_170] : memref<2x128x64xf32, #tpu.memory_space<vmem>> -> memref<1x128x64xf32, #tpu.memory_space<vmem>>
    %dma_wait3A_172 = tpu.memref_squeeze %dma_wait3A_171 : memref<1x128x64xf32, #tpu.memory_space<vmem>> -> memref<128x64xf32, #tpu.memory_space<vmem>>
    %dma_wait3A_173 = arith.constant 0 : i32
    %dma_wait3A_174 = tpu.memref_slice %arg7[%dma_wait3A_168, %dma_wait3A_173] : memref<2x128xi32, #tpu.memory_space<vmem>> -> memref<1x128xi32, #tpu.memory_space<vmem>>
    %dma_wait3A_175 = tpu.memref_squeeze %dma_wait3A_174 : memref<1x128xi32, #tpu.memory_space<vmem>> -> memref<128xi32, #tpu.memory_space<vmem>>
    %dma_wait3A_176 = arith.constant 0 : i32
    %dma_wait3A_177 = arith.constant 0 : i32
    %dma_wait3A_178 = tpu.memref_slice %arg12[%dma_wait3A_176, %dma_wait3A_177] : memref<25600x64xf32, #tpu.memory_space<vmem_shared>> -> memref<25600x64xf32, #tpu.memory_space<vmem_shared>>
    tpu.wait_indirect_dma semaphore(%arg19 : memref<!tpu.dma_semaphore, #tpu.memory_space<semaphore_mem>>) src(%dma_wait3A_172 : memref<128x64xf32, #tpu.memory_space<vmem>>) dst(%dma_wait3A_178 : memref<25600x64xf32, #tpu.memory_space<vmem_shared>>)
    %dma_wait3A_179 = arith.constant 1 : i32
    %dma_wait3A_180 = arith.constant 0 : i32
    %dma_wait3A_181 = tpu.memref_slice %arg7[%dma_wait3A_179, %dma_wait3A_180] : memref<2x128xi32, #tpu.memory_space<vmem>> -> memref<1x128xi32, #tpu.memory_space<vmem>>
    %dma_wait3A_182 = tpu.memref_squeeze %dma_wait3A_181 : memref<1x128xi32, #tpu.memory_space<vmem>> -> memref<128xi32, #tpu.memory_space<vmem>>
    %dma_wait3A_183 = arith.constant 0 : i32
    %dma_wait3A_184 = tpu.memref_slice %arg13[%dma_wait3A_183] : memref<25600xf32, #tpu.memory_space<vmem_shared>> -> memref<25600xf32, #tpu.memory_space<vmem_shared>>
    tpu.wait_indirect_dma semaphore(%arg19 : memref<!tpu.dma_semaphore, #tpu.memory_space<semaphore_mem>>) src(%arg9 : memref<128xf32, #tpu.memory_space<vmem>>) dst(%dma_wait3A_184 : memref<25600xf32, #tpu.memory_space<vmem_shared>>)
    %barrier3A_185 = arith.constant 0 : index
    tpu.barrier barrier_id(%barrier3A_185)
    %mul3A_186 = arith.constant 1568 : i32
    %mul3A_187 = arith.muli %arg1, %mul3A_186 : i32
    %add3A_188 = arith.addi %mul3A_0, %mul3A_187 : i32
    "tpu.region"() ({
      %run_scoped3A = tpu.sem_alloc : memref<!tpu.dma_semaphore, #tpu.memory_space<semaphore_mem>>
      %dma_start3A_190 = arith.constant 0 : i32
      %dma_start3A_191 = tpu.memref_slice %arg4[%add3A_188, %dma_start3A_190] : memref<50176x64xf32, #tpu.memory_space<hbm>> -> memref<1568x64xf32, #tpu.memory_space<hbm>>
      %dma_start3A_192 = arith.constant 0 : i32
      %dma_start3A_193 = tpu.memref_slice %arg12[%mul3A_187, %dma_start3A_192] : memref<25600x64xf32, #tpu.memory_space<vmem_shared>> -> memref<1568x64xf32, #tpu.memory_space<vmem_shared>>
      tpu.enqueue_dma source(%dma_start3A_193 : memref<1568x64xf32, #tpu.memory_space<vmem_shared>>) target(%dma_start3A_191 : memref<1568x64xf32, #tpu.memory_space<hbm>>) target_semaphore(%run_scoped3A : memref<!tpu.dma_semaphore, #tpu.memory_space<semaphore_mem>>)
      %dma_wait3A_194 = arith.constant 0 : i32
      %dma_wait3A_195 = tpu.memref_slice %arg4[%add3A_188, %dma_wait3A_194] : memref<50176x64xf32, #tpu.memory_space<hbm>> -> memref<1568x64xf32, #tpu.memory_space<hbm>>
      %dma_wait3A_196 = arith.constant 0 : i32
      %dma_wait3A_197 = tpu.memref_slice %arg12[%mul3A_187, %dma_wait3A_196] : memref<25600x64xf32, #tpu.memory_space<vmem_shared>> -> memref<1568x64xf32, #tpu.memory_space<vmem_shared>>
      tpu.wait_dma2 semaphore(%run_scoped3A : memref<!tpu.dma_semaphore, #tpu.memory_space<semaphore_mem>>) src(%dma_wait3A_197 : memref<1568x64xf32, #tpu.memory_space<vmem_shared>>) dst(%dma_wait3A_195 : memref<1568x64xf32, #tpu.memory_space<hbm>>)
      tpu.yield
    }) : () -> ()
    %add3A_189 = arith.addi %mul3A_0, %mul3A_187 : i32
    "tpu.region"() ({
      %run_scoped3A = tpu.sem_alloc : memref<!tpu.dma_semaphore, #tpu.memory_space<semaphore_mem>>
      %dma_start3A_190 = tpu.memref_slice %arg5[%add3A_189] : memref<50176xf32, #tpu.memory_space<hbm>> -> memref<1568xf32, #tpu.memory_space<hbm>>
      %dma_start3A_191 = tpu.memref_slice %arg13[%mul3A_187] : memref<25600xf32, #tpu.memory_space<vmem_shared>> -> memref<1568xf32, #tpu.memory_space<vmem_shared>>
      tpu.enqueue_dma source(%dma_start3A_191 : memref<1568xf32, #tpu.memory_space<vmem_shared>>) target(%dma_start3A_190 : memref<1568xf32, #tpu.memory_space<hbm>>) target_semaphore(%run_scoped3A : memref<!tpu.dma_semaphore, #tpu.memory_space<semaphore_mem>>)
      %dma_wait3A_192 = tpu.memref_slice %arg5[%add3A_189] : memref<50176xf32, #tpu.memory_space<hbm>> -> memref<1568xf32, #tpu.memory_space<hbm>>
      %dma_wait3A_193 = tpu.memref_slice %arg13[%mul3A_187] : memref<25600xf32, #tpu.memory_space<vmem_shared>> -> memref<1568xf32, #tpu.memory_space<vmem_shared>>
      tpu.wait_dma2 semaphore(%run_scoped3A : memref<!tpu.dma_semaphore, #tpu.memory_space<semaphore_mem>>) src(%dma_wait3A_193 : memref<1568xf32, #tpu.memory_space<vmem_shared>>) dst(%dma_wait3A_192 : memref<1568xf32, #tpu.memory_space<hbm>>)
      tpu.yield
    }) : () -> ()
    return
  }
}

#map = affine_map<(d0, d1) -> (0, 0)>
#map1 = affine_map<(d0, d1) -> (0, 0, 0)>
module attributes {stable_mosaic.version = 14 : i64} {
  func.func @body(%arg0: i32, %arg1: i32, %arg2: memref<50000x64xf32, #tpu.memory_space<hbm>>, %arg3: memref<6272x2x128xi32, #tpu.memory_space<hbm>>, %arg4: memref<50176x64xf32, #tpu.memory_space<hbm>>, %arg5: memref<2x2x128xi32, #tpu.memory_space<vmem>>, %arg6: memref<2x128xi32, #tpu.memory_space<vmem>>, %arg7: memref<2x128x64xf32, #tpu.memory_space<vmem>>, %arg8: memref<128xf32, #tpu.memory_space<vmem>>, %arg9: memref<50x64xf32, #tpu.memory_space<vmem>>, %arg10: memref<1600xf32, #tpu.memory_space<vmem>>, %arg11: memref<25600x64xf32, #tpu.memory_space<vmem_shared>>, %arg12: memref<25600xf32, #tpu.memory_space<vmem_shared>>, %arg13: memref<!tpu.dma_semaphore, #tpu.memory_space<semaphore_mem>>, %arg14: memref<!tpu.dma_semaphore, #tpu.memory_space<semaphore_mem>>, %arg15: memref<!tpu.dma_semaphore, #tpu.memory_space<semaphore_mem>>, %arg16: memref<!tpu.dma_semaphore, #tpu.memory_space<semaphore_mem>>, %arg17: memref<!tpu.dma_semaphore, #tpu.memory_space<semaphore_mem>>, %arg18: memref<!tpu.dma_semaphore, #tpu.memory_space<semaphore_mem>>) attributes {dimension_semantics = [#tpu.dimension_semantics<core_parallel>, #tpu.dimension_semantics<subcore_parallel>], iteration_bounds = array<i64: 2, 16>, scalar_prefetch = 0 : i64, scratch_operands = 14 : i64, tpu.core_type = #tpu.core_type<sc_vector_subcore>, window_params = [{transform_indices = #map}, {transform_indices = #map1}, {transform_indices = #map}]} {
    %mul3A = arith.constant 25088 : i32
    %mul3A_0 = arith.muli %arg0, %mul3A : i32
    %iota3A = tpu.iota {dimensions = array<i32: 0>} : vector<16xi32>
    %scan3A = arith.constant 0 : i32
    %scan3A_1 = arith.constant 0 : i32
    %scan3A_2 = arith.constant 200 : i32
    %scan3A_3 = arith.addi %scan3A_1, %scan3A_2 : i32
    %scan3A_4 = arith.constant 1 : i32
    %scan3A_5 = scf.for %scan3A_177 = %scan3A_1 to %scan3A_3 step %scan3A_4 iter_args(%scan3A_178 = %scan3A) -> (i32)  : i32 {
      %broadcast_in_dim3A_179 = arith.constant 0.000000e+00 : f32
      %broadcast_in_dim3A_180 = vector.broadcast %broadcast_in_dim3A_179 : f32 to vector<16xf32>
      %jit3A = arith.constant 4 : i32
      %div3A = arith.divsi %scan3A_177, %jit3A : i32
      %sign3A = arith.constant 0 : i32
      %sign3A_181 = arith.cmpi sgt, %scan3A_177, %sign3A : i32
      %sign3A_182 = arith.extui %sign3A_181 : i1 to i32
      %sign3A_183 = arith.constant 0 : i32
      %sign3A_184 = arith.cmpi slt, %scan3A_177, %sign3A_183 : i32
      %sign3A_185 = arith.extui %sign3A_184 : i1 to i32
      %sign3A_186 = arith.subi %sign3A_182, %sign3A_185 : i32
      %sign3A_187 = arith.constant 0 : i32
      %sign3A_188 = arith.cmpi sgt, %jit3A, %sign3A_187 : i32
      %sign3A_189 = arith.extui %sign3A_188 : i1 to i32
      %sign3A_190 = arith.constant 0 : i32
      %sign3A_191 = arith.cmpi slt, %jit3A, %sign3A_190 : i32
      %sign3A_192 = arith.extui %sign3A_191 : i1 to i32
      %sign3A_193 = arith.subi %sign3A_189, %sign3A_192 : i32
      %ne3A = arith.cmpi ne, %sign3A_186, %sign3A_193 : i32
      %rem3A = arith.remsi %scan3A_177, %jit3A : i32
      %ne3A_194 = arith.constant 0 : i32
      %ne3A_195 = arith.cmpi ne, %rem3A, %ne3A_194 : i32
      %and3A = arith.andi %ne3A, %ne3A_195 : i1
      %sub3A = arith.constant 1 : i32
      %sub3A_196 = arith.subi %div3A, %sub3A : i32
      %select_n3A = arith.select %and3A, %sub3A_196, %div3A : i32
      %jit3A_197 = arith.constant 4 : i32
      %eq3A = arith.constant 0 : i32
      %eq3A_198 = arith.cmpi eq, %jit3A_197, %eq3A : i32
      %jit3A_199 = arith.constant 1 : i32
      %select_n3A_200 = arith.select %eq3A_198, %jit3A_199, %jit3A_197 : i32
      %rem3A_201 = arith.remsi %scan3A_177, %select_n3A_200 : i32
      %ne3A_202 = arith.constant 0 : i32
      %ne3A_203 = arith.cmpi ne, %rem3A_201, %ne3A_202 : i32
      %lt3A = arith.constant 0 : i32
      %lt3A_204 = arith.cmpi slt, %rem3A_201, %lt3A : i32
      %lt3A_205 = arith.constant 0 : i32
      %lt3A_206 = arith.cmpi slt, %select_n3A_200, %lt3A_205 : i32
      %ne3A_207 = arith.xori %lt3A_204, %lt3A_206 : i1
      %and3A_208 = arith.andi %ne3A_207, %ne3A_203 : i1
      %add3A_209 = arith.addi %rem3A_201, %select_n3A_200 : i32
      %select_n3A_210 = arith.select %and3A_208, %add3A_209, %rem3A_201 : i32
      %mul3A_211 = arith.constant 16 : i32
      %mul3A_212 = arith.muli %select_n3A_210, %mul3A_211 : i32
      %swap3A_213 = arith.index_cast %select_n3A : i32 to index
      %swap3A_214 = arith.index_cast %mul3A_212 : i32 to index
      %swap3A_215 = tpu.vector_load %arg9[%swap3A_213, %swap3A_214] {strides = array<i32>} : memref<50x64xf32, #tpu.memory_space<vmem>>, vector<1x16xf32>,
      %swap3A_216 = vector.shape_cast %swap3A_215 : vector<1x16xf32> to vector<16xf32>
      %swap3A_217 = vector.shape_cast %broadcast_in_dim3A_180 : vector<16xf32> to vector<1x16xf32>
      tpu.vector_store %arg9[%swap3A_213, %swap3A_214], %swap3A_217 {strides = array<i32>} : memref<50x64xf32, #tpu.memory_space<vmem>>, vector<1x16xf32>,
      %scan3A_218 = arith.constant 0 : i32
      scf.yield %scan3A_218 : i32
    }
    %scan3A_6 = arith.constant 200 : i32
    %scan3A_7 = arith.constant 0 : i32
    %scan3A_8 = arith.constant 0 : i32
    %scan3A_9 = arith.constant 100 : i32
    %scan3A_10 = arith.addi %scan3A_8, %scan3A_9 : i32
    %scan3A_11 = arith.constant 1 : i32
    %scan3A_12 = scf.for %scan3A_177 = %scan3A_8 to %scan3A_10 step %scan3A_11 iter_args(%scan3A_178 = %scan3A_7) -> (i32)  : i32 {
      %broadcast_in_dim3A_179 = arith.constant 0.000000e+00 : f32
      %broadcast_in_dim3A_180 = vector.broadcast %broadcast_in_dim3A_179 : f32 to vector<16xf32>
      %mul3A_181 = arith.constant 16 : i32
      %mul3A_182 = arith.muli %scan3A_177, %mul3A_181 : i32
      %swap3A_183 = arith.index_cast %mul3A_182 : i32 to index
      %swap3A_184 = tpu.vector_load %arg10[%swap3A_183] {strides = array<i32>} : memref<1600xf32, #tpu.memory_space<vmem>>, vector<16xf32>,
      %swap3A_185 = vector.shape_cast %swap3A_184 : vector<16xf32> to vector<16xf32>
      %swap3A_186 = vector.shape_cast %broadcast_in_dim3A_180 : vector<16xf32> to vector<16xf32>
      tpu.vector_store %arg10[%swap3A_183], %swap3A_186 {strides = array<i32>} : memref<1600xf32, #tpu.memory_space<vmem>>, vector<16xf32>,
      %scan3A_187 = arith.constant 0 : i32
      scf.yield %scan3A_187 : i32
    }
    %scan3A_13 = arith.constant 100 : i32
    %broadcast_in_dim3A = arith.constant 1.000000e+00 : f32
    %broadcast_in_dim3A_14 = vector.broadcast %broadcast_in_dim3A : f32 to vector<16xf32>
    %swap3A = arith.constant 0 : index
    %swap3A_15 = tpu.vector_load %arg8[%swap3A] {strides = array<i32>} : memref<128xf32, #tpu.memory_space<vmem>>, vector<16xf32>,
    %swap3A_16 = vector.shape_cast %swap3A_15 : vector<16xf32> to vector<16xf32>
    %swap3A_17 = vector.shape_cast %broadcast_in_dim3A_14 : vector<16xf32> to vector<16xf32>
    tpu.vector_store %arg8[%swap3A], %swap3A_17 {strides = array<i32>} : memref<128xf32, #tpu.memory_space<vmem>>, vector<16xf32>,
    %broadcast_in_dim3A_18 = arith.constant 1.000000e+00 : f32
    %broadcast_in_dim3A_19 = vector.broadcast %broadcast_in_dim3A_18 : f32 to vector<16xf32>
    %swap3A_20 = arith.constant 16 : index
    %swap3A_21 = tpu.vector_load %arg8[%swap3A_20] {strides = array<i32>} : memref<128xf32, #tpu.memory_space<vmem>>, vector<16xf32>,
    %swap3A_22 = vector.shape_cast %swap3A_21 : vector<16xf32> to vector<16xf32>
    %swap3A_23 = vector.shape_cast %broadcast_in_dim3A_19 : vector<16xf32> to vector<16xf32>
    tpu.vector_store %arg8[%swap3A_20], %swap3A_23 {strides = array<i32>} : memref<128xf32, #tpu.memory_space<vmem>>, vector<16xf32>,
    %broadcast_in_dim3A_24 = arith.constant 1.000000e+00 : f32
    %broadcast_in_dim3A_25 = vector.broadcast %broadcast_in_dim3A_24 : f32 to vector<16xf32>
    %swap3A_26 = arith.constant 32 : index
    %swap3A_27 = tpu.vector_load %arg8[%swap3A_26] {strides = array<i32>} : memref<128xf32, #tpu.memory_space<vmem>>, vector<16xf32>,
    %swap3A_28 = vector.shape_cast %swap3A_27 : vector<16xf32> to vector<16xf32>
    %swap3A_29 = vector.shape_cast %broadcast_in_dim3A_25 : vector<16xf32> to vector<16xf32>
    tpu.vector_store %arg8[%swap3A_26], %swap3A_29 {strides = array<i32>} : memref<128xf32, #tpu.memory_space<vmem>>, vector<16xf32>,
    %broadcast_in_dim3A_30 = arith.constant 1.000000e+00 : f32
    %broadcast_in_dim3A_31 = vector.broadcast %broadcast_in_dim3A_30 : f32 to vector<16xf32>
    %swap3A_32 = arith.constant 48 : index
    %swap3A_33 = tpu.vector_load %arg8[%swap3A_32] {strides = array<i32>} : memref<128xf32, #tpu.memory_space<vmem>>, vector<16xf32>,
    %swap3A_34 = vector.shape_cast %swap3A_33 : vector<16xf32> to vector<16xf32>
    %swap3A_35 = vector.shape_cast %broadcast_in_dim3A_31 : vector<16xf32> to vector<16xf32>
    tpu.vector_store %arg8[%swap3A_32], %swap3A_35 {strides = array<i32>} : memref<128xf32, #tpu.memory_space<vmem>>, vector<16xf32>,
    %broadcast_in_dim3A_36 = arith.constant 1.000000e+00 : f32
    %broadcast_in_dim3A_37 = vector.broadcast %broadcast_in_dim3A_36 : f32 to vector<16xf32>
    %swap3A_38 = arith.constant 64 : index
    %swap3A_39 = tpu.vector_load %arg8[%swap3A_38] {strides = array<i32>} : memref<128xf32, #tpu.memory_space<vmem>>, vector<16xf32>,
    %swap3A_40 = vector.shape_cast %swap3A_39 : vector<16xf32> to vector<16xf32>
    %swap3A_41 = vector.shape_cast %broadcast_in_dim3A_37 : vector<16xf32> to vector<16xf32>
    tpu.vector_store %arg8[%swap3A_38], %swap3A_41 {strides = array<i32>} : memref<128xf32, #tpu.memory_space<vmem>>, vector<16xf32>,
    %broadcast_in_dim3A_42 = arith.constant 1.000000e+00 : f32
    %broadcast_in_dim3A_43 = vector.broadcast %broadcast_in_dim3A_42 : f32 to vector<16xf32>
    %swap3A_44 = arith.constant 80 : index
    %swap3A_45 = tpu.vector_load %arg8[%swap3A_44] {strides = array<i32>} : memref<128xf32, #tpu.memory_space<vmem>>, vector<16xf32>,
    %swap3A_46 = vector.shape_cast %swap3A_45 : vector<16xf32> to vector<16xf32>
    %swap3A_47 = vector.shape_cast %broadcast_in_dim3A_43 : vector<16xf32> to vector<16xf32>
    tpu.vector_store %arg8[%swap3A_44], %swap3A_47 {strides = array<i32>} : memref<128xf32, #tpu.memory_space<vmem>>, vector<16xf32>,
    %broadcast_in_dim3A_48 = arith.constant 1.000000e+00 : f32
    %broadcast_in_dim3A_49 = vector.broadcast %broadcast_in_dim3A_48 : f32 to vector<16xf32>
    %swap3A_50 = arith.constant 96 : index
    %swap3A_51 = tpu.vector_load %arg8[%swap3A_50] {strides = array<i32>} : memref<128xf32, #tpu.memory_space<vmem>>, vector<16xf32>,
    %swap3A_52 = vector.shape_cast %swap3A_51 : vector<16xf32> to vector<16xf32>
    %swap3A_53 = vector.shape_cast %broadcast_in_dim3A_49 : vector<16xf32> to vector<16xf32>
    tpu.vector_store %arg8[%swap3A_50], %swap3A_53 {strides = array<i32>} : memref<128xf32, #tpu.memory_space<vmem>>, vector<16xf32>,
    %broadcast_in_dim3A_54 = arith.constant 1.000000e+00 : f32
    %broadcast_in_dim3A_55 = vector.broadcast %broadcast_in_dim3A_54 : f32 to vector<16xf32>
    %swap3A_56 = arith.constant 112 : index
    %swap3A_57 = tpu.vector_load %arg8[%swap3A_56] {strides = array<i32>} : memref<128xf32, #tpu.memory_space<vmem>>, vector<16xf32>,
    %swap3A_58 = vector.shape_cast %swap3A_57 : vector<16xf32> to vector<16xf32>
    %swap3A_59 = vector.shape_cast %broadcast_in_dim3A_55 : vector<16xf32> to vector<16xf32>
    tpu.vector_store %arg8[%swap3A_56], %swap3A_59 {strides = array<i32>} : memref<128xf32, #tpu.memory_space<vmem>>, vector<16xf32>,
    %mul3A_60 = arith.constant 1600 : i32
    %mul3A_61 = arith.muli %arg1, %mul3A_60 : i32
    %add3A = arith.constant 0 : i32
    %add3A_62 = arith.addi %mul3A_61, %add3A : i32
    "tpu.region"() ({
      %run_scoped3A = tpu.sem_alloc : memref<!tpu.dma_semaphore, #tpu.memory_space<semaphore_mem>>
      %dma_start3A_177 = arith.constant 0 : i32
      %dma_start3A_178 = tpu.memref_slice %arg11[%add3A_62, %dma_start3A_177] : memref<25600x64xf32, #tpu.memory_space<vmem_shared>> -> memref<50x64xf32, #tpu.memory_space<vmem_shared>>
      %dma_start3A_179 = arith.constant 0 : i32
      %dma_start3A_180 = tpu.memref_slice %arg11[%add3A_62, %dma_start3A_179] : memref<25600x64xf32, #tpu.memory_space<vmem_shared>> -> memref<50x64xf32, #tpu.memory_space<vmem_shared>>
      tpu.enqueue_dma source(%arg9 : memref<50x64xf32, #tpu.memory_space<vmem>>) target(%dma_start3A_180 : memref<50x64xf32, #tpu.memory_space<vmem_shared>>) target_semaphore(%run_scoped3A : memref<!tpu.dma_semaphore, #tpu.memory_space<semaphore_mem>>)
      %dma_wait3A_181 = arith.constant 0 : i32
      %dma_wait3A_182 = tpu.memref_slice %arg11[%add3A_62, %dma_wait3A_181] : memref<25600x64xf32, #tpu.memory_space<vmem_shared>> -> memref<50x64xf32, #tpu.memory_space<vmem_shared>>
      %dma_wait3A_183 = arith.constant 0 : i32
      %dma_wait3A_184 = tpu.memref_slice %arg11[%add3A_62, %dma_wait3A_183] : memref<25600x64xf32, #tpu.memory_space<vmem_shared>> -> memref<50x64xf32, #tpu.memory_space<vmem_shared>>
      tpu.wait_dma2 semaphore(%run_scoped3A : memref<!tpu.dma_semaphore, #tpu.memory_space<semaphore_mem>>) src(%arg9 : memref<50x64xf32, #tpu.memory_space<vmem>>) dst(%dma_wait3A_184 : memref<50x64xf32, #tpu.memory_space<vmem_shared>>)
      tpu.yield
    }) : () -> ()
    %add3A_63 = arith.constant 50 : i32
    %add3A_64 = arith.addi %mul3A_61, %add3A_63 : i32
    "tpu.region"() ({
      %run_scoped3A = tpu.sem_alloc : memref<!tpu.dma_semaphore, #tpu.memory_space<semaphore_mem>>
      %dma_start3A_177 = arith.constant 0 : i32
      %dma_start3A_178 = tpu.memref_slice %arg11[%add3A_64, %dma_start3A_177] : memref<25600x64xf32, #tpu.memory_space<vmem_shared>> -> memref<50x64xf32, #tpu.memory_space<vmem_shared>>
      %dma_start3A_179 = arith.constant 0 : i32
      %dma_start3A_180 = tpu.memref_slice %arg11[%add3A_64, %dma_start3A_179] : memref<25600x64xf32, #tpu.memory_space<vmem_shared>> -> memref<50x64xf32, #tpu.memory_space<vmem_shared>>
      tpu.enqueue_dma source(%arg9 : memref<50x64xf32, #tpu.memory_space<vmem>>) target(%dma_start3A_180 : memref<50x64xf32, #tpu.memory_space<vmem_shared>>) target_semaphore(%run_scoped3A : memref<!tpu.dma_semaphore, #tpu.memory_space<semaphore_mem>>)
      %dma_wait3A_181 = arith.constant 0 : i32
      %dma_wait3A_182 = tpu.memref_slice %arg11[%add3A_64, %dma_wait3A_181] : memref<25600x64xf32, #tpu.memory_space<vmem_shared>> -> memref<50x64xf32, #tpu.memory_space<vmem_shared>>
      %dma_wait3A_183 = arith.constant 0 : i32
      %dma_wait3A_184 = tpu.memref_slice %arg11[%add3A_64, %dma_wait3A_183] : memref<25600x64xf32, #tpu.memory_space<vmem_shared>> -> memref<50x64xf32, #tpu.memory_space<vmem_shared>>
      tpu.wait_dma2 semaphore(%run_scoped3A : memref<!tpu.dma_semaphore, #tpu.memory_space<semaphore_mem>>) src(%arg9 : memref<50x64xf32, #tpu.memory_space<vmem>>) dst(%dma_wait3A_184 : memref<50x64xf32, #tpu.memory_space<vmem_shared>>)
      tpu.yield
    }) : () -> ()
    %add3A_65 = arith.constant 100 : i32
    %add3A_66 = arith.addi %mul3A_61, %add3A_65 : i32
    "tpu.region"() ({
      %run_scoped3A = tpu.sem_alloc : memref<!tpu.dma_semaphore, #tpu.memory_space<semaphore_mem>>
      %dma_start3A_177 = arith.constant 0 : i32
      %dma_start3A_178 = tpu.memref_slice %arg11[%add3A_66, %dma_start3A_177] : memref<25600x64xf32, #tpu.memory_space<vmem_shared>> -> memref<50x64xf32, #tpu.memory_space<vmem_shared>>
      %dma_start3A_179 = arith.constant 0 : i32
      %dma_start3A_180 = tpu.memref_slice %arg11[%add3A_66, %dma_start3A_179] : memref<25600x64xf32, #tpu.memory_space<vmem_shared>> -> memref<50x64xf32, #tpu.memory_space<vmem_shared>>
      tpu.enqueue_dma source(%arg9 : memref<50x64xf32, #tpu.memory_space<vmem>>) target(%dma_start3A_180 : memref<50x64xf32, #tpu.memory_space<vmem_shared>>) target_semaphore(%run_scoped3A : memref<!tpu.dma_semaphore, #tpu.memory_space<semaphore_mem>>)
      %dma_wait3A_181 = arith.constant 0 : i32
      %dma_wait3A_182 = tpu.memref_slice %arg11[%add3A_66, %dma_wait3A_181] : memref<25600x64xf32, #tpu.memory_space<vmem_shared>> -> memref<50x64xf32, #tpu.memory_space<vmem_shared>>
      %dma_wait3A_183 = arith.constant 0 : i32
      %dma_wait3A_184 = tpu.memref_slice %arg11[%add3A_66, %dma_wait3A_183] : memref<25600x64xf32, #tpu.memory_space<vmem_shared>> -> memref<50x64xf32, #tpu.memory_space<vmem_shared>>
      tpu.wait_dma2 semaphore(%run_scoped3A : memref<!tpu.dma_semaphore, #tpu.memory_space<semaphore_mem>>) src(%arg9 : memref<50x64xf32, #tpu.memory_space<vmem>>) dst(%dma_wait3A_184 : memref<50x64xf32, #tpu.memory_space<vmem_shared>>)
      tpu.yield
    }) : () -> ()
    %add3A_67 = arith.constant 150 : i32
    %add3A_68 = arith.addi %mul3A_61, %add3A_67 : i32
    "tpu.region"() ({
      %run_scoped3A = tpu.sem_alloc : memref<!tpu.dma_semaphore, #tpu.memory_space<semaphore_mem>>
      %dma_start3A_177 = arith.constant 0 : i32
      %dma_start3A_178 = tpu.memref_slice %arg11[%add3A_68, %dma_start3A_177] : memref<25600x64xf32, #tpu.memory_space<vmem_shared>> -> memref<50x64xf32, #tpu.memory_space<vmem_shared>>
      %dma_start3A_179 = arith.constant 0 : i32
      %dma_start3A_180 = tpu.memref_slice %arg11[%add3A_68, %dma_start3A_179] : memref<25600x64xf32, #tpu.memory_space<vmem_shared>> -> memref<50x64xf32, #tpu.memory_space<vmem_shared>>
      tpu.enqueue_dma source(%arg9 : memref<50x64xf32, #tpu.memory_space<vmem>>) target(%dma_start3A_180 : memref<50x64xf32, #tpu.memory_space<vmem_shared>>) target_semaphore(%run_scoped3A : memref<!tpu.dma_semaphore, #tpu.memory_space<semaphore_mem>>)
      %dma_wait3A_181 = arith.constant 0 : i32
      %dma_wait3A_182 = tpu.memref_slice %arg11[%add3A_68, %dma_wait3A_181] : memref<25600x64xf32, #tpu.memory_space<vmem_shared>> -> memref<50x64xf32, #tpu.memory_space<vmem_shared>>
      %dma_wait3A_183 = arith.constant 0 : i32
      %dma_wait3A_184 = tpu.memref_slice %arg11[%add3A_68, %dma_wait3A_183] : memref<25600x64xf32, #tpu.memory_space<vmem_shared>> -> memref<50x64xf32, #tpu.memory_space<vmem_shared>>
      tpu.wait_dma2 semaphore(%run_scoped3A : memref<!tpu.dma_semaphore, #tpu.memory_space<semaphore_mem>>) src(%arg9 : memref<50x64xf32, #tpu.memory_space<vmem>>) dst(%dma_wait3A_184 : memref<50x64xf32, #tpu.memory_space<vmem_shared>>)
      tpu.yield
    }) : () -> ()
    %add3A_69 = arith.constant 200 : i32
    %add3A_70 = arith.addi %mul3A_61, %add3A_69 : i32
    "tpu.region"() ({
      %run_scoped3A = tpu.sem_alloc : memref<!tpu.dma_semaphore, #tpu.memory_space<semaphore_mem>>
      %dma_start3A_177 = arith.constant 0 : i32
      %dma_start3A_178 = tpu.memref_slice %arg11[%add3A_70, %dma_start3A_177] : memref<25600x64xf32, #tpu.memory_space<vmem_shared>> -> memref<50x64xf32, #tpu.memory_space<vmem_shared>>
      %dma_start3A_179 = arith.constant 0 : i32
      %dma_start3A_180 = tpu.memref_slice %arg11[%add3A_70, %dma_start3A_179] : memref<25600x64xf32, #tpu.memory_space<vmem_shared>> -> memref<50x64xf32, #tpu.memory_space<vmem_shared>>
      tpu.enqueue_dma source(%arg9 : memref<50x64xf32, #tpu.memory_space<vmem>>) target(%dma_start3A_180 : memref<50x64xf32, #tpu.memory_space<vmem_shared>>) target_semaphore(%run_scoped3A : memref<!tpu.dma_semaphore, #tpu.memory_space<semaphore_mem>>)
      %dma_wait3A_181 = arith.constant 0 : i32
      %dma_wait3A_182 = tpu.memref_slice %arg11[%add3A_70, %dma_wait3A_181] : memref<25600x64xf32, #tpu.memory_space<vmem_shared>> -> memref<50x64xf32, #tpu.memory_space<vmem_shared>>
      %dma_wait3A_183 = arith.constant 0 : i32
      %dma_wait3A_184 = tpu.memref_slice %arg11[%add3A_70, %dma_wait3A_183] : memref<25600x64xf32, #tpu.memory_space<vmem_shared>> -> memref<50x64xf32, #tpu.memory_space<vmem_shared>>
      tpu.wait_dma2 semaphore(%run_scoped3A : memref<!tpu.dma_semaphore, #tpu.memory_space<semaphore_mem>>) src(%arg9 : memref<50x64xf32, #tpu.memory_space<vmem>>) dst(%dma_wait3A_184 : memref<50x64xf32, #tpu.memory_space<vmem_shared>>)
      tpu.yield
    }) : () -> ()
    %add3A_71 = arith.constant 250 : i32
    %add3A_72 = arith.addi %mul3A_61, %add3A_71 : i32
    "tpu.region"() ({
      %run_scoped3A = tpu.sem_alloc : memref<!tpu.dma_semaphore, #tpu.memory_space<semaphore_mem>>
      %dma_start3A_177 = arith.constant 0 : i32
      %dma_start3A_178 = tpu.memref_slice %arg11[%add3A_72, %dma_start3A_177] : memref<25600x64xf32, #tpu.memory_space<vmem_shared>> -> memref<50x64xf32, #tpu.memory_space<vmem_shared>>
      %dma_start3A_179 = arith.constant 0 : i32
      %dma_start3A_180 = tpu.memref_slice %arg11[%add3A_72, %dma_start3A_179] : memref<25600x64xf32, #tpu.memory_space<vmem_shared>> -> memref<50x64xf32, #tpu.memory_space<vmem_shared>>
      tpu.enqueue_dma source(%arg9 : memref<50x64xf32, #tpu.memory_space<vmem>>) target(%dma_start3A_180 : memref<50x64xf32, #tpu.memory_space<vmem_shared>>) target_semaphore(%run_scoped3A : memref<!tpu.dma_semaphore, #tpu.memory_space<semaphore_mem>>)
      %dma_wait3A_181 = arith.constant 0 : i32
      %dma_wait3A_182 = tpu.memref_slice %arg11[%add3A_72, %dma_wait3A_181] : memref<25600x64xf32, #tpu.memory_space<vmem_shared>> -> memref<50x64xf32, #tpu.memory_space<vmem_shared>>
      %dma_wait3A_183 = arith.constant 0 : i32
      %dma_wait3A_184 = tpu.memref_slice %arg11[%add3A_72, %dma_wait3A_183] : memref<25600x64xf32, #tpu.memory_space<vmem_shared>> -> memref<50x64xf32, #tpu.memory_space<vmem_shared>>
      tpu.wait_dma2 semaphore(%run_scoped3A : memref<!tpu.dma_semaphore, #tpu.memory_space<semaphore_mem>>) src(%arg9 : memref<50x64xf32, #tpu.memory_space<vmem>>) dst(%dma_wait3A_184 : memref<50x64xf32, #tpu.memory_space<vmem_shared>>)
      tpu.yield
    }) : () -> ()
    %add3A_73 = arith.constant 300 : i32
    %add3A_74 = arith.addi %mul3A_61, %add3A_73 : i32
    "tpu.region"() ({
      %run_scoped3A = tpu.sem_alloc : memref<!tpu.dma_semaphore, #tpu.memory_space<semaphore_mem>>
      %dma_start3A_177 = arith.constant 0 : i32
      %dma_start3A_178 = tpu.memref_slice %arg11[%add3A_74, %dma_start3A_177] : memref<25600x64xf32, #tpu.memory_space<vmem_shared>> -> memref<50x64xf32, #tpu.memory_space<vmem_shared>>
      %dma_start3A_179 = arith.constant 0 : i32
      %dma_start3A_180 = tpu.memref_slice %arg11[%add3A_74, %dma_start3A_179] : memref<25600x64xf32, #tpu.memory_space<vmem_shared>> -> memref<50x64xf32, #tpu.memory_space<vmem_shared>>
      tpu.enqueue_dma source(%arg9 : memref<50x64xf32, #tpu.memory_space<vmem>>) target(%dma_start3A_180 : memref<50x64xf32, #tpu.memory_space<vmem_shared>>) target_semaphore(%run_scoped3A : memref<!tpu.dma_semaphore, #tpu.memory_space<semaphore_mem>>)
      %dma_wait3A_181 = arith.constant 0 : i32
      %dma_wait3A_182 = tpu.memref_slice %arg11[%add3A_74, %dma_wait3A_181] : memref<25600x64xf32, #tpu.memory_space<vmem_shared>> -> memref<50x64xf32, #tpu.memory_space<vmem_shared>>
      %dma_wait3A_183 = arith.constant 0 : i32
      %dma_wait3A_184 = tpu.memref_slice %arg11[%add3A_74, %dma_wait3A_183] : memref<25600x64xf32, #tpu.memory_space<vmem_shared>> -> memref<50x64xf32, #tpu.memory_space<vmem_shared>>
      tpu.wait_dma2 semaphore(%run_scoped3A : memref<!tpu.dma_semaphore, #tpu.memory_space<semaphore_mem>>) src(%arg9 : memref<50x64xf32, #tpu.memory_space<vmem>>) dst(%dma_wait3A_184 : memref<50x64xf32, #tpu.memory_space<vmem_shared>>)
      tpu.yield
    }) : () -> ()
    %add3A_75 = arith.constant 350 : i32
    %add3A_76 = arith.addi %mul3A_61, %add3A_75 : i32
    "tpu.region"() ({
      %run_scoped3A = tpu.sem_alloc : memref<!tpu.dma_semaphore, #tpu.memory_space<semaphore_mem>>
      %dma_start3A_177 = arith.constant 0 : i32
      %dma_start3A_178 = tpu.memref_slice %arg11[%add3A_76, %dma_start3A_177] : memref<25600x64xf32, #tpu.memory_space<vmem_shared>> -> memref<50x64xf32, #tpu.memory_space<vmem_shared>>
      %dma_start3A_179 = arith.constant 0 : i32
      %dma_start3A_180 = tpu.memref_slice %arg11[%add3A_76, %dma_start3A_179] : memref<25600x64xf32, #tpu.memory_space<vmem_shared>> -> memref<50x64xf32, #tpu.memory_space<vmem_shared>>
      tpu.enqueue_dma source(%arg9 : memref<50x64xf32, #tpu.memory_space<vmem>>) target(%dma_start3A_180 : memref<50x64xf32, #tpu.memory_space<vmem_shared>>) target_semaphore(%run_scoped3A : memref<!tpu.dma_semaphore, #tpu.memory_space<semaphore_mem>>)
      %dma_wait3A_181 = arith.constant 0 : i32
      %dma_wait3A_182 = tpu.memref_slice %arg11[%add3A_76, %dma_wait3A_181] : memref<25600x64xf32, #tpu.memory_space<vmem_shared>> -> memref<50x64xf32, #tpu.memory_space<vmem_shared>>
      %dma_wait3A_183 = arith.constant 0 : i32
      %dma_wait3A_184 = tpu.memref_slice %arg11[%add3A_76, %dma_wait3A_183] : memref<25600x64xf32, #tpu.memory_space<vmem_shared>> -> memref<50x64xf32, #tpu.memory_space<vmem_shared>>
      tpu.wait_dma2 semaphore(%run_scoped3A : memref<!tpu.dma_semaphore, #tpu.memory_space<semaphore_mem>>) src(%arg9 : memref<50x64xf32, #tpu.memory_space<vmem>>) dst(%dma_wait3A_184 : memref<50x64xf32, #tpu.memory_space<vmem_shared>>)
      tpu.yield
    }) : () -> ()
    %add3A_77 = arith.constant 400 : i32
    %add3A_78 = arith.addi %mul3A_61, %add3A_77 : i32
    "tpu.region"() ({
      %run_scoped3A = tpu.sem_alloc : memref<!tpu.dma_semaphore, #tpu.memory_space<semaphore_mem>>
      %dma_start3A_177 = arith.constant 0 : i32
      %dma_start3A_178 = tpu.memref_slice %arg11[%add3A_78, %dma_start3A_177] : memref<25600x64xf32, #tpu.memory_space<vmem_shared>> -> memref<50x64xf32, #tpu.memory_space<vmem_shared>>
      %dma_start3A_179 = arith.constant 0 : i32
      %dma_start3A_180 = tpu.memref_slice %arg11[%add3A_78, %dma_start3A_179] : memref<25600x64xf32, #tpu.memory_space<vmem_shared>> -> memref<50x64xf32, #tpu.memory_space<vmem_shared>>
      tpu.enqueue_dma source(%arg9 : memref<50x64xf32, #tpu.memory_space<vmem>>) target(%dma_start3A_180 : memref<50x64xf32, #tpu.memory_space<vmem_shared>>) target_semaphore(%run_scoped3A : memref<!tpu.dma_semaphore, #tpu.memory_space<semaphore_mem>>)
      %dma_wait3A_181 = arith.constant 0 : i32
      %dma_wait3A_182 = tpu.memref_slice %arg11[%add3A_78, %dma_wait3A_181] : memref<25600x64xf32, #tpu.memory_space<vmem_shared>> -> memref<50x64xf32, #tpu.memory_space<vmem_shared>>
      %dma_wait3A_183 = arith.constant 0 : i32
      %dma_wait3A_184 = tpu.memref_slice %arg11[%add3A_78, %dma_wait3A_183] : memref<25600x64xf32, #tpu.memory_space<vmem_shared>> -> memref<50x64xf32, #tpu.memory_space<vmem_shared>>
      tpu.wait_dma2 semaphore(%run_scoped3A : memref<!tpu.dma_semaphore, #tpu.memory_space<semaphore_mem>>) src(%arg9 : memref<50x64xf32, #tpu.memory_space<vmem>>) dst(%dma_wait3A_184 : memref<50x64xf32, #tpu.memory_space<vmem_shared>>)
      tpu.yield
    }) : () -> ()
    %add3A_79 = arith.constant 450 : i32
    %add3A_80 = arith.addi %mul3A_61, %add3A_79 : i32
    "tpu.region"() ({
      %run_scoped3A = tpu.sem_alloc : memref<!tpu.dma_semaphore, #tpu.memory_space<semaphore_mem>>
      %dma_start3A_177 = arith.constant 0 : i32
      %dma_start3A_178 = tpu.memref_slice %arg11[%add3A_80, %dma_start3A_177] : memref<25600x64xf32, #tpu.memory_space<vmem_shared>> -> memref<50x64xf32, #tpu.memory_space<vmem_shared>>
      %dma_start3A_179 = arith.constant 0 : i32
      %dma_start3A_180 = tpu.memref_slice %arg11[%add3A_80, %dma_start3A_179] : memref<25600x64xf32, #tpu.memory_space<vmem_shared>> -> memref<50x64xf32, #tpu.memory_space<vmem_shared>>
      tpu.enqueue_dma source(%arg9 : memref<50x64xf32, #tpu.memory_space<vmem>>) target(%dma_start3A_180 : memref<50x64xf32, #tpu.memory_space<vmem_shared>>) target_semaphore(%run_scoped3A : memref<!tpu.dma_semaphore, #tpu.memory_space<semaphore_mem>>)
      %dma_wait3A_181 = arith.constant 0 : i32
      %dma_wait3A_182 = tpu.memref_slice %arg11[%add3A_80, %dma_wait3A_181] : memref<25600x64xf32, #tpu.memory_space<vmem_shared>> -> memref<50x64xf32, #tpu.memory_space<vmem_shared>>
      %dma_wait3A_183 = arith.constant 0 : i32
      %dma_wait3A_184 = tpu.memref_slice %arg11[%add3A_80, %dma_wait3A_183] : memref<25600x64xf32, #tpu.memory_space<vmem_shared>> -> memref<50x64xf32, #tpu.memory_space<vmem_shared>>
      tpu.wait_dma2 semaphore(%run_scoped3A : memref<!tpu.dma_semaphore, #tpu.memory_space<semaphore_mem>>) src(%arg9 : memref<50x64xf32, #tpu.memory_space<vmem>>) dst(%dma_wait3A_184 : memref<50x64xf32, #tpu.memory_space<vmem_shared>>)
      tpu.yield
    }) : () -> ()
    %add3A_81 = arith.constant 500 : i32
    %add3A_82 = arith.addi %mul3A_61, %add3A_81 : i32
    "tpu.region"() ({
      %run_scoped3A = tpu.sem_alloc : memref<!tpu.dma_semaphore, #tpu.memory_space<semaphore_mem>>
      %dma_start3A_177 = arith.constant 0 : i32
      %dma_start3A_178 = tpu.memref_slice %arg11[%add3A_82, %dma_start3A_177] : memref<25600x64xf32, #tpu.memory_space<vmem_shared>> -> memref<50x64xf32, #tpu.memory_space<vmem_shared>>
      %dma_start3A_179 = arith.constant 0 : i32
      %dma_start3A_180 = tpu.memref_slice %arg11[%add3A_82, %dma_start3A_179] : memref<25600x64xf32, #tpu.memory_space<vmem_shared>> -> memref<50x64xf32, #tpu.memory_space<vmem_shared>>
      tpu.enqueue_dma source(%arg9 : memref<50x64xf32, #tpu.memory_space<vmem>>) target(%dma_start3A_180 : memref<50x64xf32, #tpu.memory_space<vmem_shared>>) target_semaphore(%run_scoped3A : memref<!tpu.dma_semaphore, #tpu.memory_space<semaphore_mem>>)
      %dma_wait3A_181 = arith.constant 0 : i32
      %dma_wait3A_182 = tpu.memref_slice %arg11[%add3A_82, %dma_wait3A_181] : memref<25600x64xf32, #tpu.memory_space<vmem_shared>> -> memref<50x64xf32, #tpu.memory_space<vmem_shared>>
      %dma_wait3A_183 = arith.constant 0 : i32
      %dma_wait3A_184 = tpu.memref_slice %arg11[%add3A_82, %dma_wait3A_183] : memref<25600x64xf32, #tpu.memory_space<vmem_shared>> -> memref<50x64xf32, #tpu.memory_space<vmem_shared>>
      tpu.wait_dma2 semaphore(%run_scoped3A : memref<!tpu.dma_semaphore, #tpu.memory_space<semaphore_mem>>) src(%arg9 : memref<50x64xf32, #tpu.memory_space<vmem>>) dst(%dma_wait3A_184 : memref<50x64xf32, #tpu.memory_space<vmem_shared>>)
      tpu.yield
    }) : () -> ()
    %add3A_83 = arith.constant 550 : i32
    %add3A_84 = arith.addi %mul3A_61, %add3A_83 : i32
    "tpu.region"() ({
      %run_scoped3A = tpu.sem_alloc : memref<!tpu.dma_semaphore, #tpu.memory_space<semaphore_mem>>
      %dma_start3A_177 = arith.constant 0 : i32
      %dma_start3A_178 = tpu.memref_slice %arg11[%add3A_84, %dma_start3A_177] : memref<25600x64xf32, #tpu.memory_space<vmem_shared>> -> memref<50x64xf32, #tpu.memory_space<vmem_shared>>
      %dma_start3A_179 = arith.constant 0 : i32
      %dma_start3A_180 = tpu.memref_slice %arg11[%add3A_84, %dma_start3A_179] : memref<25600x64xf32, #tpu.memory_space<vmem_shared>> -> memref<50x64xf32, #tpu.memory_space<vmem_shared>>
      tpu.enqueue_dma source(%arg9 : memref<50x64xf32, #tpu.memory_space<vmem>>) target(%dma_start3A_180 : memref<50x64xf32, #tpu.memory_space<vmem_shared>>) target_semaphore(%run_scoped3A : memref<!tpu.dma_semaphore, #tpu.memory_space<semaphore_mem>>)
      %dma_wait3A_181 = arith.constant 0 : i32
      %dma_wait3A_182 = tpu.memref_slice %arg11[%add3A_84, %dma_wait3A_181] : memref<25600x64xf32, #tpu.memory_space<vmem_shared>> -> memref<50x64xf32, #tpu.memory_space<vmem_shared>>
      %dma_wait3A_183 = arith.constant 0 : i32
      %dma_wait3A_184 = tpu.memref_slice %arg11[%add3A_84, %dma_wait3A_183] : memref<25600x64xf32, #tpu.memory_space<vmem_shared>> -> memref<50x64xf32, #tpu.memory_space<vmem_shared>>
      tpu.wait_dma2 semaphore(%run_scoped3A : memref<!tpu.dma_semaphore, #tpu.memory_space<semaphore_mem>>) src(%arg9 : memref<50x64xf32, #tpu.memory_space<vmem>>) dst(%dma_wait3A_184 : memref<50x64xf32, #tpu.memory_space<vmem_shared>>)
      tpu.yield
    }) : () -> ()
    %add3A_85 = arith.constant 600 : i32
    %add3A_86 = arith.addi %mul3A_61, %add3A_85 : i32
    "tpu.region"() ({
      %run_scoped3A = tpu.sem_alloc : memref<!tpu.dma_semaphore, #tpu.memory_space<semaphore_mem>>
      %dma_start3A_177 = arith.constant 0 : i32
      %dma_start3A_178 = tpu.memref_slice %arg11[%add3A_86, %dma_start3A_177] : memref<25600x64xf32, #tpu.memory_space<vmem_shared>> -> memref<50x64xf32, #tpu.memory_space<vmem_shared>>
      %dma_start3A_179 = arith.constant 0 : i32
      %dma_start3A_180 = tpu.memref_slice %arg11[%add3A_86, %dma_start3A_179] : memref<25600x64xf32, #tpu.memory_space<vmem_shared>> -> memref<50x64xf32, #tpu.memory_space<vmem_shared>>
      tpu.enqueue_dma source(%arg9 : memref<50x64xf32, #tpu.memory_space<vmem>>) target(%dma_start3A_180 : memref<50x64xf32, #tpu.memory_space<vmem_shared>>) target_semaphore(%run_scoped3A : memref<!tpu.dma_semaphore, #tpu.memory_space<semaphore_mem>>)
      %dma_wait3A_181 = arith.constant 0 : i32
      %dma_wait3A_182 = tpu.memref_slice %arg11[%add3A_86, %dma_wait3A_181] : memref<25600x64xf32, #tpu.memory_space<vmem_shared>> -> memref<50x64xf32, #tpu.memory_space<vmem_shared>>
      %dma_wait3A_183 = arith.constant 0 : i32
      %dma_wait3A_184 = tpu.memref_slice %arg11[%add3A_86, %dma_wait3A_183] : memref<25600x64xf32, #tpu.memory_space<vmem_shared>> -> memref<50x64xf32, #tpu.memory_space<vmem_shared>>
      tpu.wait_dma2 semaphore(%run_scoped3A : memref<!tpu.dma_semaphore, #tpu.memory_space<semaphore_mem>>) src(%arg9 : memref<50x64xf32, #tpu.memory_space<vmem>>) dst(%dma_wait3A_184 : memref<50x64xf32, #tpu.memory_space<vmem_shared>>)
      tpu.yield
    }) : () -> ()
    %add3A_87 = arith.constant 650 : i32
    %add3A_88 = arith.addi %mul3A_61, %add3A_87 : i32
    "tpu.region"() ({
      %run_scoped3A = tpu.sem_alloc : memref<!tpu.dma_semaphore, #tpu.memory_space<semaphore_mem>>
      %dma_start3A_177 = arith.constant 0 : i32
      %dma_start3A_178 = tpu.memref_slice %arg11[%add3A_88, %dma_start3A_177] : memref<25600x64xf32, #tpu.memory_space<vmem_shared>> -> memref<50x64xf32, #tpu.memory_space<vmem_shared>>
      %dma_start3A_179 = arith.constant 0 : i32
      %dma_start3A_180 = tpu.memref_slice %arg11[%add3A_88, %dma_start3A_179] : memref<25600x64xf32, #tpu.memory_space<vmem_shared>> -> memref<50x64xf32, #tpu.memory_space<vmem_shared>>
      tpu.enqueue_dma source(%arg9 : memref<50x64xf32, #tpu.memory_space<vmem>>) target(%dma_start3A_180 : memref<50x64xf32, #tpu.memory_space<vmem_shared>>) target_semaphore(%run_scoped3A : memref<!tpu.dma_semaphore, #tpu.memory_space<semaphore_mem>>)
      %dma_wait3A_181 = arith.constant 0 : i32
      %dma_wait3A_182 = tpu.memref_slice %arg11[%add3A_88, %dma_wait3A_181] : memref<25600x64xf32, #tpu.memory_space<vmem_shared>> -> memref<50x64xf32, #tpu.memory_space<vmem_shared>>
      %dma_wait3A_183 = arith.constant 0 : i32
      %dma_wait3A_184 = tpu.memref_slice %arg11[%add3A_88, %dma_wait3A_183] : memref<25600x64xf32, #tpu.memory_space<vmem_shared>> -> memref<50x64xf32, #tpu.memory_space<vmem_shared>>
      tpu.wait_dma2 semaphore(%run_scoped3A : memref<!tpu.dma_semaphore, #tpu.memory_space<semaphore_mem>>) src(%arg9 : memref<50x64xf32, #tpu.memory_space<vmem>>) dst(%dma_wait3A_184 : memref<50x64xf32, #tpu.memory_space<vmem_shared>>)
      tpu.yield
    }) : () -> ()
    %add3A_89 = arith.constant 700 : i32
    %add3A_90 = arith.addi %mul3A_61, %add3A_89 : i32
    "tpu.region"() ({
      %run_scoped3A = tpu.sem_alloc : memref<!tpu.dma_semaphore, #tpu.memory_space<semaphore_mem>>
      %dma_start3A_177 = arith.constant 0 : i32
      %dma_start3A_178 = tpu.memref_slice %arg11[%add3A_90, %dma_start3A_177] : memref<25600x64xf32, #tpu.memory_space<vmem_shared>> -> memref<50x64xf32, #tpu.memory_space<vmem_shared>>
      %dma_start3A_179 = arith.constant 0 : i32
      %dma_start3A_180 = tpu.memref_slice %arg11[%add3A_90, %dma_start3A_179] : memref<25600x64xf32, #tpu.memory_space<vmem_shared>> -> memref<50x64xf32, #tpu.memory_space<vmem_shared>>
      tpu.enqueue_dma source(%arg9 : memref<50x64xf32, #tpu.memory_space<vmem>>) target(%dma_start3A_180 : memref<50x64xf32, #tpu.memory_space<vmem_shared>>) target_semaphore(%run_scoped3A : memref<!tpu.dma_semaphore, #tpu.memory_space<semaphore_mem>>)
      %dma_wait3A_181 = arith.constant 0 : i32
      %dma_wait3A_182 = tpu.memref_slice %arg11[%add3A_90, %dma_wait3A_181] : memref<25600x64xf32, #tpu.memory_space<vmem_shared>> -> memref<50x64xf32, #tpu.memory_space<vmem_shared>>
      %dma_wait3A_183 = arith.constant 0 : i32
      %dma_wait3A_184 = tpu.memref_slice %arg11[%add3A_90, %dma_wait3A_183] : memref<25600x64xf32, #tpu.memory_space<vmem_shared>> -> memref<50x64xf32, #tpu.memory_space<vmem_shared>>
      tpu.wait_dma2 semaphore(%run_scoped3A : memref<!tpu.dma_semaphore, #tpu.memory_space<semaphore_mem>>) src(%arg9 : memref<50x64xf32, #tpu.memory_space<vmem>>) dst(%dma_wait3A_184 : memref<50x64xf32, #tpu.memory_space<vmem_shared>>)
      tpu.yield
    }) : () -> ()
    %add3A_91 = arith.constant 750 : i32
    %add3A_92 = arith.addi %mul3A_61, %add3A_91 : i32
    "tpu.region"() ({
      %run_scoped3A = tpu.sem_alloc : memref<!tpu.dma_semaphore, #tpu.memory_space<semaphore_mem>>
      %dma_start3A_177 = arith.constant 0 : i32
      %dma_start3A_178 = tpu.memref_slice %arg11[%add3A_92, %dma_start3A_177] : memref<25600x64xf32, #tpu.memory_space<vmem_shared>> -> memref<50x64xf32, #tpu.memory_space<vmem_shared>>
      %dma_start3A_179 = arith.constant 0 : i32
      %dma_start3A_180 = tpu.memref_slice %arg11[%add3A_92, %dma_start3A_179] : memref<25600x64xf32, #tpu.memory_space<vmem_shared>> -> memref<50x64xf32, #tpu.memory_space<vmem_shared>>
      tpu.enqueue_dma source(%arg9 : memref<50x64xf32, #tpu.memory_space<vmem>>) target(%dma_start3A_180 : memref<50x64xf32, #tpu.memory_space<vmem_shared>>) target_semaphore(%run_scoped3A : memref<!tpu.dma_semaphore, #tpu.memory_space<semaphore_mem>>)
      %dma_wait3A_181 = arith.constant 0 : i32
      %dma_wait3A_182 = tpu.memref_slice %arg11[%add3A_92, %dma_wait3A_181] : memref<25600x64xf32, #tpu.memory_space<vmem_shared>> -> memref<50x64xf32, #tpu.memory_space<vmem_shared>>
      %dma_wait3A_183 = arith.constant 0 : i32
      %dma_wait3A_184 = tpu.memref_slice %arg11[%add3A_92, %dma_wait3A_183] : memref<25600x64xf32, #tpu.memory_space<vmem_shared>> -> memref<50x64xf32, #tpu.memory_space<vmem_shared>>
      tpu.wait_dma2 semaphore(%run_scoped3A : memref<!tpu.dma_semaphore, #tpu.memory_space<semaphore_mem>>) src(%arg9 : memref<50x64xf32, #tpu.memory_space<vmem>>) dst(%dma_wait3A_184 : memref<50x64xf32, #tpu.memory_space<vmem_shared>>)
      tpu.yield
    }) : () -> ()
    %add3A_93 = arith.constant 800 : i32
    %add3A_94 = arith.addi %mul3A_61, %add3A_93 : i32
    "tpu.region"() ({
      %run_scoped3A = tpu.sem_alloc : memref<!tpu.dma_semaphore, #tpu.memory_space<semaphore_mem>>
      %dma_start3A_177 = arith.constant 0 : i32
      %dma_start3A_178 = tpu.memref_slice %arg11[%add3A_94, %dma_start3A_177] : memref<25600x64xf32, #tpu.memory_space<vmem_shared>> -> memref<50x64xf32, #tpu.memory_space<vmem_shared>>
      %dma_start3A_179 = arith.constant 0 : i32
      %dma_start3A_180 = tpu.memref_slice %arg11[%add3A_94, %dma_start3A_179] : memref<25600x64xf32, #tpu.memory_space<vmem_shared>> -> memref<50x64xf32, #tpu.memory_space<vmem_shared>>
      tpu.enqueue_dma source(%arg9 : memref<50x64xf32, #tpu.memory_space<vmem>>) target(%dma_start3A_180 : memref<50x64xf32, #tpu.memory_space<vmem_shared>>) target_semaphore(%run_scoped3A : memref<!tpu.dma_semaphore, #tpu.memory_space<semaphore_mem>>)
      %dma_wait3A_181 = arith.constant 0 : i32
      %dma_wait3A_182 = tpu.memref_slice %arg11[%add3A_94, %dma_wait3A_181] : memref<25600x64xf32, #tpu.memory_space<vmem_shared>> -> memref<50x64xf32, #tpu.memory_space<vmem_shared>>
      %dma_wait3A_183 = arith.constant 0 : i32
      %dma_wait3A_184 = tpu.memref_slice %arg11[%add3A_94, %dma_wait3A_183] : memref<25600x64xf32, #tpu.memory_space<vmem_shared>> -> memref<50x64xf32, #tpu.memory_space<vmem_shared>>
      tpu.wait_dma2 semaphore(%run_scoped3A : memref<!tpu.dma_semaphore, #tpu.memory_space<semaphore_mem>>) src(%arg9 : memref<50x64xf32, #tpu.memory_space<vmem>>) dst(%dma_wait3A_184 : memref<50x64xf32, #tpu.memory_space<vmem_shared>>)
      tpu.yield
    }) : () -> ()
    %add3A_95 = arith.constant 850 : i32
    %add3A_96 = arith.addi %mul3A_61, %add3A_95 : i32
    "tpu.region"() ({
      %run_scoped3A = tpu.sem_alloc : memref<!tpu.dma_semaphore, #tpu.memory_space<semaphore_mem>>
      %dma_start3A_177 = arith.constant 0 : i32
      %dma_start3A_178 = tpu.memref_slice %arg11[%add3A_96, %dma_start3A_177] : memref<25600x64xf32, #tpu.memory_space<vmem_shared>> -> memref<50x64xf32, #tpu.memory_space<vmem_shared>>
      %dma_start3A_179 = arith.constant 0 : i32
      %dma_start3A_180 = tpu.memref_slice %arg11[%add3A_96, %dma_start3A_179] : memref<25600x64xf32, #tpu.memory_space<vmem_shared>> -> memref<50x64xf32, #tpu.memory_space<vmem_shared>>
      tpu.enqueue_dma source(%arg9 : memref<50x64xf32, #tpu.memory_space<vmem>>) target(%dma_start3A_180 : memref<50x64xf32, #tpu.memory_space<vmem_shared>>) target_semaphore(%run_scoped3A : memref<!tpu.dma_semaphore, #tpu.memory_space<semaphore_mem>>)
      %dma_wait3A_181 = arith.constant 0 : i32
      %dma_wait3A_182 = tpu.memref_slice %arg11[%add3A_96, %dma_wait3A_181] : memref<25600x64xf32, #tpu.memory_space<vmem_shared>> -> memref<50x64xf32, #tpu.memory_space<vmem_shared>>
      %dma_wait3A_183 = arith.constant 0 : i32
      %dma_wait3A_184 = tpu.memref_slice %arg11[%add3A_96, %dma_wait3A_183] : memref<25600x64xf32, #tpu.memory_space<vmem_shared>> -> memref<50x64xf32, #tpu.memory_space<vmem_shared>>
      tpu.wait_dma2 semaphore(%run_scoped3A : memref<!tpu.dma_semaphore, #tpu.memory_space<semaphore_mem>>) src(%arg9 : memref<50x64xf32, #tpu.memory_space<vmem>>) dst(%dma_wait3A_184 : memref<50x64xf32, #tpu.memory_space<vmem_shared>>)
      tpu.yield
    }) : () -> ()
    %add3A_97 = arith.constant 900 : i32
    %add3A_98 = arith.addi %mul3A_61, %add3A_97 : i32
    "tpu.region"() ({
      %run_scoped3A = tpu.sem_alloc : memref<!tpu.dma_semaphore, #tpu.memory_space<semaphore_mem>>
      %dma_start3A_177 = arith.constant 0 : i32
      %dma_start3A_178 = tpu.memref_slice %arg11[%add3A_98, %dma_start3A_177] : memref<25600x64xf32, #tpu.memory_space<vmem_shared>> -> memref<50x64xf32, #tpu.memory_space<vmem_shared>>
      %dma_start3A_179 = arith.constant 0 : i32
      %dma_start3A_180 = tpu.memref_slice %arg11[%add3A_98, %dma_start3A_179] : memref<25600x64xf32, #tpu.memory_space<vmem_shared>> -> memref<50x64xf32, #tpu.memory_space<vmem_shared>>
      tpu.enqueue_dma source(%arg9 : memref<50x64xf32, #tpu.memory_space<vmem>>) target(%dma_start3A_180 : memref<50x64xf32, #tpu.memory_space<vmem_shared>>) target_semaphore(%run_scoped3A : memref<!tpu.dma_semaphore, #tpu.memory_space<semaphore_mem>>)
      %dma_wait3A_181 = arith.constant 0 : i32
      %dma_wait3A_182 = tpu.memref_slice %arg11[%add3A_98, %dma_wait3A_181] : memref<25600x64xf32, #tpu.memory_space<vmem_shared>> -> memref<50x64xf32, #tpu.memory_space<vmem_shared>>
      %dma_wait3A_183 = arith.constant 0 : i32
      %dma_wait3A_184 = tpu.memref_slice %arg11[%add3A_98, %dma_wait3A_183] : memref<25600x64xf32, #tpu.memory_space<vmem_shared>> -> memref<50x64xf32, #tpu.memory_space<vmem_shared>>
      tpu.wait_dma2 semaphore(%run_scoped3A : memref<!tpu.dma_semaphore, #tpu.memory_space<semaphore_mem>>) src(%arg9 : memref<50x64xf32, #tpu.memory_space<vmem>>) dst(%dma_wait3A_184 : memref<50x64xf32, #tpu.memory_space<vmem_shared>>)
      tpu.yield
    }) : () -> ()
    %add3A_99 = arith.constant 950 : i32
    %add3A_100 = arith.addi %mul3A_61, %add3A_99 : i32
    "tpu.region"() ({
      %run_scoped3A = tpu.sem_alloc : memref<!tpu.dma_semaphore, #tpu.memory_space<semaphore_mem>>
      %dma_start3A_177 = arith.constant 0 : i32
      %dma_start3A_178 = tpu.memref_slice %arg11[%add3A_100, %dma_start3A_177] : memref<25600x64xf32, #tpu.memory_space<vmem_shared>> -> memref<50x64xf32, #tpu.memory_space<vmem_shared>>
      %dma_start3A_179 = arith.constant 0 : i32
      %dma_start3A_180 = tpu.memref_slice %arg11[%add3A_100, %dma_start3A_179] : memref<25600x64xf32, #tpu.memory_space<vmem_shared>> -> memref<50x64xf32, #tpu.memory_space<vmem_shared>>
      tpu.enqueue_dma source(%arg9 : memref<50x64xf32, #tpu.memory_space<vmem>>) target(%dma_start3A_180 : memref<50x64xf32, #tpu.memory_space<vmem_shared>>) target_semaphore(%run_scoped3A : memref<!tpu.dma_semaphore, #tpu.memory_space<semaphore_mem>>)
      %dma_wait3A_181 = arith.constant 0 : i32
      %dma_wait3A_182 = tpu.memref_slice %arg11[%add3A_100, %dma_wait3A_181] : memref<25600x64xf32, #tpu.memory_space<vmem_shared>> -> memref<50x64xf32, #tpu.memory_space<vmem_shared>>
      %dma_wait3A_183 = arith.constant 0 : i32
      %dma_wait3A_184 = tpu.memref_slice %arg11[%add3A_100, %dma_wait3A_183] : memref<25600x64xf32, #tpu.memory_space<vmem_shared>> -> memref<50x64xf32, #tpu.memory_space<vmem_shared>>
      tpu.wait_dma2 semaphore(%run_scoped3A : memref<!tpu.dma_semaphore, #tpu.memory_space<semaphore_mem>>) src(%arg9 : memref<50x64xf32, #tpu.memory_space<vmem>>) dst(%dma_wait3A_184 : memref<50x64xf32, #tpu.memory_space<vmem_shared>>)
      tpu.yield
    }) : () -> ()
    %add3A_101 = arith.constant 1000 : i32
    %add3A_102 = arith.addi %mul3A_61, %add3A_101 : i32
    "tpu.region"() ({
      %run_scoped3A = tpu.sem_alloc : memref<!tpu.dma_semaphore, #tpu.memory_space<semaphore_mem>>
      %dma_start3A_177 = arith.constant 0 : i32
      %dma_start3A_178 = tpu.memref_slice %arg11[%add3A_102, %dma_start3A_177] : memref<25600x64xf32, #tpu.memory_space<vmem_shared>> -> memref<50x64xf32, #tpu.memory_space<vmem_shared>>
      %dma_start3A_179 = arith.constant 0 : i32
      %dma_start3A_180 = tpu.memref_slice %arg11[%add3A_102, %dma_start3A_179] : memref<25600x64xf32, #tpu.memory_space<vmem_shared>> -> memref<50x64xf32, #tpu.memory_space<vmem_shared>>
      tpu.enqueue_dma source(%arg9 : memref<50x64xf32, #tpu.memory_space<vmem>>) target(%dma_start3A_180 : memref<50x64xf32, #tpu.memory_space<vmem_shared>>) target_semaphore(%run_scoped3A : memref<!tpu.dma_semaphore, #tpu.memory_space<semaphore_mem>>)
      %dma_wait3A_181 = arith.constant 0 : i32
      %dma_wait3A_182 = tpu.memref_slice %arg11[%add3A_102, %dma_wait3A_181] : memref<25600x64xf32, #tpu.memory_space<vmem_shared>> -> memref<50x64xf32, #tpu.memory_space<vmem_shared>>
      %dma_wait3A_183 = arith.constant 0 : i32
      %dma_wait3A_184 = tpu.memref_slice %arg11[%add3A_102, %dma_wait3A_183] : memref<25600x64xf32, #tpu.memory_space<vmem_shared>> -> memref<50x64xf32, #tpu.memory_space<vmem_shared>>
      tpu.wait_dma2 semaphore(%run_scoped3A : memref<!tpu.dma_semaphore, #tpu.memory_space<semaphore_mem>>) src(%arg9 : memref<50x64xf32, #tpu.memory_space<vmem>>) dst(%dma_wait3A_184 : memref<50x64xf32, #tpu.memory_space<vmem_shared>>)
      tpu.yield
    }) : () -> ()
    %add3A_103 = arith.constant 1050 : i32
    %add3A_104 = arith.addi %mul3A_61, %add3A_103 : i32
    "tpu.region"() ({
      %run_scoped3A = tpu.sem_alloc : memref<!tpu.dma_semaphore, #tpu.memory_space<semaphore_mem>>
      %dma_start3A_177 = arith.constant 0 : i32
      %dma_start3A_178 = tpu.memref_slice %arg11[%add3A_104, %dma_start3A_177] : memref<25600x64xf32, #tpu.memory_space<vmem_shared>> -> memref<50x64xf32, #tpu.memory_space<vmem_shared>>
      %dma_start3A_179 = arith.constant 0 : i32
      %dma_start3A_180 = tpu.memref_slice %arg11[%add3A_104, %dma_start3A_179] : memref<25600x64xf32, #tpu.memory_space<vmem_shared>> -> memref<50x64xf32, #tpu.memory_space<vmem_shared>>
      tpu.enqueue_dma source(%arg9 : memref<50x64xf32, #tpu.memory_space<vmem>>) target(%dma_start3A_180 : memref<50x64xf32, #tpu.memory_space<vmem_shared>>) target_semaphore(%run_scoped3A : memref<!tpu.dma_semaphore, #tpu.memory_space<semaphore_mem>>)
      %dma_wait3A_181 = arith.constant 0 : i32
      %dma_wait3A_182 = tpu.memref_slice %arg11[%add3A_104, %dma_wait3A_181] : memref<25600x64xf32, #tpu.memory_space<vmem_shared>> -> memref<50x64xf32, #tpu.memory_space<vmem_shared>>
      %dma_wait3A_183 = arith.constant 0 : i32
      %dma_wait3A_184 = tpu.memref_slice %arg11[%add3A_104, %dma_wait3A_183] : memref<25600x64xf32, #tpu.memory_space<vmem_shared>> -> memref<50x64xf32, #tpu.memory_space<vmem_shared>>
      tpu.wait_dma2 semaphore(%run_scoped3A : memref<!tpu.dma_semaphore, #tpu.memory_space<semaphore_mem>>) src(%arg9 : memref<50x64xf32, #tpu.memory_space<vmem>>) dst(%dma_wait3A_184 : memref<50x64xf32, #tpu.memory_space<vmem_shared>>)
      tpu.yield
    }) : () -> ()
    %add3A_105 = arith.constant 1100 : i32
    %add3A_106 = arith.addi %mul3A_61, %add3A_105 : i32
    "tpu.region"() ({
      %run_scoped3A = tpu.sem_alloc : memref<!tpu.dma_semaphore, #tpu.memory_space<semaphore_mem>>
      %dma_start3A_177 = arith.constant 0 : i32
      %dma_start3A_178 = tpu.memref_slice %arg11[%add3A_106, %dma_start3A_177] : memref<25600x64xf32, #tpu.memory_space<vmem_shared>> -> memref<50x64xf32, #tpu.memory_space<vmem_shared>>
      %dma_start3A_179 = arith.constant 0 : i32
      %dma_start3A_180 = tpu.memref_slice %arg11[%add3A_106, %dma_start3A_179] : memref<25600x64xf32, #tpu.memory_space<vmem_shared>> -> memref<50x64xf32, #tpu.memory_space<vmem_shared>>
      tpu.enqueue_dma source(%arg9 : memref<50x64xf32, #tpu.memory_space<vmem>>) target(%dma_start3A_180 : memref<50x64xf32, #tpu.memory_space<vmem_shared>>) target_semaphore(%run_scoped3A : memref<!tpu.dma_semaphore, #tpu.memory_space<semaphore_mem>>)
      %dma_wait3A_181 = arith.constant 0 : i32
      %dma_wait3A_182 = tpu.memref_slice %arg11[%add3A_106, %dma_wait3A_181] : memref<25600x64xf32, #tpu.memory_space<vmem_shared>> -> memref<50x64xf32, #tpu.memory_space<vmem_shared>>
      %dma_wait3A_183 = arith.constant 0 : i32
      %dma_wait3A_184 = tpu.memref_slice %arg11[%add3A_106, %dma_wait3A_183] : memref<25600x64xf32, #tpu.memory_space<vmem_shared>> -> memref<50x64xf32, #tpu.memory_space<vmem_shared>>
      tpu.wait_dma2 semaphore(%run_scoped3A : memref<!tpu.dma_semaphore, #tpu.memory_space<semaphore_mem>>) src(%arg9 : memref<50x64xf32, #tpu.memory_space<vmem>>) dst(%dma_wait3A_184 : memref<50x64xf32, #tpu.memory_space<vmem_shared>>)
      tpu.yield
    }) : () -> ()
    %add3A_107 = arith.constant 1150 : i32
    %add3A_108 = arith.addi %mul3A_61, %add3A_107 : i32
    "tpu.region"() ({
      %run_scoped3A = tpu.sem_alloc : memref<!tpu.dma_semaphore, #tpu.memory_space<semaphore_mem>>
      %dma_start3A_177 = arith.constant 0 : i32
      %dma_start3A_178 = tpu.memref_slice %arg11[%add3A_108, %dma_start3A_177] : memref<25600x64xf32, #tpu.memory_space<vmem_shared>> -> memref<50x64xf32, #tpu.memory_space<vmem_shared>>
      %dma_start3A_179 = arith.constant 0 : i32
      %dma_start3A_180 = tpu.memref_slice %arg11[%add3A_108, %dma_start3A_179] : memref<25600x64xf32, #tpu.memory_space<vmem_shared>> -> memref<50x64xf32, #tpu.memory_space<vmem_shared>>
      tpu.enqueue_dma source(%arg9 : memref<50x64xf32, #tpu.memory_space<vmem>>) target(%dma_start3A_180 : memref<50x64xf32, #tpu.memory_space<vmem_shared>>) target_semaphore(%run_scoped3A : memref<!tpu.dma_semaphore, #tpu.memory_space<semaphore_mem>>)
      %dma_wait3A_181 = arith.constant 0 : i32
      %dma_wait3A_182 = tpu.memref_slice %arg11[%add3A_108, %dma_wait3A_181] : memref<25600x64xf32, #tpu.memory_space<vmem_shared>> -> memref<50x64xf32, #tpu.memory_space<vmem_shared>>
      %dma_wait3A_183 = arith.constant 0 : i32
      %dma_wait3A_184 = tpu.memref_slice %arg11[%add3A_108, %dma_wait3A_183] : memref<25600x64xf32, #tpu.memory_space<vmem_shared>> -> memref<50x64xf32, #tpu.memory_space<vmem_shared>>
      tpu.wait_dma2 semaphore(%run_scoped3A : memref<!tpu.dma_semaphore, #tpu.memory_space<semaphore_mem>>) src(%arg9 : memref<50x64xf32, #tpu.memory_space<vmem>>) dst(%dma_wait3A_184 : memref<50x64xf32, #tpu.memory_space<vmem_shared>>)
      tpu.yield
    }) : () -> ()
    %add3A_109 = arith.constant 1200 : i32
    %add3A_110 = arith.addi %mul3A_61, %add3A_109 : i32
    "tpu.region"() ({
      %run_scoped3A = tpu.sem_alloc : memref<!tpu.dma_semaphore, #tpu.memory_space<semaphore_mem>>
      %dma_start3A_177 = arith.constant 0 : i32
      %dma_start3A_178 = tpu.memref_slice %arg11[%add3A_110, %dma_start3A_177] : memref<25600x64xf32, #tpu.memory_space<vmem_shared>> -> memref<50x64xf32, #tpu.memory_space<vmem_shared>>
      %dma_start3A_179 = arith.constant 0 : i32
      %dma_start3A_180 = tpu.memref_slice %arg11[%add3A_110, %dma_start3A_179] : memref<25600x64xf32, #tpu.memory_space<vmem_shared>> -> memref<50x64xf32, #tpu.memory_space<vmem_shared>>
      tpu.enqueue_dma source(%arg9 : memref<50x64xf32, #tpu.memory_space<vmem>>) target(%dma_start3A_180 : memref<50x64xf32, #tpu.memory_space<vmem_shared>>) target_semaphore(%run_scoped3A : memref<!tpu.dma_semaphore, #tpu.memory_space<semaphore_mem>>)
      %dma_wait3A_181 = arith.constant 0 : i32
      %dma_wait3A_182 = tpu.memref_slice %arg11[%add3A_110, %dma_wait3A_181] : memref<25600x64xf32, #tpu.memory_space<vmem_shared>> -> memref<50x64xf32, #tpu.memory_space<vmem_shared>>
      %dma_wait3A_183 = arith.constant 0 : i32
      %dma_wait3A_184 = tpu.memref_slice %arg11[%add3A_110, %dma_wait3A_183] : memref<25600x64xf32, #tpu.memory_space<vmem_shared>> -> memref<50x64xf32, #tpu.memory_space<vmem_shared>>
      tpu.wait_dma2 semaphore(%run_scoped3A : memref<!tpu.dma_semaphore, #tpu.memory_space<semaphore_mem>>) src(%arg9 : memref<50x64xf32, #tpu.memory_space<vmem>>) dst(%dma_wait3A_184 : memref<50x64xf32, #tpu.memory_space<vmem_shared>>)
      tpu.yield
    }) : () -> ()
    %add3A_111 = arith.constant 1250 : i32
    %add3A_112 = arith.addi %mul3A_61, %add3A_111 : i32
    "tpu.region"() ({
      %run_scoped3A = tpu.sem_alloc : memref<!tpu.dma_semaphore, #tpu.memory_space<semaphore_mem>>
      %dma_start3A_177 = arith.constant 0 : i32
      %dma_start3A_178 = tpu.memref_slice %arg11[%add3A_112, %dma_start3A_177] : memref<25600x64xf32, #tpu.memory_space<vmem_shared>> -> memref<50x64xf32, #tpu.memory_space<vmem_shared>>
      %dma_start3A_179 = arith.constant 0 : i32
      %dma_start3A_180 = tpu.memref_slice %arg11[%add3A_112, %dma_start3A_179] : memref<25600x64xf32, #tpu.memory_space<vmem_shared>> -> memref<50x64xf32, #tpu.memory_space<vmem_shared>>
      tpu.enqueue_dma source(%arg9 : memref<50x64xf32, #tpu.memory_space<vmem>>) target(%dma_start3A_180 : memref<50x64xf32, #tpu.memory_space<vmem_shared>>) target_semaphore(%run_scoped3A : memref<!tpu.dma_semaphore, #tpu.memory_space<semaphore_mem>>)
      %dma_wait3A_181 = arith.constant 0 : i32
      %dma_wait3A_182 = tpu.memref_slice %arg11[%add3A_112, %dma_wait3A_181] : memref<25600x64xf32, #tpu.memory_space<vmem_shared>> -> memref<50x64xf32, #tpu.memory_space<vmem_shared>>
      %dma_wait3A_183 = arith.constant 0 : i32
      %dma_wait3A_184 = tpu.memref_slice %arg11[%add3A_112, %dma_wait3A_183] : memref<25600x64xf32, #tpu.memory_space<vmem_shared>> -> memref<50x64xf32, #tpu.memory_space<vmem_shared>>
      tpu.wait_dma2 semaphore(%run_scoped3A : memref<!tpu.dma_semaphore, #tpu.memory_space<semaphore_mem>>) src(%arg9 : memref<50x64xf32, #tpu.memory_space<vmem>>) dst(%dma_wait3A_184 : memref<50x64xf32, #tpu.memory_space<vmem_shared>>)
      tpu.yield
    }) : () -> ()
    %add3A_113 = arith.constant 1300 : i32
    %add3A_114 = arith.addi %mul3A_61, %add3A_113 : i32
    "tpu.region"() ({
      %run_scoped3A = tpu.sem_alloc : memref<!tpu.dma_semaphore, #tpu.memory_space<semaphore_mem>>
      %dma_start3A_177 = arith.constant 0 : i32
      %dma_start3A_178 = tpu.memref_slice %arg11[%add3A_114, %dma_start3A_177] : memref<25600x64xf32, #tpu.memory_space<vmem_shared>> -> memref<50x64xf32, #tpu.memory_space<vmem_shared>>
      %dma_start3A_179 = arith.constant 0 : i32
      %dma_start3A_180 = tpu.memref_slice %arg11[%add3A_114, %dma_start3A_179] : memref<25600x64xf32, #tpu.memory_space<vmem_shared>> -> memref<50x64xf32, #tpu.memory_space<vmem_shared>>
      tpu.enqueue_dma source(%arg9 : memref<50x64xf32, #tpu.memory_space<vmem>>) target(%dma_start3A_180 : memref<50x64xf32, #tpu.memory_space<vmem_shared>>) target_semaphore(%run_scoped3A : memref<!tpu.dma_semaphore, #tpu.memory_space<semaphore_mem>>)
      %dma_wait3A_181 = arith.constant 0 : i32
      %dma_wait3A_182 = tpu.memref_slice %arg11[%add3A_114, %dma_wait3A_181] : memref<25600x64xf32, #tpu.memory_space<vmem_shared>> -> memref<50x64xf32, #tpu.memory_space<vmem_shared>>
      %dma_wait3A_183 = arith.constant 0 : i32
      %dma_wait3A_184 = tpu.memref_slice %arg11[%add3A_114, %dma_wait3A_183] : memref<25600x64xf32, #tpu.memory_space<vmem_shared>> -> memref<50x64xf32, #tpu.memory_space<vmem_shared>>
      tpu.wait_dma2 semaphore(%run_scoped3A : memref<!tpu.dma_semaphore, #tpu.memory_space<semaphore_mem>>) src(%arg9 : memref<50x64xf32, #tpu.memory_space<vmem>>) dst(%dma_wait3A_184 : memref<50x64xf32, #tpu.memory_space<vmem_shared>>)
      tpu.yield
    }) : () -> ()
    %add3A_115 = arith.constant 1350 : i32
    %add3A_116 = arith.addi %mul3A_61, %add3A_115 : i32
    "tpu.region"() ({
      %run_scoped3A = tpu.sem_alloc : memref<!tpu.dma_semaphore, #tpu.memory_space<semaphore_mem>>
      %dma_start3A_177 = arith.constant 0 : i32
      %dma_start3A_178 = tpu.memref_slice %arg11[%add3A_116, %dma_start3A_177] : memref<25600x64xf32, #tpu.memory_space<vmem_shared>> -> memref<50x64xf32, #tpu.memory_space<vmem_shared>>
      %dma_start3A_179 = arith.constant 0 : i32
      %dma_start3A_180 = tpu.memref_slice %arg11[%add3A_116, %dma_start3A_179] : memref<25600x64xf32, #tpu.memory_space<vmem_shared>> -> memref<50x64xf32, #tpu.memory_space<vmem_shared>>
      tpu.enqueue_dma source(%arg9 : memref<50x64xf32, #tpu.memory_space<vmem>>) target(%dma_start3A_180 : memref<50x64xf32, #tpu.memory_space<vmem_shared>>) target_semaphore(%run_scoped3A : memref<!tpu.dma_semaphore, #tpu.memory_space<semaphore_mem>>)
      %dma_wait3A_181 = arith.constant 0 : i32
      %dma_wait3A_182 = tpu.memref_slice %arg11[%add3A_116, %dma_wait3A_181] : memref<25600x64xf32, #tpu.memory_space<vmem_shared>> -> memref<50x64xf32, #tpu.memory_space<vmem_shared>>
      %dma_wait3A_183 = arith.constant 0 : i32
      %dma_wait3A_184 = tpu.memref_slice %arg11[%add3A_116, %dma_wait3A_183] : memref<25600x64xf32, #tpu.memory_space<vmem_shared>> -> memref<50x64xf32, #tpu.memory_space<vmem_shared>>
      tpu.wait_dma2 semaphore(%run_scoped3A : memref<!tpu.dma_semaphore, #tpu.memory_space<semaphore_mem>>) src(%arg9 : memref<50x64xf32, #tpu.memory_space<vmem>>) dst(%dma_wait3A_184 : memref<50x64xf32, #tpu.memory_space<vmem_shared>>)
      tpu.yield
    }) : () -> ()
    %add3A_117 = arith.constant 1400 : i32
    %add3A_118 = arith.addi %mul3A_61, %add3A_117 : i32
    "tpu.region"() ({
      %run_scoped3A = tpu.sem_alloc : memref<!tpu.dma_semaphore, #tpu.memory_space<semaphore_mem>>
      %dma_start3A_177 = arith.constant 0 : i32
      %dma_start3A_178 = tpu.memref_slice %arg11[%add3A_118, %dma_start3A_177] : memref<25600x64xf32, #tpu.memory_space<vmem_shared>> -> memref<50x64xf32, #tpu.memory_space<vmem_shared>>
      %dma_start3A_179 = arith.constant 0 : i32
      %dma_start3A_180 = tpu.memref_slice %arg11[%add3A_118, %dma_start3A_179] : memref<25600x64xf32, #tpu.memory_space<vmem_shared>> -> memref<50x64xf32, #tpu.memory_space<vmem_shared>>
      tpu.enqueue_dma source(%arg9 : memref<50x64xf32, #tpu.memory_space<vmem>>) target(%dma_start3A_180 : memref<50x64xf32, #tpu.memory_space<vmem_shared>>) target_semaphore(%run_scoped3A : memref<!tpu.dma_semaphore, #tpu.memory_space<semaphore_mem>>)
      %dma_wait3A_181 = arith.constant 0 : i32
      %dma_wait3A_182 = tpu.memref_slice %arg11[%add3A_118, %dma_wait3A_181] : memref<25600x64xf32, #tpu.memory_space<vmem_shared>> -> memref<50x64xf32, #tpu.memory_space<vmem_shared>>
      %dma_wait3A_183 = arith.constant 0 : i32
      %dma_wait3A_184 = tpu.memref_slice %arg11[%add3A_118, %dma_wait3A_183] : memref<25600x64xf32, #tpu.memory_space<vmem_shared>> -> memref<50x64xf32, #tpu.memory_space<vmem_shared>>
      tpu.wait_dma2 semaphore(%run_scoped3A : memref<!tpu.dma_semaphore, #tpu.memory_space<semaphore_mem>>) src(%arg9 : memref<50x64xf32, #tpu.memory_space<vmem>>) dst(%dma_wait3A_184 : memref<50x64xf32, #tpu.memory_space<vmem_shared>>)
      tpu.yield
    }) : () -> ()
    %add3A_119 = arith.constant 1450 : i32
    %add3A_120 = arith.addi %mul3A_61, %add3A_119 : i32
    "tpu.region"() ({
      %run_scoped3A = tpu.sem_alloc : memref<!tpu.dma_semaphore, #tpu.memory_space<semaphore_mem>>
      %dma_start3A_177 = arith.constant 0 : i32
      %dma_start3A_178 = tpu.memref_slice %arg11[%add3A_120, %dma_start3A_177] : memref<25600x64xf32, #tpu.memory_space<vmem_shared>> -> memref<50x64xf32, #tpu.memory_space<vmem_shared>>
      %dma_start3A_179 = arith.constant 0 : i32
      %dma_start3A_180 = tpu.memref_slice %arg11[%add3A_120, %dma_start3A_179] : memref<25600x64xf32, #tpu.memory_space<vmem_shared>> -> memref<50x64xf32, #tpu.memory_space<vmem_shared>>
      tpu.enqueue_dma source(%arg9 : memref<50x64xf32, #tpu.memory_space<vmem>>) target(%dma_start3A_180 : memref<50x64xf32, #tpu.memory_space<vmem_shared>>) target_semaphore(%run_scoped3A : memref<!tpu.dma_semaphore, #tpu.memory_space<semaphore_mem>>)
      %dma_wait3A_181 = arith.constant 0 : i32
      %dma_wait3A_182 = tpu.memref_slice %arg11[%add3A_120, %dma_wait3A_181] : memref<25600x64xf32, #tpu.memory_space<vmem_shared>> -> memref<50x64xf32, #tpu.memory_space<vmem_shared>>
      %dma_wait3A_183 = arith.constant 0 : i32
      %dma_wait3A_184 = tpu.memref_slice %arg11[%add3A_120, %dma_wait3A_183] : memref<25600x64xf32, #tpu.memory_space<vmem_shared>> -> memref<50x64xf32, #tpu.memory_space<vmem_shared>>
      tpu.wait_dma2 semaphore(%run_scoped3A : memref<!tpu.dma_semaphore, #tpu.memory_space<semaphore_mem>>) src(%arg9 : memref<50x64xf32, #tpu.memory_space<vmem>>) dst(%dma_wait3A_184 : memref<50x64xf32, #tpu.memory_space<vmem_shared>>)
      tpu.yield
    }) : () -> ()
    %add3A_121 = arith.constant 1500 : i32
    %add3A_122 = arith.addi %mul3A_61, %add3A_121 : i32
    "tpu.region"() ({
      %run_scoped3A = tpu.sem_alloc : memref<!tpu.dma_semaphore, #tpu.memory_space<semaphore_mem>>
      %dma_start3A_177 = arith.constant 0 : i32
      %dma_start3A_178 = tpu.memref_slice %arg11[%add3A_122, %dma_start3A_177] : memref<25600x64xf32, #tpu.memory_space<vmem_shared>> -> memref<50x64xf32, #tpu.memory_space<vmem_shared>>
      %dma_start3A_179 = arith.constant 0 : i32
      %dma_start3A_180 = tpu.memref_slice %arg11[%add3A_122, %dma_start3A_179] : memref<25600x64xf32, #tpu.memory_space<vmem_shared>> -> memref<50x64xf32, #tpu.memory_space<vmem_shared>>
      tpu.enqueue_dma source(%arg9 : memref<50x64xf32, #tpu.memory_space<vmem>>) target(%dma_start3A_180 : memref<50x64xf32, #tpu.memory_space<vmem_shared>>) target_semaphore(%run_scoped3A : memref<!tpu.dma_semaphore, #tpu.memory_space<semaphore_mem>>)
      %dma_wait3A_181 = arith.constant 0 : i32
      %dma_wait3A_182 = tpu.memref_slice %arg11[%add3A_122, %dma_wait3A_181] : memref<25600x64xf32, #tpu.memory_space<vmem_shared>> -> memref<50x64xf32, #tpu.memory_space<vmem_shared>>
      %dma_wait3A_183 = arith.constant 0 : i32
      %dma_wait3A_184 = tpu.memref_slice %arg11[%add3A_122, %dma_wait3A_183] : memref<25600x64xf32, #tpu.memory_space<vmem_shared>> -> memref<50x64xf32, #tpu.memory_space<vmem_shared>>
      tpu.wait_dma2 semaphore(%run_scoped3A : memref<!tpu.dma_semaphore, #tpu.memory_space<semaphore_mem>>) src(%arg9 : memref<50x64xf32, #tpu.memory_space<vmem>>) dst(%dma_wait3A_184 : memref<50x64xf32, #tpu.memory_space<vmem_shared>>)
      tpu.yield
    }) : () -> ()
    %add3A_123 = arith.constant 1550 : i32
    %add3A_124 = arith.addi %mul3A_61, %add3A_123 : i32
    "tpu.region"() ({
      %run_scoped3A = tpu.sem_alloc : memref<!tpu.dma_semaphore, #tpu.memory_space<semaphore_mem>>
      %dma_start3A_177 = arith.constant 0 : i32
      %dma_start3A_178 = tpu.memref_slice %arg11[%add3A_124, %dma_start3A_177] : memref<25600x64xf32, #tpu.memory_space<vmem_shared>> -> memref<50x64xf32, #tpu.memory_space<vmem_shared>>
      %dma_start3A_179 = arith.constant 0 : i32
      %dma_start3A_180 = tpu.memref_slice %arg11[%add3A_124, %dma_start3A_179] : memref<25600x64xf32, #tpu.memory_space<vmem_shared>> -> memref<50x64xf32, #tpu.memory_space<vmem_shared>>
      tpu.enqueue_dma source(%arg9 : memref<50x64xf32, #tpu.memory_space<vmem>>) target(%dma_start3A_180 : memref<50x64xf32, #tpu.memory_space<vmem_shared>>) target_semaphore(%run_scoped3A : memref<!tpu.dma_semaphore, #tpu.memory_space<semaphore_mem>>)
      %dma_wait3A_181 = arith.constant 0 : i32
      %dma_wait3A_182 = tpu.memref_slice %arg11[%add3A_124, %dma_wait3A_181] : memref<25600x64xf32, #tpu.memory_space<vmem_shared>> -> memref<50x64xf32, #tpu.memory_space<vmem_shared>>
      %dma_wait3A_183 = arith.constant 0 : i32
      %dma_wait3A_184 = tpu.memref_slice %arg11[%add3A_124, %dma_wait3A_183] : memref<25600x64xf32, #tpu.memory_space<vmem_shared>> -> memref<50x64xf32, #tpu.memory_space<vmem_shared>>
      tpu.wait_dma2 semaphore(%run_scoped3A : memref<!tpu.dma_semaphore, #tpu.memory_space<semaphore_mem>>) src(%arg9 : memref<50x64xf32, #tpu.memory_space<vmem>>) dst(%dma_wait3A_184 : memref<50x64xf32, #tpu.memory_space<vmem_shared>>)
      tpu.yield
    }) : () -> ()
    "tpu.region"() ({
      %run_scoped3A = tpu.sem_alloc : memref<!tpu.dma_semaphore, #tpu.memory_space<semaphore_mem>>
      %dma_start3A_177 = tpu.memref_slice %arg12[%mul3A_61] : memref<25600xf32, #tpu.memory_space<vmem_shared>> -> memref<1600xf32, #tpu.memory_space<vmem_shared>>
      %dma_start3A_178 = tpu.memref_slice %arg12[%mul3A_61] : memref<25600xf32, #tpu.memory_space<vmem_shared>> -> memref<1600xf32, #tpu.memory_space<vmem_shared>>
      tpu.enqueue_dma source(%arg10 : memref<1600xf32, #tpu.memory_space<vmem>>) target(%dma_start3A_178 : memref<1600xf32, #tpu.memory_space<vmem_shared>>) target_semaphore(%run_scoped3A : memref<!tpu.dma_semaphore, #tpu.memory_space<semaphore_mem>>)
      %dma_wait3A_179 = tpu.memref_slice %arg12[%mul3A_61] : memref<25600xf32, #tpu.memory_space<vmem_shared>> -> memref<1600xf32, #tpu.memory_space<vmem_shared>>
      %dma_wait3A_180 = tpu.memref_slice %arg12[%mul3A_61] : memref<25600xf32, #tpu.memory_space<vmem_shared>> -> memref<1600xf32, #tpu.memory_space<vmem_shared>>
      tpu.wait_dma2 semaphore(%run_scoped3A : memref<!tpu.dma_semaphore, #tpu.memory_space<semaphore_mem>>) src(%arg10 : memref<1600xf32, #tpu.memory_space<vmem>>) dst(%dma_wait3A_180 : memref<1600xf32, #tpu.memory_space<vmem_shared>>)
      tpu.yield
    }) : () -> ()
    %barrier3A = arith.constant 0 : index
    tpu.barrier barrier_id(%barrier3A)
    %mul3A_125 = arith.constant 392 : i32
    %mul3A_126 = arith.muli %arg1, %mul3A_125 : i32
    %dma_start3A = arith.constant 0 : i32
    %dma_start3A_127 = arith.constant 0 : i32
    %dma_start3A_128 = arith.constant 0 : i32
    %dma_start3A_129 = tpu.memref_slice %arg5[%dma_start3A, %dma_start3A_127, %dma_start3A_128] : memref<2x2x128xi32, #tpu.memory_space<vmem>> -> memref<1x2x128xi32, #tpu.memory_space<vmem>>
    %dma_start3A_130 = tpu.memref_squeeze %dma_start3A_129 : memref<1x2x128xi32, #tpu.memory_space<vmem>> -> memref<2x128xi32, #tpu.memory_space<vmem>>
    %dma_start3A_131 = arith.constant 0 : i32
    %dma_start3A_132 = arith.constant 0 : i32
    %dma_start3A_133 = tpu.memref_slice %arg3[%mul3A_126, %dma_start3A_131, %dma_start3A_132] : memref<6272x2x128xi32, #tpu.memory_space<hbm>> -> memref<1x2x128xi32, #tpu.memory_space<hbm>>
    %dma_start3A_134 = tpu.memref_squeeze %dma_start3A_133 : memref<1x2x128xi32, #tpu.memory_space<hbm>> -> memref<2x128xi32, #tpu.memory_space<hbm>>
    %dma_start3A_135 = arith.constant 0 : i32
    %dma_start3A_136 = arith.constant 0 : i32
    %dma_start3A_137 = tpu.memref_slice %arg5[%dma_start3A, %dma_start3A_135, %dma_start3A_136] : memref<2x2x128xi32, #tpu.memory_space<vmem>> -> memref<1x2x128xi32, #tpu.memory_space<vmem>>
    %dma_start3A_138 = tpu.memref_squeeze %dma_start3A_137 : memref<1x2x128xi32, #tpu.memory_space<vmem>> -> memref<2x128xi32, #tpu.memory_space<vmem>>
    %dma_start3A_139 = arith.constant 0 : i32
    %dma_start3A_140 = arith.constant 0 : i32
    %dma_start3A_141 = tpu.memref_slice %arg3[%mul3A_126, %dma_start3A_139, %dma_start3A_140] : memref<6272x2x128xi32, #tpu.memory_space<hbm>> -> memref<1x2x128xi32, #tpu.memory_space<hbm>>
    %dma_start3A_142 = tpu.memref_squeeze %dma_start3A_141 : memref<1x2x128xi32, #tpu.memory_space<hbm>> -> memref<2x128xi32, #tpu.memory_space<hbm>>
    tpu.enqueue_dma source(%dma_start3A_142 : memref<2x128xi32, #tpu.memory_space<hbm>>) target(%dma_start3A_138 : memref<2x128xi32, #tpu.memory_space<vmem>>) target_semaphore(%arg13 : memref<!tpu.dma_semaphore, #tpu.memory_space<semaphore_mem>>)
    %scan3A_143 = arith.constant 0 : i32
    %scan3A_144 = arith.constant 0 : i32
    %scan3A_145 = arith.constant 196 : i32
    %scan3A_146 = arith.addi %scan3A_144, %scan3A_145 : i32
    %scan3A_147 = arith.constant 1 : i32
    %scan3A_148 = scf.for %scan3A_177 = %scan3A_144 to %scan3A_146 step %scan3A_147 iter_args(%scan3A_178 = %scan3A_143) -> (i32)  : i32 {
      %mul3A_179 = arith.constant 2 : i32
      %mul3A_180 = arith.muli %mul3A_179, %scan3A_177 : i32
      %add3A_181 = arith.constant 0 : i32
      %add3A_182 = arith.addi %mul3A_180, %add3A_181 : i32
      %ge3A = arith.constant 1 : i32
      %ge3A_183 = arith.cmpi sge, %scan3A_177, %ge3A : i32
      %convert_element_type3A = arith.extui %ge3A_183 : i1 to i32
      %cond3A = arith.constant 0 : i32
      %cond3A_184 = arith.cmpi ne, %convert_element_type3A, %cond3A : i32
      scf.if %cond3A_184 {
        %dma_wait3A_933 = arith.constant 0 : i32
        %dma_wait3A_934 = arith.constant 0 : i32
        %dma_wait3A_935 = arith.constant 0 : i32
        %dma_wait3A_936 = arith.constant 0 : i32
        %dma_wait3A_937 = tpu.memref_slice %arg7[%dma_wait3A_933, %dma_wait3A_935, %dma_wait3A_936] : memref<2x128x64xf32, #tpu.memory_space<vmem>> -> memref<1x128x64xf32, #tpu.memory_space<vmem>>
        %dma_wait3A_938 = tpu.memref_squeeze %dma_wait3A_937 : memref<1x128x64xf32, #tpu.memory_space<vmem>> -> memref<128x64xf32, #tpu.memory_space<vmem>>
        %dma_wait3A_939 = arith.constant 0 : i32
        %dma_wait3A_940 = tpu.memref_slice %arg6[%dma_wait3A_934, %dma_wait3A_939] : memref<2x128xi32, #tpu.memory_space<vmem>> -> memref<1x128xi32, #tpu.memory_space<vmem>>
        %dma_wait3A_941 = tpu.memref_squeeze %dma_wait3A_940 : memref<1x128xi32, #tpu.memory_space<vmem>> -> memref<128xi32, #tpu.memory_space<vmem>>
        %dma_wait3A_942 = arith.constant 0 : i32
        %dma_wait3A_943 = arith.constant 0 : i32
        %dma_wait3A_944 = tpu.memref_slice %arg11[%dma_wait3A_942, %dma_wait3A_943] : memref<25600x64xf32, #tpu.memory_space<vmem_shared>> -> memref<25600x64xf32, #tpu.memory_space<vmem_shared>>
        tpu.wait_indirect_dma semaphore(%arg17 : memref<!tpu.dma_semaphore, #tpu.memory_space<semaphore_mem>>) src(%dma_wait3A_938 : memref<128x64xf32, #tpu.memory_space<vmem>>) dst(%dma_wait3A_944 : memref<25600x64xf32, #tpu.memory_space<vmem_shared>>)
      } else {
      }
      %dma_wait3A_185 = arith.constant 0 : i32
      %dma_wait3A_186 = arith.constant 0 : i32
      %dma_wait3A_187 = arith.constant 0 : i32
      %dma_wait3A_188 = tpu.memref_slice %arg5[%dma_wait3A_185, %dma_wait3A_186, %dma_wait3A_187] : memref<2x2x128xi32, #tpu.memory_space<vmem>> -> memref<1x2x128xi32, #tpu.memory_space<vmem>>
      %dma_wait3A_189 = tpu.memref_squeeze %dma_wait3A_188 : memref<1x2x128xi32, #tpu.memory_space<vmem>> -> memref<2x128xi32, #tpu.memory_space<vmem>>
      %dma_wait3A_190 = arith.constant 0 : i32
      %dma_wait3A_191 = arith.constant 0 : i32
      %dma_wait3A_192 = tpu.memref_slice %arg3[%mul3A_126, %dma_wait3A_190, %dma_wait3A_191] : memref<6272x2x128xi32, #tpu.memory_space<hbm>> -> memref<1x2x128xi32, #tpu.memory_space<hbm>>
      %dma_wait3A_193 = tpu.memref_squeeze %dma_wait3A_192 : memref<1x2x128xi32, #tpu.memory_space<hbm>> -> memref<2x128xi32, #tpu.memory_space<hbm>>
      %dma_wait3A_194 = arith.constant 0 : i32
      %dma_wait3A_195 = arith.constant 0 : i32
      %dma_wait3A_196 = tpu.memref_slice %arg5[%dma_wait3A_185, %dma_wait3A_194, %dma_wait3A_195] : memref<2x2x128xi32, #tpu.memory_space<vmem>> -> memref<1x2x128xi32, #tpu.memory_space<vmem>>
      %dma_wait3A_197 = tpu.memref_squeeze %dma_wait3A_196 : memref<1x2x128xi32, #tpu.memory_space<vmem>> -> memref<2x128xi32, #tpu.memory_space<vmem>>
      %dma_wait3A_198 = arith.constant 0 : i32
      %dma_wait3A_199 = arith.constant 0 : i32
      %dma_wait3A_200 = tpu.memref_slice %arg3[%mul3A_126, %dma_wait3A_198, %dma_wait3A_199] : memref<6272x2x128xi32, #tpu.memory_space<hbm>> -> memref<1x2x128xi32, #tpu.memory_space<hbm>>
      %dma_wait3A_201 = tpu.memref_squeeze %dma_wait3A_200 : memref<1x2x128xi32, #tpu.memory_space<hbm>> -> memref<2x128xi32, #tpu.memory_space<hbm>>
      tpu.wait_dma2 semaphore(%arg13 : memref<!tpu.dma_semaphore, #tpu.memory_space<semaphore_mem>>) src(%dma_wait3A_201 : memref<2x128xi32, #tpu.memory_space<hbm>>) dst(%dma_wait3A_197 : memref<2x128xi32, #tpu.memory_space<vmem>>)
      %dma_start3A_202 = arith.constant 0 : i32
      %dma_start3A_203 = arith.constant 0 : i32
      %dma_start3A_204 = arith.constant 0 : i32
      %dma_start3A_205 = arith.constant 0 : i32
      %dma_start3A_206 = arith.constant 0 : i32
      %dma_start3A_207 = tpu.memref_slice %arg7[%dma_start3A_204, %dma_start3A_205, %dma_start3A_206] : memref<2x128x64xf32, #tpu.memory_space<vmem>> -> memref<1x128x64xf32, #tpu.memory_space<vmem>>
      %dma_start3A_208 = tpu.memref_squeeze %dma_start3A_207 : memref<1x128x64xf32, #tpu.memory_space<vmem>> -> memref<128x64xf32, #tpu.memory_space<vmem>>
      %dma_start3A_209 = arith.constant 0 : i32
      %dma_start3A_210 = tpu.memref_slice %arg5[%dma_start3A_202, %dma_start3A_203, %dma_start3A_209] : memref<2x2x128xi32, #tpu.memory_space<vmem>> -> memref<1x1x128xi32, #tpu.memory_space<vmem>>
      %dma_start3A_211 = tpu.memref_squeeze %dma_start3A_210 : memref<1x1x128xi32, #tpu.memory_space<vmem>> -> memref<128xi32, #tpu.memory_space<vmem>>
      %dma_start3A_212 = arith.constant 0 : i32
      %dma_start3A_213 = arith.constant 0 : i32
      %dma_start3A_214 = tpu.memref_slice %arg2[%dma_start3A_212, %dma_start3A_213] : memref<50000x64xf32, #tpu.memory_space<hbm>> -> memref<50000x64xf32, #tpu.memory_space<hbm>>
      tpu.enqueue_indirect_dma source(%dma_start3A_214 : memref<50000x64xf32, #tpu.memory_space<hbm>>) target(%dma_start3A_208 : memref<128x64xf32, #tpu.memory_space<vmem>>) offsets(%dma_start3A_211 : memref<128xi32, #tpu.memory_space<vmem>>) semaphore(%arg15 : memref<!tpu.dma_semaphore, #tpu.memory_space<semaphore_mem>>)
      %add3A_215 = arith.addi %mul3A_126, %add3A_182 : i32
      %add3A_216 = arith.constant 1 : i32
      %add3A_217 = arith.addi %add3A_215, %add3A_216 : i32
      %dma_start3A_218 = arith.constant 1 : i32
      %dma_start3A_219 = arith.constant 0 : i32
      %dma_start3A_220 = arith.constant 0 : i32
      %dma_start3A_221 = tpu.memref_slice %arg5[%dma_start3A_218, %dma_start3A_219, %dma_start3A_220] : memref<2x2x128xi32, #tpu.memory_space<vmem>> -> memref<1x2x128xi32, #tpu.memory_space<vmem>>
      %dma_start3A_222 = tpu.memref_squeeze %dma_start3A_221 : memref<1x2x128xi32, #tpu.memory_space<vmem>> -> memref<2x128xi32, #tpu.memory_space<vmem>>
      %dma_start3A_223 = arith.constant 0 : i32
      %dma_start3A_224 = arith.constant 0 : i32
      %dma_start3A_225 = tpu.memref_slice %arg3[%add3A_217, %dma_start3A_223, %dma_start3A_224] : memref<6272x2x128xi32, #tpu.memory_space<hbm>> -> memref<1x2x128xi32, #tpu.memory_space<hbm>>
      %dma_start3A_226 = tpu.memref_squeeze %dma_start3A_225 : memref<1x2x128xi32, #tpu.memory_space<hbm>> -> memref<2x128xi32, #tpu.memory_space<hbm>>
      %dma_start3A_227 = arith.constant 0 : i32
      %dma_start3A_228 = arith.constant 0 : i32
      %dma_start3A_229 = tpu.memref_slice %arg5[%dma_start3A_218, %dma_start3A_227, %dma_start3A_228] : memref<2x2x128xi32, #tpu.memory_space<vmem>> -> memref<1x2x128xi32, #tpu.memory_space<vmem>>
      %dma_start3A_230 = tpu.memref_squeeze %dma_start3A_229 : memref<1x2x128xi32, #tpu.memory_space<vmem>> -> memref<2x128xi32, #tpu.memory_space<vmem>>
      %dma_start3A_231 = arith.constant 0 : i32
      %dma_start3A_232 = arith.constant 0 : i32
      %dma_start3A_233 = tpu.memref_slice %arg3[%add3A_217, %dma_start3A_231, %dma_start3A_232] : memref<6272x2x128xi32, #tpu.memory_space<hbm>> -> memref<1x2x128xi32, #tpu.memory_space<hbm>>
      %dma_start3A_234 = tpu.memref_squeeze %dma_start3A_233 : memref<1x2x128xi32, #tpu.memory_space<hbm>> -> memref<2x128xi32, #tpu.memory_space<hbm>>
      tpu.enqueue_dma source(%dma_start3A_234 : memref<2x128xi32, #tpu.memory_space<hbm>>) target(%dma_start3A_230 : memref<2x128xi32, #tpu.memory_space<vmem>>) target_semaphore(%arg14 : memref<!tpu.dma_semaphore, #tpu.memory_space<semaphore_mem>>)
      %get3A = arith.constant 0 : i32
      %get3A_235 = arith.constant 1 : i32
      %get3A_236 = arith.index_cast %get3A : i32 to index
      %get3A_237 = arith.index_cast %get3A_235 : i32 to index
      %get3A_238 = arith.constant 0 : index
      %get3A_239 = tpu.vector_load %arg5[%get3A_236, %get3A_237, %get3A_238] {strides = array<i32>} : memref<2x2x128xi32, #tpu.memory_space<vmem>>, vector<1x1x16xi32>,
      %get3A_240 = vector.shape_cast %get3A_239 : vector<1x1x16xi32> to vector<16xi32>
      %sub3A = vector.broadcast %mul3A_0 : i32 to vector<16xi32>
      %sub3A_241 = arith.subi %get3A_240, %sub3A : vector<16xi32>
      %ge3A_242 = arith.constant 0 : i32
      %ge3A_243 = vector.broadcast %ge3A_242 : i32 to vector<16xi32>
      %ge3A_244 = arith.cmpi sge, %sub3A_241, %ge3A_243 : vector<16xi32>
      %lt3A = arith.constant 25088 : i32
      %lt3A_245 = vector.broadcast %lt3A : i32 to vector<16xi32>
      %lt3A_246 = arith.cmpi slt, %sub3A_241, %lt3A_245 : vector<16xi32>
      %and3A = arith.andi %ge3A_244, %lt3A_246 : vector<16xi1>
      %mul3A_247 = arith.constant 37 : i32
      %mul3A_248 = arith.muli %add3A_182, %mul3A_247 : i32
      %mul3A_249 = arith.constant 131 : i32
      %mul3A_250 = arith.muli %arg1, %mul3A_249 : i32
      %add3A_251 = arith.addi %mul3A_248, %mul3A_250 : i32
      %add3A_252 = arith.constant 0 : i32
      %add3A_253 = arith.addi %add3A_251, %add3A_252 : i32
      %add3A_254 = vector.broadcast %add3A_253 : i32 to vector<16xi32>
      %add3A_255 = arith.addi %add3A_254, %iota3A : vector<16xi32>
      %and3A_256 = arith.constant 511 : i32
      %and3A_257 = vector.broadcast %and3A_256 : i32 to vector<16xi32>
      %and3A_258 = arith.andi %add3A_255, %and3A_257 : vector<16xi32>
      %add3A_259 = arith.constant 25088 : i32
      %add3A_260 = vector.broadcast %add3A_259 : i32 to vector<16xi32>
      %add3A_261 = arith.addi %add3A_260, %and3A_258 : vector<16xi32>
      %select_n3A = arith.select %and3A, %sub3A_241, %add3A_261 : vector<16xi1>, vector<16xi32>
      %swap3A_262 = arith.constant 0 : i32
      %swap3A_263 = arith.index_cast %swap3A_262 : i32 to index
      %swap3A_264 = arith.constant 0 : index
      %swap3A_265 = tpu.vector_load %arg6[%swap3A_263, %swap3A_264] {strides = array<i32>} : memref<2x128xi32, #tpu.memory_space<vmem>>, vector<1x16xi32>,
      %swap3A_266 = vector.shape_cast %swap3A_265 : vector<1x16xi32> to vector<16xi32>
      %swap3A_267 = vector.shape_cast %select_n3A : vector<16xi32> to vector<1x16xi32>
      tpu.vector_store %arg6[%swap3A_263, %swap3A_264], %swap3A_267 {strides = array<i32>} : memref<2x128xi32, #tpu.memory_space<vmem>>, vector<1x16xi32>,
      %get3A_268 = arith.constant 0 : i32
      %get3A_269 = arith.constant 1 : i32
      %get3A_270 = arith.index_cast %get3A_268 : i32 to index
      %get3A_271 = arith.index_cast %get3A_269 : i32 to index
      %get3A_272 = arith.constant 16 : index
      %get3A_273 = tpu.vector_load %arg5[%get3A_270, %get3A_271, %get3A_272] {strides = array<i32>} : memref<2x2x128xi32, #tpu.memory_space<vmem>>, vector<1x1x16xi32>,
      %get3A_274 = vector.shape_cast %get3A_273 : vector<1x1x16xi32> to vector<16xi32>
      %sub3A_275 = vector.broadcast %mul3A_0 : i32 to vector<16xi32>
      %sub3A_276 = arith.subi %get3A_274, %sub3A_275 : vector<16xi32>
      %ge3A_277 = arith.constant 0 : i32
      %ge3A_278 = vector.broadcast %ge3A_277 : i32 to vector<16xi32>
      %ge3A_279 = arith.cmpi sge, %sub3A_276, %ge3A_278 : vector<16xi32>
      %lt3A_280 = arith.constant 25088 : i32
      %lt3A_281 = vector.broadcast %lt3A_280 : i32 to vector<16xi32>
      %lt3A_282 = arith.cmpi slt, %sub3A_276, %lt3A_281 : vector<16xi32>
      %and3A_283 = arith.andi %ge3A_279, %lt3A_282 : vector<16xi1>
      %mul3A_284 = arith.constant 37 : i32
      %mul3A_285 = arith.muli %add3A_182, %mul3A_284 : i32
      %mul3A_286 = arith.constant 131 : i32
      %mul3A_287 = arith.muli %arg1, %mul3A_286 : i32
      %add3A_288 = arith.addi %mul3A_285, %mul3A_287 : i32
      %add3A_289 = arith.constant 16 : i32
      %add3A_290 = arith.addi %add3A_288, %add3A_289 : i32
      %add3A_291 = vector.broadcast %add3A_290 : i32 to vector<16xi32>
      %add3A_292 = arith.addi %add3A_291, %iota3A : vector<16xi32>
      %and3A_293 = arith.constant 511 : i32
      %and3A_294 = vector.broadcast %and3A_293 : i32 to vector<16xi32>
      %and3A_295 = arith.andi %add3A_292, %and3A_294 : vector<16xi32>
      %add3A_296 = arith.constant 25088 : i32
      %add3A_297 = vector.broadcast %add3A_296 : i32 to vector<16xi32>
      %add3A_298 = arith.addi %add3A_297, %and3A_295 : vector<16xi32>
      %select_n3A_299 = arith.select %and3A_283, %sub3A_276, %add3A_298 : vector<16xi1>, vector<16xi32>
      %swap3A_300 = arith.constant 0 : i32
      %swap3A_301 = arith.index_cast %swap3A_300 : i32 to index
      %swap3A_302 = arith.constant 16 : index
      %swap3A_303 = tpu.vector_load %arg6[%swap3A_301, %swap3A_302] {strides = array<i32>} : memref<2x128xi32, #tpu.memory_space<vmem>>, vector<1x16xi32>,
      %swap3A_304 = vector.shape_cast %swap3A_303 : vector<1x16xi32> to vector<16xi32>
      %swap3A_305 = vector.shape_cast %select_n3A_299 : vector<16xi32> to vector<1x16xi32>
      tpu.vector_store %arg6[%swap3A_301, %swap3A_302], %swap3A_305 {strides = array<i32>} : memref<2x128xi32, #tpu.memory_space<vmem>>, vector<1x16xi32>,
      %get3A_306 = arith.constant 0 : i32
      %get3A_307 = arith.constant 1 : i32
      %get3A_308 = arith.index_cast %get3A_306 : i32 to index
      %get3A_309 = arith.index_cast %get3A_307 : i32 to index
      %get3A_310 = arith.constant 32 : index
      %get3A_311 = tpu.vector_load %arg5[%get3A_308, %get3A_309, %get3A_310] {strides = array<i32>} : memref<2x2x128xi32, #tpu.memory_space<vmem>>, vector<1x1x16xi32>,
      %get3A_312 = vector.shape_cast %get3A_311 : vector<1x1x16xi32> to vector<16xi32>
      %sub3A_313 = vector.broadcast %mul3A_0 : i32 to vector<16xi32>
      %sub3A_314 = arith.subi %get3A_312, %sub3A_313 : vector<16xi32>
      %ge3A_315 = arith.constant 0 : i32
      %ge3A_316 = vector.broadcast %ge3A_315 : i32 to vector<16xi32>
      %ge3A_317 = arith.cmpi sge, %sub3A_314, %ge3A_316 : vector<16xi32>
      %lt3A_318 = arith.constant 25088 : i32
      %lt3A_319 = vector.broadcast %lt3A_318 : i32 to vector<16xi32>
      %lt3A_320 = arith.cmpi slt, %sub3A_314, %lt3A_319 : vector<16xi32>
      %and3A_321 = arith.andi %ge3A_317, %lt3A_320 : vector<16xi1>
      %mul3A_322 = arith.constant 37 : i32
      %mul3A_323 = arith.muli %add3A_182, %mul3A_322 : i32
      %mul3A_324 = arith.constant 131 : i32
      %mul3A_325 = arith.muli %arg1, %mul3A_324 : i32
      %add3A_326 = arith.addi %mul3A_323, %mul3A_325 : i32
      %add3A_327 = arith.constant 32 : i32
      %add3A_328 = arith.addi %add3A_326, %add3A_327 : i32
      %add3A_329 = vector.broadcast %add3A_328 : i32 to vector<16xi32>
      %add3A_330 = arith.addi %add3A_329, %iota3A : vector<16xi32>
      %and3A_331 = arith.constant 511 : i32
      %and3A_332 = vector.broadcast %and3A_331 : i32 to vector<16xi32>
      %and3A_333 = arith.andi %add3A_330, %and3A_332 : vector<16xi32>
      %add3A_334 = arith.constant 25088 : i32
      %add3A_335 = vector.broadcast %add3A_334 : i32 to vector<16xi32>
      %add3A_336 = arith.addi %add3A_335, %and3A_333 : vector<16xi32>
      %select_n3A_337 = arith.select %and3A_321, %sub3A_314, %add3A_336 : vector<16xi1>, vector<16xi32>
      %swap3A_338 = arith.constant 0 : i32
      %swap3A_339 = arith.index_cast %swap3A_338 : i32 to index
      %swap3A_340 = arith.constant 32 : index
      %swap3A_341 = tpu.vector_load %arg6[%swap3A_339, %swap3A_340] {strides = array<i32>} : memref<2x128xi32, #tpu.memory_space<vmem>>, vector<1x16xi32>,
      %swap3A_342 = vector.shape_cast %swap3A_341 : vector<1x16xi32> to vector<16xi32>
      %swap3A_343 = vector.shape_cast %select_n3A_337 : vector<16xi32> to vector<1x16xi32>
      tpu.vector_store %arg6[%swap3A_339, %swap3A_340], %swap3A_343 {strides = array<i32>} : memref<2x128xi32, #tpu.memory_space<vmem>>, vector<1x16xi32>,
      %get3A_344 = arith.constant 0 : i32
      %get3A_345 = arith.constant 1 : i32
      %get3A_346 = arith.index_cast %get3A_344 : i32 to index
      %get3A_347 = arith.index_cast %get3A_345 : i32 to index
      %get3A_348 = arith.constant 48 : index
      %get3A_349 = tpu.vector_load %arg5[%get3A_346, %get3A_347, %get3A_348] {strides = array<i32>} : memref<2x2x128xi32, #tpu.memory_space<vmem>>, vector<1x1x16xi32>,
      %get3A_350 = vector.shape_cast %get3A_349 : vector<1x1x16xi32> to vector<16xi32>
      %sub3A_351 = vector.broadcast %mul3A_0 : i32 to vector<16xi32>
      %sub3A_352 = arith.subi %get3A_350, %sub3A_351 : vector<16xi32>
      %ge3A_353 = arith.constant 0 : i32
      %ge3A_354 = vector.broadcast %ge3A_353 : i32 to vector<16xi32>
      %ge3A_355 = arith.cmpi sge, %sub3A_352, %ge3A_354 : vector<16xi32>
      %lt3A_356 = arith.constant 25088 : i32
      %lt3A_357 = vector.broadcast %lt3A_356 : i32 to vector<16xi32>
      %lt3A_358 = arith.cmpi slt, %sub3A_352, %lt3A_357 : vector<16xi32>
      %and3A_359 = arith.andi %ge3A_355, %lt3A_358 : vector<16xi1>
      %mul3A_360 = arith.constant 37 : i32
      %mul3A_361 = arith.muli %add3A_182, %mul3A_360 : i32
      %mul3A_362 = arith.constant 131 : i32
      %mul3A_363 = arith.muli %arg1, %mul3A_362 : i32
      %add3A_364 = arith.addi %mul3A_361, %mul3A_363 : i32
      %add3A_365 = arith.constant 48 : i32
      %add3A_366 = arith.addi %add3A_364, %add3A_365 : i32
      %add3A_367 = vector.broadcast %add3A_366 : i32 to vector<16xi32>
      %add3A_368 = arith.addi %add3A_367, %iota3A : vector<16xi32>
      %and3A_369 = arith.constant 511 : i32
      %and3A_370 = vector.broadcast %and3A_369 : i32 to vector<16xi32>
      %and3A_371 = arith.andi %add3A_368, %and3A_370 : vector<16xi32>
      %add3A_372 = arith.constant 25088 : i32
      %add3A_373 = vector.broadcast %add3A_372 : i32 to vector<16xi32>
      %add3A_374 = arith.addi %add3A_373, %and3A_371 : vector<16xi32>
      %select_n3A_375 = arith.select %and3A_359, %sub3A_352, %add3A_374 : vector<16xi1>, vector<16xi32>
      %swap3A_376 = arith.constant 0 : i32
      %swap3A_377 = arith.index_cast %swap3A_376 : i32 to index
      %swap3A_378 = arith.constant 48 : index
      %swap3A_379 = tpu.vector_load %arg6[%swap3A_377, %swap3A_378] {strides = array<i32>} : memref<2x128xi32, #tpu.memory_space<vmem>>, vector<1x16xi32>,
      %swap3A_380 = vector.shape_cast %swap3A_379 : vector<1x16xi32> to vector<16xi32>
      %swap3A_381 = vector.shape_cast %select_n3A_375 : vector<16xi32> to vector<1x16xi32>
      tpu.vector_store %arg6[%swap3A_377, %swap3A_378], %swap3A_381 {strides = array<i32>} : memref<2x128xi32, #tpu.memory_space<vmem>>, vector<1x16xi32>,
      %get3A_382 = arith.constant 0 : i32
      %get3A_383 = arith.constant 1 : i32
      %get3A_384 = arith.index_cast %get3A_382 : i32 to index
      %get3A_385 = arith.index_cast %get3A_383 : i32 to index
      %get3A_386 = arith.constant 64 : index
      %get3A_387 = tpu.vector_load %arg5[%get3A_384, %get3A_385, %get3A_386] {strides = array<i32>} : memref<2x2x128xi32, #tpu.memory_space<vmem>>, vector<1x1x16xi32>,
      %get3A_388 = vector.shape_cast %get3A_387 : vector<1x1x16xi32> to vector<16xi32>
      %sub3A_389 = vector.broadcast %mul3A_0 : i32 to vector<16xi32>
      %sub3A_390 = arith.subi %get3A_388, %sub3A_389 : vector<16xi32>
      %ge3A_391 = arith.constant 0 : i32
      %ge3A_392 = vector.broadcast %ge3A_391 : i32 to vector<16xi32>
      %ge3A_393 = arith.cmpi sge, %sub3A_390, %ge3A_392 : vector<16xi32>
      %lt3A_394 = arith.constant 25088 : i32
      %lt3A_395 = vector.broadcast %lt3A_394 : i32 to vector<16xi32>
      %lt3A_396 = arith.cmpi slt, %sub3A_390, %lt3A_395 : vector<16xi32>
      %and3A_397 = arith.andi %ge3A_393, %lt3A_396 : vector<16xi1>
      %mul3A_398 = arith.constant 37 : i32
      %mul3A_399 = arith.muli %add3A_182, %mul3A_398 : i32
      %mul3A_400 = arith.constant 131 : i32
      %mul3A_401 = arith.muli %arg1, %mul3A_400 : i32
      %add3A_402 = arith.addi %mul3A_399, %mul3A_401 : i32
      %add3A_403 = arith.constant 64 : i32
      %add3A_404 = arith.addi %add3A_402, %add3A_403 : i32
      %add3A_405 = vector.broadcast %add3A_404 : i32 to vector<16xi32>
      %add3A_406 = arith.addi %add3A_405, %iota3A : vector<16xi32>
      %and3A_407 = arith.constant 511 : i32
      %and3A_408 = vector.broadcast %and3A_407 : i32 to vector<16xi32>
      %and3A_409 = arith.andi %add3A_406, %and3A_408 : vector<16xi32>
      %add3A_410 = arith.constant 25088 : i32
      %add3A_411 = vector.broadcast %add3A_410 : i32 to vector<16xi32>
      %add3A_412 = arith.addi %add3A_411, %and3A_409 : vector<16xi32>
      %select_n3A_413 = arith.select %and3A_397, %sub3A_390, %add3A_412 : vector<16xi1>, vector<16xi32>
      %swap3A_414 = arith.constant 0 : i32
      %swap3A_415 = arith.index_cast %swap3A_414 : i32 to index
      %swap3A_416 = arith.constant 64 : index
      %swap3A_417 = tpu.vector_load %arg6[%swap3A_415, %swap3A_416] {strides = array<i32>} : memref<2x128xi32, #tpu.memory_space<vmem>>, vector<1x16xi32>,
      %swap3A_418 = vector.shape_cast %swap3A_417 : vector<1x16xi32> to vector<16xi32>
      %swap3A_419 = vector.shape_cast %select_n3A_413 : vector<16xi32> to vector<1x16xi32>
      tpu.vector_store %arg6[%swap3A_415, %swap3A_416], %swap3A_419 {strides = array<i32>} : memref<2x128xi32, #tpu.memory_space<vmem>>, vector<1x16xi32>,
      %get3A_420 = arith.constant 0 : i32
      %get3A_421 = arith.constant 1 : i32
      %get3A_422 = arith.index_cast %get3A_420 : i32 to index
      %get3A_423 = arith.index_cast %get3A_421 : i32 to index
      %get3A_424 = arith.constant 80 : index
      %get3A_425 = tpu.vector_load %arg5[%get3A_422, %get3A_423, %get3A_424] {strides = array<i32>} : memref<2x2x128xi32, #tpu.memory_space<vmem>>, vector<1x1x16xi32>,
      %get3A_426 = vector.shape_cast %get3A_425 : vector<1x1x16xi32> to vector<16xi32>
      %sub3A_427 = vector.broadcast %mul3A_0 : i32 to vector<16xi32>
      %sub3A_428 = arith.subi %get3A_426, %sub3A_427 : vector<16xi32>
      %ge3A_429 = arith.constant 0 : i32
      %ge3A_430 = vector.broadcast %ge3A_429 : i32 to vector<16xi32>
      %ge3A_431 = arith.cmpi sge, %sub3A_428, %ge3A_430 : vector<16xi32>
      %lt3A_432 = arith.constant 25088 : i32
      %lt3A_433 = vector.broadcast %lt3A_432 : i32 to vector<16xi32>
      %lt3A_434 = arith.cmpi slt, %sub3A_428, %lt3A_433 : vector<16xi32>
      %and3A_435 = arith.andi %ge3A_431, %lt3A_434 : vector<16xi1>
      %mul3A_436 = arith.constant 37 : i32
      %mul3A_437 = arith.muli %add3A_182, %mul3A_436 : i32
      %mul3A_438 = arith.constant 131 : i32
      %mul3A_439 = arith.muli %arg1, %mul3A_438 : i32
      %add3A_440 = arith.addi %mul3A_437, %mul3A_439 : i32
      %add3A_441 = arith.constant 80 : i32
      %add3A_442 = arith.addi %add3A_440, %add3A_441 : i32
      %add3A_443 = vector.broadcast %add3A_442 : i32 to vector<16xi32>
      %add3A_444 = arith.addi %add3A_443, %iota3A : vector<16xi32>
      %and3A_445 = arith.constant 511 : i32
      %and3A_446 = vector.broadcast %and3A_445 : i32 to vector<16xi32>
      %and3A_447 = arith.andi %add3A_444, %and3A_446 : vector<16xi32>
      %add3A_448 = arith.constant 25088 : i32
      %add3A_449 = vector.broadcast %add3A_448 : i32 to vector<16xi32>
      %add3A_450 = arith.addi %add3A_449, %and3A_447 : vector<16xi32>
      %select_n3A_451 = arith.select %and3A_435, %sub3A_428, %add3A_450 : vector<16xi1>, vector<16xi32>
      %swap3A_452 = arith.constant 0 : i32
      %swap3A_453 = arith.index_cast %swap3A_452 : i32 to index
      %swap3A_454 = arith.constant 80 : index
      %swap3A_455 = tpu.vector_load %arg6[%swap3A_453, %swap3A_454] {strides = array<i32>} : memref<2x128xi32, #tpu.memory_space<vmem>>, vector<1x16xi32>,
      %swap3A_456 = vector.shape_cast %swap3A_455 : vector<1x16xi32> to vector<16xi32>
      %swap3A_457 = vector.shape_cast %select_n3A_451 : vector<16xi32> to vector<1x16xi32>
      tpu.vector_store %arg6[%swap3A_453, %swap3A_454], %swap3A_457 {strides = array<i32>} : memref<2x128xi32, #tpu.memory_space<vmem>>, vector<1x16xi32>,
      %get3A_458 = arith.constant 0 : i32
      %get3A_459 = arith.constant 1 : i32
      %get3A_460 = arith.index_cast %get3A_458 : i32 to index
      %get3A_461 = arith.index_cast %get3A_459 : i32 to index
      %get3A_462 = arith.constant 96 : index
      %get3A_463 = tpu.vector_load %arg5[%get3A_460, %get3A_461, %get3A_462] {strides = array<i32>} : memref<2x2x128xi32, #tpu.memory_space<vmem>>, vector<1x1x16xi32>,
      %get3A_464 = vector.shape_cast %get3A_463 : vector<1x1x16xi32> to vector<16xi32>
      %sub3A_465 = vector.broadcast %mul3A_0 : i32 to vector<16xi32>
      %sub3A_466 = arith.subi %get3A_464, %sub3A_465 : vector<16xi32>
      %ge3A_467 = arith.constant 0 : i32
      %ge3A_468 = vector.broadcast %ge3A_467 : i32 to vector<16xi32>
      %ge3A_469 = arith.cmpi sge, %sub3A_466, %ge3A_468 : vector<16xi32>
      %lt3A_470 = arith.constant 25088 : i32
      %lt3A_471 = vector.broadcast %lt3A_470 : i32 to vector<16xi32>
      %lt3A_472 = arith.cmpi slt, %sub3A_466, %lt3A_471 : vector<16xi32>
      %and3A_473 = arith.andi %ge3A_469, %lt3A_472 : vector<16xi1>
      %mul3A_474 = arith.constant 37 : i32
      %mul3A_475 = arith.muli %add3A_182, %mul3A_474 : i32
      %mul3A_476 = arith.constant 131 : i32
      %mul3A_477 = arith.muli %arg1, %mul3A_476 : i32
      %add3A_478 = arith.addi %mul3A_475, %mul3A_477 : i32
      %add3A_479 = arith.constant 96 : i32
      %add3A_480 = arith.addi %add3A_478, %add3A_479 : i32
      %add3A_481 = vector.broadcast %add3A_480 : i32 to vector<16xi32>
      %add3A_482 = arith.addi %add3A_481, %iota3A : vector<16xi32>
      %and3A_483 = arith.constant 511 : i32
      %and3A_484 = vector.broadcast %and3A_483 : i32 to vector<16xi32>
      %and3A_485 = arith.andi %add3A_482, %and3A_484 : vector<16xi32>
      %add3A_486 = arith.constant 25088 : i32
      %add3A_487 = vector.broadcast %add3A_486 : i32 to vector<16xi32>
      %add3A_488 = arith.addi %add3A_487, %and3A_485 : vector<16xi32>
      %select_n3A_489 = arith.select %and3A_473, %sub3A_466, %add3A_488 : vector<16xi1>, vector<16xi32>
      %swap3A_490 = arith.constant 0 : i32
      %swap3A_491 = arith.index_cast %swap3A_490 : i32 to index
      %swap3A_492 = arith.constant 96 : index
      %swap3A_493 = tpu.vector_load %arg6[%swap3A_491, %swap3A_492] {strides = array<i32>} : memref<2x128xi32, #tpu.memory_space<vmem>>, vector<1x16xi32>,
      %swap3A_494 = vector.shape_cast %swap3A_493 : vector<1x16xi32> to vector<16xi32>
      %swap3A_495 = vector.shape_cast %select_n3A_489 : vector<16xi32> to vector<1x16xi32>
      tpu.vector_store %arg6[%swap3A_491, %swap3A_492], %swap3A_495 {strides = array<i32>} : memref<2x128xi32, #tpu.memory_space<vmem>>, vector<1x16xi32>,
      %get3A_496 = arith.constant 0 : i32
      %get3A_497 = arith.constant 1 : i32
      %get3A_498 = arith.index_cast %get3A_496 : i32 to index
      %get3A_499 = arith.index_cast %get3A_497 : i32 to index
      %get3A_500 = arith.constant 112 : index
      %get3A_501 = tpu.vector_load %arg5[%get3A_498, %get3A_499, %get3A_500] {strides = array<i32>} : memref<2x2x128xi32, #tpu.memory_space<vmem>>, vector<1x1x16xi32>,
      %get3A_502 = vector.shape_cast %get3A_501 : vector<1x1x16xi32> to vector<16xi32>
      %sub3A_503 = vector.broadcast %mul3A_0 : i32 to vector<16xi32>
      %sub3A_504 = arith.subi %get3A_502, %sub3A_503 : vector<16xi32>
      %ge3A_505 = arith.constant 0 : i32
      %ge3A_506 = vector.broadcast %ge3A_505 : i32 to vector<16xi32>
      %ge3A_507 = arith.cmpi sge, %sub3A_504, %ge3A_506 : vector<16xi32>
      %lt3A_508 = arith.constant 25088 : i32
      %lt3A_509 = vector.broadcast %lt3A_508 : i32 to vector<16xi32>
      %lt3A_510 = arith.cmpi slt, %sub3A_504, %lt3A_509 : vector<16xi32>
      %and3A_511 = arith.andi %ge3A_507, %lt3A_510 : vector<16xi1>
      %mul3A_512 = arith.constant 37 : i32
      %mul3A_513 = arith.muli %add3A_182, %mul3A_512 : i32
      %mul3A_514 = arith.constant 131 : i32
      %mul3A_515 = arith.muli %arg1, %mul3A_514 : i32
      %add3A_516 = arith.addi %mul3A_513, %mul3A_515 : i32
      %add3A_517 = arith.constant 112 : i32
      %add3A_518 = arith.addi %add3A_516, %add3A_517 : i32
      %add3A_519 = vector.broadcast %add3A_518 : i32 to vector<16xi32>
      %add3A_520 = arith.addi %add3A_519, %iota3A : vector<16xi32>
      %and3A_521 = arith.constant 511 : i32
      %and3A_522 = vector.broadcast %and3A_521 : i32 to vector<16xi32>
      %and3A_523 = arith.andi %add3A_520, %and3A_522 : vector<16xi32>
      %add3A_524 = arith.constant 25088 : i32
      %add3A_525 = vector.broadcast %add3A_524 : i32 to vector<16xi32>
      %add3A_526 = arith.addi %add3A_525, %and3A_523 : vector<16xi32>
      %select_n3A_527 = arith.select %and3A_511, %sub3A_504, %add3A_526 : vector<16xi1>, vector<16xi32>
      %swap3A_528 = arith.constant 0 : i32
      %swap3A_529 = arith.index_cast %swap3A_528 : i32 to index
      %swap3A_530 = arith.constant 112 : index
      %swap3A_531 = tpu.vector_load %arg6[%swap3A_529, %swap3A_530] {strides = array<i32>} : memref<2x128xi32, #tpu.memory_space<vmem>>, vector<1x16xi32>,
      %swap3A_532 = vector.shape_cast %swap3A_531 : vector<1x16xi32> to vector<16xi32>
      %swap3A_533 = vector.shape_cast %select_n3A_527 : vector<16xi32> to vector<1x16xi32>
      tpu.vector_store %arg6[%swap3A_529, %swap3A_530], %swap3A_533 {strides = array<i32>} : memref<2x128xi32, #tpu.memory_space<vmem>>, vector<1x16xi32>,
      %dma_wait3A_534 = arith.constant 0 : i32
      %dma_wait3A_535 = arith.constant 0 : i32
      %dma_wait3A_536 = arith.constant 0 : i32
      %dma_wait3A_537 = arith.constant 0 : i32
      %dma_wait3A_538 = arith.constant 0 : i32
      %dma_wait3A_539 = tpu.memref_slice %arg7[%dma_wait3A_536, %dma_wait3A_537, %dma_wait3A_538] : memref<2x128x64xf32, #tpu.memory_space<vmem>> -> memref<1x128x64xf32, #tpu.memory_space<vmem>>
      %dma_wait3A_540 = tpu.memref_squeeze %dma_wait3A_539 : memref<1x128x64xf32, #tpu.memory_space<vmem>> -> memref<128x64xf32, #tpu.memory_space<vmem>>
      %dma_wait3A_541 = arith.constant 0 : i32
      %dma_wait3A_542 = tpu.memref_slice %arg5[%dma_wait3A_534, %dma_wait3A_535, %dma_wait3A_541] : memref<2x2x128xi32, #tpu.memory_space<vmem>> -> memref<1x1x128xi32, #tpu.memory_space<vmem>>
      %dma_wait3A_543 = tpu.memref_squeeze %dma_wait3A_542 : memref<1x1x128xi32, #tpu.memory_space<vmem>> -> memref<128xi32, #tpu.memory_space<vmem>>
      %dma_wait3A_544 = arith.constant 0 : i32
      %dma_wait3A_545 = arith.constant 0 : i32
      %dma_wait3A_546 = tpu.memref_slice %arg2[%dma_wait3A_544, %dma_wait3A_545] : memref<50000x64xf32, #tpu.memory_space<hbm>> -> memref<50000x64xf32, #tpu.memory_space<hbm>>
      tpu.wait_indirect_dma semaphore(%arg15 : memref<!tpu.dma_semaphore, #tpu.memory_space<semaphore_mem>>) src(%dma_wait3A_546 : memref<50000x64xf32, #tpu.memory_space<hbm>>) dst(%dma_wait3A_540 : memref<128x64xf32, #tpu.memory_space<vmem>>)
      %dma_start3A_547 = arith.constant 0 : i32
      %dma_start3A_548 = arith.constant 0 : i32
      %dma_start3A_549 = arith.constant 0 : i32
      %dma_start3A_550 = arith.constant 0 : i32
      %dma_start3A_551 = tpu.memref_slice %arg7[%dma_start3A_547, %dma_start3A_549, %dma_start3A_550] : memref<2x128x64xf32, #tpu.memory_space<vmem>> -> memref<1x128x64xf32, #tpu.memory_space<vmem>>
      %dma_start3A_552 = tpu.memref_squeeze %dma_start3A_551 : memref<1x128x64xf32, #tpu.memory_space<vmem>> -> memref<128x64xf32, #tpu.memory_space<vmem>>
      %dma_start3A_553 = arith.constant 0 : i32
      %dma_start3A_554 = tpu.memref_slice %arg6[%dma_start3A_548, %dma_start3A_553] : memref<2x128xi32, #tpu.memory_space<vmem>> -> memref<1x128xi32, #tpu.memory_space<vmem>>
      %dma_start3A_555 = tpu.memref_squeeze %dma_start3A_554 : memref<1x128xi32, #tpu.memory_space<vmem>> -> memref<128xi32, #tpu.memory_space<vmem>>
      %dma_start3A_556 = arith.constant 0 : i32
      %dma_start3A_557 = arith.constant 0 : i32
      %dma_start3A_558 = tpu.memref_slice %arg11[%dma_start3A_556, %dma_start3A_557] : memref<25600x64xf32, #tpu.memory_space<vmem_shared>> -> memref<25600x64xf32, #tpu.memory_space<vmem_shared>>
      tpu.enqueue_indirect_dma source(%dma_start3A_552 : memref<128x64xf32, #tpu.memory_space<vmem>>) target(%dma_start3A_558 : memref<25600x64xf32, #tpu.memory_space<vmem_shared>>) offsets(%dma_start3A_555 : memref<128xi32, #tpu.memory_space<vmem>>) semaphore(%arg17 : memref<!tpu.dma_semaphore, #tpu.memory_space<semaphore_mem>>) {add = true}
      %mul3A_559 = arith.constant 2 : i32
      %mul3A_560 = arith.muli %mul3A_559, %scan3A_177 : i32
      %add3A_561 = arith.constant 1 : i32
      %add3A_562 = arith.addi %mul3A_560, %add3A_561 : i32
      %ge3A_563 = arith.constant 1 : i32
      %ge3A_564 = arith.cmpi sge, %scan3A_177, %ge3A_563 : i32
      %convert_element_type3A_565 = arith.extui %ge3A_564 : i1 to i32
      %cond3A_566 = arith.constant 0 : i32
      %cond3A_567 = arith.cmpi ne, %convert_element_type3A_565, %cond3A_566 : i32
      scf.if %cond3A_567 {
        %dma_wait3A_933 = arith.constant 1 : i32
        %dma_wait3A_934 = arith.constant 1 : i32
        %dma_wait3A_935 = arith.constant 0 : i32
        %dma_wait3A_936 = arith.constant 0 : i32
        %dma_wait3A_937 = tpu.memref_slice %arg7[%dma_wait3A_933, %dma_wait3A_935, %dma_wait3A_936] : memref<2x128x64xf32, #tpu.memory_space<vmem>> -> memref<1x128x64xf32, #tpu.memory_space<vmem>>
        %dma_wait3A_938 = tpu.memref_squeeze %dma_wait3A_937 : memref<1x128x64xf32, #tpu.memory_space<vmem>> -> memref<128x64xf32, #tpu.memory_space<vmem>>
        %dma_wait3A_939 = arith.constant 0 : i32
        %dma_wait3A_940 = tpu.memref_slice %arg6[%dma_wait3A_934, %dma_wait3A_939] : memref<2x128xi32, #tpu.memory_space<vmem>> -> memref<1x128xi32, #tpu.memory_space<vmem>>
        %dma_wait3A_941 = tpu.memref_squeeze %dma_wait3A_940 : memref<1x128xi32, #tpu.memory_space<vmem>> -> memref<128xi32, #tpu.memory_space<vmem>>
        %dma_wait3A_942 = arith.constant 0 : i32
        %dma_wait3A_943 = arith.constant 0 : i32
        %dma_wait3A_944 = tpu.memref_slice %arg11[%dma_wait3A_942, %dma_wait3A_943] : memref<25600x64xf32, #tpu.memory_space<vmem_shared>> -> memref<25600x64xf32, #tpu.memory_space<vmem_shared>>
        tpu.wait_indirect_dma semaphore(%arg18 : memref<!tpu.dma_semaphore, #tpu.memory_space<semaphore_mem>>) src(%dma_wait3A_938 : memref<128x64xf32, #tpu.memory_space<vmem>>) dst(%dma_wait3A_944 : memref<25600x64xf32, #tpu.memory_space<vmem_shared>>)
      } else {
      }
      %dma_wait3A_568 = arith.constant 1 : i32
      %dma_wait3A_569 = arith.constant 0 : i32
      %dma_wait3A_570 = arith.constant 0 : i32
      %dma_wait3A_571 = tpu.memref_slice %arg5[%dma_wait3A_568, %dma_wait3A_569, %dma_wait3A_570] : memref<2x2x128xi32, #tpu.memory_space<vmem>> -> memref<1x2x128xi32, #tpu.memory_space<vmem>>
      %dma_wait3A_572 = tpu.memref_squeeze %dma_wait3A_571 : memref<1x2x128xi32, #tpu.memory_space<vmem>> -> memref<2x128xi32, #tpu.memory_space<vmem>>
      %dma_wait3A_573 = arith.constant 0 : i32
      %dma_wait3A_574 = arith.constant 0 : i32
      %dma_wait3A_575 = tpu.memref_slice %arg3[%mul3A_126, %dma_wait3A_573, %dma_wait3A_574] : memref<6272x2x128xi32, #tpu.memory_space<hbm>> -> memref<1x2x128xi32, #tpu.memory_space<hbm>>
      %dma_wait3A_576 = tpu.memref_squeeze %dma_wait3A_575 : memref<1x2x128xi32, #tpu.memory_space<hbm>> -> memref<2x128xi32, #tpu.memory_space<hbm>>
      %dma_wait3A_577 = arith.constant 0 : i32
      %dma_wait3A_578 = arith.constant 0 : i32
      %dma_wait3A_579 = tpu.memref_slice %arg5[%dma_wait3A_568, %dma_wait3A_577, %dma_wait3A_578] : memref<2x2x128xi32, #tpu.memory_space<vmem>> -> memref<1x2x128xi32, #tpu.memory_space<vmem>>
      %dma_wait3A_580 = tpu.memref_squeeze %dma_wait3A_579 : memref<1x2x128xi32, #tpu.memory_space<vmem>> -> memref<2x128xi32, #tpu.memory_space<vmem>>
      %dma_wait3A_581 = arith.constant 0 : i32
      %dma_wait3A_582 = arith.constant 0 : i32
      %dma_wait3A_583 = tpu.memref_slice %arg3[%mul3A_126, %dma_wait3A_581, %dma_wait3A_582] : memref<6272x2x128xi32, #tpu.memory_space<hbm>> -> memref<1x2x128xi32, #tpu.memory_space<hbm>>
      %dma_wait3A_584 = tpu.memref_squeeze %dma_wait3A_583 : memref<1x2x128xi32, #tpu.memory_space<hbm>> -> memref<2x128xi32, #tpu.memory_space<hbm>>
      tpu.wait_dma2 semaphore(%arg14 : memref<!tpu.dma_semaphore, #tpu.memory_space<semaphore_mem>>) src(%dma_wait3A_584 : memref<2x128xi32, #tpu.memory_space<hbm>>) dst(%dma_wait3A_580 : memref<2x128xi32, #tpu.memory_space<vmem>>)
      %dma_start3A_585 = arith.constant 1 : i32
      %dma_start3A_586 = arith.constant 0 : i32
      %dma_start3A_587 = arith.constant 1 : i32
      %dma_start3A_588 = arith.constant 0 : i32
      %dma_start3A_589 = arith.constant 0 : i32
      %dma_start3A_590 = tpu.memref_slice %arg7[%dma_start3A_587, %dma_start3A_588, %dma_start3A_589] : memref<2x128x64xf32, #tpu.memory_space<vmem>> -> memref<1x128x64xf32, #tpu.memory_space<vmem>>
      %dma_start3A_591 = tpu.memref_squeeze %dma_start3A_590 : memref<1x128x64xf32, #tpu.memory_space<vmem>> -> memref<128x64xf32, #tpu.memory_space<vmem>>
      %dma_start3A_592 = arith.constant 0 : i32
      %dma_start3A_593 = tpu.memref_slice %arg5[%dma_start3A_585, %dma_start3A_586, %dma_start3A_592] : memref<2x2x128xi32, #tpu.memory_space<vmem>> -> memref<1x1x128xi32, #tpu.memory_space<vmem>>
      %dma_start3A_594 = tpu.memref_squeeze %dma_start3A_593 : memref<1x1x128xi32, #tpu.memory_space<vmem>> -> memref<128xi32, #tpu.memory_space<vmem>>
      %dma_start3A_595 = arith.constant 0 : i32
      %dma_start3A_596 = arith.constant 0 : i32
      %dma_start3A_597 = tpu.memref_slice %arg2[%dma_start3A_595, %dma_start3A_596] : memref<50000x64xf32, #tpu.memory_space<hbm>> -> memref<50000x64xf32, #tpu.memory_space<hbm>>
      tpu.enqueue_indirect_dma source(%dma_start3A_597 : memref<50000x64xf32, #tpu.memory_space<hbm>>) target(%dma_start3A_591 : memref<128x64xf32, #tpu.memory_space<vmem>>) offsets(%dma_start3A_594 : memref<128xi32, #tpu.memory_space<vmem>>) semaphore(%arg16 : memref<!tpu.dma_semaphore, #tpu.memory_space<semaphore_mem>>)
      %lt3A_598 = arith.constant 195 : i32
      %lt3A_599 = arith.cmpi slt, %scan3A_177, %lt3A_598 : i32
      %convert_element_type3A_600 = arith.extui %lt3A_599 : i1 to i32
      %cond3A_601 = arith.constant 0 : i32
      %cond3A_602 = arith.cmpi ne, %convert_element_type3A_600, %cond3A_601 : i32
      scf.if %cond3A_602 {
        %add3A_933 = arith.addi %mul3A_126, %add3A_562 : i32
        %add3A_934 = arith.constant 1 : i32
        %add3A_935 = arith.addi %add3A_933, %add3A_934 : i32
        %dma_start3A_936 = arith.constant 0 : i32
        %dma_start3A_937 = arith.constant 0 : i32
        %dma_start3A_938 = arith.constant 0 : i32
        %dma_start3A_939 = tpu.memref_slice %arg5[%dma_start3A_936, %dma_start3A_937, %dma_start3A_938] : memref<2x2x128xi32, #tpu.memory_space<vmem>> -> memref<1x2x128xi32, #tpu.memory_space<vmem>>
        %dma_start3A_940 = tpu.memref_squeeze %dma_start3A_939 : memref<1x2x128xi32, #tpu.memory_space<vmem>> -> memref<2x128xi32, #tpu.memory_space<vmem>>
        %dma_start3A_941 = arith.constant 0 : i32
        %dma_start3A_942 = arith.constant 0 : i32
        %dma_start3A_943 = tpu.memref_slice %arg3[%add3A_935, %dma_start3A_941, %dma_start3A_942] : memref<6272x2x128xi32, #tpu.memory_space<hbm>> -> memref<1x2x128xi32, #tpu.memory_space<hbm>>
        %dma_start3A_944 = tpu.memref_squeeze %dma_start3A_943 : memref<1x2x128xi32, #tpu.memory_space<hbm>> -> memref<2x128xi32, #tpu.memory_space<hbm>>
        %dma_start3A_945 = arith.constant 0 : i32
        %dma_start3A_946 = arith.constant 0 : i32
        %dma_start3A_947 = tpu.memref_slice %arg5[%dma_start3A_936, %dma_start3A_945, %dma_start3A_946] : memref<2x2x128xi32, #tpu.memory_space<vmem>> -> memref<1x2x128xi32, #tpu.memory_space<vmem>>
        %dma_start3A_948 = tpu.memref_squeeze %dma_start3A_947 : memref<1x2x128xi32, #tpu.memory_space<vmem>> -> memref<2x128xi32, #tpu.memory_space<vmem>>
        %dma_start3A_949 = arith.constant 0 : i32
        %dma_start3A_950 = arith.constant 0 : i32
        %dma_start3A_951 = tpu.memref_slice %arg3[%add3A_935, %dma_start3A_949, %dma_start3A_950] : memref<6272x2x128xi32, #tpu.memory_space<hbm>> -> memref<1x2x128xi32, #tpu.memory_space<hbm>>
        %dma_start3A_952 = tpu.memref_squeeze %dma_start3A_951 : memref<1x2x128xi32, #tpu.memory_space<hbm>> -> memref<2x128xi32, #tpu.memory_space<hbm>>
        tpu.enqueue_dma source(%dma_start3A_952 : memref<2x128xi32, #tpu.memory_space<hbm>>) target(%dma_start3A_948 : memref<2x128xi32, #tpu.memory_space<vmem>>) target_semaphore(%arg13 : memref<!tpu.dma_semaphore, #tpu.memory_space<semaphore_mem>>)
      } else {
      }
      %get3A_603 = arith.constant 1 : i32
      %get3A_604 = arith.constant 1 : i32
      %get3A_605 = arith.index_cast %get3A_603 : i32 to index
      %get3A_606 = arith.index_cast %get3A_604 : i32 to index
      %get3A_607 = arith.constant 0 : index
      %get3A_608 = tpu.vector_load %arg5[%get3A_605, %get3A_606, %get3A_607] {strides = array<i32>} : memref<2x2x128xi32, #tpu.memory_space<vmem>>, vector<1x1x16xi32>,
      %get3A_609 = vector.shape_cast %get3A_608 : vector<1x1x16xi32> to vector<16xi32>
      %sub3A_610 = vector.broadcast %mul3A_0 : i32 to vector<16xi32>
      %sub3A_611 = arith.subi %get3A_609, %sub3A_610 : vector<16xi32>
      %ge3A_612 = arith.constant 0 : i32
      %ge3A_613 = vector.broadcast %ge3A_612 : i32 to vector<16xi32>
      %ge3A_614 = arith.cmpi sge, %sub3A_611, %ge3A_613 : vector<16xi32>
      %lt3A_615 = arith.constant 25088 : i32
      %lt3A_616 = vector.broadcast %lt3A_615 : i32 to vector<16xi32>
      %lt3A_617 = arith.cmpi slt, %sub3A_611, %lt3A_616 : vector<16xi32>
      %and3A_618 = arith.andi %ge3A_614, %lt3A_617 : vector<16xi1>
      %mul3A_619 = arith.constant 37 : i32
      %mul3A_620 = arith.muli %add3A_562, %mul3A_619 : i32
      %mul3A_621 = arith.constant 131 : i32
      %mul3A_622 = arith.muli %arg1, %mul3A_621 : i32
      %add3A_623 = arith.addi %mul3A_620, %mul3A_622 : i32
      %add3A_624 = arith.constant 0 : i32
      %add3A_625 = arith.addi %add3A_623, %add3A_624 : i32
      %add3A_626 = vector.broadcast %add3A_625 : i32 to vector<16xi32>
      %add3A_627 = arith.addi %add3A_626, %iota3A : vector<16xi32>
      %and3A_628 = arith.constant 511 : i32
      %and3A_629 = vector.broadcast %and3A_628 : i32 to vector<16xi32>
      %and3A_630 = arith.andi %add3A_627, %and3A_629 : vector<16xi32>
      %add3A_631 = arith.constant 25088 : i32
      %add3A_632 = vector.broadcast %add3A_631 : i32 to vector<16xi32>
      %add3A_633 = arith.addi %add3A_632, %and3A_630 : vector<16xi32>
      %select_n3A_634 = arith.select %and3A_618, %sub3A_611, %add3A_633 : vector<16xi1>, vector<16xi32>
      %swap3A_635 = arith.constant 1 : i32
      %swap3A_636 = arith.index_cast %swap3A_635 : i32 to index
      %swap3A_637 = arith.constant 0 : index
      %swap3A_638 = tpu.vector_load %arg6[%swap3A_636, %swap3A_637] {strides = array<i32>} : memref<2x128xi32, #tpu.memory_space<vmem>>, vector<1x16xi32>,
      %swap3A_639 = vector.shape_cast %swap3A_638 : vector<1x16xi32> to vector<16xi32>
      %swap3A_640 = vector.shape_cast %select_n3A_634 : vector<16xi32> to vector<1x16xi32>
      tpu.vector_store %arg6[%swap3A_636, %swap3A_637], %swap3A_640 {strides = array<i32>} : memref<2x128xi32, #tpu.memory_space<vmem>>, vector<1x16xi32>,
      %get3A_641 = arith.constant 1 : i32
      %get3A_642 = arith.constant 1 : i32
      %get3A_643 = arith.index_cast %get3A_641 : i32 to index
      %get3A_644 = arith.index_cast %get3A_642 : i32 to index
      %get3A_645 = arith.constant 16 : index
      %get3A_646 = tpu.vector_load %arg5[%get3A_643, %get3A_644, %get3A_645] {strides = array<i32>} : memref<2x2x128xi32, #tpu.memory_space<vmem>>, vector<1x1x16xi32>,
      %get3A_647 = vector.shape_cast %get3A_646 : vector<1x1x16xi32> to vector<16xi32>
      %sub3A_648 = vector.broadcast %mul3A_0 : i32 to vector<16xi32>
      %sub3A_649 = arith.subi %get3A_647, %sub3A_648 : vector<16xi32>
      %ge3A_650 = arith.constant 0 : i32
      %ge3A_651 = vector.broadcast %ge3A_650 : i32 to vector<16xi32>
      %ge3A_652 = arith.cmpi sge, %sub3A_649, %ge3A_651 : vector<16xi32>
      %lt3A_653 = arith.constant 25088 : i32
      %lt3A_654 = vector.broadcast %lt3A_653 : i32 to vector<16xi32>
      %lt3A_655 = arith.cmpi slt, %sub3A_649, %lt3A_654 : vector<16xi32>
      %and3A_656 = arith.andi %ge3A_652, %lt3A_655 : vector<16xi1>
      %mul3A_657 = arith.constant 37 : i32
      %mul3A_658 = arith.muli %add3A_562, %mul3A_657 : i32
      %mul3A_659 = arith.constant 131 : i32
      %mul3A_660 = arith.muli %arg1, %mul3A_659 : i32
      %add3A_661 = arith.addi %mul3A_658, %mul3A_660 : i32
      %add3A_662 = arith.constant 16 : i32
      %add3A_663 = arith.addi %add3A_661, %add3A_662 : i32
      %add3A_664 = vector.broadcast %add3A_663 : i32 to vector<16xi32>
      %add3A_665 = arith.addi %add3A_664, %iota3A : vector<16xi32>
      %and3A_666 = arith.constant 511 : i32
      %and3A_667 = vector.broadcast %and3A_666 : i32 to vector<16xi32>
      %and3A_668 = arith.andi %add3A_665, %and3A_667 : vector<16xi32>
      %add3A_669 = arith.constant 25088 : i32
      %add3A_670 = vector.broadcast %add3A_669 : i32 to vector<16xi32>
      %add3A_671 = arith.addi %add3A_670, %and3A_668 : vector<16xi32>
      %select_n3A_672 = arith.select %and3A_656, %sub3A_649, %add3A_671 : vector<16xi1>, vector<16xi32>
      %swap3A_673 = arith.constant 1 : i32
      %swap3A_674 = arith.index_cast %swap3A_673 : i32 to index
      %swap3A_675 = arith.constant 16 : index
      %swap3A_676 = tpu.vector_load %arg6[%swap3A_674, %swap3A_675] {strides = array<i32>} : memref<2x128xi32, #tpu.memory_space<vmem>>, vector<1x16xi32>,
      %swap3A_677 = vector.shape_cast %swap3A_676 : vector<1x16xi32> to vector<16xi32>
      %swap3A_678 = vector.shape_cast %select_n3A_672 : vector<16xi32> to vector<1x16xi32>
      tpu.vector_store %arg6[%swap3A_674, %swap3A_675], %swap3A_678 {strides = array<i32>} : memref<2x128xi32, #tpu.memory_space<vmem>>, vector<1x16xi32>,
      %get3A_679 = arith.constant 1 : i32
      %get3A_680 = arith.constant 1 : i32
      %get3A_681 = arith.index_cast %get3A_679 : i32 to index
      %get3A_682 = arith.index_cast %get3A_680 : i32 to index
      %get3A_683 = arith.constant 32 : index
      %get3A_684 = tpu.vector_load %arg5[%get3A_681, %get3A_682, %get3A_683] {strides = array<i32>} : memref<2x2x128xi32, #tpu.memory_space<vmem>>, vector<1x1x16xi32>,
      %get3A_685 = vector.shape_cast %get3A_684 : vector<1x1x16xi32> to vector<16xi32>
      %sub3A_686 = vector.broadcast %mul3A_0 : i32 to vector<16xi32>
      %sub3A_687 = arith.subi %get3A_685, %sub3A_686 : vector<16xi32>
      %ge3A_688 = arith.constant 0 : i32
      %ge3A_689 = vector.broadcast %ge3A_688 : i32 to vector<16xi32>
      %ge3A_690 = arith.cmpi sge, %sub3A_687, %ge3A_689 : vector<16xi32>
      %lt3A_691 = arith.constant 25088 : i32
      %lt3A_692 = vector.broadcast %lt3A_691 : i32 to vector<16xi32>
      %lt3A_693 = arith.cmpi slt, %sub3A_687, %lt3A_692 : vector<16xi32>
      %and3A_694 = arith.andi %ge3A_690, %lt3A_693 : vector<16xi1>
      %mul3A_695 = arith.constant 37 : i32
      %mul3A_696 = arith.muli %add3A_562, %mul3A_695 : i32
      %mul3A_697 = arith.constant 131 : i32
      %mul3A_698 = arith.muli %arg1, %mul3A_697 : i32
      %add3A_699 = arith.addi %mul3A_696, %mul3A_698 : i32
      %add3A_700 = arith.constant 32 : i32
      %add3A_701 = arith.addi %add3A_699, %add3A_700 : i32
      %add3A_702 = vector.broadcast %add3A_701 : i32 to vector<16xi32>
      %add3A_703 = arith.addi %add3A_702, %iota3A : vector<16xi32>
      %and3A_704 = arith.constant 511 : i32
      %and3A_705 = vector.broadcast %and3A_704 : i32 to vector<16xi32>
      %and3A_706 = arith.andi %add3A_703, %and3A_705 : vector<16xi32>
      %add3A_707 = arith.constant 25088 : i32
      %add3A_708 = vector.broadcast %add3A_707 : i32 to vector<16xi32>
      %add3A_709 = arith.addi %add3A_708, %and3A_706 : vector<16xi32>
      %select_n3A_710 = arith.select %and3A_694, %sub3A_687, %add3A_709 : vector<16xi1>, vector<16xi32>
      %swap3A_711 = arith.constant 1 : i32
      %swap3A_712 = arith.index_cast %swap3A_711 : i32 to index
      %swap3A_713 = arith.constant 32 : index
      %swap3A_714 = tpu.vector_load %arg6[%swap3A_712, %swap3A_713] {strides = array<i32>} : memref<2x128xi32, #tpu.memory_space<vmem>>, vector<1x16xi32>,
      %swap3A_715 = vector.shape_cast %swap3A_714 : vector<1x16xi32> to vector<16xi32>
      %swap3A_716 = vector.shape_cast %select_n3A_710 : vector<16xi32> to vector<1x16xi32>
      tpu.vector_store %arg6[%swap3A_712, %swap3A_713], %swap3A_716 {strides = array<i32>} : memref<2x128xi32, #tpu.memory_space<vmem>>, vector<1x16xi32>,
      %get3A_717 = arith.constant 1 : i32
      %get3A_718 = arith.constant 1 : i32
      %get3A_719 = arith.index_cast %get3A_717 : i32 to index
      %get3A_720 = arith.index_cast %get3A_718 : i32 to index
      %get3A_721 = arith.constant 48 : index
      %get3A_722 = tpu.vector_load %arg5[%get3A_719, %get3A_720, %get3A_721] {strides = array<i32>} : memref<2x2x128xi32, #tpu.memory_space<vmem>>, vector<1x1x16xi32>,
      %get3A_723 = vector.shape_cast %get3A_722 : vector<1x1x16xi32> to vector<16xi32>
      %sub3A_724 = vector.broadcast %mul3A_0 : i32 to vector<16xi32>
      %sub3A_725 = arith.subi %get3A_723, %sub3A_724 : vector<16xi32>
      %ge3A_726 = arith.constant 0 : i32
      %ge3A_727 = vector.broadcast %ge3A_726 : i32 to vector<16xi32>
      %ge3A_728 = arith.cmpi sge, %sub3A_725, %ge3A_727 : vector<16xi32>
      %lt3A_729 = arith.constant 25088 : i32
      %lt3A_730 = vector.broadcast %lt3A_729 : i32 to vector<16xi32>
      %lt3A_731 = arith.cmpi slt, %sub3A_725, %lt3A_730 : vector<16xi32>
      %and3A_732 = arith.andi %ge3A_728, %lt3A_731 : vector<16xi1>
      %mul3A_733 = arith.constant 37 : i32
      %mul3A_734 = arith.muli %add3A_562, %mul3A_733 : i32
      %mul3A_735 = arith.constant 131 : i32
      %mul3A_736 = arith.muli %arg1, %mul3A_735 : i32
      %add3A_737 = arith.addi %mul3A_734, %mul3A_736 : i32
      %add3A_738 = arith.constant 48 : i32
      %add3A_739 = arith.addi %add3A_737, %add3A_738 : i32
      %add3A_740 = vector.broadcast %add3A_739 : i32 to vector<16xi32>
      %add3A_741 = arith.addi %add3A_740, %iota3A : vector<16xi32>
      %and3A_742 = arith.constant 511 : i32
      %and3A_743 = vector.broadcast %and3A_742 : i32 to vector<16xi32>
      %and3A_744 = arith.andi %add3A_741, %and3A_743 : vector<16xi32>
      %add3A_745 = arith.constant 25088 : i32
      %add3A_746 = vector.broadcast %add3A_745 : i32 to vector<16xi32>
      %add3A_747 = arith.addi %add3A_746, %and3A_744 : vector<16xi32>
      %select_n3A_748 = arith.select %and3A_732, %sub3A_725, %add3A_747 : vector<16xi1>, vector<16xi32>
      %swap3A_749 = arith.constant 1 : i32
      %swap3A_750 = arith.index_cast %swap3A_749 : i32 to index
      %swap3A_751 = arith.constant 48 : index
      %swap3A_752 = tpu.vector_load %arg6[%swap3A_750, %swap3A_751] {strides = array<i32>} : memref<2x128xi32, #tpu.memory_space<vmem>>, vector<1x16xi32>,
      %swap3A_753 = vector.shape_cast %swap3A_752 : vector<1x16xi32> to vector<16xi32>
      %swap3A_754 = vector.shape_cast %select_n3A_748 : vector<16xi32> to vector<1x16xi32>
      tpu.vector_store %arg6[%swap3A_750, %swap3A_751], %swap3A_754 {strides = array<i32>} : memref<2x128xi32, #tpu.memory_space<vmem>>, vector<1x16xi32>,
      %get3A_755 = arith.constant 1 : i32
      %get3A_756 = arith.constant 1 : i32
      %get3A_757 = arith.index_cast %get3A_755 : i32 to index
      %get3A_758 = arith.index_cast %get3A_756 : i32 to index
      %get3A_759 = arith.constant 64 : index
      %get3A_760 = tpu.vector_load %arg5[%get3A_757, %get3A_758, %get3A_759] {strides = array<i32>} : memref<2x2x128xi32, #tpu.memory_space<vmem>>, vector<1x1x16xi32>,
      %get3A_761 = vector.shape_cast %get3A_760 : vector<1x1x16xi32> to vector<16xi32>
      %sub3A_762 = vector.broadcast %mul3A_0 : i32 to vector<16xi32>
      %sub3A_763 = arith.subi %get3A_761, %sub3A_762 : vector<16xi32>
      %ge3A_764 = arith.constant 0 : i32
      %ge3A_765 = vector.broadcast %ge3A_764 : i32 to vector<16xi32>
      %ge3A_766 = arith.cmpi sge, %sub3A_763, %ge3A_765 : vector<16xi32>
      %lt3A_767 = arith.constant 25088 : i32
      %lt3A_768 = vector.broadcast %lt3A_767 : i32 to vector<16xi32>
      %lt3A_769 = arith.cmpi slt, %sub3A_763, %lt3A_768 : vector<16xi32>
      %and3A_770 = arith.andi %ge3A_766, %lt3A_769 : vector<16xi1>
      %mul3A_771 = arith.constant 37 : i32
      %mul3A_772 = arith.muli %add3A_562, %mul3A_771 : i32
      %mul3A_773 = arith.constant 131 : i32
      %mul3A_774 = arith.muli %arg1, %mul3A_773 : i32
      %add3A_775 = arith.addi %mul3A_772, %mul3A_774 : i32
      %add3A_776 = arith.constant 64 : i32
      %add3A_777 = arith.addi %add3A_775, %add3A_776 : i32
      %add3A_778 = vector.broadcast %add3A_777 : i32 to vector<16xi32>
      %add3A_779 = arith.addi %add3A_778, %iota3A : vector<16xi32>
      %and3A_780 = arith.constant 511 : i32
      %and3A_781 = vector.broadcast %and3A_780 : i32 to vector<16xi32>
      %and3A_782 = arith.andi %add3A_779, %and3A_781 : vector<16xi32>
      %add3A_783 = arith.constant 25088 : i32
      %add3A_784 = vector.broadcast %add3A_783 : i32 to vector<16xi32>
      %add3A_785 = arith.addi %add3A_784, %and3A_782 : vector<16xi32>
      %select_n3A_786 = arith.select %and3A_770, %sub3A_763, %add3A_785 : vector<16xi1>, vector<16xi32>
      %swap3A_787 = arith.constant 1 : i32
      %swap3A_788 = arith.index_cast %swap3A_787 : i32 to index
      %swap3A_789 = arith.constant 64 : index
      %swap3A_790 = tpu.vector_load %arg6[%swap3A_788, %swap3A_789] {strides = array<i32>} : memref<2x128xi32, #tpu.memory_space<vmem>>, vector<1x16xi32>,
      %swap3A_791 = vector.shape_cast %swap3A_790 : vector<1x16xi32> to vector<16xi32>
      %swap3A_792 = vector.shape_cast %select_n3A_786 : vector<16xi32> to vector<1x16xi32>
      tpu.vector_store %arg6[%swap3A_788, %swap3A_789], %swap3A_792 {strides = array<i32>} : memref<2x128xi32, #tpu.memory_space<vmem>>, vector<1x16xi32>,
      %get3A_793 = arith.constant 1 : i32
      %get3A_794 = arith.constant 1 : i32
      %get3A_795 = arith.index_cast %get3A_793 : i32 to index
      %get3A_796 = arith.index_cast %get3A_794 : i32 to index
      %get3A_797 = arith.constant 80 : index
      %get3A_798 = tpu.vector_load %arg5[%get3A_795, %get3A_796, %get3A_797] {strides = array<i32>} : memref<2x2x128xi32, #tpu.memory_space<vmem>>, vector<1x1x16xi32>,
      %get3A_799 = vector.shape_cast %get3A_798 : vector<1x1x16xi32> to vector<16xi32>
      %sub3A_800 = vector.broadcast %mul3A_0 : i32 to vector<16xi32>
      %sub3A_801 = arith.subi %get3A_799, %sub3A_800 : vector<16xi32>
      %ge3A_802 = arith.constant 0 : i32
      %ge3A_803 = vector.broadcast %ge3A_802 : i32 to vector<16xi32>
      %ge3A_804 = arith.cmpi sge, %sub3A_801, %ge3A_803 : vector<16xi32>
      %lt3A_805 = arith.constant 25088 : i32
      %lt3A_806 = vector.broadcast %lt3A_805 : i32 to vector<16xi32>
      %lt3A_807 = arith.cmpi slt, %sub3A_801, %lt3A_806 : vector<16xi32>
      %and3A_808 = arith.andi %ge3A_804, %lt3A_807 : vector<16xi1>
      %mul3A_809 = arith.constant 37 : i32
      %mul3A_810 = arith.muli %add3A_562, %mul3A_809 : i32
      %mul3A_811 = arith.constant 131 : i32
      %mul3A_812 = arith.muli %arg1, %mul3A_811 : i32
      %add3A_813 = arith.addi %mul3A_810, %mul3A_812 : i32
      %add3A_814 = arith.constant 80 : i32
      %add3A_815 = arith.addi %add3A_813, %add3A_814 : i32
      %add3A_816 = vector.broadcast %add3A_815 : i32 to vector<16xi32>
      %add3A_817 = arith.addi %add3A_816, %iota3A : vector<16xi32>
      %and3A_818 = arith.constant 511 : i32
      %and3A_819 = vector.broadcast %and3A_818 : i32 to vector<16xi32>
      %and3A_820 = arith.andi %add3A_817, %and3A_819 : vector<16xi32>
      %add3A_821 = arith.constant 25088 : i32
      %add3A_822 = vector.broadcast %add3A_821 : i32 to vector<16xi32>
      %add3A_823 = arith.addi %add3A_822, %and3A_820 : vector<16xi32>
      %select_n3A_824 = arith.select %and3A_808, %sub3A_801, %add3A_823 : vector<16xi1>, vector<16xi32>
      %swap3A_825 = arith.constant 1 : i32
      %swap3A_826 = arith.index_cast %swap3A_825 : i32 to index
      %swap3A_827 = arith.constant 80 : index
      %swap3A_828 = tpu.vector_load %arg6[%swap3A_826, %swap3A_827] {strides = array<i32>} : memref<2x128xi32, #tpu.memory_space<vmem>>, vector<1x16xi32>,
      %swap3A_829 = vector.shape_cast %swap3A_828 : vector<1x16xi32> to vector<16xi32>
      %swap3A_830 = vector.shape_cast %select_n3A_824 : vector<16xi32> to vector<1x16xi32>
      tpu.vector_store %arg6[%swap3A_826, %swap3A_827], %swap3A_830 {strides = array<i32>} : memref<2x128xi32, #tpu.memory_space<vmem>>, vector<1x16xi32>,
      %get3A_831 = arith.constant 1 : i32
      %get3A_832 = arith.constant 1 : i32
      %get3A_833 = arith.index_cast %get3A_831 : i32 to index
      %get3A_834 = arith.index_cast %get3A_832 : i32 to index
      %get3A_835 = arith.constant 96 : index
      %get3A_836 = tpu.vector_load %arg5[%get3A_833, %get3A_834, %get3A_835] {strides = array<i32>} : memref<2x2x128xi32, #tpu.memory_space<vmem>>, vector<1x1x16xi32>,
      %get3A_837 = vector.shape_cast %get3A_836 : vector<1x1x16xi32> to vector<16xi32>
      %sub3A_838 = vector.broadcast %mul3A_0 : i32 to vector<16xi32>
      %sub3A_839 = arith.subi %get3A_837, %sub3A_838 : vector<16xi32>
      %ge3A_840 = arith.constant 0 : i32
      %ge3A_841 = vector.broadcast %ge3A_840 : i32 to vector<16xi32>
      %ge3A_842 = arith.cmpi sge, %sub3A_839, %ge3A_841 : vector<16xi32>
      %lt3A_843 = arith.constant 25088 : i32
      %lt3A_844 = vector.broadcast %lt3A_843 : i32 to vector<16xi32>
      %lt3A_845 = arith.cmpi slt, %sub3A_839, %lt3A_844 : vector<16xi32>
      %and3A_846 = arith.andi %ge3A_842, %lt3A_845 : vector<16xi1>
      %mul3A_847 = arith.constant 37 : i32
      %mul3A_848 = arith.muli %add3A_562, %mul3A_847 : i32
      %mul3A_849 = arith.constant 131 : i32
      %mul3A_850 = arith.muli %arg1, %mul3A_849 : i32
      %add3A_851 = arith.addi %mul3A_848, %mul3A_850 : i32
      %add3A_852 = arith.constant 96 : i32
      %add3A_853 = arith.addi %add3A_851, %add3A_852 : i32
      %add3A_854 = vector.broadcast %add3A_853 : i32 to vector<16xi32>
      %add3A_855 = arith.addi %add3A_854, %iota3A : vector<16xi32>
      %and3A_856 = arith.constant 511 : i32
      %and3A_857 = vector.broadcast %and3A_856 : i32 to vector<16xi32>
      %and3A_858 = arith.andi %add3A_855, %and3A_857 : vector<16xi32>
      %add3A_859 = arith.constant 25088 : i32
      %add3A_860 = vector.broadcast %add3A_859 : i32 to vector<16xi32>
      %add3A_861 = arith.addi %add3A_860, %and3A_858 : vector<16xi32>
      %select_n3A_862 = arith.select %and3A_846, %sub3A_839, %add3A_861 : vector<16xi1>, vector<16xi32>
      %swap3A_863 = arith.constant 1 : i32
      %swap3A_864 = arith.index_cast %swap3A_863 : i32 to index
      %swap3A_865 = arith.constant 96 : index
      %swap3A_866 = tpu.vector_load %arg6[%swap3A_864, %swap3A_865] {strides = array<i32>} : memref<2x128xi32, #tpu.memory_space<vmem>>, vector<1x16xi32>,
      %swap3A_867 = vector.shape_cast %swap3A_866 : vector<1x16xi32> to vector<16xi32>
      %swap3A_868 = vector.shape_cast %select_n3A_862 : vector<16xi32> to vector<1x16xi32>
      tpu.vector_store %arg6[%swap3A_864, %swap3A_865], %swap3A_868 {strides = array<i32>} : memref<2x128xi32, #tpu.memory_space<vmem>>, vector<1x16xi32>,
      %get3A_869 = arith.constant 1 : i32
      %get3A_870 = arith.constant 1 : i32
      %get3A_871 = arith.index_cast %get3A_869 : i32 to index
      %get3A_872 = arith.index_cast %get3A_870 : i32 to index
      %get3A_873 = arith.constant 112 : index
      %get3A_874 = tpu.vector_load %arg5[%get3A_871, %get3A_872, %get3A_873] {strides = array<i32>} : memref<2x2x128xi32, #tpu.memory_space<vmem>>, vector<1x1x16xi32>,
      %get3A_875 = vector.shape_cast %get3A_874 : vector<1x1x16xi32> to vector<16xi32>
      %sub3A_876 = vector.broadcast %mul3A_0 : i32 to vector<16xi32>
      %sub3A_877 = arith.subi %get3A_875, %sub3A_876 : vector<16xi32>
      %ge3A_878 = arith.constant 0 : i32
      %ge3A_879 = vector.broadcast %ge3A_878 : i32 to vector<16xi32>
      %ge3A_880 = arith.cmpi sge, %sub3A_877, %ge3A_879 : vector<16xi32>
      %lt3A_881 = arith.constant 25088 : i32
      %lt3A_882 = vector.broadcast %lt3A_881 : i32 to vector<16xi32>
      %lt3A_883 = arith.cmpi slt, %sub3A_877, %lt3A_882 : vector<16xi32>
      %and3A_884 = arith.andi %ge3A_880, %lt3A_883 : vector<16xi1>
      %mul3A_885 = arith.constant 37 : i32
      %mul3A_886 = arith.muli %add3A_562, %mul3A_885 : i32
      %mul3A_887 = arith.constant 131 : i32
      %mul3A_888 = arith.muli %arg1, %mul3A_887 : i32
      %add3A_889 = arith.addi %mul3A_886, %mul3A_888 : i32
      %add3A_890 = arith.constant 112 : i32
      %add3A_891 = arith.addi %add3A_889, %add3A_890 : i32
      %add3A_892 = vector.broadcast %add3A_891 : i32 to vector<16xi32>
      %add3A_893 = arith.addi %add3A_892, %iota3A : vector<16xi32>
      %and3A_894 = arith.constant 511 : i32
      %and3A_895 = vector.broadcast %and3A_894 : i32 to vector<16xi32>
      %and3A_896 = arith.andi %add3A_893, %and3A_895 : vector<16xi32>
      %add3A_897 = arith.constant 25088 : i32
      %add3A_898 = vector.broadcast %add3A_897 : i32 to vector<16xi32>
      %add3A_899 = arith.addi %add3A_898, %and3A_896 : vector<16xi32>
      %select_n3A_900 = arith.select %and3A_884, %sub3A_877, %add3A_899 : vector<16xi1>, vector<16xi32>
      %swap3A_901 = arith.constant 1 : i32
      %swap3A_902 = arith.index_cast %swap3A_901 : i32 to index
      %swap3A_903 = arith.constant 112 : index
      %swap3A_904 = tpu.vector_load %arg6[%swap3A_902, %swap3A_903] {strides = array<i32>} : memref<2x128xi32, #tpu.memory_space<vmem>>, vector<1x16xi32>,
      %swap3A_905 = vector.shape_cast %swap3A_904 : vector<1x16xi32> to vector<16xi32>
      %swap3A_906 = vector.shape_cast %select_n3A_900 : vector<16xi32> to vector<1x16xi32>
      tpu.vector_store %arg6[%swap3A_902, %swap3A_903], %swap3A_906 {strides = array<i32>} : memref<2x128xi32, #tpu.memory_space<vmem>>, vector<1x16xi32>,
      %dma_wait3A_907 = arith.constant 1 : i32
      %dma_wait3A_908 = arith.constant 0 : i32
      %dma_wait3A_909 = arith.constant 1 : i32
      %dma_wait3A_910 = arith.constant 0 : i32
      %dma_wait3A_911 = arith.constant 0 : i32
      %dma_wait3A_912 = tpu.memref_slice %arg7[%dma_wait3A_909, %dma_wait3A_910, %dma_wait3A_911] : memref<2x128x64xf32, #tpu.memory_space<vmem>> -> memref<1x128x64xf32, #tpu.memory_space<vmem>>
      %dma_wait3A_913 = tpu.memref_squeeze %dma_wait3A_912 : memref<1x128x64xf32, #tpu.memory_space<vmem>> -> memref<128x64xf32, #tpu.memory_space<vmem>>
      %dma_wait3A_914 = arith.constant 0 : i32
      %dma_wait3A_915 = tpu.memref_slice %arg5[%dma_wait3A_907, %dma_wait3A_908, %dma_wait3A_914] : memref<2x2x128xi32, #tpu.memory_space<vmem>> -> memref<1x1x128xi32, #tpu.memory_space<vmem>>
      %dma_wait3A_916 = tpu.memref_squeeze %dma_wait3A_915 : memref<1x1x128xi32, #tpu.memory_space<vmem>> -> memref<128xi32, #tpu.memory_space<vmem>>
      %dma_wait3A_917 = arith.constant 0 : i32
      %dma_wait3A_918 = arith.constant 0 : i32
      %dma_wait3A_919 = tpu.memref_slice %arg2[%dma_wait3A_917, %dma_wait3A_918] : memref<50000x64xf32, #tpu.memory_space<hbm>> -> memref<50000x64xf32, #tpu.memory_space<hbm>>
      tpu.wait_indirect_dma semaphore(%arg16 : memref<!tpu.dma_semaphore, #tpu.memory_space<semaphore_mem>>) src(%dma_wait3A_919 : memref<50000x64xf32, #tpu.memory_space<hbm>>) dst(%dma_wait3A_913 : memref<128x64xf32, #tpu.memory_space<vmem>>)
      %dma_start3A_920 = arith.constant 1 : i32
      %dma_start3A_921 = arith.constant 1 : i32
      %dma_start3A_922 = arith.constant 0 : i32
      %dma_start3A_923 = arith.constant 0 : i32
      %dma_start3A_924 = tpu.memref_slice %arg7[%dma_start3A_920, %dma_start3A_922, %dma_start3A_923] : memref<2x128x64xf32, #tpu.memory_space<vmem>> -> memref<1x128x64xf32, #tpu.memory_space<vmem>>
      %dma_start3A_925 = tpu.memref_squeeze %dma_start3A_924 : memref<1x128x64xf32, #tpu.memory_space<vmem>> -> memref<128x64xf32, #tpu.memory_space<vmem>>
      %dma_start3A_926 = arith.constant 0 : i32
      %dma_start3A_927 = tpu.memref_slice %arg6[%dma_start3A_921, %dma_start3A_926] : memref<2x128xi32, #tpu.memory_space<vmem>> -> memref<1x128xi32, #tpu.memory_space<vmem>>
      %dma_start3A_928 = tpu.memref_squeeze %dma_start3A_927 : memref<1x128xi32, #tpu.memory_space<vmem>> -> memref<128xi32, #tpu.memory_space<vmem>>
      %dma_start3A_929 = arith.constant 0 : i32
      %dma_start3A_930 = arith.constant 0 : i32
      %dma_start3A_931 = tpu.memref_slice %arg11[%dma_start3A_929, %dma_start3A_930] : memref<25600x64xf32, #tpu.memory_space<vmem_shared>> -> memref<25600x64xf32, #tpu.memory_space<vmem_shared>>
      tpu.enqueue_indirect_dma source(%dma_start3A_925 : memref<128x64xf32, #tpu.memory_space<vmem>>) target(%dma_start3A_931 : memref<25600x64xf32, #tpu.memory_space<vmem_shared>>) offsets(%dma_start3A_928 : memref<128xi32, #tpu.memory_space<vmem>>) semaphore(%arg18 : memref<!tpu.dma_semaphore, #tpu.memory_space<semaphore_mem>>) {add = true}
      %scan3A_932 = arith.constant 0 : i32
      scf.yield %scan3A_932 : i32
    }
    %scan3A_149 = arith.constant 196 : i32
    %dma_wait3A = arith.constant 0 : i32
    %dma_wait3A_150 = arith.constant 0 : i32
    %dma_wait3A_151 = arith.constant 0 : i32
    %dma_wait3A_152 = arith.constant 0 : i32
    %dma_wait3A_153 = tpu.memref_slice %arg7[%dma_wait3A, %dma_wait3A_151, %dma_wait3A_152] : memref<2x128x64xf32, #tpu.memory_space<vmem>> -> memref<1x128x64xf32, #tpu.memory_space<vmem>>
    %dma_wait3A_154 = tpu.memref_squeeze %dma_wait3A_153 : memref<1x128x64xf32, #tpu.memory_space<vmem>> -> memref<128x64xf32, #tpu.memory_space<vmem>>
    %dma_wait3A_155 = arith.constant 0 : i32
    %dma_wait3A_156 = tpu.memref_slice %arg6[%dma_wait3A_150, %dma_wait3A_155] : memref<2x128xi32, #tpu.memory_space<vmem>> -> memref<1x128xi32, #tpu.memory_space<vmem>>
    %dma_wait3A_157 = tpu.memref_squeeze %dma_wait3A_156 : memref<1x128xi32, #tpu.memory_space<vmem>> -> memref<128xi32, #tpu.memory_space<vmem>>
    %dma_wait3A_158 = arith.constant 0 : i32
    %dma_wait3A_159 = arith.constant 0 : i32
    %dma_wait3A_160 = tpu.memref_slice %arg11[%dma_wait3A_158, %dma_wait3A_159] : memref<25600x64xf32, #tpu.memory_space<vmem_shared>> -> memref<25600x64xf32, #tpu.memory_space<vmem_shared>>
    tpu.wait_indirect_dma semaphore(%arg17 : memref<!tpu.dma_semaphore, #tpu.memory_space<semaphore_mem>>) src(%dma_wait3A_154 : memref<128x64xf32, #tpu.memory_space<vmem>>) dst(%dma_wait3A_160 : memref<25600x64xf32, #tpu.memory_space<vmem_shared>>)
    %dma_wait3A_161 = arith.constant 1 : i32
    %dma_wait3A_162 = arith.constant 1 : i32
    %dma_wait3A_163 = arith.constant 0 : i32
    %dma_wait3A_164 = arith.constant 0 : i32
    %dma_wait3A_165 = tpu.memref_slice %arg7[%dma_wait3A_161, %dma_wait3A_163, %dma_wait3A_164] : memref<2x128x64xf32, #tpu.memory_space<vmem>> -> memref<1x128x64xf32, #tpu.memory_space<vmem>>
    %dma_wait3A_166 = tpu.memref_squeeze %dma_wait3A_165 : memref<1x128x64xf32, #tpu.memory_space<vmem>> -> memref<128x64xf32, #tpu.memory_space<vmem>>
    %dma_wait3A_167 = arith.constant 0 : i32
    %dma_wait3A_168 = tpu.memref_slice %arg6[%dma_wait3A_162, %dma_wait3A_167] : memref<2x128xi32, #tpu.memory_space<vmem>> -> memref<1x128xi32, #tpu.memory_space<vmem>>
    %dma_wait3A_169 = tpu.memref_squeeze %dma_wait3A_168 : memref<1x128xi32, #tpu.memory_space<vmem>> -> memref<128xi32, #tpu.memory_space<vmem>>
    %dma_wait3A_170 = arith.constant 0 : i32
    %dma_wait3A_171 = arith.constant 0 : i32
    %dma_wait3A_172 = tpu.memref_slice %arg11[%dma_wait3A_170, %dma_wait3A_171] : memref<25600x64xf32, #tpu.memory_space<vmem_shared>> -> memref<25600x64xf32, #tpu.memory_space<vmem_shared>>
    tpu.wait_indirect_dma semaphore(%arg18 : memref<!tpu.dma_semaphore, #tpu.memory_space<semaphore_mem>>) src(%dma_wait3A_166 : memref<128x64xf32, #tpu.memory_space<vmem>>) dst(%dma_wait3A_172 : memref<25600x64xf32, #tpu.memory_space<vmem_shared>>)
    %barrier3A_173 = arith.constant 0 : index
    tpu.barrier barrier_id(%barrier3A_173)
    %mul3A_174 = arith.constant 1568 : i32
    %mul3A_175 = arith.muli %arg1, %mul3A_174 : i32
    %add3A_176 = arith.addi %mul3A_0, %mul3A_175 : i32
    "tpu.region"() ({
      %run_scoped3A = tpu.sem_alloc : memref<!tpu.dma_semaphore, #tpu.memory_space<semaphore_mem>>
      %dma_start3A_177 = arith.constant 0 : i32
      %dma_start3A_178 = tpu.memref_slice %arg4[%add3A_176, %dma_start3A_177] : memref<50176x64xf32, #tpu.memory_space<hbm>> -> memref<1568x64xf32, #tpu.memory_space<hbm>>
      %dma_start3A_179 = arith.constant 0 : i32
      %dma_start3A_180 = tpu.memref_slice %arg11[%mul3A_175, %dma_start3A_179] : memref<25600x64xf32, #tpu.memory_space<vmem_shared>> -> memref<1568x64xf32, #tpu.memory_space<vmem_shared>>
      tpu.enqueue_dma source(%dma_start3A_180 : memref<1568x64xf32, #tpu.memory_space<vmem_shared>>) target(%dma_start3A_178 : memref<1568x64xf32, #tpu.memory_space<hbm>>) target_semaphore(%run_scoped3A : memref<!tpu.dma_semaphore, #tpu.memory_space<semaphore_mem>>)
      %dma_wait3A_181 = arith.constant 0 : i32
      %dma_wait3A_182 = tpu.memref_slice %arg4[%add3A_176, %dma_wait3A_181] : memref<50176x64xf32, #tpu.memory_space<hbm>> -> memref<1568x64xf32, #tpu.memory_space<hbm>>
      %dma_wait3A_183 = arith.constant 0 : i32
      %dma_wait3A_184 = tpu.memref_slice %arg11[%mul3A_175, %dma_wait3A_183] : memref<25600x64xf32, #tpu.memory_space<vmem_shared>> -> memref<1568x64xf32, #tpu.memory_space<vmem_shared>>
      tpu.wait_dma2 semaphore(%run_scoped3A : memref<!tpu.dma_semaphore, #tpu.memory_space<semaphore_mem>>) src(%dma_wait3A_184 : memref<1568x64xf32, #tpu.memory_space<vmem_shared>>) dst(%dma_wait3A_182 : memref<1568x64xf32, #tpu.memory_space<hbm>>)
      tpu.yield
    }) : () -> ()
    return
  }
}

module attributes {stable_mosaic.version = 14 : i64} {
  func.func @body(%arg0: i32, %arg1: memref<1000x128xf32, #tpu.memory_space<vmem>>, %arg2: memref<128x64xf32, #tpu.memory_space<vmem>>, %arg3: memref<128x64xf32, #tpu.memory_space<vmem>>, %arg4: memref<1x64xf32, #tpu.memory_space<vmem>>, %arg5: memref<1000x64xf32, #tpu.memory_space<vmem>>, %arg6: memref<1000x64xf32, #tpu.memory_space<vmem>>) attributes {dimension_semantics = [#tpu.dimension_semantics<arbitrary>], iteration_bounds = array<i64: 50>, scalar_prefetch = 0 : i64, scratch_operands = 0 : i64, tpu.core_type = #tpu.core_type<tc>, window_params = [{transform_indices = @transform_0, window_bounds = array<i64: 1000, 128>}, {pipeline_mode = #tpu.pipeline_mode<synchronous>, transform_indices = @transform_1, window_bounds = array<i64: 128, 64>}, {pipeline_mode = #tpu.pipeline_mode<synchronous>, transform_indices = @transform_2, window_bounds = array<i64: 128, 64>}, {pipeline_mode = #tpu.pipeline_mode<synchronous>, transform_indices = @transform_3, window_bounds = array<i64: 1, 64>}, {transform_indices = @transform_4, window_bounds = array<i64: 1000, 64>}, {transform_indices = @transform_5, window_bounds = array<i64: 1000, 64>}]} {
    %get3A = arith.constant 0 : index
    %get3A_0 = arith.constant 0 : index
    %get3A_1 = vector.load %arg1[%get3A, %get3A_0] : memref<1000x128xf32, #tpu.memory_space<vmem>>, vector<1000x128xf32>
    %get3A_2 = arith.constant 0 : index
    %get3A_3 = arith.constant 0 : index
    %get3A_4 = vector.load %arg2[%get3A_2, %get3A_3] : memref<128x64xf32, #tpu.memory_space<vmem>>, vector<128x64xf32>
    %dot_general3A = arith.constant dense<0.000000e+00> : vector<1000x64xf32>
    %dot_general3A_5 = tpu.matmul %get3A_1, %get3A_4, %dot_general3A {dimension_numbers = #tpu.dot_dimension_numbers<[1], [0], [0], [1], [0, 0, 1, 1], [], []>, transpose_lhs_hint = false} : vector<1000x128xf32>, vector<128x64xf32>, vector<1000x64xf32> -> vector<1000x64xf32>
    %swap3A = arith.constant 0 : index
    %swap3A_6 = arith.constant 0 : index
    %swap3A_7 = vector.load %arg5[%swap3A, %swap3A_6] : memref<1000x64xf32, #tpu.memory_space<vmem>>, vector<1000x64xf32>
    tpu.vector_store %arg5[%swap3A, %swap3A_6], %dot_general3A_5 {strides = array<i32>} : memref<1000x64xf32, #tpu.memory_space<vmem>>, vector<1000x64xf32>,
    %get3A_8 = arith.constant 0 : index
    %get3A_9 = arith.constant 0 : index
    %get3A_10 = vector.load %arg3[%get3A_8, %get3A_9] : memref<128x64xf32, #tpu.memory_space<vmem>>, vector<128x64xf32>
    %dot_general3A_11 = arith.constant dense<0.000000e+00> : vector<1000x64xf32>
    %dot_general3A_12 = tpu.matmul %get3A_1, %get3A_10, %dot_general3A_11 {dimension_numbers = #tpu.dot_dimension_numbers<[1], [0], [0], [1], [0, 0, 1, 1], [], []>, transpose_lhs_hint = false} : vector<1000x128xf32>, vector<128x64xf32>, vector<1000x64xf32> -> vector<1000x64xf32>
    %get3A_13 = arith.constant 0 : index
    %get3A_14 = arith.constant 0 : index
    %get3A_15 = vector.load %arg4[%get3A_13, %get3A_14] : memref<1x64xf32, #tpu.memory_space<vmem>>, vector<1x64xf32>
    %add3A = vector.broadcast %get3A_15 : vector<1x64xf32> to vector<1000x64xf32>
    %add3A_16 = arith.addf %dot_general3A_12, %add3A : vector<1000x64xf32>
    %swap3A_17 = arith.constant 0 : index
    %swap3A_18 = arith.constant 0 : index
    %swap3A_19 = vector.load %arg6[%swap3A_17, %swap3A_18] : memref<1000x64xf32, #tpu.memory_space<vmem>>, vector<1000x64xf32>
    tpu.vector_store %arg6[%swap3A_17, %swap3A_18], %add3A_16 {strides = array<i32>} : memref<1000x64xf32, #tpu.memory_space<vmem>>, vector<1000x64xf32>,
    return
  }
  func.func @transform_0(%arg0: i32) -> (i32, i32) {
    %c0_i32 = arith.constant 0 : i32
    %c0_i32_0 = arith.constant 0 : i32
    return %arg0, %c0_i32 : i32, i32
  }
  func.func @transform_1(%arg0: i32) -> (i32, i32) {
    %c0_i32 = arith.constant 0 : i32
    %c0_i32_0 = arith.constant 0 : i32
    %c0_i32_1 = arith.constant 0 : i32
    return %c0_i32, %c0_i32_0 : i32, i32
  }
  func.func @transform_2(%arg0: i32) -> (i32, i32) {
    %c0_i32 = arith.constant 0 : i32
    %c0_i32_0 = arith.constant 0 : i32
    %c0_i32_1 = arith.constant 0 : i32
    return %c0_i32, %c0_i32_0 : i32, i32
  }
  func.func @transform_3(%arg0: i32) -> (i32, i32) {
    %c0_i32 = arith.constant 0 : i32
    %c0_i32_0 = arith.constant 0 : i32
    %c0_i32_1 = arith.constant 0 : i32
    return %c0_i32, %c0_i32_0 : i32, i32
  }
  func.func @transform_4(%arg0: i32) -> (i32, i32) {
    %c0_i32 = arith.constant 0 : i32
    %c0_i32_0 = arith.constant 0 : i32
    return %arg0, %c0_i32 : i32, i32
  }
  func.func @transform_5(%arg0: i32) -> (i32, i32) {
    %c0_i32 = arith.constant 0 : i32
    %c0_i32_0 = arith.constant 0 : i32
    return %arg0, %c0_i32 : i32, i32
  }
}

module attributes {stable_mosaic.version = 14 : i64} {
  func.func @body(%arg0: i32, %arg1: memref<1000x64xf32, #tpu.memory_space<vmem>>, %arg2: memref<1000x1xf32, #tpu.memory_space<vmem>>, %arg3: memref<1000x64xf32, #tpu.memory_space<vmem>>, %arg4: memref<64x64xf32, #tpu.memory_space<vmem>>, %arg5: memref<64x64xf32, #tpu.memory_space<vmem>>, %arg6: memref<1x64xf32, #tpu.memory_space<vmem>>, %arg7: memref<1000x64xf32, #tpu.memory_space<vmem>>, %arg8: memref<1000x64xf32, #tpu.memory_space<vmem>>) attributes {dimension_semantics = [#tpu.dimension_semantics<arbitrary>], iteration_bounds = array<i64: 50>, scalar_prefetch = 0 : i64, scratch_operands = 0 : i64, tpu.core_type = #tpu.core_type<tc>, window_params = [{transform_indices = @transform_0, window_bounds = array<i64: 1000, 64>}, {transform_indices = @transform_1, window_bounds = array<i64: 1000, 1>}, {transform_indices = @transform_2, window_bounds = array<i64: 1000, 64>}, {pipeline_mode = #tpu.pipeline_mode<synchronous>, transform_indices = @transform_3, window_bounds = array<i64: 64, 64>}, {pipeline_mode = #tpu.pipeline_mode<synchronous>, transform_indices = @transform_4, window_bounds = array<i64: 64, 64>}, {pipeline_mode = #tpu.pipeline_mode<synchronous>, transform_indices = @transform_5, window_bounds = array<i64: 1, 64>}, {transform_indices = @transform_6, window_bounds = array<i64: 1000, 64>}, {transform_indices = @transform_7, window_bounds = array<i64: 1000, 64>}]} {
    %get3A = arith.constant 0 : index
    %get3A_0 = arith.constant 0 : index
    %get3A_1 = vector.load %arg2[%get3A, %get3A_0] : memref<1000x1xf32, #tpu.memory_space<vmem>>, vector<1000x1xf32>
    %max3A = arith.constant 1.000000e+00 : f32
    %max3A_2 = vector.broadcast %max3A : f32 to vector<1000x1xf32>
    %max3A_3 = arith.maximumf %get3A_1, %max3A_2 : vector<1000x1xf32>
    %div3A = arith.constant 1.000000e+00 : f32
    %div3A_4 = vector.broadcast %div3A : f32 to vector<1000x1xf32>
    %div3A_5 = arith.divf %div3A_4, %max3A_3 : vector<1000x1xf32>
    %get3A_6 = arith.constant 0 : index
    %get3A_7 = arith.constant 0 : index
    %get3A_8 = vector.load %arg1[%get3A_6, %get3A_7] : memref<1000x64xf32, #tpu.memory_space<vmem>>, vector<1000x64xf32>
    %mul3A = vector.broadcast %div3A_5 : vector<1000x1xf32> to vector<1000x64xf32>
    %mul3A_9 = arith.mulf %get3A_8, %mul3A : vector<1000x64xf32>
    %get3A_10 = arith.constant 0 : index
    %get3A_11 = arith.constant 0 : index
    %get3A_12 = vector.load %arg3[%get3A_10, %get3A_11] : memref<1000x64xf32, #tpu.memory_space<vmem>>, vector<1000x64xf32>
    %add3A = arith.addf %mul3A_9, %get3A_12 : vector<1000x64xf32>
    %max3A_13 = arith.constant 0.000000e+00 : f32
    %max3A_14 = vector.broadcast %max3A_13 : f32 to vector<1000x64xf32>
    %max3A_15 = arith.maximumf %add3A, %max3A_14 : vector<1000x64xf32>
    %get3A_16 = arith.constant 0 : index
    %get3A_17 = arith.constant 0 : index
    %get3A_18 = vector.load %arg4[%get3A_16, %get3A_17] : memref<64x64xf32, #tpu.memory_space<vmem>>, vector<64x64xf32>
    %dot_general3A = arith.constant dense<0.000000e+00> : vector<1000x64xf32>
    %dot_general3A_19 = tpu.matmul %max3A_15, %get3A_18, %dot_general3A {dimension_numbers = #tpu.dot_dimension_numbers<[1], [0], [0], [1], [0, 0, 1, 1], [], []>, transpose_lhs_hint = false} : vector<1000x64xf32>, vector<64x64xf32>, vector<1000x64xf32> -> vector<1000x64xf32>
    %swap3A = arith.constant 0 : index
    %swap3A_20 = arith.constant 0 : index
    %swap3A_21 = vector.load %arg7[%swap3A, %swap3A_20] : memref<1000x64xf32, #tpu.memory_space<vmem>>, vector<1000x64xf32>
    tpu.vector_store %arg7[%swap3A, %swap3A_20], %dot_general3A_19 {strides = array<i32>} : memref<1000x64xf32, #tpu.memory_space<vmem>>, vector<1000x64xf32>,
    %get3A_22 = arith.constant 0 : index
    %get3A_23 = arith.constant 0 : index
    %get3A_24 = vector.load %arg5[%get3A_22, %get3A_23] : memref<64x64xf32, #tpu.memory_space<vmem>>, vector<64x64xf32>
    %dot_general3A_25 = arith.constant dense<0.000000e+00> : vector<1000x64xf32>
    %dot_general3A_26 = tpu.matmul %max3A_15, %get3A_24, %dot_general3A_25 {dimension_numbers = #tpu.dot_dimension_numbers<[1], [0], [0], [1], [0, 0, 1, 1], [], []>, transpose_lhs_hint = false} : vector<1000x64xf32>, vector<64x64xf32>, vector<1000x64xf32> -> vector<1000x64xf32>
    %get3A_27 = arith.constant 0 : index
    %get3A_28 = arith.constant 0 : index
    %get3A_29 = vector.load %arg6[%get3A_27, %get3A_28] : memref<1x64xf32, #tpu.memory_space<vmem>>, vector<1x64xf32>
    %add3A_30 = vector.broadcast %get3A_29 : vector<1x64xf32> to vector<1000x64xf32>
    %add3A_31 = arith.addf %dot_general3A_26, %add3A_30 : vector<1000x64xf32>
    %swap3A_32 = arith.constant 0 : index
    %swap3A_33 = arith.constant 0 : index
    %swap3A_34 = vector.load %arg8[%swap3A_32, %swap3A_33] : memref<1000x64xf32, #tpu.memory_space<vmem>>, vector<1000x64xf32>
    tpu.vector_store %arg8[%swap3A_32, %swap3A_33], %add3A_31 {strides = array<i32>} : memref<1000x64xf32, #tpu.memory_space<vmem>>, vector<1000x64xf32>,
    return
  }
  func.func @transform_0(%arg0: i32) -> (i32, i32) {
    %c0_i32 = arith.constant 0 : i32
    %c0_i32_0 = arith.constant 0 : i32
    return %arg0, %c0_i32 : i32, i32
  }
  func.func @transform_1(%arg0: i32) -> (i32, i32) {
    %c0_i32 = arith.constant 0 : i32
    %c0_i32_0 = arith.constant 0 : i32
    return %arg0, %c0_i32 : i32, i32
  }
  func.func @transform_2(%arg0: i32) -> (i32, i32) {
    %c0_i32 = arith.constant 0 : i32
    %c0_i32_0 = arith.constant 0 : i32
    return %arg0, %c0_i32 : i32, i32
  }
  func.func @transform_3(%arg0: i32) -> (i32, i32) {
    %c0_i32 = arith.constant 0 : i32
    %c0_i32_0 = arith.constant 0 : i32
    %c0_i32_1 = arith.constant 0 : i32
    return %c0_i32, %c0_i32_0 : i32, i32
  }
  func.func @transform_4(%arg0: i32) -> (i32, i32) {
    %c0_i32 = arith.constant 0 : i32
    %c0_i32_0 = arith.constant 0 : i32
    %c0_i32_1 = arith.constant 0 : i32
    return %c0_i32, %c0_i32_0 : i32, i32
  }
  func.func @transform_5(%arg0: i32) -> (i32, i32) {
    %c0_i32 = arith.constant 0 : i32
    %c0_i32_0 = arith.constant 0 : i32
    %c0_i32_1 = arith.constant 0 : i32
    return %c0_i32, %c0_i32_0 : i32, i32
  }
  func.func @transform_6(%arg0: i32) -> (i32, i32) {
    %c0_i32 = arith.constant 0 : i32
    %c0_i32_0 = arith.constant 0 : i32
    return %arg0, %c0_i32 : i32, i32
  }
  func.func @transform_7(%arg0: i32) -> (i32, i32) {
    %c0_i32 = arith.constant 0 : i32
    %c0_i32_0 = arith.constant 0 : i32
    return %arg0, %c0_i32 : i32, i32
  }
}

module attributes {stable_mosaic.version = 14 : i64} {
  func.func @body(%arg0: i32, %arg1: memref<1000x64xf32, #tpu.memory_space<vmem>>, %arg2: memref<1000x1xf32, #tpu.memory_space<vmem>>, %arg3: memref<1000x64xf32, #tpu.memory_space<vmem>>, %arg4: memref<1x1x1000xi32, #tpu.memory_space<vmem>>, %arg5: memref<64x64xf32, #tpu.memory_space<vmem>>, %arg6: memref<1x64xf32, #tpu.memory_space<vmem>>, %arg7: memref<512x64xf32, #tpu.memory_space<vmem>>, %arg8: memref<512x64xf32, #tpu.memory_space<vmem>>, %arg9: memref<512x1xf32, #tpu.memory_space<vmem>>) attributes {dimension_semantics = [#tpu.dimension_semantics<arbitrary>], iteration_bounds = array<i64: 50>, scalar_prefetch = 0 : i64, scratch_operands = 2 : i64, tpu.core_type = #tpu.core_type<tc>, window_params = [{transform_indices = @transform_0, window_bounds = array<i64: 1000, 64>}, {transform_indices = @transform_1, window_bounds = array<i64: 1000, 1>}, {transform_indices = @transform_2, window_bounds = array<i64: 1000, 64>}, {transform_indices = @transform_3, window_bounds = array<i64: 1, 1, 1000>}, {pipeline_mode = #tpu.pipeline_mode<synchronous>, transform_indices = @transform_4, window_bounds = array<i64: 64, 64>}, {pipeline_mode = #tpu.pipeline_mode<synchronous>, transform_indices = @transform_5, window_bounds = array<i64: 1, 64>}, {pipeline_mode = #tpu.pipeline_mode<synchronous>, transform_indices = @transform_6, window_bounds = array<i64: 512, 64>}]} {
    %eq3A = arith.constant 0 : i32
    %eq3A_0 = arith.cmpi eq, %arg0, %eq3A : i32
    %convert_element_type3A = arith.extui %eq3A_0 : i1 to i32
    %cond3A = arith.constant 0 : i32
    %cond3A_1 = arith.cmpi ne, %convert_element_type3A, %cond3A : i32
    scf.if %cond3A_1 {
      %broadcast_in_dim3A_44 = arith.constant 0.000000e+00 : f32
      %broadcast_in_dim3A_45 = vector.broadcast %broadcast_in_dim3A_44 : f32 to vector<512x64xf32>
      %swap3A_46 = arith.constant 0 : index
      %swap3A_47 = arith.constant 0 : index
      %swap3A_48 = vector.load %arg8[%swap3A_46, %swap3A_47] : memref<512x64xf32, #tpu.memory_space<vmem>>, vector<512x64xf32>
      tpu.vector_store %arg8[%swap3A_46, %swap3A_47], %broadcast_in_dim3A_45 {strides = array<i32>} : memref<512x64xf32, #tpu.memory_space<vmem>>, vector<512x64xf32>,
      %broadcast_in_dim3A_49 = arith.constant 0.000000e+00 : f32
      %broadcast_in_dim3A_50 = vector.broadcast %broadcast_in_dim3A_49 : f32 to vector<512x1xf32>
      %swap3A_51 = arith.constant 0 : index
      %swap3A_52 = arith.constant 0 : index
      %swap3A_53 = vector.load %arg9[%swap3A_51, %swap3A_52] : memref<512x1xf32, #tpu.memory_space<vmem>>, vector<512x1xf32>
      tpu.vector_store %arg9[%swap3A_51, %swap3A_52], %broadcast_in_dim3A_50 {strides = array<i32>} : memref<512x1xf32, #tpu.memory_space<vmem>>, vector<512x1xf32>,
    } else {
    }
    %get3A = arith.constant 0 : index
    %get3A_2 = arith.constant 0 : index
    %get3A_3 = vector.load %arg2[%get3A, %get3A_2] : memref<1000x1xf32, #tpu.memory_space<vmem>>, vector<1000x1xf32>
    %max3A = arith.constant 1.000000e+00 : f32
    %max3A_4 = vector.broadcast %max3A : f32 to vector<1000x1xf32>
    %max3A_5 = arith.maximumf %get3A_3, %max3A_4 : vector<1000x1xf32>
    %div3A = arith.constant 1.000000e+00 : f32
    %div3A_6 = vector.broadcast %div3A : f32 to vector<1000x1xf32>
    %div3A_7 = arith.divf %div3A_6, %max3A_5 : vector<1000x1xf32>
    %get3A_8 = arith.constant 0 : index
    %get3A_9 = arith.constant 0 : index
    %get3A_10 = vector.load %arg1[%get3A_8, %get3A_9] : memref<1000x64xf32, #tpu.memory_space<vmem>>, vector<1000x64xf32>
    %mul3A = vector.broadcast %div3A_7 : vector<1000x1xf32> to vector<1000x64xf32>
    %mul3A_11 = arith.mulf %get3A_10, %mul3A : vector<1000x64xf32>
    %get3A_12 = arith.constant 0 : index
    %get3A_13 = arith.constant 0 : index
    %get3A_14 = vector.load %arg3[%get3A_12, %get3A_13] : memref<1000x64xf32, #tpu.memory_space<vmem>>, vector<1000x64xf32>
    %add3A = arith.addf %mul3A_11, %get3A_14 : vector<1000x64xf32>
    %get3A_15 = arith.constant 0 : index
    %get3A_16 = arith.constant 0 : index
    %get3A_17 = arith.constant 0 : index
    %get3A_18 = vector.load %arg4[%get3A_15, %get3A_16, %get3A_17] : memref<1x1x1000xi32, #tpu.memory_space<vmem>>, vector<1x1x1000xi32>
    %get3A_19 = vector.shape_cast %get3A_18 : vector<1x1x1000xi32> to vector<1x1000xi32>
    %iota3A = tpu.iota {dimensions = array<i32: 0>} : vector<512x1000xi32>
    %eq3A_20 = vector.broadcast %get3A_19 : vector<1x1000xi32> to vector<512x1000xi32>
    %eq3A_21 = arith.cmpi eq, %iota3A, %eq3A_20 : vector<512x1000xi32>
    %convert_element_type3A_22 = arith.extui %eq3A_21 : vector<512x1000xi1> to vector<512x1000xi32>
    %convert_element_type3A_23 = arith.sitofp %convert_element_type3A_22 : vector<512x1000xi32> to vector<512x1000xf32>
    %get3A_24 = arith.constant 0 : index
    %get3A_25 = arith.constant 0 : index
    %get3A_26 = vector.load %arg8[%get3A_24, %get3A_25] : memref<512x64xf32, #tpu.memory_space<vmem>>, vector<512x64xf32>
    %dot_general3A = arith.constant dense<0.000000e+00> : vector<512x64xf32>
    %dot_general3A_27 = tpu.matmul %convert_element_type3A_23, %add3A, %dot_general3A {dimension_numbers = #tpu.dot_dimension_numbers<[1], [0], [0], [1], [0, 0, 1, 1], [], []>, transpose_lhs_hint = false} : vector<512x1000xf32>, vector<1000x64xf32>, vector<512x64xf32> -> vector<512x64xf32>
    %add3A_28 = arith.addf %get3A_26, %dot_general3A_27 : vector<512x64xf32>
    %swap3A = arith.constant 0 : index
    %swap3A_29 = arith.constant 0 : index
    %swap3A_30 = vector.load %arg8[%swap3A, %swap3A_29] : memref<512x64xf32, #tpu.memory_space<vmem>>, vector<512x64xf32>
    tpu.vector_store %arg8[%swap3A, %swap3A_29], %add3A_28 {strides = array<i32>} : memref<512x64xf32, #tpu.memory_space<vmem>>, vector<512x64xf32>,
    %get3A_31 = arith.constant 0 : index
    %get3A_32 = arith.constant 0 : index
    %get3A_33 = vector.load %arg9[%get3A_31, %get3A_32] : memref<512x1xf32, #tpu.memory_space<vmem>>, vector<512x1xf32>
    %reduce_sum3A = arith.constant dense<0.000000e+00> : vector<512xf32>
    %reduce_sum3A_34 = vector.multi_reduction <add>, %convert_element_type3A_23, %reduce_sum3A [1] : vector<512x1000xf32> to vector<512xf32>
    %broadcast_in_dim3A = vector.shape_cast %reduce_sum3A_34 : vector<512xf32> to vector<512x1xf32>
    %add3A_35 = arith.addf %get3A_33, %broadcast_in_dim3A : vector<512x1xf32>
    %swap3A_36 = arith.constant 0 : index
    %swap3A_37 = arith.constant 0 : index
    %swap3A_38 = vector.load %arg9[%swap3A_36, %swap3A_37] : memref<512x1xf32, #tpu.memory_space<vmem>>, vector<512x1xf32>
    tpu.vector_store %arg9[%swap3A_36, %swap3A_37], %add3A_35 {strides = array<i32>} : memref<512x1xf32, #tpu.memory_space<vmem>>, vector<512x1xf32>,
    %eq3A_39 = arith.constant 49 : i32
    %eq3A_40 = arith.cmpi eq, %arg0, %eq3A_39 : i32
    %convert_element_type3A_41 = arith.extui %eq3A_40 : i1 to i32
    %cond3A_42 = arith.constant 0 : i32
    %cond3A_43 = arith.cmpi ne, %convert_element_type3A_41, %cond3A_42 : i32
    scf.if %cond3A_43 {
      %get3A_44 = arith.constant 0 : index
      %get3A_45 = arith.constant 0 : index
      %get3A_46 = vector.load %arg8[%get3A_44, %get3A_45] : memref<512x64xf32, #tpu.memory_space<vmem>>, vector<512x64xf32>
      %get3A_47 = arith.constant 0 : index
      %get3A_48 = arith.constant 0 : index
      %get3A_49 = vector.load %arg9[%get3A_47, %get3A_48] : memref<512x1xf32, #tpu.memory_space<vmem>>, vector<512x1xf32>
      %max3A_50 = arith.constant 1.000000e+00 : f32
      %max3A_51 = vector.broadcast %max3A_50 : f32 to vector<512x1xf32>
      %max3A_52 = arith.maximumf %get3A_49, %max3A_51 : vector<512x1xf32>
      %div3A_53 = vector.broadcast %max3A_52 : vector<512x1xf32> to vector<512x64xf32>
      %div3A_54 = arith.divf %get3A_46, %div3A_53 : vector<512x64xf32>
      %get3A_55 = arith.constant 0 : index
      %get3A_56 = arith.constant 0 : index
      %get3A_57 = vector.load %arg5[%get3A_55, %get3A_56] : memref<64x64xf32, #tpu.memory_space<vmem>>, vector<64x64xf32>
      %dot_general3A_58 = arith.constant dense<0.000000e+00> : vector<512x64xf32>
      %dot_general3A_59 = tpu.matmul %div3A_54, %get3A_57, %dot_general3A_58 {dimension_numbers = #tpu.dot_dimension_numbers<[1], [0], [0], [1], [0, 0, 1, 1], [], []>, transpose_lhs_hint = false} : vector<512x64xf32>, vector<64x64xf32>, vector<512x64xf32> -> vector<512x64xf32>
      %get3A_60 = arith.constant 0 : index
      %get3A_61 = arith.constant 0 : index
      %get3A_62 = vector.load %arg6[%get3A_60, %get3A_61] : memref<1x64xf32, #tpu.memory_space<vmem>>, vector<1x64xf32>
      %add3A_63 = vector.broadcast %get3A_62 : vector<1x64xf32> to vector<512x64xf32>
      %add3A_64 = arith.addf %dot_general3A_59, %add3A_63 : vector<512x64xf32>
      %swap3A_65 = arith.constant 0 : index
      %swap3A_66 = arith.constant 0 : index
      %swap3A_67 = vector.load %arg7[%swap3A_65, %swap3A_66] : memref<512x64xf32, #tpu.memory_space<vmem>>, vector<512x64xf32>
      tpu.vector_store %arg7[%swap3A_65, %swap3A_66], %add3A_64 {strides = array<i32>} : memref<512x64xf32, #tpu.memory_space<vmem>>, vector<512x64xf32>,
    } else {
    }
    return
  }
  func.func @transform_0(%arg0: i32) -> (i32, i32) {
    %c0_i32 = arith.constant 0 : i32
    %c0_i32_0 = arith.constant 0 : i32
    return %arg0, %c0_i32 : i32, i32
  }
  func.func @transform_1(%arg0: i32) -> (i32, i32) {
    %c0_i32 = arith.constant 0 : i32
    %c0_i32_0 = arith.constant 0 : i32
    return %arg0, %c0_i32 : i32, i32
  }
  func.func @transform_2(%arg0: i32) -> (i32, i32) {
    %c0_i32 = arith.constant 0 : i32
    %c0_i32_0 = arith.constant 0 : i32
    return %arg0, %c0_i32 : i32, i32
  }
  func.func @transform_3(%arg0: i32) -> (i32, i32, i32) {
    %c0_i32 = arith.constant 0 : i32
    %c0_i32_0 = arith.constant 0 : i32
    %c0_i32_1 = arith.constant 0 : i32
    return %arg0, %c0_i32, %c0_i32_0 : i32, i32, i32
  }
  func.func @transform_4(%arg0: i32) -> (i32, i32) {
    %c0_i32 = arith.constant 0 : i32
    %c0_i32_0 = arith.constant 0 : i32
    %c0_i32_1 = arith.constant 0 : i32
    return %c0_i32, %c0_i32_0 : i32, i32
  }
  func.func @transform_5(%arg0: i32) -> (i32, i32) {
    %c0_i32 = arith.constant 0 : i32
    %c0_i32_0 = arith.constant 0 : i32
    %c0_i32_1 = arith.constant 0 : i32
    return %c0_i32, %c0_i32_0 : i32, i32
  }
  func.func @transform_6(%arg0: i32) -> (i32, i32) {
    %c0_i32 = arith.constant 0 : i32
    %c0_i32_0 = arith.constant 0 : i32
    %c0_i32_1 = arith.constant 0 : i32
    return %c0_i32, %c0_i32_0 : i32, i32
  }
}

</mosaic_0001>

<sc_bundles>
// kernel: kernel.10.cloned.1.call-start
scs
__scs_entry_jumppad:
0x0: {  	(pc) =	sbr.rel $0x88, $3  }
0x1: {  	(tag) =	ssettag $0x0;
	lr =	simm.s32 $0x1  }
0x2: {  	[smem:$0x3F96] =	sst lr;
	_ =	strace $0xD0000000  }
0x3: {  	_ = 	snop  }
0x4: {  	_ = 	snop  }
0x5: {  	_ = 	snop  }
0x6: {  	_ = 	snop  }
0x7: {  	_ = 	snop  }
__scs_overlays_trampoline_lowered:
0x8: {  	[smem:$0x3FA5] =	sst s0  }
0x9: {  	[smem:$0x3FA6] =	sst s1  }
0xa: {  	[smem:$0x3FA7] =	sst s2  }
0xb: {  	[smem:$0x3FA8] =	sst s3  }
0xc: {  	[smem:$0x3FA9] =	sst s4  }
0xd: {  	[smem:$0x3FAA] =	sst s5  }
0xe: {  	[smem:$0x3FAB] =	sst s6  }
0xf: {  	[smem:$0x3FAC] =	sst s7  }
0x10: {  	[smem:$0x3FAD] =	sst s8  }
0x11: {  	[smem:$0x3FAE] =	sst s9;
	s0 =	simm.s32 @!p0 $0x0  }
0x12: {  	s1 =	sld [smem:$0x3F94];
	s0 =	simm.s32 @p0 $0x1  }
0x13: {  	[smem:$0x3FAF] =	sst s0;
	s0 =	simm.s32 @!p1 $0x0  }
0x14: {  	s2 =	sld [smem:$0x3F93];
	s0 =	simm.s32 @p1 $0x1  }
0x15: {  	[smem:$0x3FB0] =	sst s0;
	s0 =	simm.s32 @!p2 $0x0  }
0x16: {  	s3 =	sld [smem:$0x3FDB];
	s0 =	simm.s32 @p2 $0x1  }
0x17: {  	s4 =	simm.s32 $0x1BF5;
	[smem:$0x3FB2] =	sst s0  }
0x18: {  	s0 =	sld [smem:$0x3F95];
	_ =	swait.ge [sflag:s4], $0x0  }
0x19: {  	s7 =	sld [smem:$0x3F96]  }
0x1a: {  	s8 =	sadd.s32 $0xFFFFE003, lr  }
0x1b: {  	s9 =	sadd.s32 $0xFFFFFEF7, lr;
	s5 =	simm.s32 $0xFFFFFFFF;
	p2 =	slt.u32 s8, $0xFFFFF086  }
0x1c: {  	p1 =	slt.u32 s9, $0xF7A;
	s5 =	simm.s32 @!p2 $0x0  }
0x1d: {  	s5 =	simm.s32 @p1 $0x1;
	p0 =	seq.s32 s7, s2  }
0x1e: {  	s7 =	smul.u32 @!p0 $0xF7A, s2;
	p2 =	seq.s32 @!p0 s5, $0x0  }
0x1f: {  	s9 =	smul.u32 $0xF7A, s1;
	s8 =	simm.s32 @!p0 $0x1BF5;
	p2 =	por !p2, p0  }
0x20: {  	[sflag:s8] =	ssyncset.s32 @!p0 $0xFFFFF086;
	s6 =	sadd.s32 @!p0 s3, s7;
	s7 =	simm.s32 @!p0 $0x108  }
0x21: {  	s3 =	sadd.s32 s3, s9;
	s6 =	sadd.s32 @!p0 $0x88, s6;
	s7 =	simm.s32 @p2 $0x1082  }
0x22: {  	[simem:s7], [sflag:s8] =	dma.local @!p0 [hbm:s6], $0xF7A  }
0x23: {  	s9 =	sor.u32 $0xD0000000, s2;
	s6 =	simm.s32 $0x108;
	_ =	swait.ge @!p0 [sflag:s8], $0x0  }
0x24: {  	s3 =	sadd.s32 $0x88, s3;
	s6 =	simm.s32 @!p1 $0x1082;
	[sflag:s4] =	ssyncset.s32 $0xFFFFF086  }
0x25: {  	[simem:s6], [sflag:s4] =	dma.local [hbm:s3], $0xF7A  }
0x26: {  	[smem:$0x3F96] =	sst s1;
	(tag) =	ssettag s2;
	_ =	strace s9  }
0x27: {  	s1 =	sld [smem:$0x3FA6]  }
0x28: {  	s2 =	sld [smem:$0x3FA7]  }
0x29: {  	s4 =	sld [smem:$0x3FA9]  }
0x2a: {  	p0 =	seq.s32 s5, $0x0;
	s5 =	sld [smem:$0x3FAA]  }
0x2b: {  	s6 =	sld [smem:$0x3FAB]  }
0x2c: {  	s7 =	sld [smem:$0x3FAC]  }
0x2d: {  	s3 =	simm.s32 $0x108;
	s8 =	sld [smem:$0x3FAD]  }
0x2e: {  	s3 =	simm.s32 @!p0 $0x1082;
	s9 =	sld [smem:$0x3FAE]  }
0x2f: {  	lr =	sadd.s32 s0, s3;
	s0 =	sld [smem:$0x3FA5]  }
0x30: {  	s3 =	sld [smem:$0x3FA8]  }
0x31: {  	[smem:$0x3FB1] =	sst s10  }
0x32: {  	s10 =	sld [smem:$0x3FAF];
	_ =	sdelay $0x3  }
0x33: {  	p0 =	seq.s32 s10, $0x1;
	s10 =	sld [smem:$0x3FB1];
	_ =	sdelay $0x3  }
0x34: {  	[smem:$0x3FB1] =	sst s10  }
0x35: {  	s10 =	sld [smem:$0x3FB0];
	_ =	sdelay $0x3  }
0x36: {  	p1 =	seq.s32 s10, $0x1;
	s10 =	sld [smem:$0x3FB1];
	_ =	sdelay $0x3  }
0x37: {  	[smem:$0x3FB1] =	sst s10  }
0x38: {  	s10 =	sld [smem:$0x3FB2]  }
0x39: {  	_ = 	snop;
	(pc) =	sbr.ind lr, $3  }
0x3a: {  	_ = 	snop  }
0x3b: {  	_ = 	snop  }
0x3c: {  	p2 =	seq.s32 s10, $0x1;
	s10 =	sld [smem:$0x3FB1]  }
0x3d: {  	_ =	shalt  }
0x3e: {  	_ =	shalt  }
0x3f: {  	_ =	shalt  }
0x40: {  	_ =	shalt  }
0x41: {  	_ =	shalt  }
0x42: {  	_ =	shalt  }
0x43: {  	_ =	shalt  }
0x44: {  	_ =	shalt  }
0x45: {  	_ =	shalt  }
0x46: {  	_ =	shalt  }
0x47: {  	_ =	shalt  }
0x48: {  	_ =	shalt  }
0x49: {  	_ =	shalt  }
0x4a: {  	_ =	shalt  }
0x4b: {  	_ =	shalt  }
0x4c: {  	_ =	shalt  }
0x4d: {  	_ =	shalt  }
0x4e: {  	_ =	shalt  }
0x4f: {  	_ =	shalt  }
0x50: {  	_ =	shalt  }
0x51: {  	_ =	shalt  }
0x52: {  	_ =	shalt  }
0x53: {  	_ =	shalt  }
0x54: {  	_ =	shalt  }
0x55: {  	_ =	shalt  }
0x56: {  	_ =	shalt  }
0x57: {  	_ =	shalt  }
0x58: {  	_ =	shalt  }
0x59: {  	_ =	shalt  }
0x5a: {  	_ =	shalt  }
0x5b: {  	_ =	shalt  }
0x5c: {  	_ =	shalt  }
0x5d: {  	_ =	shalt  }
0x5e: {  	_ =	shalt  }
0x5f: {  	_ =	shalt  }
0x60: {  	_ =	shalt  }
0x61: {  	_ =	shalt  }
0x62: {  	_ =	shalt  }
0x63: {  	_ =	shalt  }
0x64: {  	_ =	shalt  }
0x65: {  	_ =	shalt  }
0x66: {  	_ =	shalt  }
0x67: {  	_ =	shalt  }
0x68: {  	_ =	shalt  }
0x69: {  	_ =	shalt  }
0x6a: {  	_ =	shalt  }
0x6b: {  	_ =	shalt  }
0x6c: {  	_ =	shalt  }
0x6d: {  	_ =	shalt  }
0x6e: {  	_ =	shalt  }
0x6f: {  	_ =	shalt  }
0x70: {  	_ =	shalt  }
0x71: {  	_ =	shalt  }
0x72: {  	_ =	shalt  }
0x73: {  	_ =	shalt  }
0x74: {  	_ =	shalt  }
0x75: {  	_ =	shalt  }
0x76: {  	_ =	shalt  }
0x77: {  	_ =	shalt  }
0x78: {  	_ =	shalt  }
0x79: {  	_ =	shalt  }
0x7a: {  	_ =	shalt  }
0x7b: {  	_ =	shalt  }
0x7c: {  	_ =	shalt  }
0x7d: {  	_ =	shalt  }
0x7e: {  	_ =	shalt  }
0x7f: {  	_ =	shalt  }
0x80: {  	_ =	shalt  }
0x81: {  	_ =	shalt  }
0x82: {  	_ =	shalt  }
0x83: {  	_ =	shalt  }
0x84: {  	_ =	shalt  }
0x85: {  	_ =	shalt  }
0x86: {  	_ =	shalt  }
0x87: {  	_ =	shalt  }
.Lfunc_end0:
.L_simem_size_0:
called_computation.1_lowered:
.L_overlay_start_0:
0x88: {  	s2 =	sld [smem:$0x3FD9]  }
0x89: {  	s3 =	sld [smem:$0x3FFE];
	_ =	sdelay $0x1  }
0x8a: {  	s1 =	srdreg.scid  }
0x8b: {  	s0 =	sand.u32 $0x1, s1  }
0x8c: {  	s16 =	sshll.u32 s0, $0xA;
	s2 =	sadd.s32 s3, s2  }
0x8d: {  	s2 =	sadd.s32 s2, s16  }
0x8e: {  	[smem:$0x3FBD] =	sst s2  }
0x8f: {  	_ = 	snop  }
0x90: {  	(tm) =	ssettm $0x1  }
0x91: {  	s17 =	sld [smem:$0x3FFB];
	_ =	sdelay $0x3  }
0x92: {  	_ =	strace s17  }
0x93: {  	s2 =	sld [smem:$0x3FFC];
	_ =	sdelay $0x3  }
0x94: {  	_ =	strace s2  }
0x95: {  	s2 =	sld [smem:$0x3FFD];
	_ =	sdelay $0x3  }
0x96: {  	_ =	strace s2  }
0x97: {  	_ =	strace $0x8FFFFFFF  }
0x98: {  	s18 =	sld [smem:$0x3FDB];
	_ =	sdelay $0x1  }
0x99: {  	s19 =	simm.s32 $_scs_section_size  }
0x9a: {  	s4 =	simm.s32 $_size__tile_overlayer_lowered;
	s5 =	simm.s32 $_tile_overlayer_lowered  }
0x9b: {  	s22 =	simm.s32 $0x1BFF;
	s21 =	sshll.u32 s5, $0x1;
	s2 =	sadd.s32 s19, s18  }
0x9c: {  	s6 =	simm.s32 $0x0;
	s20 =	sshll.u32 s4, $0x1;
	s4 =	sadd.s32 s21, s2  }
0x9d: {  	[timem:s6], [sflag:s22] =	dma.local [hbm:s4], s20  }
0x9e: {  	_ =	swait.ge [sflag:s22], s20  }
0x9f: {  	s3 =	ssub.s32 $0x0, s20;
	[sflag:s22] =	ssyncset.done $0x0  }
0xa0: {  	[sflag:s22] =	ssyncadd.s32 s3;
	_ =	sdelay $0x1  }
0xa1: {  	s23 =	simm.s32 $0x1B8B  }
0xa2: {  	_ =	swait.ge [sflag:s23], $0x1  }
0xa3: {  	[sflag:s23] =	ssyncset.done $0x0  }
0xa4: {  	s25 =	simm.s32 $0x1B8E;
	s24 =	sld [smem:$0x3FFE];
	[sflag:s23] =	ssyncadd.s32 $0xFFFFFFFF  }
0xa5: {  	s26 =	simm.s32 $execute0_lowered;
	[smem:$0x3FD2] =	sst s25  }
0xa6: {  	s4 =	sshll.u32 s26, $0x1;
	_ =	strace $0x80000049;
	[dreg:$0x1] =	wrdreg $0xFFFFFFFF  }
0xa7: {  	s28 =	simm.s32 $_size_execute0_lowered;
	s2 =	sadd.s32 s2, s4;
	[dreg:$0x0] =	wrdreg $0x0  }
0xa8: {  	s4 =	sshll.u32 s28, $0x1;
	[dreg:$0x2] =	wrdreg s2  }
0xa9: {  	[dreg:$0x3] =	wrdreg s4  }
0xaa: {  	[dreg:$0x4] =	wrdreg $0xC0  }
0xab: {  	_ =	task [dreg:s6], $0x5FFFF  }
0xac: {  	[dreg:$0x1] =	wrdreg $0xFFFFFFFF  }
0xad: {  	[dreg:$0x0] =	wrdreg $0x60  }
0xae: {  	[dreg:$0x2] =	wrdreg s24  }
0xaf: {  	[dreg:$0x3] =	wrdreg $0x56400  }
0xb0: {  	[dreg:$0x4] =	wrdreg $0x1E6400  }
0xb1: {  	[dreg:$0x5] =	wrdreg $0x9  }
0xb2: {  	_ =	task.clear_ibuf [dreg:s6], $0x6FFFF;
	_ =	strace $0x90000049  }
0xb3: {  	s29 =	simm.s32 $0x9;
	_ =	strace $0x8000004B  }
0xb4: {  	_ =	swait.ge [sflag:s29], $0x1  }
0xb5: {  	[sflag:s29] =	ssyncadd.s32 $0xFFFFFFFF  }
0xb6: {  	_ =	strace $0x9000004B  }
0xb7: {  	_ =	sfence  }
0xb8: {  	s30 =	sld [smem:$0x0];
	_ =	sdelay $0x2  }
0xb9: {  	s31 =	sshll.u32 s1, $0xD;
	s1 =	sshrl.u32 s1, $0x2  }
0xba: {  	s3 =	sand.u32 $0x4000, s31;
	s1 =	sadd.s32 s1, s30  }
0xbb: {  	s0 =	sor.u32 s3, s0;
	s1 =	sshll.u32 s1, $0x11  }
0xbc: {  	s0 =	sor.u32 s1, s0  }
0xbd: {  	s0 =	sadd.s32 $0x8F2B, s0  }
0xbe: {  	[sflag:s0] =	ssyncadd.remote.s32 $0x1  }
0xbf: {  	_ =	sfence.sel $0xFFFF  }
0xc0: {  	[dreg:$0x0] =	wrdreg $0xFFFFFFFF;
	(pc) =	sbr.abs _section_cstart, $3  }
0xc1: {  	[dreg:$0x1] =	wrdreg $0xFFFFFFFF  }
0xc2: {  	_ =	task.clear_ibuf [dreg:s6], $0x2FFFF;
	_ =	strace $0x9FFFFFFF  }
0xc3: {  	(tm) =	ssettm $0x7FFFFFFF  }
tec
execute0_lowered:
.L_overlay_start_1:
0x0: {  	(tag) =	ssettag $0x1  }
0x1: {  	s11 =	stileid.u32  }
0x2: {  	s1 =	rddreg [dreg:$0x0];
	s5 =	smul.u32 $0x3100, s11  }
0x3: {  	s2 =	rddreg [dreg:$0x1];
	s8 =	smul.u32 $0x620, s11  }
0x4: {  	s0 =	srdreg.scid;
	s9 =	smul.u32 $0x64000, s11  }
0x5: {  	s6 =	rddreg [dreg:$0x2];
	s19 =	smul.u32 $0x1900, s11  }
0x6: {  	s3 =	simm.s32 $0x0;
	s25 =	simm.s32 $0x200;
	s22 =	smul.u32 $0x83, s11  }
0x7: {  	s26 =	simm.s32 $0x280;
	s7 =	sand.u32 $0x1, s0;
	s11 =	smul.u32 $0x62000, s11  }
0x8: {  	[smem:$0x7FF] =	sst s3;
	s4 =	sadd.s32 $0x24BC00, s1;
	s0 =	smul.u32 $0x6200, s7  }
0x9: {  	_ =	strace $0x8000004A;
	s7 =	ssub.s32 $0x2, s7;
	[dreg:$0x5] =	wrdreg s25  }
0xa: {  	[dreg:$0x6] =	wrdreg s26;
	s10 =	sadd.s32 s5, s1;
	s8 =	sadd.s32 s8, s0  }
0xb: {  	s9 =	sshrl.u32 s9, $0x2;
	s12 =	sshrl.u32 s7, $0x1;
	s5 =	sshll.u32 s8, $0x3  }
0xc: {  	[dreg:$0x4] =	wrdreg s22;
	s7 =	ssub.s32 s7, s12;
	s1 =	sadd.s32 s5, s1  }
0xd: {  	s5 =	sadd.s32 s9, s2;
	s9 =	sshrl.u32 s11, $0x2;
	s11 =	smax.u32 s7, $0x1  }
0xe: {  	s8 =	sadd.s32 $0xC80, s5;
	[dreg:$0x17] =	wrdreg s11  }
0xf: {  	s13 =	sadd.s32 $0x1900, s5;
	[dreg:$0x7] =	wrdreg s8  }
0x10: {  	s14 =	sadd.s32 $0x2580, s5;
	[dreg:$0x8] =	wrdreg s13  }
0x11: {  	s15 =	sadd.s32 $0x3200, s5;
	[dreg:$0x9] =	wrdreg s14  }
0x12: {  	s16 =	sadd.s32 $0x3E80, s5;
	[dreg:$0xa] =	wrdreg s15  }
0x13: {  	s17 =	sadd.s32 $0x4B00, s5;
	[dreg:$0xb] =	wrdreg s16  }
0x14: {  	s18 =	sadd.s32 $0x5780, s5;
	[dreg:$0xc] =	wrdreg s17  }
0x15: {  	s20 =	sadd.s32 $0x6400, s5;
	[dreg:$0xd] =	wrdreg s18  }
0x16: {  	s21 =	sadd.s32 $0x7080, s5;
	[dreg:$0xe] =	wrdreg s20  }
0x17: {  	s12 =	sadd.s32 $0x7D00, s5;
	[dreg:$0xf] =	wrdreg s21  }
0x18: {  	s23 =	sadd.s32 $0x8980, s5;
	[dreg:$0x10] =	wrdreg s12  }
0x19: {  	s24 =	sadd.s32 $0x9600, s5;
	[dreg:$0x11] =	wrdreg s23  }
0x1a: {  	s31 =	sadd.s32 $0xA280, s5;
	[dreg:$0x12] =	wrdreg s24  }
0x1b: {  	s1 =	sadd.s32 $0x2AD800, s1;
	[dreg:$0x14] =	wrdreg s31  }
0x1c: {  	s22 =	sadd.s32 $0x12C00, s5;
	[dreg:$0x16] =	wrdreg s1  }
0x1d: {  	s25 =	sadd.s32 $0x15180, s5;
	[smem:$0x7F8] =	sst s22  }
0x1e: {  	s26 =	sadd.s32 $0x15E00, s5;
	[smem:$0x7FB] =	sst s25  }
0x1f: {  	s12 =	sadd.s32 $0xAF00, s5;
	[smem:$0x7FC] =	sst s26  }
0x20: {  	s13 =	sadd.s32 $0xBB80, s5;
	[dreg:$0x19] =	wrdreg s12  }
0x21: {  	s14 =	sadd.s32 $0xC800, s5;
	[dreg:$0x1a] =	wrdreg s13  }
0x22: {  	s28 =	simm.s32 $0x5;
	s15 =	sadd.s32 $0xD480, s5;
	[dreg:$0x1b] =	wrdreg s14  }
0x23: {  	s29 =	simm.s32 $0x6;
	s16 =	sadd.s32 $0xE100, s5;
	[dreg:$0x1c] =	wrdreg s15  }
0x24: {  	s30 =	simm.s32 $0x0;
	s17 =	sadd.s32 $0xED80, s5;
	[dreg:$0x1d] =	wrdreg s16  }
0x25: {  	s8 =	sshrl.u32 s19, $0x2;
	s18 =	sadd.s32 $0xFA00, s5;
	[dreg:$0x1e] =	wrdreg s17  }
0x26: {  	s1 =	sadd.s32 s9, s2;
	s19 =	sadd.s32 $0x10680, s5;
	[dreg:$0x1f] =	wrdreg s18  }
0x27: {  	s20 =	sadd.s32 $0x11300, s5;
	s21 =	sadd.s32 $0x11F80, s5;
	[smem:$0x7F5] =	sst s19  }
0x28: {  	s23 =	sadd.s32 $0x13880, s5;
	s24 =	sadd.s32 $0x14500, s5;
	[smem:$0x7F6] =	sst s20  }
0x29: {  	s31 =	sadd.s32 $0x16A80, s5;
	s22 =	simm.s32 $0x3;
	[smem:$0x7F7] =	sst s21  }
0x2a: {  	s25 =	simm.s32 $0x2300;
	s26 =	simm.s32 $0x4;
	[smem:$0x7F9] =	sst s23  }
0x2b: {  	s6 =	sadd.s32 s8, s6;
	s8 =	sadd.s32 $0x1A00, s10;
	[smem:$0x7FA] =	sst s24  }
0x2c: {  	s1 =	sshrl.u32 s1, $0x3;
	[smem:$0x7FD] =	sst s31;
	s14 =	sadd.s32 $0x17700, s5  }
0x2d: {  	s15 =	sadd.s32 $0x18380, s5;
	s16 =	simm.s32 $0x4380;
	s17 =	simm.s32 $0x7  }
0x2e: {  	s18 =	simm.s32 $0x1;
	s19 =	simm.s32 $0x80;
	[dreg:$0x13] =	wrdreg s6  }
0x2f: {  	v1 =	vimm.f32 $0.0e+00;
	s20 =	simm.s32 $0x300;
	s21 =	simm.s32 $0x100;
	[dreg:$0x15] =	wrdreg s8  }
0x30: {  	v2 =	vimm.f32 $1.000000000e+00;
	v3 =	vlaneseq.u32;
	v0 =	vmov s0;
	s24 =	simm.s32 $0x2;
	s6 =	sadd.s32 $0x1A40, s10;
	[dreg:$0x18] =	wrdreg s1  }
.LBB2_1:
0x31: {  	s0 =	simm.s32 $0x0;
	s1 =	simm.s32 $0x0  }
.LBB2_2:
0x32: {  	p0 =	sne.s32 s1, $0x31C0  }
.Ltmp0:
0x33: {  	_ = 	snop;
	(pc) =	sbr.rel @p0 .LBB2_2-.Ltmp0, $4  }
0x34: {  	s7 =	sand.u32 $0x3F00, s1  }
0x35: {  	s8 =	sand.u32 $0x30, s0;
	s7 =	sshrl.u32 s7, $0x2  }
0x36: {  	s7 =	sor.u32 s8, s7  }
0x37: {  	s0 =	sadd.s32 $0x10, s0;
	s1 =	sadd.s32 $0x40, s1;
	[tilespmem:s7+$0x4380] =	vst v1  }
0x38: {  	s0 =	simm.s32 $0x40;
	s1 =	simm.s32 $0x0  }
.LBB2_4:
0x39: {  	p0 =	sne.s32 s0, $0x18C0;
	[tilespmem:s1+$0x5000] =	vst v1;
	s1 =	smov.u32 s0;
	s0 =	sadd.s32 $0x40, s0  }
.Ltmp1:
0x3a: {  	(pc) =	sbr.rel @p0 .LBB2_4-.Ltmp1, $2  }
0x3b: {  	_ =	sdelay $0x2  }
0x3c: {  	s1 =	sshra.s32 s1, $0x2  }
0x3d: {  	[tilespmem:s1+$0x5000] =	vst v1  }
0x3e: {  	[tilespmem:$0x4300] =	vst v2  }
0x3f: {  	[tilespmem:$0x4310] =	vst v2  }
0x40: {  	[tilespmem:$0x4320] =	vst v2  }
0x41: {  	[tilespmem:$0x4330] =	vst v2  }
0x42: {  	[tilespmem:$0x4340] =	vst v2  }
0x43: {  	[tilespmem:$0x4350] =	vst v2  }
0x44: {  	[tilespmem:$0x4360] =	vst v2  }
0x45: {  	[tilespmem:$0x4370] =	vst v2  }
0x46: {  	[spmem:s5] =	stream.linear.scatter [tilespmem:s16], [sflag:$0x7], $0xC80, $0x38;
	[tilespmem:$0x1EC80] =	vst v63  }
0x47: {  	_ =	swait.ge [sflag:s17], $0xC80  }
0x48: {  	[sflag:s17] =	ssyncset.done $0x0  }
0x49: {  	s0 =	rddreg [dreg:$0x7];
	[sflag:s17] =	ssyncadd.s32 $0xFFFFF380  }
0x4a: {  	[spmem:s0] =	stream.linear.scatter [tilespmem:s16], [sflag:$0x7], $0xC80, $0x38;
	[tilespmem:$0x1EC80] =	vst v63  }
0x4b: {  	_ =	swait.ge [sflag:s17], $0xC80  }
0x4c: {  	[sflag:s17] =	ssyncset.done $0x0  }
0x4d: {  	s1 =	rddreg [dreg:$0x8];
	[sflag:s17] =	ssyncadd.s32 $0xFFFFF380  }
0x4e: {  	[spmem:s1] =	stream.linear.scatter [tilespmem:s16], [sflag:$0x7], $0xC80, $0x38;
	[tilespmem:$0x1EC80] =	vst v63  }
0x4f: {  	_ =	swait.ge [sflag:s17], $0xC80  }
0x50: {  	[sflag:s17] =	ssyncset.done $0x0  }
0x51: {  	s7 =	rddreg [dreg:$0x9];
	[sflag:s17] =	ssyncadd.s32 $0xFFFFF380  }
0x52: {  	[spmem:s7] =	stream.linear.scatter [tilespmem:s16], [sflag:$0x7], $0xC80, $0x38;
	[tilespmem:$0x1EC80] =	vst v63  }
0x53: {  	_ =	swait.ge [sflag:s17], $0xC80  }
0x54: {  	[sflag:s17] =	ssyncset.done $0x0  }
0x55: {  	s8 =	rddreg [dreg:$0xa];
	[sflag:s17] =	ssyncadd.s32 $0xFFFFF380  }
0x56: {  	[spmem:s8] =	stream.linear.scatter [tilespmem:s16], [sflag:$0x7], $0xC80, $0x38;
	[tilespmem:$0x1EC80] =	vst v63  }
0x57: {  	_ =	swait.ge [sflag:s17], $0xC80  }
0x58: {  	[sflag:s17] =	ssyncset.done $0x0  }
0x59: {  	s9 =	rddreg [dreg:$0xb];
	[sflag:s17] =	ssyncadd.s32 $0xFFFFF380  }
0x5a: {  	[spmem:s9] =	stream.linear.scatter [tilespmem:s16], [sflag:$0x7], $0xC80, $0x38;
	[tilespmem:$0x1EC80] =	vst v63  }
0x5b: {  	_ =	swait.ge [sflag:s17], $0xC80  }
0x5c: {  	[sflag:s17] =	ssyncset.done $0x0  }
0x5d: {  	s10 =	rddreg [dreg:$0xc];
	[sflag:s17] =	ssyncadd.s32 $0xFFFFF380  }
0x5e: {  	[spmem:s10] =	stream.linear.scatter [tilespmem:s16], [sflag:$0x7], $0xC80, $0x38;
	[tilespmem:$0x1EC80] =	vst v63  }
0x5f: {  	_ =	swait.ge [sflag:s17], $0xC80  }
0x60: {  	[sflag:s17] =	ssyncset.done $0x0  }
0x61: {  	s11 =	rddreg [dreg:$0xd];
	[sflag:s17] =	ssyncadd.s32 $0xFFFFF380  }
0x62: {  	[spmem:s11] =	stream.linear.scatter [tilespmem:s16], [sflag:$0x7], $0xC80, $0x38;
	[tilespmem:$0x1EC80] =	vst v63  }
0x63: {  	_ =	swait.ge [sflag:s17], $0xC80  }
0x64: {  	[sflag:s17] =	ssyncset.done $0x0  }
0x65: {  	s12 =	rddreg [dreg:$0xe];
	[sflag:s17] =	ssyncadd.s32 $0xFFFFF380  }
0x66: {  	[spmem:s12] =	stream.linear.scatter [tilespmem:s16], [sflag:$0x7], $0xC80, $0x38;
	[tilespmem:$0x1EC80] =	vst v63  }
0x67: {  	_ =	swait.ge [sflag:s17], $0xC80  }
0x68: {  	[sflag:s17] =	ssyncset.done $0x0  }
0x69: {  	s13 =	rddreg [dreg:$0xf];
	[sflag:s17] =	ssyncadd.s32 $0xFFFFF380  }
0x6a: {  	[spmem:s13] =	stream.linear.scatter [tilespmem:s16], [sflag:$0x7], $0xC80, $0x38;
	[tilespmem:$0x1EC80] =	vst v63  }
0x6b: {  	_ =	swait.ge [sflag:s17], $0xC80  }
0x6c: {  	[sflag:s17] =	ssyncset.done $0x0  }
0x6d: {  	s23 =	rddreg [dreg:$0x10];
	[sflag:s17] =	ssyncadd.s32 $0xFFFFF380  }
0x6e: {  	[spmem:s23] =	stream.linear.scatter [tilespmem:s16], [sflag:$0x7], $0xC80, $0x38;
	[tilespmem:$0x1EC80] =	vst v63  }
0x6f: {  	_ =	swait.ge [sflag:s17], $0xC80  }
0x70: {  	[sflag:s17] =	ssyncset.done $0x0  }
0x71: {  	s1 =	rddreg [dreg:$0x11];
	[sflag:s17] =	ssyncadd.s32 $0xFFFFF380  }
0x72: {  	[spmem:s1] =	stream.linear.scatter [tilespmem:s16], [sflag:$0x7], $0xC80, $0x38;
	[tilespmem:$0x1EC80] =	vst v63  }
0x73: {  	_ =	swait.ge [sflag:s17], $0xC80  }
0x74: {  	[sflag:s17] =	ssyncset.done $0x0  }
0x75: {  	s7 =	rddreg [dreg:$0x12];
	[sflag:s17] =	ssyncadd.s32 $0xFFFFF380  }
0x76: {  	[spmem:s7] =	stream.linear.scatter [tilespmem:s16], [sflag:$0x7], $0xC80, $0x38;
	[tilespmem:$0x1EC80] =	vst v63  }
0x77: {  	_ =	swait.ge [sflag:s17], $0xC80  }
0x78: {  	[sflag:s17] =	ssyncset.done $0x0  }
0x79: {  	s8 =	rddreg [dreg:$0x14];
	[sflag:s17] =	ssyncadd.s32 $0xFFFFF380  }
0x7a: {  	[spmem:s8] =	stream.linear.scatter [tilespmem:s16], [sflag:$0x7], $0xC80, $0x38;
	[tilespmem:$0x1EC80] =	vst v63  }
0x7b: {  	_ =	swait.ge [sflag:s17], $0xC80  }
0x7c: {  	[sflag:s17] =	ssyncset.done $0x0  }
0x7d: {  	s9 =	rddreg [dreg:$0x19];
	[sflag:s17] =	ssyncadd.s32 $0xFFFFF380  }
0x7e: {  	[spmem:s9] =	stream.linear.scatter [tilespmem:s16], [sflag:$0x7], $0xC80, $0x38;
	[tilespmem:$0x1EC80] =	vst v63  }
0x7f: {  	_ =	swait.ge [sflag:s17], $0xC80  }
0x80: {  	[sflag:s17] =	ssyncset.done $0x0  }
0x81: {  	s10 =	rddreg [dreg:$0x1a];
	[sflag:s17] =	ssyncadd.s32 $0xFFFFF380  }
0x82: {  	[spmem:s10] =	stream.linear.scatter [tilespmem:s16], [sflag:$0x7], $0xC80, $0x38;
	[tilespmem:$0x1EC80] =	vst v63  }
0x83: {  	_ =	swait.ge [sflag:s17], $0xC80  }
0x84: {  	[sflag:s17] =	ssyncset.done $0x0  }
0x85: {  	s11 =	rddreg [dreg:$0x1b];
	[sflag:s17] =	ssyncadd.s32 $0xFFFFF380  }
0x86: {  	[spmem:s11] =	stream.linear.scatter [tilespmem:s16], [sflag:$0x7], $0xC80, $0x38;
	[tilespmem:$0x1EC80] =	vst v63  }
0x87: {  	_ =	swait.ge [sflag:s17], $0xC80  }
0x88: {  	[sflag:s17] =	ssyncset.done $0x0  }
0x89: {  	s12 =	rddreg [dreg:$0x1c];
	[sflag:s17] =	ssyncadd.s32 $0xFFFFF380  }
0x8a: {  	[spmem:s12] =	stream.linear.scatter [tilespmem:s16], [sflag:$0x7], $0xC80, $0x38;
	[tilespmem:$0x1EC80] =	vst v63  }
0x8b: {  	_ =	swait.ge [sflag:s17], $0xC80  }
0x8c: {  	[sflag:s17] =	ssyncset.done $0x0  }
0x8d: {  	s13 =	rddreg [dreg:$0x1d];
	[sflag:s17] =	ssyncadd.s32 $0xFFFFF380  }
0x8e: {  	[spmem:s13] =	stream.linear.scatter [tilespmem:s16], [sflag:$0x7], $0xC80, $0x38;
	[tilespmem:$0x1EC80] =	vst v63  }
0x8f: {  	_ =	swait.ge [sflag:s17], $0xC80  }
0x90: {  	[sflag:s17] =	ssyncset.done $0x0  }
0x91: {  	s23 =	rddreg [dreg:$0x1e];
	[sflag:s17] =	ssyncadd.s32 $0xFFFFF380  }
0x92: {  	[spmem:s23] =	stream.linear.scatter [tilespmem:s16], [sflag:$0x7], $0xC80, $0x38;
	[tilespmem:$0x1EC80] =	vst v63  }
0x93: {  	_ =	swait.ge [sflag:s17], $0xC80  }
0x94: {  	[sflag:s17] =	ssyncset.done $0x0  }
0x95: {  	s1 =	rddreg [dreg:$0x1f];
	[sflag:s17] =	ssyncadd.s32 $0xFFFFF380  }
0x96: {  	[spmem:s1] =	stream.linear.scatter [tilespmem:s16], [sflag:$0x7], $0xC80, $0x38;
	[tilespmem:$0x1EC80] =	vst v63  }
0x97: {  	_ =	swait.ge [sflag:s17], $0xC80  }
0x98: {  	s7 =	sld [smem:$0x7F5]  }
0x99: {  	[sflag:s17] =	ssyncset.done $0x0  }
0x9a: {  	[sflag:s17] =	ssyncadd.s32 $0xFFFFF380  }
0x9b: {  	[spmem:s7] =	stream.linear.scatter [tilespmem:s16], [sflag:$0x7], $0xC80, $0x38;
	[tilespmem:$0x1EC80] =	vst v63  }
0x9c: {  	_ =	swait.ge [sflag:s17], $0xC80  }
0x9d: {  	s8 =	sld [smem:$0x7F6]  }
0x9e: {  	[sflag:s17] =	ssyncset.done $0x0  }
0x9f: {  	[sflag:s17] =	ssyncadd.s32 $0xFFFFF380  }
0xa0: {  	[spmem:s8] =	stream.linear.scatter [tilespmem:s16], [sflag:$0x7], $0xC80, $0x38;
	[tilespmem:$0x1EC80] =	vst v63  }
0xa1: {  	_ =	swait.ge [sflag:s17], $0xC80  }
0xa2: {  	s9 =	sld [smem:$0x7F7]  }
0xa3: {  	[sflag:s17] =	ssyncset.done $0x0  }
0xa4: {  	[sflag:s17] =	ssyncadd.s32 $0xFFFFF380  }
0xa5: {  	[spmem:s9] =	stream.linear.scatter [tilespmem:s16], [sflag:$0x7], $0xC80, $0x38;
	[tilespmem:$0x1EC80] =	vst v63  }
0xa6: {  	_ =	swait.ge [sflag:s17], $0xC80  }
0xa7: {  	s10 =	sld [smem:$0x7F8]  }
0xa8: {  	[sflag:s17] =	ssyncset.done $0x0  }
0xa9: {  	[sflag:s17] =	ssyncadd.s32 $0xFFFFF380  }
0xaa: {  	[spmem:s10] =	stream.linear.scatter [tilespmem:s16], [sflag:$0x7], $0xC80, $0x38;
	[tilespmem:$0x1EC80] =	vst v63  }
0xab: {  	_ =	swait.ge [sflag:s17], $0xC80  }
0xac: {  	s11 =	sld [smem:$0x7F9]  }
0xad: {  	[sflag:s17] =	ssyncset.done $0x0  }
0xae: {  	[sflag:s17] =	ssyncadd.s32 $0xFFFFF380  }
0xaf: {  	[spmem:s11] =	stream.linear.scatter [tilespmem:s16], [sflag:$0x7], $0xC80, $0x38;
	[tilespmem:$0x1EC80] =	vst v63  }
0xb0: {  	_ =	swait.ge [sflag:s17], $0xC80  }
0xb1: {  	s12 =	sld [smem:$0x7FA]  }
0xb2: {  	[sflag:s17] =	ssyncset.done $0x0  }
0xb3: {  	[sflag:s17] =	ssyncadd.s32 $0xFFFFF380  }
0xb4: {  	[spmem:s12] =	stream.linear.scatter [tilespmem:s16], [sflag:$0x7], $0xC80, $0x38;
	[tilespmem:$0x1EC80] =	vst v63  }
0xb5: {  	_ =	swait.ge [sflag:s17], $0xC80  }
0xb6: {  	s13 =	sld [smem:$0x7FB]  }
0xb7: {  	[sflag:s17] =	ssyncset.done $0x0  }
0xb8: {  	[sflag:s17] =	ssyncadd.s32 $0xFFFFF380  }
0xb9: {  	[spmem:s13] =	stream.linear.scatter [tilespmem:s16], [sflag:$0x7], $0xC80, $0x38;
	[tilespmem:$0x1EC80] =	vst v63  }
0xba: {  	_ =	swait.ge [sflag:s17], $0xC80  }
0xbb: {  	s23 =	sld [smem:$0x7FC]  }
0xbc: {  	[sflag:s17] =	ssyncset.done $0x0  }
0xbd: {  	[sflag:s17] =	ssyncadd.s32 $0xFFFFF380  }
0xbe: {  	[spmem:s23] =	stream.linear.scatter [tilespmem:s16], [sflag:$0x7], $0xC80, $0x38;
	[tilespmem:$0x1EC80] =	vst v63  }
0xbf: {  	_ =	swait.ge [sflag:s17], $0xC80  }
0xc0: {  	s1 =	sld [smem:$0x7FD]  }
0xc1: {  	[sflag:s17] =	ssyncset.done $0x0  }
0xc2: {  	[sflag:s17] =	ssyncadd.s32 $0xFFFFF380  }
0xc3: {  	[spmem:s1] =	stream.linear.scatter [tilespmem:s16], [sflag:$0x7], $0xC80, $0x38;
	[tilespmem:$0x1EC80] =	vst v63  }
0xc4: {  	_ =	swait.ge [sflag:s17], $0xC80  }
0xc5: {  	[sflag:s17] =	ssyncset.done $0x0  }
0xc6: {  	[sflag:s17] =	ssyncadd.s32 $0xFFFFF380  }
0xc7: {  	[spmem:s14] =	stream.linear.scatter [tilespmem:s16], [sflag:$0x7], $0xC80, $0x38;
	[tilespmem:$0x1EC80] =	vst v63  }
0xc8: {  	_ =	swait.ge [sflag:s17], $0xC80  }
0xc9: {  	[sflag:s17] =	ssyncset.done $0x0  }
0xca: {  	[sflag:s17] =	ssyncadd.s32 $0xFFFFF380  }
0xcb: {  	[spmem:s15] =	stream.linear.scatter [tilespmem:s16], [sflag:$0x7], $0xC80, $0x38;
	[tilespmem:$0x1EC80] =	vst v63  }
0xcc: {  	_ =	swait.ge [sflag:s17], $0xC80  }
0xcd: {  	[sflag:s17] =	ssyncset.done $0x0  }
0xce: {  	s8 =	simm.s32 $0x5000;
	s7 =	rddreg [dreg:$0x13];
	[sflag:s17] =	ssyncadd.s32 $0xFFFFF380  }
0xcf: {  	[spmem:s7] =	stream.linear.scatter [tilespmem:s8], [sflag:$0x7], $0x640, $0x38;
	[tilespmem:$0x1EC80] =	vst v63  }
0xd0: {  	_ =	swait.ge [sflag:s17], $0x640  }
0xd1: {  	[sflag:s17] =	ssyncset.done $0x0  }
0xd2: {  	[sflag:s17] =	ssyncadd.s32 $0xFFFFF9C0  }
0xd3: {  	p0 =	por $0x1, $0x1;
	[bflag:$0x0] =	sbarrier.arrive $0xFFFF  }
0xd4: {  	s31 =	simm.s32 $0x0;
	s0 =	simm.s32 @!p0 $0x5;
	s9 =	rddreg [dreg:$0x15]  }
0xd5: {  	[tilespmem:s31], [sflag:$0x1] =	stream.linear.gather [hbm4b:s9+s31], $0x100, $0x38;
	[tilespmem:$0x1EC80] =	vst v63  }
0xd6: {  	_ =	swait.ge @!p0 [sflag:s0], $0x2000  }
0xd7: {  	[sflag:s0] =	ssyncset.done @!p0 $0x0  }
0xd8: {  	[sflag:s0] =	ssyncadd.s32 @!p0 $0xFFFFE000  }
0xd9: {  	_ =	swait.ge [sflag:s18], $0x100  }
0xda: {  	s10 =	rddreg [dreg:$0x4]  }
0xdb: {  	[sflag:s18] =	ssyncset.done $0x0;
	s0 =	sadd.s32 $0x0, s10  }
0xdc: {  	s12 =	sadd.s32 $0xFFFFFFE0, s6;
	[sflag:s18] =	ssyncadd.s32 $0xFFFFFF00;
	s7 =	sadd.s32 $0x50, s0  }
0xdd: {  	[tilespmem:s20], [sflag:$0x3] =	stream.indirect.gather [hbm4b:s4+s19], $0x40, s3, s19, $0xb8;
	[tilespmem:$0x1EC80] =	vst v63  }
0xde: {  	s11 =	sadd.s32 $0x40, s0;
	s8 =	sadd.s32 $0x60, s0;
	v4 =	vadd.s32 s0, v3;
	s13 =	sadd.s32 $0x70, s0;
	v5 =	vadd.s32 s7, v3  }
0xdf: {  	s23 =	sadd.s32 $0x30, s0;
	s9 =	sadd.s32 $0x25, s0;
	s10 =	sadd.s32 $0x45, s0;
	v6 =	vadd.s32 s11, v3;
	v7 =	vadd.s32 s8, v3;
	v8 =	vadd.s32 s13, v3  }
0xe0: {  	v9 =	vadd.s32 s23, v3;
	v4 =	vand.u32 $0x1FF, v4;
	v15 =	vadd.s32 s9, v3;
	[tilespmem:s21], [sflag:$0x2] =	stream.linear.gather [hbm4b:s12+s3], $0x100, $0x38;
	[tilespmem:$0x1EC80] =	vst v63  }
0xe1: {  	s7 =	sadd.s32 $0x10, s0;
	v17 =	vadd.s32 s10, v3;
	v5 =	vand.u32 $0x1FF, v5;
	v6 =	vand.u32 $0x1FF, v6;
	v10 =	vld [tilespmem:$0x90]  }
0xe2: {  	s8 =	sadd.s32 $0x20, s0;
	v7 =	vand.u32 $0x1FF, v7;
	v8 =	vand.u32 $0x1FF, v8;
	v11 =	vadd.s32 s7, v3;
	v16 =	vld [tilespmem:$0xC0]  }
0xe3: {  	v13 =	vadd.s32 s8, v3;
	v9 =	vand.u32 $0x1FF, v9;
	v19 =	vor.u32 $0x6200, v4;
	v12 =	vld [tilespmem:$0xA0]  }
0xe4: {  	v5 =	vor.u32 $0x6200, v5;
	v6 =	vor.u32 $0x6200, v6;
	v8 =	vor.u32 $0x6200, v8;
	v14 =	vld [tilespmem:$0xB0]  }
0xe5: {  	v11 =	vand.u32 $0x1FF, v11;
	v13 =	vand.u32 $0x1FF, v13;
	v9 =	vor.u32 $0x6200, v9;
	v21 =	vld [tilespmem:$0xF0]  }
0xe6: {  	v18 =	vld [tilespmem:$0xD0];
	v4 =	vor.u32 $0x6200, v7;
	v13 =	vor.u32 $0x6200, v13;
	v7 =	vsub.s32 v10, v0  }
0xe7: {  	v11 =	vor.u32 $0x6200, v11;
	v10 =	vld [tilespmem:$0xE0];
	v63 =	vsub.s32 v16, v0;
	vm0 =	vlt.u32 v7, $0x6200  }
0xe8: {  	v20 =	vld [tilespmem:$0x80];
	v12 =	vsub.s32 v12, v0;
	vm12 =	vlt.u32 v63, $0x6200;
	v7 =	vsel vm0, v7, v11  }
0xe9: {  	vm10 =	vlt.u32 v12, $0x6200;
	v11 =	vsub.s32 v14, v0;
	v6 =	vsel vm12, v63, v6;
	[tilespmem:$0x210] =	vst v7  }
0xea: {  	v7 =	vsel vm10, v12, v13;
	vm11 =	vlt.u32 v11, $0x6200;
	[tilespmem:$0x240] =	vst v6;
	v6 =	vsub.s32 v21, v0  }
0xeb: {  	[tilespmem:$0x220] =	vst v7;
	v7 =	vsel vm11, v11, v9;
	v9 =	vsub.s32 v18, v0;
	vm15 =	vlt.u32 v6, $0x6200  }
0xec: {  	[tilespmem:$0x230] =	vst v7;
	vm13 =	vlt.u32 v9, $0x6200;
	v7 =	vsub.s32 v10, v0;
	v6 =	vsel vm15, v6, v8  }
0xed: {  	s11 =	sadd.s32 $0x55, s0;
	v10 =	vsub.s32 v20, v0;
	v5 =	vsel vm13, v9, v5;
	vm14 =	vlt.u32 v7, $0x6200;
	[tilespmem:$0x270] =	vst v6  }
0xee: {  	s9 =	sadd.s32 $0x75, s0;
	vm1 =	vlt.u32 v10, $0x6200;
	v9 =	vadd.s32 s11, v3;
	[tilespmem:$0x250] =	vst v5;
	v5 =	vsel vm14, v7, v4  }
0xef: {  	s13 =	sadd.s32 $0x85, s0;
	s12 =	sadd.s32 $0x65, s0;
	v6 =	vadd.s32 s9, v3;
	v4 =	vand.u32 $0x1FF, v15;
	v7 =	vsel vm1, v10, v19;
	[tilespmem:$0x260] =	vst v5  }
0xf0: {  	s1 =	simm.s32 $0x4A;
	s23 =	sadd.s32 $0x95, s0;
	v10 =	vadd.s32 s13, v3;
	v8 =	vand.u32 $0x1FF, v9;
	[tilespmem:$0x200] =	vst v7;
	v7 =	vadd.s32 s12, v3  }
0xf1: {  	s7 =	sadd.s32 $0x35, s0;
	s0 =	smov.u32 s6;
	v6 =	vand.u32 $0x1FF, v6;
	v9 =	vand.u32 $0x1FF, v7;
	v7 =	vadd.s32 s23, v3;
	_ =	swait.ge [sflag:s22], $0x2000  }
0xf2: {  	v5 =	vand.u32 $0x1FF, v17;
	v10 =	vand.u32 $0x1FF, v10;
	s23 =	smov.u32 s6;
	v7 =	vand.u32 $0x1FF, v7;
	[sflag:s22] =	ssyncset.done $0x0;
	s8 =	rddreg [dreg:$0x5]  }
.LBB2_6:
0xf3: {  	[sflag:s22] =	ssyncadd.s32 $0xFFFFE000;
	s10 =	simm.s32 @!p0 $0x6  }
0xf4: {  	[spmem:s2] =	stream.indirect.scatter.add.f32 [tilespmem:s20], [sflag:$0x5], $0x40, s8, s19, $0xb8;
	[tilespmem:$0x1EC80] =	vst v63  }
0xf5: {  	_ =	swait.ge @!p0 [sflag:s10], $0x2000  }
0xf6: {  	[sflag:s10] =	ssyncset.done @!p0 $0x0  }
0xf7: {  	[sflag:s10] =	ssyncadd.s32 @!p0 $0xFFFFE000  }
0xf8: {  	_ =	swait.ge [sflag:s24], $0x100  }
0xf9: {  	[sflag:s24] =	ssyncset.done $0x0  }
0xfa: {  	p0 =	seq.s32 s31, $0x385E;
	[sflag:s24] =	ssyncadd.s32 $0xFFFFFF00  }
0xfb: {  	[tilespmem:s25], [sflag:$0x4] =	stream.indirect.gather [hbm4b:s4+s19], $0x40, s21, s19, $0xb8;
	[tilespmem:$0x1EC80] =	vst v63  }
0xfc: {  	s8 =	simm.s32 @!p0 $0x0  }
0xfd: {  	[tilespmem:s8], [sflag:$0x1] =	stream.linear.gather @!p0 [hbm4b:s23+s8], $0x100, $0x38;
	[tilespmem:$0x1EC80] =	vst v63  }
0xfe: {  	v11 =	vld [tilespmem:$0x180]  }
0xff: {  	v12 =	vld [tilespmem:$0x190]  }
0x100: {  	v13 =	vld [tilespmem:$0x1A0]  }
0x101: {  	v14 =	vadd.s32 s7, v3;
	v10 =	vor.u32 $0x6200, v10;
	v8 =	vor.u32 $0x6200, v8;
	v15 =	vld [tilespmem:$0x1B0]  }
0x102: {  	v9 =	vor.u32 $0x6200, v9;
	v4 =	vor.u32 $0x6200, v4;
	v5 =	vor.u32 $0x6200, v5;
	v16 =	vld [tilespmem:$0x1C0]  }
0x103: {  	v7 =	vor.u32 $0x6200, v7;
	v14 =	vand.u32 $0x1FF, v14;
	v17 =	vld [tilespmem:$0x1E0];
	v11 =	vsub.s32 v11, v0  }
0x104: {  	v14 =	vor.u32 $0x6200, v14;
	v18 =	vld [tilespmem:$0x1F0];
	v12 =	vsub.s32 v12, v0;
	vm0 =	vlt.u32 v11, $0x6200  }
0x105: {  	v50 =	vld [tilespmem:$0x1D0];
	vm15 =	vlt.u32 v12, $0x6200;
	v4 =	vsel vm0, v11, v4;
	v11 =	vsub.s32 v13, v0  }
0x106: {  	v49 =	vsub.s32 v15, v0;
	[tilespmem:$0x280] =	vst v4;
	v4 =	vsel vm15, v12, v14;
	vm4 =	vlt.u32 v11, $0x6200  }
0x107: {  	vm5 =	vlt.u32 v49, $0x6200;
	[tilespmem:$0x290] =	vst v4;
	v4 =	vsel vm4, v11, v5;
	v5 =	vsub.s32 v16, v0  }
0x108: {  	[tilespmem:$0x2A0] =	vst v4;
	v4 =	vsel vm5, v49, v8;
	vm6 =	vlt.u32 v5, $0x6200;
	v8 =	vsub.s32 v17, v0  }
0x109: {  	[tilespmem:$0x2B0] =	vst v4;
	v4 =	vsel vm6, v5, v9;
	vm7 =	vlt.u32 v8, $0x6200;
	v5 =	vsub.s32 v18, v0  }
0x10a: {  	[tilespmem:$0x2C0] =	vst v4;
	v4 =	vsel vm7, v8, v10;
	vm8 =	vlt.u32 v5, $0x6200;
	v8 =	vsub.s32 v50, v0  }
0x10b: {  	[tilespmem:$0x2E0] =	vst v4;
	v4 =	vsel vm8, v5, v7;
	vm9 =	vlt.u32 v8, $0x6200;
	v5 =	vor.u32 $0x6200, v6  }
0x10c: {  	[tilespmem:$0x2F0] =	vst v4;
	v4 =	vsel vm9, v8, v5  }
0x10d: {  	s9 =	smov.u32 s1;
	[tilespmem:$0x2D0] =	vst v4  }
0x10e: {  	s31 =	smov.u32 s9;
	_ =	swait.ge [sflag:s26], $0x2000  }
0x10f: {  	p0 =	seq.s32 s31, $0x0;
	[sflag:s26] =	ssyncset.done $0x0  }
0x110: {  	s7 =	simm.s32 @!p0 $0x5;
	s13 =	rddreg [dreg:$0x6];
	[sflag:s26] =	ssyncadd.s32 $0xFFFFE000  }
0x111: {  	[spmem:s2] =	stream.indirect.scatter.add.f32 [tilespmem:s25], [sflag:$0x6], $0x40, s13, s19, $0xb8;
	[tilespmem:$0x1EC80] =	vst v63  }
0x112: {  	_ =	swait.ge @!p0 [sflag:s7], $0x2000  }
0x113: {  	[sflag:s7] =	ssyncset.done @!p0 $0x0  }
0x114: {  	[sflag:s7] =	ssyncadd.s32 @!p0 $0xFFFFE000  }
0x115: {  	_ =	swait.ge [sflag:s18], $0x100  }
0x116: {  	s0 =	sadd.s32 $0x40, s0;
	s10 =	rddreg [dreg:$0x4];
	[sflag:s18] =	ssyncset.done $0x0  }
0x117: {  	s8 =	sadd.s32 $0xFFFFFFE0, s0;
	[sflag:s18] =	ssyncadd.s32 $0xFFFFFF00;
	s9 =	sadd.s32 s31, s10  }
0x118: {  	v4 =	vadd.s32 s9, v3;
	s7 =	sadd.s32 $0x40, s9;
	s10 =	sadd.s32 $0x50, s9;
	s11 =	sadd.s32 $0x60, s9  }
0x119: {  	[tilespmem:s20], [sflag:$0x3] =	stream.indirect.gather [hbm4b:s4+s19], $0x40, s3, s19, $0xb8;
	v5 =	vadd.s32 s7, v3;
	v6 =	vadd.s32 s10, v3;
	[tilespmem:$0x1EC80] =	vst v63  }
0x11a: {  	s13 =	sadd.s32 $0x20, s9;
	v7 =	vadd.s32 s11, v3;
	s11 =	sadd.s32 $0x70, s9;
	s10 =	sadd.s32 $0x30, s9;
	v5 =	vand.u32 $0x1FF, v5;
	v6 =	vand.u32 $0x1FF, v6  }
0x11b: {  	v8 =	vadd.s32 s11, v3;
	v7 =	vand.u32 $0x1FF, v7;
	[tilespmem:s21], [sflag:$0x2] =	stream.linear.gather [hbm4b:s8+s3], $0x100, $0x38;
	v9 =	vadd.s32 s10, v3;
	[tilespmem:$0x1EC80] =	vst v63  }
0x11c: {  	s12 =	sadd.s32 $0x10, s9;
	v8 =	vand.u32 $0x1FF, v8;
	v10 =	vor.u32 $0x6200, v5;
	v51 =	vld [tilespmem:$0x90];
	v5 =	vadd.s32 s13, v3  }
0x11d: {  	s13 =	sadd.s32 $0x25, s9;
	v54 =	vld [tilespmem:$0xA0];
	v11 =	vor.u32 $0x6200, v8;
	v8 =	vand.u32 $0x1FF, v4;
	v4 =	vadd.s32 s12, v3  }
0x11e: {  	s11 =	sadd.s32 $0x45, s9;
	v56 =	vld [tilespmem:$0xB0];
	v52 =	vand.u32 $0x1FF, v4;
	v4 =	vand.u32 $0x1FF, v5;
	v5 =	vadd.s32 s13, v3  }
0x11f: {  	v23 =	vld [tilespmem:$0xD0];
	v55 =	vor.u32 $0x6200, v4;
	v4 =	vand.u32 $0x1FF, v9;
	v9 =	vadd.s32 s11, v3  }
0x120: {  	v57 =	vor.u32 $0x6200, v4;
	v4 =	vand.u32 $0x1FF, v5;
	v5 =	vand.u32 $0x1FF, v9;
	v9 =	vld [tilespmem:$0xC0]  }
0x121: {  	v6 =	vor.u32 $0x6200, v6;
	v53 =	vld [tilespmem:$0xF0];
	v7 =	vor.u32 $0x6200, v7  }
0x122: {  	v58 =	vld [tilespmem:$0xE0];
	v22 =	vor.u32 $0x6200, v8;
	v13 =	vor.u32 $0x6200, v52;
	v12 =	vsub.s32 v51, v0  }
0x123: {  	v24 =	vld [tilespmem:$0x80];
	v15 =	vsub.s32 v54, v0;
	v59 =	vsub.s32 v56, v0;
	vm10 =	vlt.u32 v12, $0x6200  }
0x124: {  	v62 =	vsub.s32 v23, v0;
	vm11 =	vlt.u32 v15, $0x6200;
	v12 =	vsel vm10, v12, v13  }
0x125: {  	vm12 =	vlt.u32 v59, $0x6200;
	v60 =	vsel vm11, v15, v55;
	[tilespmem:$0x210] =	vst v12;
	v9 =	vsub.s32 v9, v0  }
0x126: {  	vm14 =	vlt.u32 v62, $0x6200;
	v61 =	vsel vm12, v59, v57;
	[tilespmem:$0x220] =	vst v60;
	vm13 =	vlt.u32 v9, $0x6200  }
0x127: {  	v6 =	vsel vm14, v62, v6;
	[tilespmem:$0x230] =	vst v61;
	v9 =	vsel vm13, v9, v10;
	v10 =	vsub.s32 v58, v0  }
0x128: {  	s1 =	sadd.s32 $0x4A, s1;
	v14 =	vsub.s32 v53, v0;
	v63 =	vsub.s32 v24, v0;
	[tilespmem:$0x250] =	vst v6;
	vm15 =	vlt.u32 v10, $0x6200  }
0x129: {  	p1 =	sne.s32 s1, $0x38A8;
	vm1 =	vlt.u32 v14, $0x6200;
	vm2 =	vlt.u32 v63, $0x6200;
	[tilespmem:$0x240] =	vst v9;
	v6 =	vsel vm15, v10, v7  }
.Ltmp2:
0x12a: {  	s10 =	sadd.s32 $0x55, s9;
	v7 =	vsel vm1, v14, v11;
	v11 =	vsel vm2, v63, v22;
	[tilespmem:$0x260] =	vst v6;
	(pc) =	sbr.rel @p1 .LBB2_6-.Ltmp2, $4  }
0x12b: {  	v19 =	vadd.s32 s10, v3;
	s12 =	sadd.s32 $0x65, s9;
	s13 =	sadd.s32 $0x85, s9;
	[tilespmem:$0x200] =	vst v11  }
0x12c: {  	s7 =	sadd.s32 $0x35, s9;
	s8 =	sadd.s32 $0x75, s9;
	s9 =	sadd.s32 $0x95, s9;
	v20 =	vadd.s32 s12, v3;
	v8 =	vand.u32 $0x1FF, v19;
	v21 =	vadd.s32 s13, v3;
	[tilespmem:$0x270] =	vst v7  }
0x12d: {  	v9 =	vand.u32 $0x1FF, v20;
	v6 =	vadd.s32 s8, v3;
	v11 =	vadd.s32 s9, v3;
	_ =	swait.ge [sflag:s22], $0x2000  }
0x12e: {  	s23 =	smov.u32 s0;
	v10 =	vand.u32 $0x1FF, v21;
	v6 =	vand.u32 $0x1FF, v6;
	v7 =	vand.u32 $0x1FF, v11;
	[sflag:s22] =	ssyncset.done $0x0;
	s8 =	rddreg [dreg:$0x5]  }
0x12f: {  	[sflag:s22] =	ssyncadd.s32 $0xFFFFE000;
	s0 =	simm.s32 @!p0 $0x6  }
0x130: {  	[spmem:s2] =	stream.indirect.scatter.add.f32 [tilespmem:s20], [sflag:$0x5], $0x40, s8, s19, $0xb8;
	[tilespmem:$0x1EC80] =	vst v63  }
0x131: {  	_ =	swait.ge @!p0 [sflag:s0], $0x2000  }
0x132: {  	[sflag:s0] =	ssyncset.done @!p0 $0x0  }
0x133: {  	[sflag:s0] =	ssyncadd.s32 @!p0 $0xFFFFE000  }
0x134: {  	_ =	swait.ge [sflag:s24], $0x100  }
0x135: {  	[sflag:s24] =	ssyncset.done $0x0  }
0x136: {  	p0 =	seq.s32 s31, $0x385E;
	[sflag:s24] =	ssyncadd.s32 $0xFFFFFF00  }
0x137: {  	[tilespmem:s25], [sflag:$0x4] =	stream.indirect.gather [hbm4b:s4+s19], $0x40, s21, s19, $0xb8;
	[tilespmem:$0x1EC80] =	vst v63  }
0x138: {  	s0 =	simm.s32 @!p0 $0x0  }
0x139: {  	[tilespmem:s0], [sflag:$0x1] =	stream.linear.gather @!p0 [hbm4b:s23+s0], $0x100, $0x38;
	[tilespmem:$0x1EC80] =	vst v63  }
0x13a: {  	v11 =	vld [tilespmem:$0x180]  }
0x13b: {  	v12 =	vld [tilespmem:$0x190]  }
0x13c: {  	v13 =	vld [tilespmem:$0x1A0]  }
0x13d: {  	v15 =	vld [tilespmem:$0x1B0]  }
0x13e: {  	v14 =	vadd.s32 s7, v3;
	v10 =	vor.u32 $0x6200, v10;
	v8 =	vor.u32 $0x6200, v8;
	v17 =	vld [tilespmem:$0x1E0]  }
0x13f: {  	v9 =	vor.u32 $0x6200, v9;
	v4 =	vor.u32 $0x6200, v4;
	v14 =	vand.u32 $0x1FF, v14;
	v16 =	vld [tilespmem:$0x1C0]  }
0x140: {  	v5 =	vor.u32 $0x6200, v5;
	v14 =	vor.u32 $0x6200, v14;
	v59 =	vld [tilespmem:$0x1D0];
	v11 =	vsub.s32 v11, v0  }
0x141: {  	v18 =	vld [tilespmem:$0x1F0];
	v12 =	vsub.s32 v12, v0;
	v13 =	vsub.s32 v13, v0;
	vm0 =	vlt.u32 v11, $0x6200  }
0x142: {  	v60 =	vsub.s32 v15, v0;
	vm10 =	vlt.u32 v12, $0x6200;
	v4 =	vsel vm0, v11, v4  }
0x143: {  	v61 =	vsub.s32 v17, v0;
	vm1 =	vlt.u32 v13, $0x6200;
	[tilespmem:$0x280] =	vst v4;
	v4 =	vsel vm10, v12, v14  }
0x144: {  	vm11 =	vlt.u32 v60, $0x6200;
	v5 =	vsel vm1, v13, v5;
	[tilespmem:$0x290] =	vst v4;
	v4 =	vsub.s32 v16, v0  }
0x145: {  	v63 =	vsub.s32 v59, v0;
	[tilespmem:$0x2A0] =	vst v5;
	v5 =	vsel vm11, v60, v8;
	vm12 =	vlt.u32 v4, $0x6200  }
0x146: {  	vm13 =	vlt.u32 v61, $0x6200;
	[tilespmem:$0x2B0] =	vst v5;
	v5 =	vsub.s32 v18, v0;
	v4 =	vsel vm12, v4, v9  }
0x147: {  	v62 =	vsel vm13, v61, v10;
	vm14 =	vlt.u32 v5, $0x6200;
	[tilespmem:$0x2C0] =	vst v4;
	v4 =	vor.u32 $0x6200, v7  }
0x148: {  	vm15 =	vlt.u32 v63, $0x6200;
	[tilespmem:$0x2E0] =	vst v62;
	v4 =	vsel vm14, v5, v4;
	v5 =	vor.u32 $0x6200, v6  }
0x149: {  	[tilespmem:$0x2F0] =	vst v4;
	v4 =	vsel vm15, v63, v5  }
0x14a: {  	[tilespmem:$0x2D0] =	vst v4  }
0x14b: {  	_ =	swait.ge [sflag:s26], $0x2000  }
0x14c: {  	[sflag:s26] =	ssyncset.done $0x0  }
0x14d: {  	s12 =	rddreg [dreg:$0x6];
	[sflag:s26] =	ssyncadd.s32 $0xFFFFE000  }
0x14e: {  	[spmem:s2] =	stream.indirect.scatter.add.f32 [tilespmem:s25], [sflag:$0x6], $0x40, s12, s19, $0xb8;
	[tilespmem:$0x1EC80] =	vst v63  }
0x14f: {  	_ =	swait.ge [sflag:s28], $0x2000  }
0x150: {  	[sflag:s28] =	ssyncset.done $0x0  }
0x151: {  	[sflag:s28] =	ssyncadd.s32 $0xFFFFE000  }
0x152: {  	_ =	swait.ge [sflag:s29], $0x2000  }
0x153: {  	[sflag:s29] =	ssyncset.done $0x0  }
0x154: {  	[sflag:s29] =	ssyncadd.s32 $0xFFFFE000  }
0x155: {  	s13 =	stileid.u32;
	[bflag:$0x0] =	sbarrier.arrive $0xFFFF  }
0x156: {  	s0 =	sshll.u32 s13, $0x6;
	s1 =	rddreg [dreg:$0x16]  }
0x157: {  	s0 =	sor.u32 $0x1C07, s0;
	s23 =	rddreg [dreg:$0x18]  }
0x158: {  	[hbm:s1], [sflag:s0] =	dma.local [spmem:s23], $0x3100  }
0x159: {  	_ =	swait.ge [sflag:s17], $0x3100  }
0x15a: {  	s30 =	sadd.s32 $0x1, s30;
	s31 =	rddreg [dreg:$0x17]  }
0x15b: {  	p0 =	sne.s32 s30, s31  }
.Ltmp3:
0x15c: {  	_ = 	snop;
	(pc) =	sbr.rel @p0 .LBB2_1-.Ltmp3, $3  }
0x15d: {  	_ =	sdelay $0x1  }
0x15e: {  	[sflag:s17] =	ssyncset.done $0x0  }
0x15f: {  	[sflag:s17] =	ssyncadd.s32 $0xFFFFCF00  }
0x160: {  	_ =	sfence.sel $0x180000  }
0x161: {  	[bflag:$0x0] =	sbarrier.arrive $0xFFFF  }
0x162: {  	_ =	strace $0x9000004A  }
0x163: {  	s0 =	stileid.u32;
	[bflag:$0x2] =	sbarrier.arrive $0xFFFF  }
0x164: {  	p0 =	sne.s32 s0, $0x0;
	s0 =	rddreg [dreg:$0x3]  }
0x165: {  	s0 =	sadd.s32 @!p0 $0x100000, s0  }
0x166: {  	[sflag:s0] =	ssyncadd.tile.s32 @!p0 $0x1;
	_ =	shalt  }
.Lfunc_end2:
_tile_overlayer_lowered:
.L_overlay_start_2:
0x167: {  	(tag) =	ssettag $0x2  }
0x168: {  	s0 =	rddreg [dreg:$0x0];
	s2 =	stileid.u32  }
0x169: {  	s1 =	rddreg [dreg:$0x1];
	p0 =	sne.s32 s2, $0x0  }
0x16a: {  	s3 =	rddreg [dreg:$0x2];
	[bflag:$0x3] =	sbarrier.arrive $0xFFFF;
	s2 =	simm.s32 @!p0 $0x1C07  }
0x16b: {  	[timem:s3], [sflag:s2] =	dma.local @!p0 [hbm:s0], s1  }
0x16c: {  	s0 =	simm.s32 @!p0 $0x7  }
0x16d: {  	_ =	swait.ge @!p0 [sflag:s0], s1  }
0x16e: {  	s1 =	ssub.s32 @!p0 $0x0, s1;
	[sflag:s0] =	ssyncset.done @!p0 $0x0  }
0x16f: {  	[sflag:s0] =	ssyncadd.s32 @!p0 s1  }
0x170: {  	[bflag:$0x3] =	sbarrier.arrive $0xFFFF  }
0x171: {  	_ =	shalt  }

// kernel: kernel.7.cloned.1.call-start
scs
__scs_entry_jumppad:
0x0: {  	(pc) =	sbr.rel $0x88, $3  }
0x1: {  	(tag) =	ssettag $0x0;
	lr =	simm.s32 $0x1  }
0x2: {  	[smem:$0x3F96] =	sst lr;
	_ =	strace $0xD0000000  }
0x3: {  	_ = 	snop  }
0x4: {  	_ = 	snop  }
0x5: {  	_ = 	snop  }
0x6: {  	_ = 	snop  }
0x7: {  	_ = 	snop  }
__scs_overlays_trampoline_lowered:
0x8: {  	[smem:$0x3FA5] =	sst s0  }
0x9: {  	[smem:$0x3FA6] =	sst s1  }
0xa: {  	[smem:$0x3FA7] =	sst s2  }
0xb: {  	[smem:$0x3FA8] =	sst s3  }
0xc: {  	[smem:$0x3FA9] =	sst s4  }
0xd: {  	[smem:$0x3FAA] =	sst s5  }
0xe: {  	[smem:$0x3FAB] =	sst s6  }
0xf: {  	[smem:$0x3FAC] =	sst s7  }
0x10: {  	[smem:$0x3FAD] =	sst s8  }
0x11: {  	[smem:$0x3FAE] =	sst s9;
	s0 =	simm.s32 @!p0 $0x0  }
0x12: {  	s1 =	sld [smem:$0x3F94];
	s0 =	simm.s32 @p0 $0x1  }
0x13: {  	[smem:$0x3FAF] =	sst s0;
	s0 =	simm.s32 @!p1 $0x0  }
0x14: {  	s2 =	sld [smem:$0x3F93];
	s0 =	simm.s32 @p1 $0x1  }
0x15: {  	[smem:$0x3FB0] =	sst s0;
	s0 =	simm.s32 @!p2 $0x0  }
0x16: {  	s3 =	sld [smem:$0x3FDB];
	s0 =	simm.s32 @p2 $0x1  }
0x17: {  	s4 =	simm.s32 $0x1BF5;
	[smem:$0x3FB2] =	sst s0  }
0x18: {  	s0 =	sld [smem:$0x3F95];
	_ =	swait.ge [sflag:s4], $0x0  }
0x19: {  	s7 =	sld [smem:$0x3F96]  }
0x1a: {  	s8 =	sadd.s32 $0xFFFFE003, lr  }
0x1b: {  	s9 =	sadd.s32 $0xFFFFFEF7, lr;
	s5 =	simm.s32 $0xFFFFFFFF;
	p2 =	slt.u32 s8, $0xFFFFF086  }
0x1c: {  	p1 =	slt.u32 s9, $0xF7A;
	s5 =	simm.s32 @!p2 $0x0  }
0x1d: {  	s5 =	simm.s32 @p1 $0x1;
	p0 =	seq.s32 s7, s2  }
0x1e: {  	s7 =	smul.u32 @!p0 $0xF7A, s2;
	p2 =	seq.s32 @!p0 s5, $0x0  }
0x1f: {  	s9 =	smul.u32 $0xF7A, s1;
	s8 =	simm.s32 @!p0 $0x1BF5;
	p2 =	por !p2, p0  }
0x20: {  	[sflag:s8] =	ssyncset.s32 @!p0 $0xFFFFF086;
	s6 =	sadd.s32 @!p0 s3, s7;
	s7 =	simm.s32 @!p0 $0x108  }
0x21: {  	s3 =	sadd.s32 s3, s9;
	s6 =	sadd.s32 @!p0 $0x88, s6;
	s7 =	simm.s32 @p2 $0x1082  }
0x22: {  	[simem:s7], [sflag:s8] =	dma.local @!p0 [hbm:s6], $0xF7A  }
0x23: {  	s9 =	sor.u32 $0xD0000000, s2;
	s6 =	simm.s32 $0x108;
	_ =	swait.ge @!p0 [sflag:s8], $0x0  }
0x24: {  	s3 =	sadd.s32 $0x88, s3;
	s6 =	simm.s32 @!p1 $0x1082;
	[sflag:s4] =	ssyncset.s32 $0xFFFFF086  }
0x25: {  	[simem:s6], [sflag:s4] =	dma.local [hbm:s3], $0xF7A  }
0x26: {  	[smem:$0x3F96] =	sst s1;
	(tag) =	ssettag s2;
	_ =	strace s9  }
0x27: {  	s1 =	sld [smem:$0x3FA6]  }
0x28: {  	s2 =	sld [smem:$0x3FA7]  }
0x29: {  	s4 =	sld [smem:$0x3FA9]  }
0x2a: {  	p0 =	seq.s32 s5, $0x0;
	s5 =	sld [smem:$0x3FAA]  }
0x2b: {  	s6 =	sld [smem:$0x3FAB]  }
0x2c: {  	s7 =	sld [smem:$0x3FAC]  }
0x2d: {  	s3 =	simm.s32 $0x108;
	s8 =	sld [smem:$0x3FAD]  }
0x2e: {  	s3 =	simm.s32 @!p0 $0x1082;
	s9 =	sld [smem:$0x3FAE]  }
0x2f: {  	lr =	sadd.s32 s0, s3;
	s0 =	sld [smem:$0x3FA5]  }
0x30: {  	s3 =	sld [smem:$0x3FA8]  }
0x31: {  	[smem:$0x3FB1] =	sst s10  }
0x32: {  	s10 =	sld [smem:$0x3FAF];
	_ =	sdelay $0x3  }
0x33: {  	p0 =	seq.s32 s10, $0x1;
	s10 =	sld [smem:$0x3FB1];
	_ =	sdelay $0x3  }
0x34: {  	[smem:$0x3FB1] =	sst s10  }
0x35: {  	s10 =	sld [smem:$0x3FB0];
	_ =	sdelay $0x3  }
0x36: {  	p1 =	seq.s32 s10, $0x1;
	s10 =	sld [smem:$0x3FB1];
	_ =	sdelay $0x3  }
0x37: {  	[smem:$0x3FB1] =	sst s10  }
0x38: {  	s10 =	sld [smem:$0x3FB2]  }
0x39: {  	_ = 	snop;
	(pc) =	sbr.ind lr, $3  }
0x3a: {  	_ = 	snop  }
0x3b: {  	_ = 	snop  }
0x3c: {  	p2 =	seq.s32 s10, $0x1;
	s10 =	sld [smem:$0x3FB1]  }
0x3d: {  	_ =	shalt  }
0x3e: {  	_ =	shalt  }
0x3f: {  	_ =	shalt  }
0x40: {  	_ =	shalt  }
0x41: {  	_ =	shalt  }
0x42: {  	_ =	shalt  }
0x43: {  	_ =	shalt  }
0x44: {  	_ =	shalt  }
0x45: {  	_ =	shalt  }
0x46: {  	_ =	shalt  }
0x47: {  	_ =	shalt  }
0x48: {  	_ =	shalt  }
0x49: {  	_ =	shalt  }
0x4a: {  	_ =	shalt  }
0x4b: {  	_ =	shalt  }
0x4c: {  	_ =	shalt  }
0x4d: {  	_ =	shalt  }
0x4e: {  	_ =	shalt  }
0x4f: {  	_ =	shalt  }
0x50: {  	_ =	shalt  }
0x51: {  	_ =	shalt  }
0x52: {  	_ =	shalt  }
0x53: {  	_ =	shalt  }
0x54: {  	_ =	shalt  }
0x55: {  	_ =	shalt  }
0x56: {  	_ =	shalt  }
0x57: {  	_ =	shalt  }
0x58: {  	_ =	shalt  }
0x59: {  	_ =	shalt  }
0x5a: {  	_ =	shalt  }
0x5b: {  	_ =	shalt  }
0x5c: {  	_ =	shalt  }
0x5d: {  	_ =	shalt  }
0x5e: {  	_ =	shalt  }
0x5f: {  	_ =	shalt  }
0x60: {  	_ =	shalt  }
0x61: {  	_ =	shalt  }
0x62: {  	_ =	shalt  }
0x63: {  	_ =	shalt  }
0x64: {  	_ =	shalt  }
0x65: {  	_ =	shalt  }
0x66: {  	_ =	shalt  }
0x67: {  	_ =	shalt  }
0x68: {  	_ =	shalt  }
0x69: {  	_ =	shalt  }
0x6a: {  	_ =	shalt  }
0x6b: {  	_ =	shalt  }
0x6c: {  	_ =	shalt  }
0x6d: {  	_ =	shalt  }
0x6e: {  	_ =	shalt  }
0x6f: {  	_ =	shalt  }
0x70: {  	_ =	shalt  }
0x71: {  	_ =	shalt  }
0x72: {  	_ =	shalt  }
0x73: {  	_ =	shalt  }
0x74: {  	_ =	shalt  }
0x75: {  	_ =	shalt  }
0x76: {  	_ =	shalt  }
0x77: {  	_ =	shalt  }
0x78: {  	_ =	shalt  }
0x79: {  	_ =	shalt  }
0x7a: {  	_ =	shalt  }
0x7b: {  	_ =	shalt  }
0x7c: {  	_ =	shalt  }
0x7d: {  	_ =	shalt  }
0x7e: {  	_ =	shalt  }
0x7f: {  	_ =	shalt  }
0x80: {  	_ =	shalt  }
0x81: {  	_ =	shalt  }
0x82: {  	_ =	shalt  }
0x83: {  	_ =	shalt  }
0x84: {  	_ =	shalt  }
0x85: {  	_ =	shalt  }
0x86: {  	_ =	shalt  }
0x87: {  	_ =	shalt  }
.Lfunc_end0:
.L_simem_size_0:
called_computation_lowered:
.L_overlay_start_0:
0x88: {  	s2 =	sld [smem:$0x3FD9]  }
0x89: {  	s3 =	sld [smem:$0x3FFE];
	_ =	sdelay $0x1  }
0x8a: {  	s1 =	srdreg.scid  }
0x8b: {  	s0 =	sand.u32 $0x1, s1  }
0x8c: {  	s16 =	sshll.u32 s0, $0xA;
	s2 =	sadd.s32 s3, s2  }
0x8d: {  	s2 =	sadd.s32 s2, s16  }
0x8e: {  	[smem:$0x3FBD] =	sst s2  }
0x8f: {  	_ = 	snop  }
0x90: {  	(tm) =	ssettm $0x1  }
0x91: {  	s17 =	sld [smem:$0x3FFB];
	_ =	sdelay $0x3  }
0x92: {  	_ =	strace s17  }
0x93: {  	s2 =	sld [smem:$0x3FFC];
	_ =	sdelay $0x3  }
0x94: {  	_ =	strace s2  }
0x95: {  	s2 =	sld [smem:$0x3FFD];
	_ =	sdelay $0x3  }
0x96: {  	_ =	strace s2  }
0x97: {  	_ =	strace $0x8FFFFFFF  }
0x98: {  	s18 =	sld [smem:$0x3FDB];
	_ =	sdelay $0x1  }
0x99: {  	s19 =	simm.s32 $_scs_section_size  }
0x9a: {  	s4 =	simm.s32 $_size__tile_overlayer_lowered;
	s5 =	simm.s32 $_tile_overlayer_lowered  }
0x9b: {  	s22 =	simm.s32 $0x1BFF;
	s21 =	sshll.u32 s5, $0x1;
	s2 =	sadd.s32 s19, s18  }
0x9c: {  	s6 =	simm.s32 $0x0;
	s20 =	sshll.u32 s4, $0x1;
	s4 =	sadd.s32 s21, s2  }
0x9d: {  	[timem:s6], [sflag:s22] =	dma.local [hbm:s4], s20  }
0x9e: {  	_ =	swait.ge [sflag:s22], s20  }
0x9f: {  	s3 =	ssub.s32 $0x0, s20;
	[sflag:s22] =	ssyncset.done $0x0  }
0xa0: {  	[sflag:s22] =	ssyncadd.s32 s3;
	_ =	sdelay $0x1  }
0xa1: {  	s23 =	simm.s32 $0x1B8B  }
0xa2: {  	_ =	swait.ge [sflag:s23], $0x1  }
0xa3: {  	[sflag:s23] =	ssyncset.done $0x0  }
0xa4: {  	s25 =	simm.s32 $0x1B8E;
	s24 =	sld [smem:$0x3FFE];
	[sflag:s23] =	ssyncadd.s32 $0xFFFFFFFF  }
0xa5: {  	s26 =	simm.s32 $execute0_lowered;
	[smem:$0x3FD2] =	sst s25  }
0xa6: {  	s4 =	sshll.u32 s26, $0x1;
	_ =	strace $0x80000046;
	[dreg:$0x1] =	wrdreg $0xFFFFFFFF  }
0xa7: {  	s28 =	simm.s32 $_size_execute0_lowered;
	s2 =	sadd.s32 s2, s4;
	[dreg:$0x0] =	wrdreg $0x0  }
0xa8: {  	s4 =	sshll.u32 s28, $0x1;
	[dreg:$0x2] =	wrdreg s2  }
0xa9: {  	[dreg:$0x3] =	wrdreg s4  }
0xaa: {  	[dreg:$0x4] =	wrdreg $0xC0  }
0xab: {  	_ =	task [dreg:s6], $0x5FFFF  }
0xac: {  	[dreg:$0x1] =	wrdreg $0xFFFFFFFF  }
0xad: {  	[dreg:$0x0] =	wrdreg $0x60  }
0xae: {  	[dreg:$0x2] =	wrdreg s24  }
0xaf: {  	[dreg:$0x3] =	wrdreg $0x56400  }
0xb0: {  	[dreg:$0x4] =	wrdreg $0x1E6400  }
0xb1: {  	[dreg:$0x5] =	wrdreg $0x9  }
0xb2: {  	_ =	task.clear_ibuf [dreg:s6], $0x6FFFF;
	_ =	strace $0x90000046  }
0xb3: {  	s29 =	simm.s32 $0x9;
	_ =	strace $0x80000048  }
0xb4: {  	_ =	swait.ge [sflag:s29], $0x1  }
0xb5: {  	[sflag:s29] =	ssyncadd.s32 $0xFFFFFFFF  }
0xb6: {  	_ =	strace $0x90000048  }
0xb7: {  	_ =	sfence  }
0xb8: {  	s30 =	sld [smem:$0x0];
	_ =	sdelay $0x2  }
0xb9: {  	s31 =	sshll.u32 s1, $0xD;
	s1 =	sshrl.u32 s1, $0x2  }
0xba: {  	s3 =	sand.u32 $0x4000, s31;
	s1 =	sadd.s32 s1, s30  }
0xbb: {  	s0 =	sor.u32 s3, s0;
	s1 =	sshll.u32 s1, $0x11  }
0xbc: {  	s0 =	sor.u32 s1, s0  }
0xbd: {  	s0 =	sadd.s32 $0x8F2B, s0  }
0xbe: {  	[sflag:s0] =	ssyncadd.remote.s32 $0x1  }
0xbf: {  	_ =	sfence.sel $0xFFFF  }
0xc0: {  	[dreg:$0x0] =	wrdreg $0xFFFFFFFF;
	(pc) =	sbr.abs _section_cstart, $3  }
0xc1: {  	[dreg:$0x1] =	wrdreg $0xFFFFFFFF  }
0xc2: {  	_ =	task.clear_ibuf [dreg:s6], $0x2FFFF;
	_ =	strace $0x9FFFFFFF  }
0xc3: {  	(tm) =	ssettm $0x7FFFFFFF  }
tec
execute0_lowered:
.L_overlay_start_1:
0x0: {  	(tag) =	ssettag $0x1  }
0x1: {  	s1 =	rddreg [dreg:$0x0]  }
0x2: {  	s2 =	rddreg [dreg:$0x1];
	s13 =	stileid.u32  }
0x3: {  	s0 =	srdreg.scid;
	s10 =	smul.u32 $0x64000, s13  }
0x4: {  	s3 =	rddreg [dreg:$0x2];
	s4 =	simm.s32 $0x0;
	s26 =	smul.u32 $0x1900, s13  }
0x5: {  	s6 =	sand.u32 $0x1, s0;
	[smem:$0x7FF] =	sst s4;
	s17 =	smul.u32 $0x83, s13  }
0x6: {  	s0 =	smul.u32 $0x6200, s6;
	s18 =	sshrl.u32 s10, $0x2;
	s10 =	sshrl.u32 s26, $0x2  }
0x7: {  	_ =	strace $0x80000047;
	[dreg:$0x4] =	wrdreg s17;
	s10 =	sadd.s32 s10, s3  }
0x8: {  	s12 =	ssub.s32 $0x2, s6;
	s6 =	sadd.s32 s18, s2;
	[dreg:$0x10] =	wrdreg s10  }
0x9: {  	s20 =	sadd.s32 $0xC80, s6;
	[dreg:$0x5] =	wrdreg s6  }
0xa: {  	s21 =	sadd.s32 $0x1900, s6;
	[dreg:$0x6] =	wrdreg s20  }
0xb: {  	s7 =	smul.u32 $0x620, s13;
	s22 =	sadd.s32 $0x2580, s6;
	[dreg:$0x7] =	wrdreg s21  }
0xc: {  	s8 =	smul.u32 $0x3100, s13;
	s23 =	sadd.s32 $0x3200, s6;
	[dreg:$0x8] =	wrdreg s22  }
0xd: {  	s5 =	sadd.s32 $0x188600, s1;
	s24 =	sadd.s32 $0x3E80, s6;
	[dreg:$0x9] =	wrdreg s23  }
0xe: {  	s8 =	sadd.s32 s8, s1;
	s25 =	sadd.s32 $0x4B00, s6;
	[dreg:$0xa] =	wrdreg s24  }
0xf: {  	s19 =	sshrl.u32 s12, $0x1;
	s15 =	sadd.s32 $0x5780, s6;
	[dreg:$0xb] =	wrdreg s25  }
0x10: {  	s9 =	sadd.s32 s7, s0;
	s16 =	sadd.s32 $0x6400, s6;
	[dreg:$0xc] =	wrdreg s15  }
0x11: {  	s11 =	sshll.u32 s9, $0x3;
	s14 =	sadd.s32 $0x7080, s6;
	[dreg:$0xd] =	wrdreg s16  }
0x12: {  	s9 =	sshrl.u32 s9, $0x3;
	s18 =	sadd.s32 $0x7D00, s6;
	[dreg:$0xe] =	wrdreg s14  }
0x13: {  	s26 =	sadd.s32 $0x8980, s6;
	s17 =	sadd.s32 $0x11300, s6;
	[dreg:$0xf] =	wrdreg s18  }
0x14: {  	s11 =	sadd.s32 s11, s1;
	s1 =	sadd.s32 s9, s1;
	[dreg:$0x18] =	wrdreg s26  }
0x15: {  	s9 =	ssub.s32 s12, s19;
	s19 =	sadd.s32 $0x1A00, s8;
	[smem:$0x7F4] =	sst s17  }
0x16: {  	s24 =	sadd.s32 $0x1A40, s8;
	[dreg:$0x11] =	wrdreg s19  }
0x17: {  	s22 =	sadd.s32 s7, s3;
	s7 =	sadd.s32 $0x9600, s6;
	[dreg:$0x15] =	wrdreg s24  }
0x18: {  	s13 =	smul.u32 $0x62000, s13;
	s8 =	sadd.s32 $0xA280, s6;
	[dreg:$0x19] =	wrdreg s7  }
0x19: {  	s12 =	sadd.s32 $0xD480, s6;
	[dreg:$0x1a] =	wrdreg s8  }
0x1a: {  	s21 =	sshrl.u32 s13, $0x2;
	s13 =	sadd.s32 $0xE100, s6;
	[dreg:$0x1e] =	wrdreg s12  }
0x1b: {  	s14 =	sadd.s32 $0xED80, s6;
	[dreg:$0x1f] =	wrdreg s13  }
0x1c: {  	s15 =	sadd.s32 $0xFA00, s6;
	[smem:$0x7F1] =	sst s14  }
0x1d: {  	s16 =	sadd.s32 $0x10680, s6;
	[smem:$0x7F2] =	sst s15  }
0x1e: {  	s18 =	sadd.s32 $0x11F80, s6;
	[smem:$0x7F3] =	sst s16  }
0x1f: {  	s26 =	sadd.s32 $0x18380, s6;
	[smem:$0x7F5] =	sst s18  }
0x20: {  	s20 =	sadd.s32 $0x34400, s11;
	[smem:$0x7FD] =	sst s26  }
0x21: {  	s1 =	sadd.s32 $0x32A00, s1;
	[dreg:$0x12] =	wrdreg s20  }
0x22: {  	s23 =	smax.u32 s9, $0x1;
	[dreg:$0x13] =	wrdreg s1  }
0x23: {  	s28 =	simm.s32 $0x3;
	s9 =	sadd.s32 $0xAF00, s6;
	[dreg:$0x14] =	wrdreg s23  }
0x24: {  	s29 =	simm.s32 $0x200;
	s11 =	sadd.s32 $0xC800, s6;
	[dreg:$0x1b] =	wrdreg s9  }
0x25: {  	s30 =	simm.s32 $0x4300;
	s19 =	sadd.s32 $0x12C00, s6;
	[dreg:$0x1d] =	wrdreg s11  }
0x26: {  	s10 =	sadd.s32 s21, s2;
	s21 =	sadd.s32 $0x14500, s6;
	[smem:$0x7F6] =	sst s19  }
0x27: {  	s31 =	simm.s32 $0x2;
	s24 =	sadd.s32 $0x16A80, s6;
	[smem:$0x7F8] =	sst s21  }
0x28: {  	v0 =	vmov s0;
	s0 =	simm.s32 $0x2300;
	s25 =	sshrl.u32 s10, $0x3;
	[smem:$0x7FB] =	sst s24  }
0x29: {  	s26 =	simm.s32 $0x100;
	s1 =	sshrl.u32 s22, $0x3;
	[dreg:$0x16] =	wrdreg s25  }
0x2a: {  	s7 =	simm.s32 $0x280;
	s10 =	sadd.s32 $0xBB80, s6;
	[dreg:$0x17] =	wrdreg s1  }
0x2b: {  	s8 =	simm.s32 $0x5;
	s20 =	sadd.s32 $0x13880, s6;
	[dreg:$0x1c] =	wrdreg s10  }
0x2c: {  	s22 =	sadd.s32 $0x15180, s6;
	s23 =	sadd.s32 $0x15E00, s6;
	[smem:$0x7F7] =	sst s20  }
0x2d: {  	s21 =	simm.s32 $0x7;
	s24 =	simm.s32 $0x80;
	[smem:$0x7F9] =	sst s22  }
0x2e: {  	s9 =	simm.s32 $0x6;
	[smem:$0x7FA] =	sst s23;
	s25 =	sadd.s32 $0x17700, s6  }
0x2f: {  	s20 =	simm.s32 $0x4380;
	s23 =	simm.s32 $0x1;
	s1 =	simm.s32 $0x4  }
0x30: {  	v1 =	vimm.f32 $0.0e+00;
	v2 =	vimm.f32 $1.000000000e+00;
	v3 =	vlaneseq.u32;
	s10 =	simm.s32 $0x0;
	[smem:$0x7FC] =	sst s25;
	s25 =	simm.s32 $0x300  }
.LBB2_1:
0x31: {  	s11 =	simm.s32 $0x0;
	s13 =	simm.s32 $0x0  }
.LBB2_2:
0x32: {  	p0 =	sne.s32 s13, $0x31C0  }
.Ltmp0:
0x33: {  	_ = 	snop;
	(pc) =	sbr.rel @p0 .LBB2_2-.Ltmp0, $4  }
0x34: {  	s14 =	sand.u32 $0x3F00, s13  }
0x35: {  	s15 =	sand.u32 $0x30, s11;
	s14 =	sshrl.u32 s14, $0x2  }
0x36: {  	s14 =	sor.u32 s15, s14  }
0x37: {  	s11 =	sadd.s32 $0x10, s11;
	s13 =	sadd.s32 $0x40, s13;
	[tilespmem:s14+$0x4380] =	vst v1  }
0x38: {  	s11 =	simm.s32 $0x40;
	s13 =	simm.s32 $0x0  }
.LBB2_4:
0x39: {  	p0 =	sne.s32 s11, $0x18C0;
	[tilespmem:s13+$0x5000] =	vst v1;
	s13 =	smov.u32 s11;
	s11 =	sadd.s32 $0x40, s11  }
.Ltmp1:
0x3a: {  	(pc) =	sbr.rel @p0 .LBB2_4-.Ltmp1, $2  }
0x3b: {  	_ =	sdelay $0x2  }
0x3c: {  	s13 =	sshra.s32 s13, $0x2  }
0x3d: {  	[tilespmem:s13+$0x5000] =	vst v1  }
0x3e: {  	[tilespmem:$0x4300] =	vst v2  }
0x3f: {  	[tilespmem:$0x4310] =	vst v2  }
0x40: {  	[tilespmem:$0x4320] =	vst v2  }
0x41: {  	[tilespmem:$0x4330] =	vst v2  }
0x42: {  	[tilespmem:$0x4340] =	vst v2  }
0x43: {  	[tilespmem:$0x4350] =	vst v2  }
0x44: {  	[tilespmem:$0x4360] =	vst v2  }
0x45: {  	s6 =	rddreg [dreg:$0x5];
	[tilespmem:$0x4370] =	vst v2  }
0x46: {  	[spmem:s6] =	stream.linear.scatter [tilespmem:s20], [sflag:$0x7], $0xC80, $0x38;
	[tilespmem:$0x1EC80] =	vst v63  }
0x47: {  	_ =	swait.ge [sflag:s21], $0xC80  }
0x48: {  	[sflag:s21] =	ssyncset.done $0x0  }
0x49: {  	s14 =	rddreg [dreg:$0x6];
	[sflag:s21] =	ssyncadd.s32 $0xFFFFF380  }
0x4a: {  	[spmem:s14] =	stream.linear.scatter [tilespmem:s20], [sflag:$0x7], $0xC80, $0x38;
	[tilespmem:$0x1EC80] =	vst v63  }
0x4b: {  	_ =	swait.ge [sflag:s21], $0xC80  }
0x4c: {  	[sflag:s21] =	ssyncset.done $0x0  }
0x4d: {  	s15 =	rddreg [dreg:$0x7];
	[sflag:s21] =	ssyncadd.s32 $0xFFFFF380  }
0x4e: {  	[spmem:s15] =	stream.linear.scatter [tilespmem:s20], [sflag:$0x7], $0xC80, $0x38;
	[tilespmem:$0x1EC80] =	vst v63  }
0x4f: {  	_ =	swait.ge [sflag:s21], $0xC80  }
0x50: {  	[sflag:s21] =	ssyncset.done $0x0  }
0x51: {  	s16 =	rddreg [dreg:$0x8];
	[sflag:s21] =	ssyncadd.s32 $0xFFFFF380  }
0x52: {  	[spmem:s16] =	stream.linear.scatter [tilespmem:s20], [sflag:$0x7], $0xC80, $0x38;
	[tilespmem:$0x1EC80] =	vst v63  }
0x53: {  	_ =	swait.ge [sflag:s21], $0xC80  }
0x54: {  	[sflag:s21] =	ssyncset.done $0x0  }
0x55: {  	s17 =	rddreg [dreg:$0x9];
	[sflag:s21] =	ssyncadd.s32 $0xFFFFF380  }
0x56: {  	[spmem:s17] =	stream.linear.scatter [tilespmem:s20], [sflag:$0x7], $0xC80, $0x38;
	[tilespmem:$0x1EC80] =	vst v63  }
0x57: {  	_ =	swait.ge [sflag:s21], $0xC80  }
0x58: {  	[sflag:s21] =	ssyncset.done $0x0  }
0x59: {  	s18 =	rddreg [dreg:$0xa];
	[sflag:s21] =	ssyncadd.s32 $0xFFFFF380  }
0x5a: {  	[spmem:s18] =	stream.linear.scatter [tilespmem:s20], [sflag:$0x7], $0xC80, $0x38;
	[tilespmem:$0x1EC80] =	vst v63  }
0x5b: {  	_ =	swait.ge [sflag:s21], $0xC80  }
0x5c: {  	[sflag:s21] =	ssyncset.done $0x0  }
0x5d: {  	s19 =	rddreg [dreg:$0xb];
	[sflag:s21] =	ssyncadd.s32 $0xFFFFF380  }
0x5e: {  	[spmem:s19] =	stream.linear.scatter [tilespmem:s20], [sflag:$0x7], $0xC80, $0x38;
	[tilespmem:$0x1EC80] =	vst v63  }
0x5f: {  	_ =	swait.ge [sflag:s21], $0xC80  }
0x60: {  	[sflag:s21] =	ssyncset.done $0x0  }
0x61: {  	s22 =	rddreg [dreg:$0xc];
	[sflag:s21] =	ssyncadd.s32 $0xFFFFF380  }
0x62: {  	[spmem:s22] =	stream.linear.scatter [tilespmem:s20], [sflag:$0x7], $0xC80, $0x38;
	[tilespmem:$0x1EC80] =	vst v63  }
0x63: {  	_ =	swait.ge [sflag:s21], $0xC80  }
0x64: {  	[sflag:s21] =	ssyncset.done $0x0  }
0x65: {  	s11 =	rddreg [dreg:$0xd];
	[sflag:s21] =	ssyncadd.s32 $0xFFFFF380  }
0x66: {  	[spmem:s11] =	stream.linear.scatter [tilespmem:s20], [sflag:$0x7], $0xC80, $0x38;
	[tilespmem:$0x1EC80] =	vst v63  }
0x67: {  	_ =	swait.ge [sflag:s21], $0xC80  }
0x68: {  	[sflag:s21] =	ssyncset.done $0x0  }
0x69: {  	s12 =	rddreg [dreg:$0xe];
	[sflag:s21] =	ssyncadd.s32 $0xFFFFF380  }
0x6a: {  	[spmem:s12] =	stream.linear.scatter [tilespmem:s20], [sflag:$0x7], $0xC80, $0x38;
	[tilespmem:$0x1EC80] =	vst v63  }
0x6b: {  	_ =	swait.ge [sflag:s21], $0xC80  }
0x6c: {  	[sflag:s21] =	ssyncset.done $0x0  }
0x6d: {  	s13 =	rddreg [dreg:$0xf];
	[sflag:s21] =	ssyncadd.s32 $0xFFFFF380  }
0x6e: {  	[spmem:s13] =	stream.linear.scatter [tilespmem:s20], [sflag:$0x7], $0xC80, $0x38;
	[tilespmem:$0x1EC80] =	vst v63  }
0x6f: {  	_ =	swait.ge [sflag:s21], $0xC80  }
0x70: {  	[sflag:s21] =	ssyncset.done $0x0  }
0x71: {  	s14 =	rddreg [dreg:$0x18];
	[sflag:s21] =	ssyncadd.s32 $0xFFFFF380  }
0x72: {  	[spmem:s14] =	stream.linear.scatter [tilespmem:s20], [sflag:$0x7], $0xC80, $0x38;
	[tilespmem:$0x1EC80] =	vst v63  }
0x73: {  	_ =	swait.ge [sflag:s21], $0xC80  }
0x74: {  	[sflag:s21] =	ssyncset.done $0x0  }
0x75: {  	s15 =	rddreg [dreg:$0x19];
	[sflag:s21] =	ssyncadd.s32 $0xFFFFF380  }
0x76: {  	[spmem:s15] =	stream.linear.scatter [tilespmem:s20], [sflag:$0x7], $0xC80, $0x38;
	[tilespmem:$0x1EC80] =	vst v63  }
0x77: {  	_ =	swait.ge [sflag:s21], $0xC80  }
0x78: {  	[sflag:s21] =	ssyncset.done $0x0  }
0x79: {  	s16 =	rddreg [dreg:$0x1a];
	[sflag:s21] =	ssyncadd.s32 $0xFFFFF380  }
0x7a: {  	[spmem:s16] =	stream.linear.scatter [tilespmem:s20], [sflag:$0x7], $0xC80, $0x38;
	[tilespmem:$0x1EC80] =	vst v63  }
0x7b: {  	_ =	swait.ge [sflag:s21], $0xC80  }
0x7c: {  	[sflag:s21] =	ssyncset.done $0x0  }
0x7d: {  	s17 =	rddreg [dreg:$0x1b];
	[sflag:s21] =	ssyncadd.s32 $0xFFFFF380  }
0x7e: {  	[spmem:s17] =	stream.linear.scatter [tilespmem:s20], [sflag:$0x7], $0xC80, $0x38;
	[tilespmem:$0x1EC80] =	vst v63  }
0x7f: {  	_ =	swait.ge [sflag:s21], $0xC80  }
0x80: {  	[sflag:s21] =	ssyncset.done $0x0  }
0x81: {  	s18 =	rddreg [dreg:$0x1c];
	[sflag:s21] =	ssyncadd.s32 $0xFFFFF380  }
0x82: {  	[spmem:s18] =	stream.linear.scatter [tilespmem:s20], [sflag:$0x7], $0xC80, $0x38;
	[tilespmem:$0x1EC80] =	vst v63  }
0x83: {  	_ =	swait.ge [sflag:s21], $0xC80  }
0x84: {  	[sflag:s21] =	ssyncset.done $0x0  }
0x85: {  	s19 =	rddreg [dreg:$0x1d];
	[sflag:s21] =	ssyncadd.s32 $0xFFFFF380  }
0x86: {  	[spmem:s19] =	stream.linear.scatter [tilespmem:s20], [sflag:$0x7], $0xC80, $0x38;
	[tilespmem:$0x1EC80] =	vst v63  }
0x87: {  	_ =	swait.ge [sflag:s21], $0xC80  }
0x88: {  	[sflag:s21] =	ssyncset.done $0x0  }
0x89: {  	s22 =	rddreg [dreg:$0x1e];
	[sflag:s21] =	ssyncadd.s32 $0xFFFFF380  }
0x8a: {  	[spmem:s22] =	stream.linear.scatter [tilespmem:s20], [sflag:$0x7], $0xC80, $0x38;
	[tilespmem:$0x1EC80] =	vst v63  }
0x8b: {  	_ =	swait.ge [sflag:s21], $0xC80  }
0x8c: {  	[sflag:s21] =	ssyncset.done $0x0  }
0x8d: {  	s11 =	rddreg [dreg:$0x1f];
	[sflag:s21] =	ssyncadd.s32 $0xFFFFF380  }
0x8e: {  	[spmem:s11] =	stream.linear.scatter [tilespmem:s20], [sflag:$0x7], $0xC80, $0x38;
	[tilespmem:$0x1EC80] =	vst v63  }
0x8f: {  	_ =	swait.ge [sflag:s21], $0xC80  }
0x90: {  	s12 =	sld [smem:$0x7F1]  }
0x91: {  	[sflag:s21] =	ssyncset.done $0x0  }
0x92: {  	[sflag:s21] =	ssyncadd.s32 $0xFFFFF380  }
0x93: {  	[spmem:s12] =	stream.linear.scatter [tilespmem:s20], [sflag:$0x7], $0xC80, $0x38;
	[tilespmem:$0x1EC80] =	vst v63  }
0x94: {  	_ =	swait.ge [sflag:s21], $0xC80  }
0x95: {  	s13 =	sld [smem:$0x7F2]  }
0x96: {  	[sflag:s21] =	ssyncset.done $0x0  }
0x97: {  	[sflag:s21] =	ssyncadd.s32 $0xFFFFF380  }
0x98: {  	[spmem:s13] =	stream.linear.scatter [tilespmem:s20], [sflag:$0x7], $0xC80, $0x38;
	[tilespmem:$0x1EC80] =	vst v63  }
0x99: {  	_ =	swait.ge [sflag:s21], $0xC80  }
0x9a: {  	s14 =	sld [smem:$0x7F3]  }
0x9b: {  	[sflag:s21] =	ssyncset.done $0x0  }
0x9c: {  	[sflag:s21] =	ssyncadd.s32 $0xFFFFF380  }
0x9d: {  	[spmem:s14] =	stream.linear.scatter [tilespmem:s20], [sflag:$0x7], $0xC80, $0x38;
	[tilespmem:$0x1EC80] =	vst v63  }
0x9e: {  	_ =	swait.ge [sflag:s21], $0xC80  }
0x9f: {  	s15 =	sld [smem:$0x7F4]  }
0xa0: {  	[sflag:s21] =	ssyncset.done $0x0  }
0xa1: {  	[sflag:s21] =	ssyncadd.s32 $0xFFFFF380  }
0xa2: {  	[spmem:s15] =	stream.linear.scatter [tilespmem:s20], [sflag:$0x7], $0xC80, $0x38;
	[tilespmem:$0x1EC80] =	vst v63  }
0xa3: {  	_ =	swait.ge [sflag:s21], $0xC80  }
0xa4: {  	s16 =	sld [smem:$0x7F5]  }
0xa5: {  	[sflag:s21] =	ssyncset.done $0x0  }
0xa6: {  	[sflag:s21] =	ssyncadd.s32 $0xFFFFF380  }
0xa7: {  	[spmem:s16] =	stream.linear.scatter [tilespmem:s20], [sflag:$0x7], $0xC80, $0x38;
	[tilespmem:$0x1EC80] =	vst v63  }
0xa8: {  	_ =	swait.ge [sflag:s21], $0xC80  }
0xa9: {  	s17 =	sld [smem:$0x7F6]  }
0xaa: {  	[sflag:s21] =	ssyncset.done $0x0  }
0xab: {  	[sflag:s21] =	ssyncadd.s32 $0xFFFFF380  }
0xac: {  	[spmem:s17] =	stream.linear.scatter [tilespmem:s20], [sflag:$0x7], $0xC80, $0x38;
	[tilespmem:$0x1EC80] =	vst v63  }
0xad: {  	_ =	swait.ge [sflag:s21], $0xC80  }
0xae: {  	s18 =	sld [smem:$0x7F7]  }
0xaf: {  	[sflag:s21] =	ssyncset.done $0x0  }
0xb0: {  	[sflag:s21] =	ssyncadd.s32 $0xFFFFF380  }
0xb1: {  	[spmem:s18] =	stream.linear.scatter [tilespmem:s20], [sflag:$0x7], $0xC80, $0x38;
	[tilespmem:$0x1EC80] =	vst v63  }
0xb2: {  	_ =	swait.ge [sflag:s21], $0xC80  }
0xb3: {  	s19 =	sld [smem:$0x7F8]  }
0xb4: {  	[sflag:s21] =	ssyncset.done $0x0  }
0xb5: {  	[sflag:s21] =	ssyncadd.s32 $0xFFFFF380  }
0xb6: {  	[spmem:s19] =	stream.linear.scatter [tilespmem:s20], [sflag:$0x7], $0xC80, $0x38;
	[tilespmem:$0x1EC80] =	vst v63  }
0xb7: {  	_ =	swait.ge [sflag:s21], $0xC80  }
0xb8: {  	s22 =	sld [smem:$0x7F9]  }
0xb9: {  	[sflag:s21] =	ssyncset.done $0x0  }
0xba: {  	[sflag:s21] =	ssyncadd.s32 $0xFFFFF380  }
0xbb: {  	[spmem:s22] =	stream.linear.scatter [tilespmem:s20], [sflag:$0x7], $0xC80, $0x38;
	[tilespmem:$0x1EC80] =	vst v63  }
0xbc: {  	_ =	swait.ge [sflag:s21], $0xC80  }
0xbd: {  	s11 =	sld [smem:$0x7FA]  }
0xbe: {  	[sflag:s21] =	ssyncset.done $0x0  }
0xbf: {  	[sflag:s21] =	ssyncadd.s32 $0xFFFFF380  }
0xc0: {  	[spmem:s11] =	stream.linear.scatter [tilespmem:s20], [sflag:$0x7], $0xC80, $0x38;
	[tilespmem:$0x1EC80] =	vst v63  }
0xc1: {  	_ =	swait.ge [sflag:s21], $0xC80  }
0xc2: {  	s12 =	sld [smem:$0x7FB]  }
0xc3: {  	[sflag:s21] =	ssyncset.done $0x0  }
0xc4: {  	[sflag:s21] =	ssyncadd.s32 $0xFFFFF380  }
0xc5: {  	[spmem:s12] =	stream.linear.scatter [tilespmem:s20], [sflag:$0x7], $0xC80, $0x38;
	[tilespmem:$0x1EC80] =	vst v63  }
0xc6: {  	_ =	swait.ge [sflag:s21], $0xC80  }
0xc7: {  	s13 =	sld [smem:$0x7FC]  }
0xc8: {  	[sflag:s21] =	ssyncset.done $0x0  }
0xc9: {  	[sflag:s21] =	ssyncadd.s32 $0xFFFFF380  }
0xca: {  	[spmem:s13] =	stream.linear.scatter [tilespmem:s20], [sflag:$0x7], $0xC80, $0x38;
	[tilespmem:$0x1EC80] =	vst v63  }
0xcb: {  	_ =	swait.ge [sflag:s21], $0xC80  }
0xcc: {  	s14 =	sld [smem:$0x7FD]  }
0xcd: {  	[sflag:s21] =	ssyncset.done $0x0  }
0xce: {  	[sflag:s21] =	ssyncadd.s32 $0xFFFFF380  }
0xcf: {  	[spmem:s14] =	stream.linear.scatter [tilespmem:s20], [sflag:$0x7], $0xC80, $0x38;
	[tilespmem:$0x1EC80] =	vst v63  }
0xd0: {  	_ =	swait.ge [sflag:s21], $0xC80  }
0xd1: {  	[sflag:s21] =	ssyncset.done $0x0  }
0xd2: {  	s11 =	simm.s32 $0x5000;
	s15 =	rddreg [dreg:$0x10];
	[sflag:s21] =	ssyncadd.s32 $0xFFFFF380  }
0xd3: {  	[spmem:s15] =	stream.linear.scatter [tilespmem:s11], [sflag:$0x7], $0x640, $0x38;
	[tilespmem:$0x1EC80] =	vst v63  }
0xd4: {  	_ =	swait.ge [sflag:s21], $0x640  }
0xd5: {  	[sflag:s21] =	ssyncset.done $0x0  }
0xd6: {  	[sflag:s21] =	ssyncadd.s32 $0xFFFFF9C0  }
0xd7: {  	p0 =	por $0x1, $0x1;
	[bflag:$0x0] =	sbarrier.arrive $0xFFFF  }
0xd8: {  	s16 =	simm.s32 $0x0;
	s11 =	simm.s32 @!p0 $0x5;
	s17 =	rddreg [dreg:$0x11]  }
0xd9: {  	[tilespmem:s16], [sflag:$0x1] =	stream.linear.gather [hbm4b:s17+s16], $0x100, $0x38;
	[tilespmem:$0x1EC80] =	vst v63  }
0xda: {  	_ =	swait.ge @!p0 [sflag:s11], $0x2000  }
0xdb: {  	[sflag:s11] =	ssyncset.done @!p0 $0x0  }
0xdc: {  	[sflag:s11] =	ssyncadd.s32 @!p0 $0xFFFFE000  }
0xdd: {  	_ =	swait.ge @!p0 [sflag:s11], $0x80  }
0xde: {  	[sflag:s11] =	ssyncset.done @!p0 $0x0  }
0xdf: {  	[sflag:s11] =	ssyncadd.s32 @!p0 $0xFFFFFF80  }
0xe0: {  	_ =	swait.ge [sflag:s23], $0x100  }
0xe1: {  	[sflag:s23] =	ssyncset.done $0x0;
	s18 =	rddreg [dreg:$0x4]  }
0xe2: {  	s22 =	rddreg [dreg:$0x15];
	[sflag:s23] =	ssyncadd.s32 $0xFFFFFF00;
	s13 =	sadd.s32 $0x0, s18  }
0xe3: {  	[tilespmem:s25], [sflag:$0x3] =	stream.indirect.gather [hbm4b:s5+s24], $0x40, s4, s24, $0xb8;
	[tilespmem:$0x1EC80] =	vst v63  }
0xe4: {  	s14 =	sadd.s32 $0xFFFFFFE0, s22;
	s11 =	sadd.s32 $0x30, s13  }
0xe5: {  	s15 =	sadd.s32 $0x60, s13;
	s16 =	sadd.s32 $0x20, s13;
	s6 =	sadd.s32 $0x10, s13  }
0xe6: {  	v4 =	vadd.s32 s13, v3;
	v5 =	vadd.s32 s15, v3;
	[tilespmem:s26], [sflag:$0x2] =	stream.linear.gather [hbm4b:s14+s4], $0x100, $0x38;
	[tilespmem:$0x1EC80] =	vst v63  }
0xe7: {  	s19 =	sadd.s32 $0x40, s13;
	s12 =	sadd.s32 $0x50, s13;
	s17 =	sadd.s32 $0x70, s13;
	v6 =	vadd.s32 s11, v3;
	v7 =	vadd.s32 s16, v3;
	v9 =	vadd.s32 s6, v3;
	v8 =	vld [tilespmem:$0xF0]  }
0xe8: {  	v10 =	vadd.s32 s19, v3;
	v11 =	vadd.s32 s12, v3;
	v13 =	vadd.s32 s17, v3;
	v12 =	vld [tilespmem:$0x90]  }
0xe9: {  	v4 =	vand.u32 $0x1FF, v4;
	v5 =	vand.u32 $0x1FF, v5;
	v9 =	vand.u32 $0x1FF, v9;
	v14 =	vld [tilespmem:$0xA0]  }
0xea: {  	v6 =	vand.u32 $0x1FF, v6;
	v11 =	vand.u32 $0x1FF, v11;
	v13 =	vand.u32 $0x1FF, v13;
	v15 =	vld [tilespmem:$0xC0]  }
0xeb: {  	v7 =	vand.u32 $0x1FF, v7;
	v10 =	vand.u32 $0x1FF, v10;
	v4 =	vor.u32 $0x6200, v4  }
0xec: {  	v11 =	vor.u32 $0x6200, v11;
	v13 =	vor.u32 $0x6200, v13;
	v16 =	vld [tilespmem:$0xE0];
	v7 =	vor.u32 $0x6200, v7  }
0xed: {  	v5 =	vor.u32 $0x6200, v5;
	v19 =	vld [tilespmem:$0x80];
	v9 =	vor.u32 $0x6200, v9;
	v8 =	vsub.s32 v8, v0  }
0xee: {  	v18 =	vld [tilespmem:$0xD0];
	v12 =	vsub.s32 v12, v0;
	v61 =	vsub.s32 v14, v0;
	vm0 =	vlt.u32 v8, $0x6200  }
0xef: {  	v17 =	vld [tilespmem:$0xB0];
	v62 =	vsub.s32 v15, v0;
	vm10 =	vlt.u32 v12, $0x6200;
	v8 =	vsel vm0, v8, v13  }
0xf0: {  	vm11 =	vlt.u32 v62, $0x6200;
	vm1 =	vlt.u32 v61, $0x6200;
	v9 =	vsel vm10, v12, v9;
	[tilespmem:$0x270] =	vst v8  }
0xf1: {  	v7 =	vsel vm1, v61, v7;
	v8 =	vor.u32 $0x6200, v10;
	v10 =	vsub.s32 v16, v0;
	[tilespmem:$0x210] =	vst v9  }
0xf2: {  	v9 =	vsub.s32 v19, v0;
	[tilespmem:$0x220] =	vst v7;
	v8 =	vsel vm11, v62, v8;
	vm12 =	vlt.u32 v10, $0x6200  }
0xf3: {  	vm15 =	vlt.u32 v9, $0x6200;
	[tilespmem:$0x240] =	vst v8;
	v8 =	vsub.s32 v18, v0;
	v5 =	vsel vm12, v10, v5  }
0xf4: {  	v63 =	vsub.s32 v17, v0;
	v4 =	vsel vm15, v9, v4;
	vm13 =	vlt.u32 v8, $0x6200;
	[tilespmem:$0x260] =	vst v5  }
0xf5: {  	vm14 =	vlt.u32 v63, $0x6200;
	v5 =	vor.u32 $0x6200, v6;
	[tilespmem:$0x200] =	vst v4;
	v6 =	vsel vm13, v8, v11  }
0xf6: {  	v5 =	vsel vm14, v63, v5;
	[tilespmem:$0x250] =	vst v6  }
0xf7: {  	[tilespmem:$0x230] =	vst v5  }
0xf8: {  	_ =	swait.ge [sflag:s28], $0x2000  }
0xf9: {  	[sflag:s28] =	ssyncset.done $0x0  }
0xfa: {  	[sflag:s28] =	ssyncadd.s32 $0xFFFFE000  }
0xfb: {  	[spmem:s2] =	stream.indirect.scatter.add.f32 [tilespmem:s25], [sflag:$0x5], $0x40, s29, s24, $0xb8;
	[tilespmem:$0x1EC80] =	vst v63  }
0xfc: {  	s11 =	simm.s32 @!p0 $0x6  }
0xfd: {  	[spmem:s3] =	stream.indirect.scatter.add.f32 [tilespmem:s30], [sflag:$0x5], $0x1, s29, s24, $0xb8;
	[tilespmem:$0x1EC80] =	vst v63  }
0xfe: {  	_ =	swait.ge @!p0 [sflag:s11], $0x2000  }
0xff: {  	[sflag:s11] =	ssyncset.done @!p0 $0x0  }
0x100: {  	[sflag:s11] =	ssyncadd.s32 @!p0 $0xFFFFE000  }
0x101: {  	_ =	swait.ge @!p0 [sflag:s11], $0x80  }
0x102: {  	[sflag:s11] =	ssyncset.done @!p0 $0x0  }
0x103: {  	[sflag:s11] =	ssyncadd.s32 @!p0 $0xFFFFFF80  }
0x104: {  	s18 =	sadd.s32 $0x75, s13;
	s19 =	sadd.s32 $0x95, s13;
	_ =	swait.ge [sflag:s31], $0x100  }
0x105: {  	s6 =	sadd.s32 $0x55, s13;
	s17 =	sadd.s32 $0x45, s13;
	[sflag:s31] =	ssyncset.done $0x0  }
0x106: {  	v9 =	vadd.s32 s17, v3;
	v4 =	vadd.s32 s19, v3;
	s19 =	sadd.s32 $0x35, s13;
	p0 =	por $0x0, $0x0;
	[sflag:s31] =	ssyncadd.s32 $0xFFFFFF00  }
0x107: {  	v9 =	vand.u32 $0x1FF, v9;
	v8 =	vadd.s32 s6, v3;
	[tilespmem:s0], [sflag:$0x4] =	stream.indirect.gather [hbm4b:s5+s24], $0x40, s26, s24, $0xb8;
	[tilespmem:$0x1EC80] =	vst v63  }
0x108: {  	s12 =	sadd.s32 $0x65, s13;
	v7 =	vand.u32 $0x1FF, v4;
	v10 =	vadd.s32 s19, v3;
	v5 =	vadd.s32 s18, v3;
	s18 =	sadd.s32 $0x25, s13;
	s14 =	simm.s32 @!p0 $0x0  }
0x109: {  	v6 =	vadd.s32 s12, v3;
	v10 =	vand.u32 $0x1FF, v10;
	v4 =	vadd.s32 s18, v3;
	[tilespmem:s14], [sflag:$0x1] =	stream.linear.gather @!p0 [hbm4b:s22+s14], $0x100, $0x38;
	[tilespmem:$0x1EC80] =	vst v63  }
0x10a: {  	v5 =	vand.u32 $0x1FF, v5;
	v6 =	vand.u32 $0x1FF, v6;
	v4 =	vand.u32 $0x1FF, v4;
	s11 =	simm.s32 $0x4A;
	s14 =	sadd.s32 $0x85, s13  }
.LBB2_6:
0x10b: {  	v11 =	vld [tilespmem:$0x1F0]  }
0x10c: {  	v12 =	vld [tilespmem:$0x1E0]  }
0x10d: {  	v8 =	vand.u32 $0x1FF, v8;
	v13 =	vld [tilespmem:$0x1D0]  }
0x10e: {  	v10 =	vor.u32 $0x6200, v10;
	v9 =	vor.u32 $0x6200, v9;
	v14 =	vld [tilespmem:$0x1C0];
	v6 =	vor.u32 $0x6200, v6  }
0x10f: {  	v15 =	vld [tilespmem:$0x1B0];
	v16 =	vadd.s32 s14, v3;
	v7 =	vor.u32 $0x6200, v7;
	v5 =	vor.u32 $0x6200, v5  }
0x110: {  	v17 =	vld [tilespmem:$0x1A0];
	v8 =	vor.u32 $0x6200, v8;
	v16 =	vand.u32 $0x1FF, v16;
	v11 =	vsub.s32 v11, v0  }
0x111: {  	v18 =	vld [tilespmem:$0x190];
	v16 =	vor.u32 $0x6200, v16;
	v12 =	vsub.s32 v12, v0;
	vm0 =	vlt.u32 v11, $0x6200  }
0x112: {  	v19 =	vld [tilespmem:$0x180];
	v13 =	vsub.s32 v13, v0;
	vm1 =	vlt.u32 v12, $0x6200;
	v7 =	vsel vm0, v11, v7  }
0x113: {  	vm15 =	vlt.u32 v13, $0x6200;
	v11 =	vsub.s32 v14, v0;
	v12 =	vsel vm1, v12, v16;
	[tilespmem:$0x2F0] =	vst v7  }
0x114: {  	v5 =	vsel vm15, v13, v5;
	v7 =	vsub.s32 v15, v0;
	vm4 =	vlt.u32 v11, $0x6200;
	[tilespmem:$0x2E0] =	vst v12  }
0x115: {  	v49 =	vsub.s32 v17, v0;
	[tilespmem:$0x2D0] =	vst v5;
	vm5 =	vlt.u32 v7, $0x6200;
	v6 =	vsel vm4, v11, v6  }
0x116: {  	vm6 =	vlt.u32 v49, $0x6200;
	v5 =	vsub.s32 v18, v0;
	v7 =	vsel vm5, v7, v8;
	[tilespmem:$0x2C0] =	vst v6  }
0x117: {  	vm7 =	vlt.u32 v5, $0x6200;
	v6 =	vsub.s32 v19, v0;
	v8 =	vsel vm6, v49, v9;
	[tilespmem:$0x2B0] =	vst v7  }
0x118: {  	v4 =	vor.u32 $0x6200, v4;
	v5 =	vsel vm7, v5, v10;
	vm8 =	vlt.u32 v6, $0x6200;
	[tilespmem:$0x2A0] =	vst v8  }
0x119: {  	[tilespmem:$0x290] =	vst v5;
	v4 =	vsel vm8, v6, v4  }
0x11a: {  	[tilespmem:$0x280] =	vst v4  }
0x11b: {  	_ =	swait.ge [sflag:s1], $0x2000  }
0x11c: {  	s13 =	smov.u32 s11;
	[sflag:s1] =	ssyncset.done $0x0  }
0x11d: {  	p1 =	seq.s32 s13, $0x0;
	[sflag:s1] =	ssyncadd.s32 $0xFFFFE000  }
0x11e: {  	[spmem:s2] =	stream.indirect.scatter.add.f32 [tilespmem:s0], [sflag:$0x6], $0x40, s7, s24, $0xb8;
	[tilespmem:$0x1EC80] =	vst v63  }
0x11f: {  	s14 =	simm.s32 @!p1 $0x5  }
0x120: {  	[spmem:s3] =	stream.indirect.scatter.add.f32 [tilespmem:s30], [sflag:$0x6], $0x1, s7, s24, $0xb8;
	[tilespmem:$0x1EC80] =	vst v63  }
0x121: {  	_ =	swait.ge @!p1 [sflag:s14], $0x2000  }
0x122: {  	[sflag:s14] =	ssyncset.done @!p1 $0x0  }
0x123: {  	[sflag:s14] =	ssyncadd.s32 @!p1 $0xFFFFE000  }
0x124: {  	_ =	swait.ge @!p1 [sflag:s14], $0x80  }
0x125: {  	[sflag:s14] =	ssyncset.done @!p1 $0x0  }
0x126: {  	[sflag:s14] =	ssyncadd.s32 @!p1 $0xFFFFFF80  }
0x127: {  	_ =	swait.ge [sflag:s23], $0x100  }
0x128: {  	[sflag:s23] =	ssyncset.done $0x0;
	s6 =	rddreg [dreg:$0x4]  }
0x129: {  	s22 =	sadd.s32 $0x40, s22;
	[sflag:s23] =	ssyncadd.s32 $0xFFFFFF00;
	s18 =	sadd.s32 s13, s6  }
0x12a: {  	[tilespmem:s25], [sflag:$0x3] =	stream.indirect.gather [hbm4b:s5+s24], $0x40, s4, s24, $0xb8;
	[tilespmem:$0x1EC80] =	vst v63  }
0x12b: {  	s15 =	sadd.s32 $0xFFFFFFE0, s22;
	s14 =	sadd.s32 $0x30, s18  }
0x12c: {  	s17 =	sadd.s32 $0x60, s18;
	s19 =	sadd.s32 $0x10, s18;
	s6 =	sadd.s32 $0x20, s18  }
0x12d: {  	v4 =	vadd.s32 s18, v3;
	v5 =	vadd.s32 s14, v3;
	[tilespmem:s26], [sflag:$0x2] =	stream.linear.gather [hbm4b:s15+s4], $0x100, $0x38;
	[tilespmem:$0x1EC80] =	vst v63  }
0x12e: {  	s16 =	sadd.s32 $0x40, s18;
	s12 =	sadd.s32 $0x50, s18;
	v6 =	vadd.s32 s17, v3;
	v7 =	vadd.s32 s6, v3;
	v8 =	vadd.s32 s19, v3;
	v11 =	vld [tilespmem:$0xF0]  }
0x12f: {  	v9 =	vadd.s32 s16, v3;
	v10 =	vadd.s32 s12, v3;
	v7 =	vand.u32 $0x1FF, v7;
	v50 =	vld [tilespmem:$0x90]  }
0x130: {  	s17 =	sadd.s32 $0x70, s18;
	v4 =	vand.u32 $0x1FF, v4;
	v6 =	vand.u32 $0x1FF, v6;
	v56 =	vor.u32 $0x6200, v7;
	v7 =	vld [tilespmem:$0xB0]  }
0x131: {  	v8 =	vand.u32 $0x1FF, v8;
	v51 =	vand.u32 $0x1FF, v5;
	v5 =	vadd.s32 s17, v3;
	v54 =	vld [tilespmem:$0xC0]  }
0x132: {  	v10 =	vand.u32 $0x1FF, v10;
	v4 =	vor.u32 $0x6200, v4;
	v9 =	vand.u32 $0x1FF, v9;
	v57 =	vld [tilespmem:$0x80]  }
0x133: {  	v5 =	vand.u32 $0x1FF, v5;
	v20 =	vor.u32 $0x6200, v6;
	v8 =	vor.u32 $0x6200, v8  }
0x134: {  	v9 =	vor.u32 $0x6200, v9;
	v55 =	vor.u32 $0x6200, v5;
	v6 =	vsub.s32 v11, v0;
	v11 =	vld [tilespmem:$0xE0]  }
0x135: {  	v52 =	vld [tilespmem:$0xA0];
	v12 =	vsub.s32 v50, v0;
	v60 =	vsub.s32 v7, v0;
	vm9 =	vlt.u32 v6, $0x6200  }
0x136: {  	v21 =	vld [tilespmem:$0xD0];
	v7 =	vsub.s32 v54, v0;
	vm10 =	vlt.u32 v12, $0x6200;
	v6 =	vsel vm9, v6, v55  }
0x137: {  	v61 =	vsub.s32 v57, v0;
	vm12 =	vlt.u32 v7, $0x6200;
	v8 =	vsel vm10, v12, v8;
	[tilespmem:$0x270] =	vst v6  }
0x138: {  	vm11 =	vlt.u32 v61, $0x6200;
	vm14 =	vlt.u32 v60, $0x6200;
	v7 =	vsel vm12, v7, v9;
	[tilespmem:$0x210] =	vst v8  }
0x139: {  	v62 =	vsel vm11, v61, v4;
	v8 =	vor.u32 $0x6200, v51;
	[tilespmem:$0x240] =	vst v7;
	v9 =	vsub.s32 v11, v0  }
0x13a: {  	v59 =	vsub.s32 v52, v0;
	[tilespmem:$0x200] =	vst v62;
	v63 =	vsel vm14, v60, v8;
	vm13 =	vlt.u32 v9, $0x6200  }
0x13b: {  	vm2 =	vlt.u32 v59, $0x6200;
	v11 =	vsub.s32 v21, v0;
	[tilespmem:$0x230] =	vst v63;
	v4 =	vsel vm13, v9, v20  }
0x13c: {  	v10 =	vor.u32 $0x6200, v10;
	vm15 =	vlt.u32 v11, $0x6200;
	v9 =	vsel vm2, v59, v56;
	[tilespmem:$0x260] =	vst v4  }
0x13d: {  	[tilespmem:$0x220] =	vst v9;
	v4 =	vsel vm15, v11, v10  }
0x13e: {  	[tilespmem:$0x250] =	vst v4  }
0x13f: {  	_ =	swait.ge [sflag:s28], $0x2000  }
0x140: {  	[sflag:s28] =	ssyncset.done $0x0  }
0x141: {  	s6 =	sadd.s32 $0x65, s18;
	[sflag:s28] =	ssyncadd.s32 $0xFFFFE000  }
0x142: {  	[spmem:s2] =	stream.indirect.scatter.add.f32 [tilespmem:s25], [sflag:$0x5], $0x40, s29, s24, $0xb8;
	[tilespmem:$0x1EC80] =	vst v63  }
0x143: {  	v58 =	vadd.s32 s6, v3;
	s6 =	simm.s32 @!p1 $0x6  }
0x144: {  	[spmem:s3] =	stream.indirect.scatter.add.f32 [tilespmem:s30], [sflag:$0x5], $0x1, s29, s24, $0xb8;
	[tilespmem:$0x1EC80] =	vst v63  }
0x145: {  	_ =	swait.ge @!p1 [sflag:s6], $0x2000  }
0x146: {  	[sflag:s6] =	ssyncset.done @!p1 $0x0  }
0x147: {  	[sflag:s6] =	ssyncadd.s32 @!p1 $0xFFFFE000  }
0x148: {  	s11 =	sadd.s32 $0x4A, s11;
	_ =	swait.ge @!p1 [sflag:s6], $0x80  }
0x149: {  	p0 =	sne.s32 s11, $0x38A8;
	s19 =	sadd.s32 $0x75, s18;
	[sflag:s6] =	ssyncset.done @!p1 $0x0  }
0x14a: {  	s12 =	sadd.s32 $0x95, s18;
	s14 =	sadd.s32 $0x85, s18;
	[sflag:s6] =	ssyncadd.s32 @!p1 $0xFFFFFF80  }
0x14b: {  	s16 =	sadd.s32 $0x25, s18;
	s15 =	sadd.s32 $0x55, s18;
	_ =	swait.ge [sflag:s31], $0x100  }
.Ltmp2:
0x14c: {  	s17 =	sadd.s32 $0x35, s18;
	v5 =	vadd.s32 s19, v3;
	[sflag:s31] =	ssyncset.done $0x0;
	(pc) =	sbr.rel @p0 .LBB2_6-.Ltmp2, $4  }
0x14d: {  	s18 =	sadd.s32 $0x45, s18;
	v53 =	vadd.s32 s12, v3;
	v5 =	vand.u32 $0x1FF, v5;
	p1 =	seq.s32 s13, $0x385E;
	[sflag:s31] =	ssyncadd.s32 $0xFFFFFF00  }
0x14e: {  	v6 =	vand.u32 $0x1FF, v58;
	v7 =	vand.u32 $0x1FF, v53;
	v8 =	vadd.s32 s15, v3;
	[tilespmem:s0], [sflag:$0x4] =	stream.indirect.gather [hbm4b:s5+s24], $0x40, s26, s24, $0xb8;
	[tilespmem:$0x1EC80] =	vst v63  }
0x14f: {  	v9 =	vadd.s32 s18, v3;
	v10 =	vadd.s32 s17, v3;
	v4 =	vadd.s32 s16, v3;
	s6 =	simm.s32 @!p1 $0x0  }
0x150: {  	v9 =	vand.u32 $0x1FF, v9;
	v10 =	vand.u32 $0x1FF, v10;
	v4 =	vand.u32 $0x1FF, v4;
	[tilespmem:s6], [sflag:$0x1] =	stream.linear.gather @!p1 [hbm4b:s22+s6], $0x100, $0x38;
	[tilespmem:$0x1EC80] =	vst v63  }
0x151: {  	v11 =	vld [tilespmem:$0x1F0]  }
0x152: {  	v12 =	vld [tilespmem:$0x1E0]  }
0x153: {  	v8 =	vand.u32 $0x1FF, v8;
	v13 =	vld [tilespmem:$0x1D0]  }
0x154: {  	v9 =	vor.u32 $0x6200, v9;
	v14 =	vld [tilespmem:$0x1C0];
	v6 =	vor.u32 $0x6200, v6;
	v16 =	vadd.s32 s14, v3  }
0x155: {  	v7 =	vor.u32 $0x6200, v7;
	v17 =	vld [tilespmem:$0x1A0];
	v5 =	vor.u32 $0x6200, v5;
	v4 =	vor.u32 $0x6200, v4  }
0x156: {  	v19 =	vld [tilespmem:$0x180];
	v8 =	vor.u32 $0x6200, v8;
	v16 =	vand.u32 $0x1FF, v16;
	v11 =	vsub.s32 v11, v0  }
0x157: {  	v15 =	vld [tilespmem:$0x1B0];
	v16 =	vor.u32 $0x6200, v16;
	v12 =	vsub.s32 v12, v0;
	vm0 =	vlt.u32 v11, $0x6200  }
0x158: {  	v18 =	vld [tilespmem:$0x190];
	v13 =	vsub.s32 v13, v0;
	vm1 =	vlt.u32 v12, $0x6200;
	v7 =	vsel vm0, v11, v7  }
0x159: {  	v59 =	vsub.s32 v14, v0;
	vm10 =	vlt.u32 v13, $0x6200;
	v12 =	vsel vm1, v12, v16;
	[tilespmem:$0x2F0] =	vst v7  }
0x15a: {  	v61 =	vsub.s32 v17, v0;
	vm11 =	vlt.u32 v59, $0x6200;
	v5 =	vsel vm10, v13, v5;
	[tilespmem:$0x2E0] =	vst v12  }
0x15b: {  	v62 =	vsub.s32 v19, v0;
	vm13 =	vlt.u32 v61, $0x6200;
	v6 =	vsel vm11, v59, v6;
	[tilespmem:$0x2D0] =	vst v5  }
0x15c: {  	v60 =	vsub.s32 v15, v0;
	vm15 =	vlt.u32 v62, $0x6200;
	v63 =	vsel vm13, v61, v9;
	[tilespmem:$0x2C0] =	vst v6  }
0x15d: {  	vm12 =	vlt.u32 v60, $0x6200;
	v4 =	vsel vm15, v62, v4;
	v5 =	vsub.s32 v18, v0;
	[tilespmem:$0x2A0] =	vst v63  }
0x15e: {  	v10 =	vor.u32 $0x6200, v10;
	v7 =	vsel vm12, v60, v8;
	[tilespmem:$0x280] =	vst v4;
	vm14 =	vlt.u32 v5, $0x6200  }
0x15f: {  	[tilespmem:$0x2B0] =	vst v7;
	v5 =	vsel vm14, v5, v10  }
0x160: {  	[tilespmem:$0x290] =	vst v5  }
0x161: {  	_ =	swait.ge [sflag:s1], $0x2000  }
0x162: {  	[sflag:s1] =	ssyncset.done $0x0  }
0x163: {  	[sflag:s1] =	ssyncadd.s32 $0xFFFFE000  }
0x164: {  	[spmem:s2] =	stream.indirect.scatter.add.f32 [tilespmem:s0], [sflag:$0x6], $0x40, s7, s24, $0xb8;
	[tilespmem:$0x1EC80] =	vst v63  }
0x165: {  	_ = 	snop  }
0x166: {  	[spmem:s3] =	stream.indirect.scatter.add.f32 [tilespmem:s30], [sflag:$0x6], $0x1, s7, s24, $0xb8;
	[tilespmem:$0x1EC80] =	vst v63  }
0x167: {  	_ =	swait.ge [sflag:s8], $0x2000  }
0x168: {  	[sflag:s8] =	ssyncset.done $0x0  }
0x169: {  	[sflag:s8] =	ssyncadd.s32 $0xFFFFE000  }
0x16a: {  	_ =	swait.ge [sflag:s8], $0x80  }
0x16b: {  	[sflag:s8] =	ssyncset.done $0x0  }
0x16c: {  	[sflag:s8] =	ssyncadd.s32 $0xFFFFFF80  }
0x16d: {  	_ =	swait.ge [sflag:s9], $0x2000  }
0x16e: {  	[sflag:s9] =	ssyncset.done $0x0  }
0x16f: {  	[sflag:s9] =	ssyncadd.s32 $0xFFFFE000  }
0x170: {  	_ =	swait.ge [sflag:s9], $0x80  }
0x171: {  	[sflag:s9] =	ssyncset.done $0x0  }
0x172: {  	[sflag:s9] =	ssyncadd.s32 $0xFFFFFF80  }
0x173: {  	s6 =	stileid.u32;
	[bflag:$0x0] =	sbarrier.arrive $0xFFFF  }
0x174: {  	s6 =	sshll.u32 s6, $0x6;
	s11 =	rddreg [dreg:$0x12]  }
0x175: {  	s6 =	sor.u32 $0x1C07, s6;
	s12 =	rddreg [dreg:$0x16]  }
0x176: {  	[hbm:s11], [sflag:s6] =	dma.local [spmem:s12], $0x3100  }
0x177: {  	_ =	swait.ge [sflag:s21], $0x3100  }
0x178: {  	[sflag:s21] =	ssyncset.done $0x0;
	s18 =	rddreg [dreg:$0x13]  }
0x179: {  	s19 =	rddreg [dreg:$0x17];
	[sflag:s21] =	ssyncadd.s32 $0xFFFFCF00  }
0x17a: {  	[hbm:s18], [sflag:s6] =	dma.local [spmem:s19], $0xC4  }
0x17b: {  	_ =	swait.ge [sflag:s21], $0xC4  }
0x17c: {  	s10 =	sadd.s32 $0x1, s10;
	s22 =	rddreg [dreg:$0x14]  }
0x17d: {  	p0 =	sne.s32 s10, s22  }
.Ltmp3:
0x17e: {  	_ = 	snop;
	(pc) =	sbr.rel @p0 .LBB2_1-.Ltmp3, $3  }
0x17f: {  	_ =	sdelay $0x1  }
0x180: {  	[sflag:s21] =	ssyncset.done $0x0  }
0x181: {  	[sflag:s21] =	ssyncadd.s32 $0xFFFFFF3C  }
0x182: {  	_ =	sfence.sel $0x180000  }
0x183: {  	[bflag:$0x0] =	sbarrier.arrive $0xFFFF  }
0x184: {  	_ =	strace $0x90000047  }
0x185: {  	s0 =	stileid.u32;
	[bflag:$0x2] =	sbarrier.arrive $0xFFFF  }
0x186: {  	p0 =	sne.s32 s0, $0x0;
	s0 =	rddreg [dreg:$0x3]  }
0x187: {  	s0 =	sadd.s32 @!p0 $0x100000, s0  }
0x188: {  	[sflag:s0] =	ssyncadd.tile.s32 @!p0 $0x1;
	_ =	shalt  }
.Lfunc_end2:
_tile_overlayer_lowered:
.L_overlay_start_2:
0x189: {  	(tag) =	ssettag $0x2  }
0x18a: {  	s0 =	rddreg [dreg:$0x0];
	s2 =	stileid.u32  }
0x18b: {  	s1 =	rddreg [dreg:$0x1];
	p0 =	sne.s32 s2, $0x0  }
0x18c: {  	s3 =	rddreg [dreg:$0x2];
	[bflag:$0x3] =	sbarrier.arrive $0xFFFF;
	s2 =	simm.s32 @!p0 $0x1C07  }
0x18d: {  	[timem:s3], [sflag:s2] =	dma.local @!p0 [hbm:s0], s1  }
0x18e: {  	s0 =	simm.s32 @!p0 $0x7  }
0x18f: {  	_ =	swait.ge @!p0 [sflag:s0], s1  }
0x190: {  	s1 =	ssub.s32 @!p0 $0x0, s1;
	[sflag:s0] =	ssyncset.done @!p0 $0x0  }
0x191: {  	[sflag:s0] =	ssyncadd.s32 @!p0 s1  }
0x192: {  	[bflag:$0x3] =	sbarrier.arrive $0xFFFF  }
0x193: {  	_ =	shalt  }

</sc_bundles>
